<compile_context>
chip_gen: v7x
topology: tpu7x:2x2x1
jax: 0.10.2.dev20260603
libtpu: 0.0.44.dev20260713+nightly
codegen_flags: <defaults>
</compile_context>

<pallas_src>
import functools

import jax
import jax.numpy as jnp
from jax import lax
from jax.experimental import pallas as pl
from jax.experimental.pallas import tpu as pltpu
from jax.experimental.pallas import tpu_sc as plsc

N0, N1, N2 = 10000, 5000, 2000
N0P, N1P, N2P = 10240, 5120, 2048
E0, E1 = 160000, 64000
E0P, E1P = 163840, 65536
IN_DIM, PROMPT, HID, OUT = 128, 64, 128, 64
NW = 32
ZR = 32


def _seg_sum_sc(npad, e_per_w, C):
    iters = e_per_w // C
    rps = npad // 16

    mesh = plsc.VectorSubcoreMesh(core_axis_name="c", subcore_axis_name="s")

    @functools.partial(
        pl.kernel,
        mesh=mesh,
        out_type=[
            jax.ShapeDtypeStruct((npad, 128), jnp.float32),
            jax.ShapeDtypeStruct((npad, 128), jnp.float32),
            jax.ShapeDtypeStruct((npad, 128), jnp.float32),
            jax.ShapeDtypeStruct((npad, 128), jnp.float32),
        ],
        scratch_types=[
            pltpu.VMEM((C,), jnp.int32),
            pltpu.VMEM((C,), jnp.int32),
            pltpu.VMEM((C,), jnp.int32),
            pltpu.VMEM((C,), jnp.int32),
            pltpu.VMEM((C, 128), jnp.float32),
            pltpu.VMEM((C, 128), jnp.float32),
            pltpu.VMEM((C, 128), jnp.float32),
            pltpu.VMEM((ZR, 128), jnp.float32),
            pltpu.VMEM_SHARED((npad, 128), jnp.float32),
            pltpu.VMEM_SHARED((npad, 128), jnp.float32),
            pltpu.SemaphoreType.DMA,
            pltpu.SemaphoreType.DMA,
        ],
    )
    def k(table, srcr, dstr, z128, o128,
          out0, out1, cnt0, cnt1,
          src0, src1, dst0, dst1, rows0, rows1, ones_v, zb, acc, cnt,
          sem0, sem1):
        cid = lax.axis_index("c")
        sid = lax.axis_index("s")
        wid = cid * 16 + sid
        base = sid * rps
        base_e = wid * (iters * C)
        srcb, dstb, rowsb, semb = (src0, src1), (dst0, dst1), (rows0, rows1), (sem0, sem1)

        pltpu.sync_copy(z128, zb)
        pltpu.sync_copy(o128, ones_v)

        for b in range(rps // ZR):
            pltpu.sync_copy(zb, acc.at[pl.ds(base + b * ZR, ZR)])
            pltpu.sync_copy(zb, cnt.at[pl.ds(base + b * ZR, ZR)])
        plsc.subcore_barrier()

        pltpu.sync_copy(srcr.at[pl.ds(base_e, C)], src0)
        pltpu.sync_copy(dstr.at[pl.ds(base_e, C)], dst0)
        pltpu.async_copy(table.at[src0], rows0, sem0)

        def body(i2, carry):
            for b in range(2):
                j = i2 * 2 + b
                nb = 1 - b

                @pl.when(j + 1 < iters)
                def _():
                    pltpu.sync_copy(srcr.at[pl.ds(base_e + (j + 1) * C, C)],
                                    srcb[nb])
                    pltpu.sync_copy(dstr.at[pl.ds(base_e + (j + 1) * C, C)],
                                    dstb[nb])
                    pltpu.async_copy(table.at[srcb[nb]], rowsb[nb], semb[nb])

                pltpu.make_async_copy(table.at[pl.ds(0, C)], rowsb[b],
                                      semb[b]).wait()
                pltpu.sync_copy(rowsb[b], acc.at[dstb[b]], add=True)
                pltpu.sync_copy(ones_v, cnt.at[dstb[b]], add=True)
            return carry

        lax.fori_loop(0, iters // 2, body, 0)
        plsc.subcore_barrier()

        @pl.when(cid == 0)
        def _():
            for b in range(rps // ZR):
                sl = pl.ds(base + b * ZR, ZR)
                pltpu.sync_copy(acc.at[sl], zb)
                pltpu.sync_copy(zb, out0.at[sl])
                pltpu.sync_copy(cnt.at[sl], zb)
                pltpu.sync_copy(zb, cnt0.at[sl])

        @pl.when(cid == 1)
        def _():
            for b in range(rps // ZR):
                sl = pl.ds(base + b * ZR, ZR)
                pltpu.sync_copy(acc.at[sl], zb)
                pltpu.sync_copy(zb, out1.at[sl])
                pltpu.sync_copy(cnt.at[sl], zb)
                pltpu.sync_copy(zb, cnt1.at[sl])

    return k


def _full(shape):
    return pl.BlockSpec(shape, lambda i: (0, 0))


def _tc1(fp, mp, Wpi, bpi, Wpo, bpo, Wn1a, Wn1b, Ws1a, Ws1b, b1r):
    B = 512
    G = N0P // B

    def body(x_r, m_r, wpi, bpi_r, wpo, bpo_r, wn1a, wn1b, ws1a, ws1b, b1_r,
             z_r, w_r):
        x = x_r[...]
        pin = jnp.maximum(
            jnp.dot(x, wpi[...], preferred_element_type=jnp.float32) + bpi_r[...], 0.0)
        pout = jnp.maximum(
            jnp.dot(x, wpo[...], preferred_element_type=jnp.float32) + bpo_r[...], 0.0)
        sel = jnp.where(m_r[...] > 0.0, pin, pout)
        z_r[...] = (jnp.dot(x, wn1a[...], preferred_element_type=jnp.float32)
                    + jnp.dot(sel, wn1b[...], preferred_element_type=jnp.float32))
        w_r[...] = (jnp.dot(x, ws1a[...], preferred_element_type=jnp.float32)
                    + jnp.dot(sel, ws1b[...], preferred_element_type=jnp.float32)
                    + b1_r[...])

    return pl.pallas_call(
        body,
        grid=(G,),
        in_specs=[
            pl.BlockSpec((B, IN_DIM), lambda i: (i, 0)),
            pl.BlockSpec((B, 1), lambda i: (i, 0)),
            _full((IN_DIM, PROMPT)), _full((1, PROMPT)),
            _full((IN_DIM, PROMPT)), _full((1, PROMPT)),
            _full((IN_DIM, HID)), _full((PROMPT, HID)),
            _full((IN_DIM, HID)), _full((PROMPT, HID)),
            _full((1, HID)),
        ],
        out_specs=[
            pl.BlockSpec((B, HID), lambda i: (i, 0)),
            pl.BlockSpec((B, HID), lambda i: (i, 0)),
        ],
        out_shape=[
            jax.ShapeDtypeStruct((N0P, HID), jnp.float32),
            jax.ShapeDtypeStruct((N0P, HID), jnp.float32),
        ],
    )(fp, mp, Wpi, bpi, Wpo, bpo, Wn1a, Wn1b, Ws1a, Ws1b, b1r)


def _tc2(w1b, p0, p1, c0, c1, Wn2, Ws2, b2r):
    B = 512
    G = N1P // B

    def body(w_r, p0_r, p1_r, c0_r, c1_r, wn2, ws2, b2_r, z_r, o_r):
        cntv = (c0_r[...] + c1_r[...])[:, 0:1]
        agg = (p0_r[...] + p1_r[...]) / jnp.maximum(cntv, 1.0)
        h1 = jnp.maximum(w_r[...] + agg, 0.0)
        z_r[...] = jnp.dot(h1, wn2[...], preferred_element_type=jnp.float32)
        o_r[...] = (jnp.dot(h1, ws2[...], preferred_element_type=jnp.float32)
                    + b2_r[...])

    return pl.pallas_call(
        body,
        grid=(G,),
        in_specs=[
            pl.BlockSpec((B, HID), lambda i: (i, 0)),
            pl.BlockSpec((B, HID), lambda i: (i, 0)),
            pl.BlockSpec((B, HID), lambda i: (i, 0)),
            pl.BlockSpec((B, HID), lambda i: (i, 0)),
            pl.BlockSpec((B, HID), lambda i: (i, 0)),
            _full((HID, HID)), _full((HID, HID)), _full((1, HID)),
        ],
        out_specs=[
            pl.BlockSpec((B, HID), lambda i: (i, 0)),
            pl.BlockSpec((B, HID), lambda i: (i, 0)),
        ],
        out_shape=[
            jax.ShapeDtypeStruct((N1P, HID), jnp.float32),
            jax.ShapeDtypeStruct((N1P, HID), jnp.float32),
        ],
    )(w1b, p0, p1, c0, c1, Wn2, Ws2, b2r)


def _tc3(w2b, p0, p1, c0, c1, Wc, bcr):
    B = 256
    G = N2P // B

    def body(w_r, p0_r, p1_r, c0_r, c1_r, wc, bc_r, o_r):
        cntv = (c0_r[...] + c1_r[...])[:, 0:1]
        agg = (p0_r[...] + p1_r[...]) / jnp.maximum(cntv, 1.0)
        h2 = w_r[...] + agg
        o_r[...] = (jnp.dot(h2, wc[...], preferred_element_type=jnp.float32)
                    + bc_r[...])

    return pl.pallas_call(
        body,
        grid=(G,),
        in_specs=[
            pl.BlockSpec((B, HID), lambda i: (i, 0)),
            pl.BlockSpec((B, HID), lambda i: (i, 0)),
            pl.BlockSpec((B, HID), lambda i: (i, 0)),
            pl.BlockSpec((B, HID), lambda i: (i, 0)),
            pl.BlockSpec((B, HID), lambda i: (i, 0)),
            _full((HID, OUT)), _full((1, OUT)),
        ],
        out_specs=pl.BlockSpec((B, OUT), lambda i: (i, 0)),
        out_shape=jax.ShapeDtypeStruct((N2P, OUT), jnp.float32),
    )(w2b, p0, p1, c0, c1, Wc, bcr)


@jax.jit
def kernel(features, membership_mask, block0_src, block0_dst, block1_src,
           block1_dst, output_nodes_indices, W_pin, b_pin, W_pout, b_pout,
           Ws1, Wn1, b1, Ws2, Wn2, b2, Wc, bc):
    del output_nodes_indices

    fp = jnp.pad(features, ((0, N0P - N0), (0, 0)))
    mp = jnp.pad(membership_mask.astype(jnp.float32)[:, None],
                 ((0, N0P - N0), (0, 0)))

    s0 = jnp.pad(block0_src, (0, E0P - E0), constant_values=N0P - 1)
    d0 = jnp.pad(block0_dst, (0, E0P - E0), constant_values=N1P - 1)
    s1 = jnp.pad(block1_src, (0, E1P - E1), constant_values=N1P - 1)
    d1 = jnp.pad(block1_dst, (0, E1P - E1), constant_values=N2P - 1)

    z128 = jnp.zeros((ZR, 128), jnp.float32)

    z1, w1 = _tc1(fp, mp,
                  W_pin, b_pin[None, :], W_pout, b_pout[None, :],
                  Wn1[:IN_DIM], Wn1[IN_DIM:], Ws1[:IN_DIM], Ws1[IN_DIM:],
                  b1[None, :])

    p0, p1, c0, c1 = _seg_sum_sc(N1P, E0P // NW, 64)(
        z1, s0, d0, z128, jnp.ones((64, 128), jnp.float32))
    z2, w2 = _tc2(w1[:N1P], p0, p1, c0, c1, Wn2, Ws2, b2[None, :])

    q0, q1, e0, e1 = _seg_sum_sc(N2P, E1P // NW, 128)(
        z2, s1, d1, z128, jnp.ones((128, 128), jnp.float32))
    logits = _tc3(w2[:N2P], q0, q1, e0, e1, Wc, bc[None, :])

    return logits[:N2]

# --- scband reference (transcript-rebuilt; emitter-appended) ---
"""Pipeline reference for scband-gnnwith-prompt-31860067402230 (READ-ONLY COPY).

The authoritative reference and input builder live on the scoring server;
editing this copy changes nothing except your own understanding.
"""

import jax, jax.numpy as jnp
import numpy as np

N0, N1, N2 = 10000, 5000, 2000
E0, E1 = 160000, 64000
IN_DIM, PROMPT, HID, OUT = 128, 64, 128, 64


def _seg_mean(msgs, dst, num_segments):
    s = jax.ops.segment_sum(msgs, dst, num_segments=num_segments)
    d = jax.ops.segment_sum(jnp.ones((dst.shape[0], 1), msgs.dtype), dst, num_segments=num_segments)
    return s / jnp.maximum(d, 1.0)


def setup_inputs(seed: int = 0) -> dict:
    key = jax.random.key(seed)
    ks = jax.random.split(key, 24)
    features = jax.random.normal(ks[0], (N0, IN_DIM), dtype=jnp.float32)
    membership_mask = jax.random.randint(ks[1], (N0,), 0, 2) > 0
    block0_src = jax.random.randint(ks[2], (E0,), 0, N0, dtype=jnp.int32)
    block0_dst = jax.random.randint(ks[3], (E0,), 0, N1, dtype=jnp.int32)
    block1_src = jax.random.randint(ks[4], (E1,), 0, N1, dtype=jnp.int32)
    block1_dst = jax.random.randint(ks[5], (E1,), 0, N2, dtype=jnp.int32)
    output_nodes_indices = jax.random.randint(ks[6], (N2,), 0, N2, dtype=jnp.int32)
    GIN = IN_DIM + PROMPT
    W_pin = jax.random.normal(ks[7], (IN_DIM, PROMPT), jnp.float32) / np.sqrt(IN_DIM)
    b_pin = jnp.zeros((PROMPT,), jnp.float32)
    W_pout = jax.random.normal(ks[8], (IN_DIM, PROMPT), jnp.float32) / np.sqrt(IN_DIM)
    b_pout = jnp.zeros((PROMPT,), jnp.float32)
    Ws1 = jax.random.normal(ks[9], (GIN, HID), jnp.float32) / np.sqrt(GIN)
    Wn1 = jax.random.normal(ks[10], (GIN, HID), jnp.float32) / np.sqrt(GIN)
    b1 = jnp.zeros((HID,), jnp.float32)
    Ws2 = jax.random.normal(ks[11], (HID, HID), jnp.float32) / np.sqrt(HID)
    Wn2 = jax.random.normal(ks[12], (HID, HID), jnp.float32) / np.sqrt(HID)
    b2 = jnp.zeros((HID,), jnp.float32)
    Wc = jax.random.normal(ks[13], (HID, OUT), jnp.float32) / np.sqrt(HID)
    bc = jnp.zeros((OUT,), jnp.float32)
    return {
        'features': features, 'membership_mask': membership_mask,
        'block0_src': block0_src, 'block0_dst': block0_dst,
        'block1_src': block1_src, 'block1_dst': block1_dst,
        'output_nodes_indices': output_nodes_indices,
        'W_pin': W_pin, 'b_pin': b_pin, 'W_pout': W_pout, 'b_pout': b_pout,
        'Ws1': Ws1, 'Wn1': Wn1, 'b1': b1,
        'Ws2': Ws2, 'Wn2': Wn2, 'b2': b2,
        'Wc': Wc, 'bc': bc,
    }


def reference(features, membership_mask, block0_src, block0_dst, block1_src, block1_dst,
              output_nodes_indices, W_pin, b_pin, W_pout, b_pout,
              Ws1, Wn1, b1, Ws2, Wn2, b2, Wc, bc):
    # prompt branches
    pf_in = jax.nn.relu(features @ W_pin + b_pin)
    pf_out = jax.nn.relu(features @ W_pout + b_pout)
    selected = jnp.where(membership_mask[:, None], pf_in, pf_out)
    h = jnp.concatenate([features, selected], axis=1)  # [N0, IN_DIM+PROMPT]
    # SAGEConv layer 1 (mean aggregator): block0 (N0 src -> N1 dst)
    h_dst = h[:N1]
    msgs = jnp.take(h, block0_src, axis=0)
    agg = _seg_mean(msgs, block0_dst, N1)
    h = h_dst @ Ws1 + agg @ Wn1 + b1
    h = jax.nn.relu(h)
    # SAGEConv layer 2: block1 (N1 src -> N2 dst)
    h_dst = h[:N2]
    msgs = jnp.take(h, block1_src, axis=0)
    agg = _seg_mean(msgs, block1_dst, N2)
    h = h_dst @ Ws2 + agg @ Wn2 + b2
    # classifier on subgraph (output) node embeddings
    logits = h @ Wc + bc
    return logits

if __name__ == "__main__":
    import jax
    _d = setup_inputs()
    print(jax.jit(kernel)(*tuple(_d.values())))

</pallas_src>

<mosaic_0001>
#map = affine_map<(d0, d1) -> (0, 0)>
#map1 = affine_map<(d0, d1) -> (0)>
module attributes {stable_mosaic.version = 14 : i64} {
  func.func @k(%arg0: i32, %arg1: i32, %arg2: memref<10240x128xf32, #tpu.memory_space<hbm>>, %arg3: memref<163840xi32, #tpu.memory_space<hbm>>, %arg4: memref<163840xi32, #tpu.memory_space<hbm>>, %arg5: memref<32x128xf32, #tpu.memory_space<hbm>>, %arg6: memref<64x128xf32, #tpu.memory_space<hbm>>, %arg7: memref<5120x128xf32, #tpu.memory_space<hbm>>, %arg8: memref<5120x128xf32, #tpu.memory_space<hbm>>, %arg9: memref<5120x128xf32, #tpu.memory_space<hbm>>, %arg10: memref<5120x128xf32, #tpu.memory_space<hbm>>, %arg11: memref<64xi32, #tpu.memory_space<vmem>>, %arg12: memref<64xi32, #tpu.memory_space<vmem>>, %arg13: memref<64xi32, #tpu.memory_space<vmem>>, %arg14: memref<64xi32, #tpu.memory_space<vmem>>, %arg15: memref<64x128xf32, #tpu.memory_space<vmem>>, %arg16: memref<64x128xf32, #tpu.memory_space<vmem>>, %arg17: memref<64x128xf32, #tpu.memory_space<vmem>>, %arg18: memref<32x128xf32, #tpu.memory_space<vmem>>, %arg19: memref<5120x128xf32, #tpu.memory_space<vmem_shared>>, %arg20: memref<5120x128xf32, #tpu.memory_space<vmem_shared>>, %arg21: memref<!tpu.dma_semaphore, #tpu.memory_space<semaphore_mem>>, %arg22: memref<!tpu.dma_semaphore, #tpu.memory_space<semaphore_mem>>) attributes {dimension_semantics = [#tpu.dimension_semantics<core_parallel>, #tpu.dimension_semantics<subcore_parallel>], iteration_bounds = array<i64: 2, 16>, scalar_prefetch = 0 : i64, scratch_operands = 12 : i64, tpu.core_type = #tpu.core_type<sc_vector_subcore>, window_params = [{transform_indices = #map}, {transform_indices = #map1}, {transform_indices = #map1}, {transform_indices = #map}, {transform_indices = #map}, {transform_indices = #map}, {transform_indices = #map}, {transform_indices = #map}, {transform_indices = #map}]} {
    %mul3A = arith.constant 16 : i32
    %mul3A_0 = arith.muli %arg0, %mul3A : i32
    %add3A = arith.addi %mul3A_0, %arg1 : i32
    %mul3A_1 = arith.constant 320 : i32
    %mul3A_2 = arith.muli %arg1, %mul3A_1 : i32
    %mul3A_3 = arith.constant 5120 : i32
    %mul3A_4 = arith.muli %add3A, %mul3A_3 : i32
    "tpu.region"() ({
      %run_scoped3A = tpu.sem_alloc : memref<!tpu.dma_semaphore, #tpu.memory_space<semaphore_mem>>
      tpu.enqueue_dma source(%arg5 : memref<32x128xf32, #tpu.memory_space<hbm>>) target(%arg18 : memref<32x128xf32, #tpu.memory_space<vmem>>) target_semaphore(%run_scoped3A : memref<!tpu.dma_semaphore, #tpu.memory_space<semaphore_mem>>)
      tpu.wait_dma2 semaphore(%run_scoped3A : memref<!tpu.dma_semaphore, #tpu.memory_space<semaphore_mem>>) src(%arg5 : memref<32x128xf32, #tpu.memory_space<hbm>>) dst(%arg18 : memref<32x128xf32, #tpu.memory_space<vmem>>)
      tpu.yield
    }) : () -> ()
    "tpu.region"() ({
      %run_scoped3A = tpu.sem_alloc : memref<!tpu.dma_semaphore, #tpu.memory_space<semaphore_mem>>
      tpu.enqueue_dma source(%arg6 : memref<64x128xf32, #tpu.memory_space<hbm>>) target(%arg17 : memref<64x128xf32, #tpu.memory_space<vmem>>) target_semaphore(%run_scoped3A : memref<!tpu.dma_semaphore, #tpu.memory_space<semaphore_mem>>)
      tpu.wait_dma2 semaphore(%run_scoped3A : memref<!tpu.dma_semaphore, #tpu.memory_space<semaphore_mem>>) src(%arg6 : memref<64x128xf32, #tpu.memory_space<hbm>>) dst(%arg17 : memref<64x128xf32, #tpu.memory_space<vmem>>)
      tpu.yield
    }) : () -> ()
    %add3A_5 = arith.constant 0 : i32
    %add3A_6 = arith.addi %mul3A_2, %add3A_5 : i32
    "tpu.region"() ({
      %run_scoped3A = tpu.sem_alloc : memref<!tpu.dma_semaphore, #tpu.memory_space<semaphore_mem>>
      %dma_start3A_60 = arith.constant 0 : i32
      %dma_start3A_61 = tpu.memref_slice %arg19[%add3A_6, %dma_start3A_60] : memref<5120x128xf32, #tpu.memory_space<vmem_shared>> -> memref<32x128xf32, #tpu.memory_space<vmem_shared>>
      %dma_start3A_62 = arith.constant 0 : i32
      %dma_start3A_63 = tpu.memref_slice %arg19[%add3A_6, %dma_start3A_62] : memref<5120x128xf32, #tpu.memory_space<vmem_shared>> -> memref<32x128xf32, #tpu.memory_space<vmem_shared>>
      tpu.enqueue_dma source(%arg18 : memref<32x128xf32, #tpu.memory_space<vmem>>) target(%dma_start3A_63 : memref<32x128xf32, #tpu.memory_space<vmem_shared>>) target_semaphore(%run_scoped3A : memref<!tpu.dma_semaphore, #tpu.memory_space<semaphore_mem>>)
      %dma_wait3A = arith.constant 0 : i32
      %dma_wait3A_64 = tpu.memref_slice %arg19[%add3A_6, %dma_wait3A] : memref<5120x128xf32, #tpu.memory_space<vmem_shared>> -> memref<32x128xf32, #tpu.memory_space<vmem_shared>>
      %dma_wait3A_65 = arith.constant 0 : i32
      %dma_wait3A_66 = tpu.memref_slice %arg19[%add3A_6, %dma_wait3A_65] : memref<5120x128xf32, #tpu.memory_space<vmem_shared>> -> memref<32x128xf32, #tpu.memory_space<vmem_shared>>
      tpu.wait_dma2 semaphore(%run_scoped3A : memref<!tpu.dma_semaphore, #tpu.memory_space<semaphore_mem>>) src(%arg18 : memref<32x128xf32, #tpu.memory_space<vmem>>) dst(%dma_wait3A_66 : memref<32x128xf32, #tpu.memory_space<vmem_shared>>)
      tpu.yield
    }) : () -> ()
    %add3A_7 = arith.constant 0 : i32
    %add3A_8 = arith.addi %mul3A_2, %add3A_7 : i32
    "tpu.region"() ({
      %run_scoped3A = tpu.sem_alloc : memref<!tpu.dma_semaphore, #tpu.memory_space<semaphore_mem>>
      %dma_start3A_60 = arith.constant 0 : i32
      %dma_start3A_61 = tpu.memref_slice %arg20[%add3A_8, %dma_start3A_60] : memref<5120x128xf32, #tpu.memory_space<vmem_shared>> -> memref<32x128xf32, #tpu.memory_space<vmem_shared>>
      %dma_start3A_62 = arith.constant 0 : i32
      %dma_start3A_63 = tpu.memref_slice %arg20[%add3A_8, %dma_start3A_62] : memref<5120x128xf32, #tpu.memory_space<vmem_shared>> -> memref<32x128xf32, #tpu.memory_space<vmem_shared>>
      tpu.enqueue_dma source(%arg18 : memref<32x128xf32, #tpu.memory_space<vmem>>) target(%dma_start3A_63 : memref<32x128xf32, #tpu.memory_space<vmem_shared>>) target_semaphore(%run_scoped3A : memref<!tpu.dma_semaphore, #tpu.memory_space<semaphore_mem>>)
      %dma_wait3A = arith.constant 0 : i32
      %dma_wait3A_64 = tpu.memref_slice %arg20[%add3A_8, %dma_wait3A] : memref<5120x128xf32, #tpu.memory_space<vmem_shared>> -> memref<32x128xf32, #tpu.memory_space<vmem_shared>>
      %dma_wait3A_65 = arith.constant 0 : i32
      %dma_wait3A_66 = tpu.memref_slice %arg20[%add3A_8, %dma_wait3A_65] : memref<5120x128xf32, #tpu.memory_space<vmem_shared>> -> memref<32x128xf32, #tpu.memory_space<vmem_shared>>
      tpu.wait_dma2 semaphore(%run_scoped3A : memref<!tpu.dma_semaphore, #tpu.memory_space<semaphore_mem>>) src(%arg18 : memref<32x128xf32, #tpu.memory_space<vmem>>) dst(%dma_wait3A_66 : memref<32x128xf32, #tpu.memory_space<vmem_shared>>)
      tpu.yield
    }) : () -> ()
    %add3A_9 = arith.constant 32 : i32
    %add3A_10 = arith.addi %mul3A_2, %add3A_9 : i32
    "tpu.region"() ({
      %run_scoped3A = tpu.sem_alloc : memref<!tpu.dma_semaphore, #tpu.memory_space<semaphore_mem>>
      %dma_start3A_60 = arith.constant 0 : i32
      %dma_start3A_61 = tpu.memref_slice %arg19[%add3A_10, %dma_start3A_60] : memref<5120x128xf32, #tpu.memory_space<vmem_shared>> -> memref<32x128xf32, #tpu.memory_space<vmem_shared>>
      %dma_start3A_62 = arith.constant 0 : i32
      %dma_start3A_63 = tpu.memref_slice %arg19[%add3A_10, %dma_start3A_62] : memref<5120x128xf32, #tpu.memory_space<vmem_shared>> -> memref<32x128xf32, #tpu.memory_space<vmem_shared>>
      tpu.enqueue_dma source(%arg18 : memref<32x128xf32, #tpu.memory_space<vmem>>) target(%dma_start3A_63 : memref<32x128xf32, #tpu.memory_space<vmem_shared>>) target_semaphore(%run_scoped3A : memref<!tpu.dma_semaphore, #tpu.memory_space<semaphore_mem>>)
      %dma_wait3A = arith.constant 0 : i32
      %dma_wait3A_64 = tpu.memref_slice %arg19[%add3A_10, %dma_wait3A] : memref<5120x128xf32, #tpu.memory_space<vmem_shared>> -> memref<32x128xf32, #tpu.memory_space<vmem_shared>>
      %dma_wait3A_65 = arith.constant 0 : i32
      %dma_wait3A_66 = tpu.memref_slice %arg19[%add3A_10, %dma_wait3A_65] : memref<5120x128xf32, #tpu.memory_space<vmem_shared>> -> memref<32x128xf32, #tpu.memory_space<vmem_shared>>
      tpu.wait_dma2 semaphore(%run_scoped3A : memref<!tpu.dma_semaphore, #tpu.memory_space<semaphore_mem>>) src(%arg18 : memref<32x128xf32, #tpu.memory_space<vmem>>) dst(%dma_wait3A_66 : memref<32x128xf32, #tpu.memory_space<vmem_shared>>)
      tpu.yield
    }) : () -> ()
    %add3A_11 = arith.constant 32 : i32
    %add3A_12 = arith.addi %mul3A_2, %add3A_11 : i32
    "tpu.region"() ({
      %run_scoped3A = tpu.sem_alloc : memref<!tpu.dma_semaphore, #tpu.memory_space<semaphore_mem>>
      %dma_start3A_60 = arith.constant 0 : i32
      %dma_start3A_61 = tpu.memref_slice %arg20[%add3A_12, %dma_start3A_60] : memref<5120x128xf32, #tpu.memory_space<vmem_shared>> -> memref<32x128xf32, #tpu.memory_space<vmem_shared>>
      %dma_start3A_62 = arith.constant 0 : i32
      %dma_start3A_63 = tpu.memref_slice %arg20[%add3A_12, %dma_start3A_62] : memref<5120x128xf32, #tpu.memory_space<vmem_shared>> -> memref<32x128xf32, #tpu.memory_space<vmem_shared>>
      tpu.enqueue_dma source(%arg18 : memref<32x128xf32, #tpu.memory_space<vmem>>) target(%dma_start3A_63 : memref<32x128xf32, #tpu.memory_space<vmem_shared>>) target_semaphore(%run_scoped3A : memref<!tpu.dma_semaphore, #tpu.memory_space<semaphore_mem>>)
      %dma_wait3A = arith.constant 0 : i32
      %dma_wait3A_64 = tpu.memref_slice %arg20[%add3A_12, %dma_wait3A] : memref<5120x128xf32, #tpu.memory_space<vmem_shared>> -> memref<32x128xf32, #tpu.memory_space<vmem_shared>>
      %dma_wait3A_65 = arith.constant 0 : i32
      %dma_wait3A_66 = tpu.memref_slice %arg20[%add3A_12, %dma_wait3A_65] : memref<5120x128xf32, #tpu.memory_space<vmem_shared>> -> memref<32x128xf32, #tpu.memory_space<vmem_shared>>
      tpu.wait_dma2 semaphore(%run_scoped3A : memref<!tpu.dma_semaphore, #tpu.memory_space<semaphore_mem>>) src(%arg18 : memref<32x128xf32, #tpu.memory_space<vmem>>) dst(%dma_wait3A_66 : memref<32x128xf32, #tpu.memory_space<vmem_shared>>)
      tpu.yield
    }) : () -> ()
    %add3A_13 = arith.constant 64 : i32
    %add3A_14 = arith.addi %mul3A_2, %add3A_13 : i32
    "tpu.region"() ({
      %run_scoped3A = tpu.sem_alloc : memref<!tpu.dma_semaphore, #tpu.memory_space<semaphore_mem>>
      %dma_start3A_60 = arith.constant 0 : i32
      %dma_start3A_61 = tpu.memref_slice %arg19[%add3A_14, %dma_start3A_60] : memref<5120x128xf32, #tpu.memory_space<vmem_shared>> -> memref<32x128xf32, #tpu.memory_space<vmem_shared>>
      %dma_start3A_62 = arith.constant 0 : i32
      %dma_start3A_63 = tpu.memref_slice %arg19[%add3A_14, %dma_start3A_62] : memref<5120x128xf32, #tpu.memory_space<vmem_shared>> -> memref<32x128xf32, #tpu.memory_space<vmem_shared>>
      tpu.enqueue_dma source(%arg18 : memref<32x128xf32, #tpu.memory_space<vmem>>) target(%dma_start3A_63 : memref<32x128xf32, #tpu.memory_space<vmem_shared>>) target_semaphore(%run_scoped3A : memref<!tpu.dma_semaphore, #tpu.memory_space<semaphore_mem>>)
      %dma_wait3A = arith.constant 0 : i32
      %dma_wait3A_64 = tpu.memref_slice %arg19[%add3A_14, %dma_wait3A] : memref<5120x128xf32, #tpu.memory_space<vmem_shared>> -> memref<32x128xf32, #tpu.memory_space<vmem_shared>>
      %dma_wait3A_65 = arith.constant 0 : i32
      %dma_wait3A_66 = tpu.memref_slice %arg19[%add3A_14, %dma_wait3A_65] : memref<5120x128xf32, #tpu.memory_space<vmem_shared>> -> memref<32x128xf32, #tpu.memory_space<vmem_shared>>
      tpu.wait_dma2 semaphore(%run_scoped3A : memref<!tpu.dma_semaphore, #tpu.memory_space<semaphore_mem>>) src(%arg18 : memref<32x128xf32, #tpu.memory_space<vmem>>) dst(%dma_wait3A_66 : memref<32x128xf32, #tpu.memory_space<vmem_shared>>)
      tpu.yield
    }) : () -> ()
    %add3A_15 = arith.constant 64 : i32
    %add3A_16 = arith.addi %mul3A_2, %add3A_15 : i32
    "tpu.region"() ({
      %run_scoped3A = tpu.sem_alloc : memref<!tpu.dma_semaphore, #tpu.memory_space<semaphore_mem>>
      %dma_start3A_60 = arith.constant 0 : i32
      %dma_start3A_61 = tpu.memref_slice %arg20[%add3A_16, %dma_start3A_60] : memref<5120x128xf32, #tpu.memory_space<vmem_shared>> -> memref<32x128xf32, #tpu.memory_space<vmem_shared>>
      %dma_start3A_62 = arith.constant 0 : i32
      %dma_start3A_63 = tpu.memref_slice %arg20[%add3A_16, %dma_start3A_62] : memref<5120x128xf32, #tpu.memory_space<vmem_shared>> -> memref<32x128xf32, #tpu.memory_space<vmem_shared>>
      tpu.enqueue_dma source(%arg18 : memref<32x128xf32, #tpu.memory_space<vmem>>) target(%dma_start3A_63 : memref<32x128xf32, #tpu.memory_space<vmem_shared>>) target_semaphore(%run_scoped3A : memref<!tpu.dma_semaphore, #tpu.memory_space<semaphore_mem>>)
      %dma_wait3A = arith.constant 0 : i32
      %dma_wait3A_64 = tpu.memref_slice %arg20[%add3A_16, %dma_wait3A] : memref<5120x128xf32, #tpu.memory_space<vmem_shared>> -> memref<32x128xf32, #tpu.memory_space<vmem_shared>>
      %dma_wait3A_65 = arith.constant 0 : i32
      %dma_wait3A_66 = tpu.memref_slice %arg20[%add3A_16, %dma_wait3A_65] : memref<5120x128xf32, #tpu.memory_space<vmem_shared>> -> memref<32x128xf32, #tpu.memory_space<vmem_shared>>
      tpu.wait_dma2 semaphore(%run_scoped3A : memref<!tpu.dma_semaphore, #tpu.memory_space<semaphore_mem>>) src(%arg18 : memref<32x128xf32, #tpu.memory_space<vmem>>) dst(%dma_wait3A_66 : memref<32x128xf32, #tpu.memory_space<vmem_shared>>)
      tpu.yield
    }) : () -> ()
    %add3A_17 = arith.constant 96 : i32
    %add3A_18 = arith.addi %mul3A_2, %add3A_17 : i32
    "tpu.region"() ({
      %run_scoped3A = tpu.sem_alloc : memref<!tpu.dma_semaphore, #tpu.memory_space<semaphore_mem>>
      %dma_start3A_60 = arith.constant 0 : i32
      %dma_start3A_61 = tpu.memref_slice %arg19[%add3A_18, %dma_start3A_60] : memref<5120x128xf32, #tpu.memory_space<vmem_shared>> -> memref<32x128xf32, #tpu.memory_space<vmem_shared>>
      %dma_start3A_62 = arith.constant 0 : i32
      %dma_start3A_63 = tpu.memref_slice %arg19[%add3A_18, %dma_start3A_62] : memref<5120x128xf32, #tpu.memory_space<vmem_shared>> -> memref<32x128xf32, #tpu.memory_space<vmem_shared>>
      tpu.enqueue_dma source(%arg18 : memref<32x128xf32, #tpu.memory_space<vmem>>) target(%dma_start3A_63 : memref<32x128xf32, #tpu.memory_space<vmem_shared>>) target_semaphore(%run_scoped3A : memref<!tpu.dma_semaphore, #tpu.memory_space<semaphore_mem>>)
      %dma_wait3A = arith.constant 0 : i32
      %dma_wait3A_64 = tpu.memref_slice %arg19[%add3A_18, %dma_wait3A] : memref<5120x128xf32, #tpu.memory_space<vmem_shared>> -> memref<32x128xf32, #tpu.memory_space<vmem_shared>>
      %dma_wait3A_65 = arith.constant 0 : i32
      %dma_wait3A_66 = tpu.memref_slice %arg19[%add3A_18, %dma_wait3A_65] : memref<5120x128xf32, #tpu.memory_space<vmem_shared>> -> memref<32x128xf32, #tpu.memory_space<vmem_shared>>
      tpu.wait_dma2 semaphore(%run_scoped3A : memref<!tpu.dma_semaphore, #tpu.memory_space<semaphore_mem>>) src(%arg18 : memref<32x128xf32, #tpu.memory_space<vmem>>) dst(%dma_wait3A_66 : memref<32x128xf32, #tpu.memory_space<vmem_shared>>)
      tpu.yield
    }) : () -> ()
    %add3A_19 = arith.constant 96 : i32
    %add3A_20 = arith.addi %mul3A_2, %add3A_19 : i32
    "tpu.region"() ({
      %run_scoped3A = tpu.sem_alloc : memref<!tpu.dma_semaphore, #tpu.memory_space<semaphore_mem>>
      %dma_start3A_60 = arith.constant 0 : i32
      %dma_start3A_61 = tpu.memref_slice %arg20[%add3A_20, %dma_start3A_60] : memref<5120x128xf32, #tpu.memory_space<vmem_shared>> -> memref<32x128xf32, #tpu.memory_space<vmem_shared>>
      %dma_start3A_62 = arith.constant 0 : i32
      %dma_start3A_63 = tpu.memref_slice %arg20[%add3A_20, %dma_start3A_62] : memref<5120x128xf32, #tpu.memory_space<vmem_shared>> -> memref<32x128xf32, #tpu.memory_space<vmem_shared>>
      tpu.enqueue_dma source(%arg18 : memref<32x128xf32, #tpu.memory_space<vmem>>) target(%dma_start3A_63 : memref<32x128xf32, #tpu.memory_space<vmem_shared>>) target_semaphore(%run_scoped3A : memref<!tpu.dma_semaphore, #tpu.memory_space<semaphore_mem>>)
      %dma_wait3A = arith.constant 0 : i32
      %dma_wait3A_64 = tpu.memref_slice %arg20[%add3A_20, %dma_wait3A] : memref<5120x128xf32, #tpu.memory_space<vmem_shared>> -> memref<32x128xf32, #tpu.memory_space<vmem_shared>>
      %dma_wait3A_65 = arith.constant 0 : i32
      %dma_wait3A_66 = tpu.memref_slice %arg20[%add3A_20, %dma_wait3A_65] : memref<5120x128xf32, #tpu.memory_space<vmem_shared>> -> memref<32x128xf32, #tpu.memory_space<vmem_shared>>
      tpu.wait_dma2 semaphore(%run_scoped3A : memref<!tpu.dma_semaphore, #tpu.memory_space<semaphore_mem>>) src(%arg18 : memref<32x128xf32, #tpu.memory_space<vmem>>) dst(%dma_wait3A_66 : memref<32x128xf32, #tpu.memory_space<vmem_shared>>)
      tpu.yield
    }) : () -> ()
    %add3A_21 = arith.constant 128 : i32
    %add3A_22 = arith.addi %mul3A_2, %add3A_21 : i32
    "tpu.region"() ({
      %run_scoped3A = tpu.sem_alloc : memref<!tpu.dma_semaphore, #tpu.memory_space<semaphore_mem>>
      %dma_start3A_60 = arith.constant 0 : i32
      %dma_start3A_61 = tpu.memref_slice %arg19[%add3A_22, %dma_start3A_60] : memref<5120x128xf32, #tpu.memory_space<vmem_shared>> -> memref<32x128xf32, #tpu.memory_space<vmem_shared>>
      %dma_start3A_62 = arith.constant 0 : i32
      %dma_start3A_63 = tpu.memref_slice %arg19[%add3A_22, %dma_start3A_62] : memref<5120x128xf32, #tpu.memory_space<vmem_shared>> -> memref<32x128xf32, #tpu.memory_space<vmem_shared>>
      tpu.enqueue_dma source(%arg18 : memref<32x128xf32, #tpu.memory_space<vmem>>) target(%dma_start3A_63 : memref<32x128xf32, #tpu.memory_space<vmem_shared>>) target_semaphore(%run_scoped3A : memref<!tpu.dma_semaphore, #tpu.memory_space<semaphore_mem>>)
      %dma_wait3A = arith.constant 0 : i32
      %dma_wait3A_64 = tpu.memref_slice %arg19[%add3A_22, %dma_wait3A] : memref<5120x128xf32, #tpu.memory_space<vmem_shared>> -> memref<32x128xf32, #tpu.memory_space<vmem_shared>>
      %dma_wait3A_65 = arith.constant 0 : i32
      %dma_wait3A_66 = tpu.memref_slice %arg19[%add3A_22, %dma_wait3A_65] : memref<5120x128xf32, #tpu.memory_space<vmem_shared>> -> memref<32x128xf32, #tpu.memory_space<vmem_shared>>
      tpu.wait_dma2 semaphore(%run_scoped3A : memref<!tpu.dma_semaphore, #tpu.memory_space<semaphore_mem>>) src(%arg18 : memref<32x128xf32, #tpu.memory_space<vmem>>) dst(%dma_wait3A_66 : memref<32x128xf32, #tpu.memory_space<vmem_shared>>)
      tpu.yield
    }) : () -> ()
    %add3A_23 = arith.constant 128 : i32
    %add3A_24 = arith.addi %mul3A_2, %add3A_23 : i32
    "tpu.region"() ({
      %run_scoped3A = tpu.sem_alloc : memref<!tpu.dma_semaphore, #tpu.memory_space<semaphore_mem>>
      %dma_start3A_60 = arith.constant 0 : i32
      %dma_start3A_61 = tpu.memref_slice %arg20[%add3A_24, %dma_start3A_60] : memref<5120x128xf32, #tpu.memory_space<vmem_shared>> -> memref<32x128xf32, #tpu.memory_space<vmem_shared>>
      %dma_start3A_62 = arith.constant 0 : i32
      %dma_start3A_63 = tpu.memref_slice %arg20[%add3A_24, %dma_start3A_62] : memref<5120x128xf32, #tpu.memory_space<vmem_shared>> -> memref<32x128xf32, #tpu.memory_space<vmem_shared>>
      tpu.enqueue_dma source(%arg18 : memref<32x128xf32, #tpu.memory_space<vmem>>) target(%dma_start3A_63 : memref<32x128xf32, #tpu.memory_space<vmem_shared>>) target_semaphore(%run_scoped3A : memref<!tpu.dma_semaphore, #tpu.memory_space<semaphore_mem>>)
      %dma_wait3A = arith.constant 0 : i32
      %dma_wait3A_64 = tpu.memref_slice %arg20[%add3A_24, %dma_wait3A] : memref<5120x128xf32, #tpu.memory_space<vmem_shared>> -> memref<32x128xf32, #tpu.memory_space<vmem_shared>>
      %dma_wait3A_65 = arith.constant 0 : i32
      %dma_wait3A_66 = tpu.memref_slice %arg20[%add3A_24, %dma_wait3A_65] : memref<5120x128xf32, #tpu.memory_space<vmem_shared>> -> memref<32x128xf32, #tpu.memory_space<vmem_shared>>
      tpu.wait_dma2 semaphore(%run_scoped3A : memref<!tpu.dma_semaphore, #tpu.memory_space<semaphore_mem>>) src(%arg18 : memref<32x128xf32, #tpu.memory_space<vmem>>) dst(%dma_wait3A_66 : memref<32x128xf32, #tpu.memory_space<vmem_shared>>)
      tpu.yield
    }) : () -> ()
    %add3A_25 = arith.constant 160 : i32
    %add3A_26 = arith.addi %mul3A_2, %add3A_25 : i32
    "tpu.region"() ({
      %run_scoped3A = tpu.sem_alloc : memref<!tpu.dma_semaphore, #tpu.memory_space<semaphore_mem>>
      %dma_start3A_60 = arith.constant 0 : i32
      %dma_start3A_61 = tpu.memref_slice %arg19[%add3A_26, %dma_start3A_60] : memref<5120x128xf32, #tpu.memory_space<vmem_shared>> -> memref<32x128xf32, #tpu.memory_space<vmem_shared>>
      %dma_start3A_62 = arith.constant 0 : i32
      %dma_start3A_63 = tpu.memref_slice %arg19[%add3A_26, %dma_start3A_62] : memref<5120x128xf32, #tpu.memory_space<vmem_shared>> -> memref<32x128xf32, #tpu.memory_space<vmem_shared>>
      tpu.enqueue_dma source(%arg18 : memref<32x128xf32, #tpu.memory_space<vmem>>) target(%dma_start3A_63 : memref<32x128xf32, #tpu.memory_space<vmem_shared>>) target_semaphore(%run_scoped3A : memref<!tpu.dma_semaphore, #tpu.memory_space<semaphore_mem>>)
      %dma_wait3A = arith.constant 0 : i32
      %dma_wait3A_64 = tpu.memref_slice %arg19[%add3A_26, %dma_wait3A] : memref<5120x128xf32, #tpu.memory_space<vmem_shared>> -> memref<32x128xf32, #tpu.memory_space<vmem_shared>>
      %dma_wait3A_65 = arith.constant 0 : i32
      %dma_wait3A_66 = tpu.memref_slice %arg19[%add3A_26, %dma_wait3A_65] : memref<5120x128xf32, #tpu.memory_space<vmem_shared>> -> memref<32x128xf32, #tpu.memory_space<vmem_shared>>
      tpu.wait_dma2 semaphore(%run_scoped3A : memref<!tpu.dma_semaphore, #tpu.memory_space<semaphore_mem>>) src(%arg18 : memref<32x128xf32, #tpu.memory_space<vmem>>) dst(%dma_wait3A_66 : memref<32x128xf32, #tpu.memory_space<vmem_shared>>)
      tpu.yield
    }) : () -> ()
    %add3A_27 = arith.constant 160 : i32
    %add3A_28 = arith.addi %mul3A_2, %add3A_27 : i32
    "tpu.region"() ({
      %run_scoped3A = tpu.sem_alloc : memref<!tpu.dma_semaphore, #tpu.memory_space<semaphore_mem>>
      %dma_start3A_60 = arith.constant 0 : i32
      %dma_start3A_61 = tpu.memref_slice %arg20[%add3A_28, %dma_start3A_60] : memref<5120x128xf32, #tpu.memory_space<vmem_shared>> -> memref<32x128xf32, #tpu.memory_space<vmem_shared>>
      %dma_start3A_62 = arith.constant 0 : i32
      %dma_start3A_63 = tpu.memref_slice %arg20[%add3A_28, %dma_start3A_62] : memref<5120x128xf32, #tpu.memory_space<vmem_shared>> -> memref<32x128xf32, #tpu.memory_space<vmem_shared>>
      tpu.enqueue_dma source(%arg18 : memref<32x128xf32, #tpu.memory_space<vmem>>) target(%dma_start3A_63 : memref<32x128xf32, #tpu.memory_space<vmem_shared>>) target_semaphore(%run_scoped3A : memref<!tpu.dma_semaphore, #tpu.memory_space<semaphore_mem>>)
      %dma_wait3A = arith.constant 0 : i32
      %dma_wait3A_64 = tpu.memref_slice %arg20[%add3A_28, %dma_wait3A] : memref<5120x128xf32, #tpu.memory_space<vmem_shared>> -> memref<32x128xf32, #tpu.memory_space<vmem_shared>>
      %dma_wait3A_65 = arith.constant 0 : i32
      %dma_wait3A_66 = tpu.memref_slice %arg20[%add3A_28, %dma_wait3A_65] : memref<5120x128xf32, #tpu.memory_space<vmem_shared>> -> memref<32x128xf32, #tpu.memory_space<vmem_shared>>
      tpu.wait_dma2 semaphore(%run_scoped3A : memref<!tpu.dma_semaphore, #tpu.memory_space<semaphore_mem>>) src(%arg18 : memref<32x128xf32, #tpu.memory_space<vmem>>) dst(%dma_wait3A_66 : memref<32x128xf32, #tpu.memory_space<vmem_shared>>)
      tpu.yield
    }) : () -> ()
    %add3A_29 = arith.constant 192 : i32
    %add3A_30 = arith.addi %mul3A_2, %add3A_29 : i32
    "tpu.region"() ({
      %run_scoped3A = tpu.sem_alloc : memref<!tpu.dma_semaphore, #tpu.memory_space<semaphore_mem>>
      %dma_start3A_60 = arith.constant 0 : i32
      %dma_start3A_61 = tpu.memref_slice %arg19[%add3A_30, %dma_start3A_60] : memref<5120x128xf32, #tpu.memory_space<vmem_shared>> -> memref<32x128xf32, #tpu.memory_space<vmem_shared>>
      %dma_start3A_62 = arith.constant 0 : i32
      %dma_start3A_63 = tpu.memref_slice %arg19[%add3A_30, %dma_start3A_62] : memref<5120x128xf32, #tpu.memory_space<vmem_shared>> -> memref<32x128xf32, #tpu.memory_space<vmem_shared>>
      tpu.enqueue_dma source(%arg18 : memref<32x128xf32, #tpu.memory_space<vmem>>) target(%dma_start3A_63 : memref<32x128xf32, #tpu.memory_space<vmem_shared>>) target_semaphore(%run_scoped3A : memref<!tpu.dma_semaphore, #tpu.memory_space<semaphore_mem>>)
      %dma_wait3A = arith.constant 0 : i32
      %dma_wait3A_64 = tpu.memref_slice %arg19[%add3A_30, %dma_wait3A] : memref<5120x128xf32, #tpu.memory_space<vmem_shared>> -> memref<32x128xf32, #tpu.memory_space<vmem_shared>>
      %dma_wait3A_65 = arith.constant 0 : i32
      %dma_wait3A_66 = tpu.memref_slice %arg19[%add3A_30, %dma_wait3A_65] : memref<5120x128xf32, #tpu.memory_space<vmem_shared>> -> memref<32x128xf32, #tpu.memory_space<vmem_shared>>
      tpu.wait_dma2 semaphore(%run_scoped3A : memref<!tpu.dma_semaphore, #tpu.memory_space<semaphore_mem>>) src(%arg18 : memref<32x128xf32, #tpu.memory_space<vmem>>) dst(%dma_wait3A_66 : memref<32x128xf32, #tpu.memory_space<vmem_shared>>)
      tpu.yield
    }) : () -> ()
    %add3A_31 = arith.constant 192 : i32
    %add3A_32 = arith.addi %mul3A_2, %add3A_31 : i32
    "tpu.region"() ({
      %run_scoped3A = tpu.sem_alloc : memref<!tpu.dma_semaphore, #tpu.memory_space<semaphore_mem>>
      %dma_start3A_60 = arith.constant 0 : i32
      %dma_start3A_61 = tpu.memref_slice %arg20[%add3A_32, %dma_start3A_60] : memref<5120x128xf32, #tpu.memory_space<vmem_shared>> -> memref<32x128xf32, #tpu.memory_space<vmem_shared>>
      %dma_start3A_62 = arith.constant 0 : i32
      %dma_start3A_63 = tpu.memref_slice %arg20[%add3A_32, %dma_start3A_62] : memref<5120x128xf32, #tpu.memory_space<vmem_shared>> -> memref<32x128xf32, #tpu.memory_space<vmem_shared>>
      tpu.enqueue_dma source(%arg18 : memref<32x128xf32, #tpu.memory_space<vmem>>) target(%dma_start3A_63 : memref<32x128xf32, #tpu.memory_space<vmem_shared>>) target_semaphore(%run_scoped3A : memref<!tpu.dma_semaphore, #tpu.memory_space<semaphore_mem>>)
      %dma_wait3A = arith.constant 0 : i32
      %dma_wait3A_64 = tpu.memref_slice %arg20[%add3A_32, %dma_wait3A] : memref<5120x128xf32, #tpu.memory_space<vmem_shared>> -> memref<32x128xf32, #tpu.memory_space<vmem_shared>>
      %dma_wait3A_65 = arith.constant 0 : i32
      %dma_wait3A_66 = tpu.memref_slice %arg20[%add3A_32, %dma_wait3A_65] : memref<5120x128xf32, #tpu.memory_space<vmem_shared>> -> memref<32x128xf32, #tpu.memory_space<vmem_shared>>
      tpu.wait_dma2 semaphore(%run_scoped3A : memref<!tpu.dma_semaphore, #tpu.memory_space<semaphore_mem>>) src(%arg18 : memref<32x128xf32, #tpu.memory_space<vmem>>) dst(%dma_wait3A_66 : memref<32x128xf32, #tpu.memory_space<vmem_shared>>)
      tpu.yield
    }) : () -> ()
    %add3A_33 = arith.constant 224 : i32
    %add3A_34 = arith.addi %mul3A_2, %add3A_33 : i32
    "tpu.region"() ({
      %run_scoped3A = tpu.sem_alloc : memref<!tpu.dma_semaphore, #tpu.memory_space<semaphore_mem>>
      %dma_start3A_60 = arith.constant 0 : i32
      %dma_start3A_61 = tpu.memref_slice %arg19[%add3A_34, %dma_start3A_60] : memref<5120x128xf32, #tpu.memory_space<vmem_shared>> -> memref<32x128xf32, #tpu.memory_space<vmem_shared>>
      %dma_start3A_62 = arith.constant 0 : i32
      %dma_start3A_63 = tpu.memref_slice %arg19[%add3A_34, %dma_start3A_62] : memref<5120x128xf32, #tpu.memory_space<vmem_shared>> -> memref<32x128xf32, #tpu.memory_space<vmem_shared>>
      tpu.enqueue_dma source(%arg18 : memref<32x128xf32, #tpu.memory_space<vmem>>) target(%dma_start3A_63 : memref<32x128xf32, #tpu.memory_space<vmem_shared>>) target_semaphore(%run_scoped3A : memref<!tpu.dma_semaphore, #tpu.memory_space<semaphore_mem>>)
      %dma_wait3A = arith.constant 0 : i32
      %dma_wait3A_64 = tpu.memref_slice %arg19[%add3A_34, %dma_wait3A] : memref<5120x128xf32, #tpu.memory_space<vmem_shared>> -> memref<32x128xf32, #tpu.memory_space<vmem_shared>>
      %dma_wait3A_65 = arith.constant 0 : i32
      %dma_wait3A_66 = tpu.memref_slice %arg19[%add3A_34, %dma_wait3A_65] : memref<5120x128xf32, #tpu.memory_space<vmem_shared>> -> memref<32x128xf32, #tpu.memory_space<vmem_shared>>
      tpu.wait_dma2 semaphore(%run_scoped3A : memref<!tpu.dma_semaphore, #tpu.memory_space<semaphore_mem>>) src(%arg18 : memref<32x128xf32, #tpu.memory_space<vmem>>) dst(%dma_wait3A_66 : memref<32x128xf32, #tpu.memory_space<vmem_shared>>)
      tpu.yield
    }) : () -> ()
    %add3A_35 = arith.constant 224 : i32
    %add3A_36 = arith.addi %mul3A_2, %add3A_35 : i32
    "tpu.region"() ({
      %run_scoped3A = tpu.sem_alloc : memref<!tpu.dma_semaphore, #tpu.memory_space<semaphore_mem>>
      %dma_start3A_60 = arith.constant 0 : i32
      %dma_start3A_61 = tpu.memref_slice %arg20[%add3A_36, %dma_start3A_60] : memref<5120x128xf32, #tpu.memory_space<vmem_shared>> -> memref<32x128xf32, #tpu.memory_space<vmem_shared>>
      %dma_start3A_62 = arith.constant 0 : i32
      %dma_start3A_63 = tpu.memref_slice %arg20[%add3A_36, %dma_start3A_62] : memref<5120x128xf32, #tpu.memory_space<vmem_shared>> -> memref<32x128xf32, #tpu.memory_space<vmem_shared>>
      tpu.enqueue_dma source(%arg18 : memref<32x128xf32, #tpu.memory_space<vmem>>) target(%dma_start3A_63 : memref<32x128xf32, #tpu.memory_space<vmem_shared>>) target_semaphore(%run_scoped3A : memref<!tpu.dma_semaphore, #tpu.memory_space<semaphore_mem>>)
      %dma_wait3A = arith.constant 0 : i32
      %dma_wait3A_64 = tpu.memref_slice %arg20[%add3A_36, %dma_wait3A] : memref<5120x128xf32, #tpu.memory_space<vmem_shared>> -> memref<32x128xf32, #tpu.memory_space<vmem_shared>>
      %dma_wait3A_65 = arith.constant 0 : i32
      %dma_wait3A_66 = tpu.memref_slice %arg20[%add3A_36, %dma_wait3A_65] : memref<5120x128xf32, #tpu.memory_space<vmem_shared>> -> memref<32x128xf32, #tpu.memory_space<vmem_shared>>
      tpu.wait_dma2 semaphore(%run_scoped3A : memref<!tpu.dma_semaphore, #tpu.memory_space<semaphore_mem>>) src(%arg18 : memref<32x128xf32, #tpu.memory_space<vmem>>) dst(%dma_wait3A_66 : memref<32x128xf32, #tpu.memory_space<vmem_shared>>)
      tpu.yield
    }) : () -> ()
    %add3A_37 = arith.constant 256 : i32
    %add3A_38 = arith.addi %mul3A_2, %add3A_37 : i32
    "tpu.region"() ({
      %run_scoped3A = tpu.sem_alloc : memref<!tpu.dma_semaphore, #tpu.memory_space<semaphore_mem>>
      %dma_start3A_60 = arith.constant 0 : i32
      %dma_start3A_61 = tpu.memref_slice %arg19[%add3A_38, %dma_start3A_60] : memref<5120x128xf32, #tpu.memory_space<vmem_shared>> -> memref<32x128xf32, #tpu.memory_space<vmem_shared>>
      %dma_start3A_62 = arith.constant 0 : i32
      %dma_start3A_63 = tpu.memref_slice %arg19[%add3A_38, %dma_start3A_62] : memref<5120x128xf32, #tpu.memory_space<vmem_shared>> -> memref<32x128xf32, #tpu.memory_space<vmem_shared>>
      tpu.enqueue_dma source(%arg18 : memref<32x128xf32, #tpu.memory_space<vmem>>) target(%dma_start3A_63 : memref<32x128xf32, #tpu.memory_space<vmem_shared>>) target_semaphore(%run_scoped3A : memref<!tpu.dma_semaphore, #tpu.memory_space<semaphore_mem>>)
      %dma_wait3A = arith.constant 0 : i32
      %dma_wait3A_64 = tpu.memref_slice %arg19[%add3A_38, %dma_wait3A] : memref<5120x128xf32, #tpu.memory_space<vmem_shared>> -> memref<32x128xf32, #tpu.memory_space<vmem_shared>>
      %dma_wait3A_65 = arith.constant 0 : i32
      %dma_wait3A_66 = tpu.memref_slice %arg19[%add3A_38, %dma_wait3A_65] : memref<5120x128xf32, #tpu.memory_space<vmem_shared>> -> memref<32x128xf32, #tpu.memory_space<vmem_shared>>
      tpu.wait_dma2 semaphore(%run_scoped3A : memref<!tpu.dma_semaphore, #tpu.memory_space<semaphore_mem>>) src(%arg18 : memref<32x128xf32, #tpu.memory_space<vmem>>) dst(%dma_wait3A_66 : memref<32x128xf32, #tpu.memory_space<vmem_shared>>)
      tpu.yield
    }) : () -> ()
    %add3A_39 = arith.constant 256 : i32
    %add3A_40 = arith.addi %mul3A_2, %add3A_39 : i32
    "tpu.region"() ({
      %run_scoped3A = tpu.sem_alloc : memref<!tpu.dma_semaphore, #tpu.memory_space<semaphore_mem>>
      %dma_start3A_60 = arith.constant 0 : i32
      %dma_start3A_61 = tpu.memref_slice %arg20[%add3A_40, %dma_start3A_60] : memref<5120x128xf32, #tpu.memory_space<vmem_shared>> -> memref<32x128xf32, #tpu.memory_space<vmem_shared>>
      %dma_start3A_62 = arith.constant 0 : i32
      %dma_start3A_63 = tpu.memref_slice %arg20[%add3A_40, %dma_start3A_62] : memref<5120x128xf32, #tpu.memory_space<vmem_shared>> -> memref<32x128xf32, #tpu.memory_space<vmem_shared>>
      tpu.enqueue_dma source(%arg18 : memref<32x128xf32, #tpu.memory_space<vmem>>) target(%dma_start3A_63 : memref<32x128xf32, #tpu.memory_space<vmem_shared>>) target_semaphore(%run_scoped3A : memref<!tpu.dma_semaphore, #tpu.memory_space<semaphore_mem>>)
      %dma_wait3A = arith.constant 0 : i32
      %dma_wait3A_64 = tpu.memref_slice %arg20[%add3A_40, %dma_wait3A] : memref<5120x128xf32, #tpu.memory_space<vmem_shared>> -> memref<32x128xf32, #tpu.memory_space<vmem_shared>>
      %dma_wait3A_65 = arith.constant 0 : i32
      %dma_wait3A_66 = tpu.memref_slice %arg20[%add3A_40, %dma_wait3A_65] : memref<5120x128xf32, #tpu.memory_space<vmem_shared>> -> memref<32x128xf32, #tpu.memory_space<vmem_shared>>
      tpu.wait_dma2 semaphore(%run_scoped3A : memref<!tpu.dma_semaphore, #tpu.memory_space<semaphore_mem>>) src(%arg18 : memref<32x128xf32, #tpu.memory_space<vmem>>) dst(%dma_wait3A_66 : memref<32x128xf32, #tpu.memory_space<vmem_shared>>)
      tpu.yield
    }) : () -> ()
    %add3A_41 = arith.constant 288 : i32
    %add3A_42 = arith.addi %mul3A_2, %add3A_41 : i32
    "tpu.region"() ({
      %run_scoped3A = tpu.sem_alloc : memref<!tpu.dma_semaphore, #tpu.memory_space<semaphore_mem>>
      %dma_start3A_60 = arith.constant 0 : i32
      %dma_start3A_61 = tpu.memref_slice %arg19[%add3A_42, %dma_start3A_60] : memref<5120x128xf32, #tpu.memory_space<vmem_shared>> -> memref<32x128xf32, #tpu.memory_space<vmem_shared>>
      %dma_start3A_62 = arith.constant 0 : i32
      %dma_start3A_63 = tpu.memref_slice %arg19[%add3A_42, %dma_start3A_62] : memref<5120x128xf32, #tpu.memory_space<vmem_shared>> -> memref<32x128xf32, #tpu.memory_space<vmem_shared>>
      tpu.enqueue_dma source(%arg18 : memref<32x128xf32, #tpu.memory_space<vmem>>) target(%dma_start3A_63 : memref<32x128xf32, #tpu.memory_space<vmem_shared>>) target_semaphore(%run_scoped3A : memref<!tpu.dma_semaphore, #tpu.memory_space<semaphore_mem>>)
      %dma_wait3A = arith.constant 0 : i32
      %dma_wait3A_64 = tpu.memref_slice %arg19[%add3A_42, %dma_wait3A] : memref<5120x128xf32, #tpu.memory_space<vmem_shared>> -> memref<32x128xf32, #tpu.memory_space<vmem_shared>>
      %dma_wait3A_65 = arith.constant 0 : i32
      %dma_wait3A_66 = tpu.memref_slice %arg19[%add3A_42, %dma_wait3A_65] : memref<5120x128xf32, #tpu.memory_space<vmem_shared>> -> memref<32x128xf32, #tpu.memory_space<vmem_shared>>
      tpu.wait_dma2 semaphore(%run_scoped3A : memref<!tpu.dma_semaphore, #tpu.memory_space<semaphore_mem>>) src(%arg18 : memref<32x128xf32, #tpu.memory_space<vmem>>) dst(%dma_wait3A_66 : memref<32x128xf32, #tpu.memory_space<vmem_shared>>)
      tpu.yield
    }) : () -> ()
    %add3A_43 = arith.constant 288 : i32
    %add3A_44 = arith.addi %mul3A_2, %add3A_43 : i32
    "tpu.region"() ({
      %run_scoped3A = tpu.sem_alloc : memref<!tpu.dma_semaphore, #tpu.memory_space<semaphore_mem>>
      %dma_start3A_60 = arith.constant 0 : i32
      %dma_start3A_61 = tpu.memref_slice %arg20[%add3A_44, %dma_start3A_60] : memref<5120x128xf32, #tpu.memory_space<vmem_shared>> -> memref<32x128xf32, #tpu.memory_space<vmem_shared>>
      %dma_start3A_62 = arith.constant 0 : i32
      %dma_start3A_63 = tpu.memref_slice %arg20[%add3A_44, %dma_start3A_62] : memref<5120x128xf32, #tpu.memory_space<vmem_shared>> -> memref<32x128xf32, #tpu.memory_space<vmem_shared>>
      tpu.enqueue_dma source(%arg18 : memref<32x128xf32, #tpu.memory_space<vmem>>) target(%dma_start3A_63 : memref<32x128xf32, #tpu.memory_space<vmem_shared>>) target_semaphore(%run_scoped3A : memref<!tpu.dma_semaphore, #tpu.memory_space<semaphore_mem>>)
      %dma_wait3A = arith.constant 0 : i32
      %dma_wait3A_64 = tpu.memref_slice %arg20[%add3A_44, %dma_wait3A] : memref<5120x128xf32, #tpu.memory_space<vmem_shared>> -> memref<32x128xf32, #tpu.memory_space<vmem_shared>>
      %dma_wait3A_65 = arith.constant 0 : i32
      %dma_wait3A_66 = tpu.memref_slice %arg20[%add3A_44, %dma_wait3A_65] : memref<5120x128xf32, #tpu.memory_space<vmem_shared>> -> memref<32x128xf32, #tpu.memory_space<vmem_shared>>
      tpu.wait_dma2 semaphore(%run_scoped3A : memref<!tpu.dma_semaphore, #tpu.memory_space<semaphore_mem>>) src(%arg18 : memref<32x128xf32, #tpu.memory_space<vmem>>) dst(%dma_wait3A_66 : memref<32x128xf32, #tpu.memory_space<vmem_shared>>)
      tpu.yield
    }) : () -> ()
    %barrier3A = arith.constant 0 : index
    tpu.barrier barrier_id(%barrier3A)
    "tpu.region"() ({
      %run_scoped3A = tpu.sem_alloc : memref<!tpu.dma_semaphore, #tpu.memory_space<semaphore_mem>>
      %dma_start3A_60 = tpu.memref_slice %arg3[%mul3A_4] : memref<163840xi32, #tpu.memory_space<hbm>> -> memref<64xi32, #tpu.memory_space<hbm>>
      %dma_start3A_61 = tpu.memref_slice %arg3[%mul3A_4] : memref<163840xi32, #tpu.memory_space<hbm>> -> memref<64xi32, #tpu.memory_space<hbm>>
      tpu.enqueue_dma source(%dma_start3A_61 : memref<64xi32, #tpu.memory_space<hbm>>) target(%arg11 : memref<64xi32, #tpu.memory_space<vmem>>) target_semaphore(%run_scoped3A : memref<!tpu.dma_semaphore, #tpu.memory_space<semaphore_mem>>)
      %dma_wait3A = tpu.memref_slice %arg3[%mul3A_4] : memref<163840xi32, #tpu.memory_space<hbm>> -> memref<64xi32, #tpu.memory_space<hbm>>
      %dma_wait3A_62 = tpu.memref_slice %arg3[%mul3A_4] : memref<163840xi32, #tpu.memory_space<hbm>> -> memref<64xi32, #tpu.memory_space<hbm>>
      tpu.wait_dma2 semaphore(%run_scoped3A : memref<!tpu.dma_semaphore, #tpu.memory_space<semaphore_mem>>) src(%dma_wait3A_62 : memref<64xi32, #tpu.memory_space<hbm>>) dst(%arg11 : memref<64xi32, #tpu.memory_space<vmem>>)
      tpu.yield
    }) : () -> ()
    "tpu.region"() ({
      %run_scoped3A = tpu.sem_alloc : memref<!tpu.dma_semaphore, #tpu.memory_space<semaphore_mem>>
      %dma_start3A_60 = tpu.memref_slice %arg4[%mul3A_4] : memref<163840xi32, #tpu.memory_space<hbm>> -> memref<64xi32, #tpu.memory_space<hbm>>
      %dma_start3A_61 = tpu.memref_slice %arg4[%mul3A_4] : memref<163840xi32, #tpu.memory_space<hbm>> -> memref<64xi32, #tpu.memory_space<hbm>>
      tpu.enqueue_dma source(%dma_start3A_61 : memref<64xi32, #tpu.memory_space<hbm>>) target(%arg13 : memref<64xi32, #tpu.memory_space<vmem>>) target_semaphore(%run_scoped3A : memref<!tpu.dma_semaphore, #tpu.memory_space<semaphore_mem>>)
      %dma_wait3A = tpu.memref_slice %arg4[%mul3A_4] : memref<163840xi32, #tpu.memory_space<hbm>> -> memref<64xi32, #tpu.memory_space<hbm>>
      %dma_wait3A_62 = tpu.memref_slice %arg4[%mul3A_4] : memref<163840xi32, #tpu.memory_space<hbm>> -> memref<64xi32, #tpu.memory_space<hbm>>
      tpu.wait_dma2 semaphore(%run_scoped3A : memref<!tpu.dma_semaphore, #tpu.memory_space<semaphore_mem>>) src(%dma_wait3A_62 : memref<64xi32, #tpu.memory_space<hbm>>) dst(%arg13 : memref<64xi32, #tpu.memory_space<vmem>>)
      tpu.yield
    }) : () -> ()
    %dma_start3A = arith.constant 0 : i32
    %dma_start3A_45 = arith.constant 0 : i32
    %dma_start3A_46 = tpu.memref_slice %arg2[%dma_start3A, %dma_start3A_45] : memref<10240x128xf32, #tpu.memory_space<hbm>> -> memref<10240x128xf32, #tpu.memory_space<hbm>>
    tpu.enqueue_indirect_dma source(%dma_start3A_46 : memref<10240x128xf32, #tpu.memory_space<hbm>>) target(%arg15 : memref<64x128xf32, #tpu.memory_space<vmem>>) offsets(%arg11 : memref<64xi32, #tpu.memory_space<vmem>>) semaphore(%arg21 : memref<!tpu.dma_semaphore, #tpu.memory_space<semaphore_mem>>)
    %scan3A = arith.constant 0 : i32
    %scan3A_47 = arith.constant 0 : i32
    %scan3A_48 = arith.constant 40 : i32
    %scan3A_49 = arith.addi %scan3A_47, %scan3A_48 : i32
    %scan3A_50 = arith.constant 1 : i32
    scf.for %scan3A_60 = %scan3A_47 to %scan3A_49 step %scan3A_50  : i32 {
      %mul3A_61 = arith.constant 2 : i32
      %mul3A_62 = arith.muli %scan3A_60, %mul3A_61 : i32
      %add3A_63 = arith.constant 0 : i32
      %add3A_64 = arith.addi %mul3A_62, %add3A_63 : i32
      %add3A_65 = arith.constant 1 : i32
      %add3A_66 = arith.addi %add3A_64, %add3A_65 : i32
      %lt3A = arith.constant 80 : i32
      %lt3A_67 = arith.cmpi slt, %add3A_66, %lt3A : i32
      %convert_element_type3A_68 = arith.extui %lt3A_67 : i1 to i32
      %cond3A_69 = arith.constant 0 : i32
      %cond3A_70 = arith.cmpi ne, %convert_element_type3A_68, %cond3A_69 : i32
      scf.if %cond3A_70 {
        %add3A_93 = arith.constant 1 : i32
        %add3A_94 = arith.addi %add3A_64, %add3A_93 : i32
        %mul3A_95 = arith.constant 64 : i32
        %mul3A_96 = arith.muli %add3A_94, %mul3A_95 : i32
        %add3A_97 = arith.addi %mul3A_4, %mul3A_96 : i32
        "tpu.region"() ({
          %run_scoped3A = tpu.sem_alloc : memref<!tpu.dma_semaphore, #tpu.memory_space<semaphore_mem>>
          %dma_start3A_106 = tpu.memref_slice %arg3[%add3A_97] : memref<163840xi32, #tpu.memory_space<hbm>> -> memref<64xi32, #tpu.memory_space<hbm>>
          %dma_start3A_107 = tpu.memref_slice %arg3[%add3A_97] : memref<163840xi32, #tpu.memory_space<hbm>> -> memref<64xi32, #tpu.memory_space<hbm>>
          tpu.enqueue_dma source(%dma_start3A_107 : memref<64xi32, #tpu.memory_space<hbm>>) target(%arg12 : memref<64xi32, #tpu.memory_space<vmem>>) target_semaphore(%run_scoped3A : memref<!tpu.dma_semaphore, #tpu.memory_space<semaphore_mem>>)
          %dma_wait3A_108 = tpu.memref_slice %arg3[%add3A_97] : memref<163840xi32, #tpu.memory_space<hbm>> -> memref<64xi32, #tpu.memory_space<hbm>>
          %dma_wait3A_109 = tpu.memref_slice %arg3[%add3A_97] : memref<163840xi32, #tpu.memory_space<hbm>> -> memref<64xi32, #tpu.memory_space<hbm>>
          tpu.wait_dma2 semaphore(%run_scoped3A : memref<!tpu.dma_semaphore, #tpu.memory_space<semaphore_mem>>) src(%dma_wait3A_109 : memref<64xi32, #tpu.memory_space<hbm>>) dst(%arg12 : memref<64xi32, #tpu.memory_space<vmem>>)
          tpu.yield
        }) : () -> ()
        %add3A_98 = arith.constant 1 : i32
        %add3A_99 = arith.addi %add3A_64, %add3A_98 : i32
        %mul3A_100 = arith.constant 64 : i32
        %mul3A_101 = arith.muli %add3A_99, %mul3A_100 : i32
        %add3A_102 = arith.addi %mul3A_4, %mul3A_101 : i32
        "tpu.region"() ({
          %run_scoped3A = tpu.sem_alloc : memref<!tpu.dma_semaphore, #tpu.memory_space<semaphore_mem>>
          %dma_start3A_106 = tpu.memref_slice %arg4[%add3A_102] : memref<163840xi32, #tpu.memory_space<hbm>> -> memref<64xi32, #tpu.memory_space<hbm>>
          %dma_start3A_107 = tpu.memref_slice %arg4[%add3A_102] : memref<163840xi32, #tpu.memory_space<hbm>> -> memref<64xi32, #tpu.memory_space<hbm>>
          tpu.enqueue_dma source(%dma_start3A_107 : memref<64xi32, #tpu.memory_space<hbm>>) target(%arg14 : memref<64xi32, #tpu.memory_space<vmem>>) target_semaphore(%run_scoped3A : memref<!tpu.dma_semaphore, #tpu.memory_space<semaphore_mem>>)
          %dma_wait3A_108 = tpu.memref_slice %arg4[%add3A_102] : memref<163840xi32, #tpu.memory_space<hbm>> -> memref<64xi32, #tpu.memory_space<hbm>>
          %dma_wait3A_109 = tpu.memref_slice %arg4[%add3A_102] : memref<163840xi32, #tpu.memory_space<hbm>> -> memref<64xi32, #tpu.memory_space<hbm>>
          tpu.wait_dma2 semaphore(%run_scoped3A : memref<!tpu.dma_semaphore, #tpu.memory_space<semaphore_mem>>) src(%dma_wait3A_109 : memref<64xi32, #tpu.memory_space<hbm>>) dst(%arg14 : memref<64xi32, #tpu.memory_space<vmem>>)
          tpu.yield
        }) : () -> ()
        %dma_start3A_103 = arith.constant 0 : i32
        %dma_start3A_104 = arith.constant 0 : i32
        %dma_start3A_105 = tpu.memref_slice %arg2[%dma_start3A_103, %dma_start3A_104] : memref<10240x128xf32, #tpu.memory_space<hbm>> -> memref<10240x128xf32, #tpu.memory_space<hbm>>
        tpu.enqueue_indirect_dma source(%dma_start3A_105 : memref<10240x128xf32, #tpu.memory_space<hbm>>) target(%arg16 : memref<64x128xf32, #tpu.memory_space<vmem>>) offsets(%arg12 : memref<64xi32, #tpu.memory_space<vmem>>) semaphore(%arg22 : memref<!tpu.dma_semaphore, #tpu.memory_space<semaphore_mem>>)
      } else {
      }
      %dma_wait3A = arith.constant 0 : i32
      %dma_wait3A_71 = arith.constant 0 : i32
      %dma_wait3A_72 = tpu.memref_slice %arg2[%dma_wait3A, %dma_wait3A_71] : memref<10240x128xf32, #tpu.memory_space<hbm>> -> memref<64x128xf32, #tpu.memory_space<hbm>>
      %dma_wait3A_73 = arith.constant 0 : i32
      %dma_wait3A_74 = arith.constant 0 : i32
      %dma_wait3A_75 = tpu.memref_slice %arg2[%dma_wait3A_73, %dma_wait3A_74] : memref<10240x128xf32, #tpu.memory_space<hbm>> -> memref<64x128xf32, #tpu.memory_space<hbm>>
      tpu.wait_dma2 semaphore(%arg21 : memref<!tpu.dma_semaphore, #tpu.memory_space<semaphore_mem>>) src(%dma_wait3A_75 : memref<64x128xf32, #tpu.memory_space<hbm>>) dst(%arg15 : memref<64x128xf32, #tpu.memory_space<vmem>>)
      "tpu.region"() ({
        %run_scoped3A = tpu.sem_alloc : memref<!tpu.dma_semaphore, #tpu.memory_space<semaphore_mem>>
        %dma_start3A_93 = arith.constant 0 : i32
        %dma_start3A_94 = arith.constant 0 : i32
        %dma_start3A_95 = tpu.memref_slice %arg19[%dma_start3A_93, %dma_start3A_94] : memref<5120x128xf32, #tpu.memory_space<vmem_shared>> -> memref<5120x128xf32, #tpu.memory_space<vmem_shared>>
        tpu.enqueue_indirect_dma source(%arg15 : memref<64x128xf32, #tpu.memory_space<vmem>>) target(%dma_start3A_95 : memref<5120x128xf32, #tpu.memory_space<vmem_shared>>) offsets(%arg13 : memref<64xi32, #tpu.memory_space<vmem>>) semaphore(%run_scoped3A : memref<!tpu.dma_semaphore, #tpu.memory_space<semaphore_mem>>) {add = true}
        %dma_wait3A_96 = arith.constant 0 : i32
        %dma_wait3A_97 = arith.constant 0 : i32
        %dma_wait3A_98 = tpu.memref_slice %arg19[%dma_wait3A_96, %dma_wait3A_97] : memref<5120x128xf32, #tpu.memory_space<vmem_shared>> -> memref<5120x128xf32, #tpu.memory_space<vmem_shared>>
        tpu.wait_indirect_dma semaphore(%run_scoped3A : memref<!tpu.dma_semaphore, #tpu.memory_space<semaphore_mem>>) src(%arg15 : memref<64x128xf32, #tpu.memory_space<vmem>>) dst(%dma_wait3A_98 : memref<5120x128xf32, #tpu.memory_space<vmem_shared>>)
        tpu.yield
      }) : () -> ()
      "tpu.region"() ({
        %run_scoped3A = tpu.sem_alloc : memref<!tpu.dma_semaphore, #tpu.memory_space<semaphore_mem>>
        %dma_start3A_93 = arith.constant 0 : i32
        %dma_start3A_94 = arith.constant 0 : i32
        %dma_start3A_95 = tpu.memref_slice %arg20[%dma_start3A_93, %dma_start3A_94] : memref<5120x128xf32, #tpu.memory_space<vmem_shared>> -> memref<5120x128xf32, #tpu.memory_space<vmem_shared>>
        tpu.enqueue_indirect_dma source(%arg17 : memref<64x128xf32, #tpu.memory_space<vmem>>) target(%dma_start3A_95 : memref<5120x128xf32, #tpu.memory_space<vmem_shared>>) offsets(%arg13 : memref<64xi32, #tpu.memory_space<vmem>>) semaphore(%run_scoped3A : memref<!tpu.dma_semaphore, #tpu.memory_space<semaphore_mem>>) {add = true}
        %dma_wait3A_96 = arith.constant 0 : i32
        %dma_wait3A_97 = arith.constant 0 : i32
        %dma_wait3A_98 = tpu.memref_slice %arg20[%dma_wait3A_96, %dma_wait3A_97] : memref<5120x128xf32, #tpu.memory_space<vmem_shared>> -> memref<5120x128xf32, #tpu.memory_space<vmem_shared>>
        tpu.wait_indirect_dma semaphore(%run_scoped3A : memref<!tpu.dma_semaphore, #tpu.memory_space<semaphore_mem>>) src(%arg17 : memref<64x128xf32, #tpu.memory_space<vmem>>) dst(%dma_wait3A_98 : memref<5120x128xf32, #tpu.memory_space<vmem_shared>>)
        tpu.yield
      }) : () -> ()
      %mul3A_76 = arith.constant 2 : i32
      %mul3A_77 = arith.muli %scan3A_60, %mul3A_76 : i32
      %add3A_78 = arith.constant 1 : i32
      %add3A_79 = arith.addi %mul3A_77, %add3A_78 : i32
      %add3A_80 = arith.constant 1 : i32
      %add3A_81 = arith.addi %add3A_79, %add3A_80 : i32
      %lt3A_82 = arith.constant 80 : i32
      %lt3A_83 = arith.cmpi slt, %add3A_81, %lt3A_82 : i32
      %convert_element_type3A_84 = arith.extui %lt3A_83 : i1 to i32
      %cond3A_85 = arith.constant 0 : i32
      %cond3A_86 = arith.cmpi ne, %convert_element_type3A_84, %cond3A_85 : i32
      scf.if %cond3A_86 {
        %add3A_93 = arith.constant 1 : i32
        %add3A_94 = arith.addi %add3A_79, %add3A_93 : i32
        %mul3A_95 = arith.constant 64 : i32
        %mul3A_96 = arith.muli %add3A_94, %mul3A_95 : i32
        %add3A_97 = arith.addi %mul3A_4, %mul3A_96 : i32
        "tpu.region"() ({
          %run_scoped3A = tpu.sem_alloc : memref<!tpu.dma_semaphore, #tpu.memory_space<semaphore_mem>>
          %dma_start3A_106 = tpu.memref_slice %arg3[%add3A_97] : memref<163840xi32, #tpu.memory_space<hbm>> -> memref<64xi32, #tpu.memory_space<hbm>>
          %dma_start3A_107 = tpu.memref_slice %arg3[%add3A_97] : memref<163840xi32, #tpu.memory_space<hbm>> -> memref<64xi32, #tpu.memory_space<hbm>>
          tpu.enqueue_dma source(%dma_start3A_107 : memref<64xi32, #tpu.memory_space<hbm>>) target(%arg11 : memref<64xi32, #tpu.memory_space<vmem>>) target_semaphore(%run_scoped3A : memref<!tpu.dma_semaphore, #tpu.memory_space<semaphore_mem>>)
          %dma_wait3A_108 = tpu.memref_slice %arg3[%add3A_97] : memref<163840xi32, #tpu.memory_space<hbm>> -> memref<64xi32, #tpu.memory_space<hbm>>
          %dma_wait3A_109 = tpu.memref_slice %arg3[%add3A_97] : memref<163840xi32, #tpu.memory_space<hbm>> -> memref<64xi32, #tpu.memory_space<hbm>>
          tpu.wait_dma2 semaphore(%run_scoped3A : memref<!tpu.dma_semaphore, #tpu.memory_space<semaphore_mem>>) src(%dma_wait3A_109 : memref<64xi32, #tpu.memory_space<hbm>>) dst(%arg11 : memref<64xi32, #tpu.memory_space<vmem>>)
          tpu.yield
        }) : () -> ()
        %add3A_98 = arith.constant 1 : i32
        %add3A_99 = arith.addi %add3A_79, %add3A_98 : i32
        %mul3A_100 = arith.constant 64 : i32
        %mul3A_101 = arith.muli %add3A_99, %mul3A_100 : i32
        %add3A_102 = arith.addi %mul3A_4, %mul3A_101 : i32
        "tpu.region"() ({
          %run_scoped3A = tpu.sem_alloc : memref<!tpu.dma_semaphore, #tpu.memory_space<semaphore_mem>>
          %dma_start3A_106 = tpu.memref_slice %arg4[%add3A_102] : memref<163840xi32, #tpu.memory_space<hbm>> -> memref<64xi32, #tpu.memory_space<hbm>>
          %dma_start3A_107 = tpu.memref_slice %arg4[%add3A_102] : memref<163840xi32, #tpu.memory_space<hbm>> -> memref<64xi32, #tpu.memory_space<hbm>>
          tpu.enqueue_dma source(%dma_start3A_107 : memref<64xi32, #tpu.memory_space<hbm>>) target(%arg13 : memref<64xi32, #tpu.memory_space<vmem>>) target_semaphore(%run_scoped3A : memref<!tpu.dma_semaphore, #tpu.memory_space<semaphore_mem>>)
          %dma_wait3A_108 = tpu.memref_slice %arg4[%add3A_102] : memref<163840xi32, #tpu.memory_space<hbm>> -> memref<64xi32, #tpu.memory_space<hbm>>
          %dma_wait3A_109 = tpu.memref_slice %arg4[%add3A_102] : memref<163840xi32, #tpu.memory_space<hbm>> -> memref<64xi32, #tpu.memory_space<hbm>>
          tpu.wait_dma2 semaphore(%run_scoped3A : memref<!tpu.dma_semaphore, #tpu.memory_space<semaphore_mem>>) src(%dma_wait3A_109 : memref<64xi32, #tpu.memory_space<hbm>>) dst(%arg13 : memref<64xi32, #tpu.memory_space<vmem>>)
          tpu.yield
        }) : () -> ()
        %dma_start3A_103 = arith.constant 0 : i32
        %dma_start3A_104 = arith.constant 0 : i32
        %dma_start3A_105 = tpu.memref_slice %arg2[%dma_start3A_103, %dma_start3A_104] : memref<10240x128xf32, #tpu.memory_space<hbm>> -> memref<10240x128xf32, #tpu.memory_space<hbm>>
        tpu.enqueue_indirect_dma source(%dma_start3A_105 : memref<10240x128xf32, #tpu.memory_space<hbm>>) target(%arg15 : memref<64x128xf32, #tpu.memory_space<vmem>>) offsets(%arg11 : memref<64xi32, #tpu.memory_space<vmem>>) semaphore(%arg21 : memref<!tpu.dma_semaphore, #tpu.memory_space<semaphore_mem>>)
      } else {
      }
      %dma_wait3A_87 = arith.constant 0 : i32
      %dma_wait3A_88 = arith.constant 0 : i32
      %dma_wait3A_89 = tpu.memref_slice %arg2[%dma_wait3A_87, %dma_wait3A_88] : memref<10240x128xf32, #tpu.memory_space<hbm>> -> memref<64x128xf32, #tpu.memory_space<hbm>>
      %dma_wait3A_90 = arith.constant 0 : i32
      %dma_wait3A_91 = arith.constant 0 : i32
      %dma_wait3A_92 = tpu.memref_slice %arg2[%dma_wait3A_90, %dma_wait3A_91] : memref<10240x128xf32, #tpu.memory_space<hbm>> -> memref<64x128xf32, #tpu.memory_space<hbm>>
      tpu.wait_dma2 semaphore(%arg22 : memref<!tpu.dma_semaphore, #tpu.memory_space<semaphore_mem>>) src(%dma_wait3A_92 : memref<64x128xf32, #tpu.memory_space<hbm>>) dst(%arg16 : memref<64x128xf32, #tpu.memory_space<vmem>>)
      "tpu.region"() ({
        %run_scoped3A = tpu.sem_alloc : memref<!tpu.dma_semaphore, #tpu.memory_space<semaphore_mem>>
        %dma_start3A_93 = arith.constant 0 : i32
        %dma_start3A_94 = arith.constant 0 : i32
        %dma_start3A_95 = tpu.memref_slice %arg19[%dma_start3A_93, %dma_start3A_94] : memref<5120x128xf32, #tpu.memory_space<vmem_shared>> -> memref<5120x128xf32, #tpu.memory_space<vmem_shared>>
        tpu.enqueue_indirect_dma source(%arg16 : memref<64x128xf32, #tpu.memory_space<vmem>>) target(%dma_start3A_95 : memref<5120x128xf32, #tpu.memory_space<vmem_shared>>) offsets(%arg14 : memref<64xi32, #tpu.memory_space<vmem>>) semaphore(%run_scoped3A : memref<!tpu.dma_semaphore, #tpu.memory_space<semaphore_mem>>) {add = true}
        %dma_wait3A_96 = arith.constant 0 : i32
        %dma_wait3A_97 = arith.constant 0 : i32
        %dma_wait3A_98 = tpu.memref_slice %arg19[%dma_wait3A_96, %dma_wait3A_97] : memref<5120x128xf32, #tpu.memory_space<vmem_shared>> -> memref<5120x128xf32, #tpu.memory_space<vmem_shared>>
        tpu.wait_indirect_dma semaphore(%run_scoped3A : memref<!tpu.dma_semaphore, #tpu.memory_space<semaphore_mem>>) src(%arg16 : memref<64x128xf32, #tpu.memory_space<vmem>>) dst(%dma_wait3A_98 : memref<5120x128xf32, #tpu.memory_space<vmem_shared>>)
        tpu.yield
      }) : () -> ()
      "tpu.region"() ({
        %run_scoped3A = tpu.sem_alloc : memref<!tpu.dma_semaphore, #tpu.memory_space<semaphore_mem>>
        %dma_start3A_93 = arith.constant 0 : i32
        %dma_start3A_94 = arith.constant 0 : i32
        %dma_start3A_95 = tpu.memref_slice %arg20[%dma_start3A_93, %dma_start3A_94] : memref<5120x128xf32, #tpu.memory_space<vmem_shared>> -> memref<5120x128xf32, #tpu.memory_space<vmem_shared>>
        tpu.enqueue_indirect_dma source(%arg17 : memref<64x128xf32, #tpu.memory_space<vmem>>) target(%dma_start3A_95 : memref<5120x128xf32, #tpu.memory_space<vmem_shared>>) offsets(%arg14 : memref<64xi32, #tpu.memory_space<vmem>>) semaphore(%run_scoped3A : memref<!tpu.dma_semaphore, #tpu.memory_space<semaphore_mem>>) {add = true}
        %dma_wait3A_96 = arith.constant 0 : i32
        %dma_wait3A_97 = arith.constant 0 : i32
        %dma_wait3A_98 = tpu.memref_slice %arg20[%dma_wait3A_96, %dma_wait3A_97] : memref<5120x128xf32, #tpu.memory_space<vmem_shared>> -> memref<5120x128xf32, #tpu.memory_space<vmem_shared>>
        tpu.wait_indirect_dma semaphore(%run_scoped3A : memref<!tpu.dma_semaphore, #tpu.memory_space<semaphore_mem>>) src(%arg17 : memref<64x128xf32, #tpu.memory_space<vmem>>) dst(%dma_wait3A_98 : memref<5120x128xf32, #tpu.memory_space<vmem_shared>>)
        tpu.yield
      }) : () -> ()
    }
    %scan3A_51 = arith.constant 40 : i32
    %barrier3A_52 = arith.constant 0 : index
    tpu.barrier barrier_id(%barrier3A_52)
    %eq3A = arith.constant 0 : i32
    %eq3A_53 = arith.cmpi eq, %arg0, %eq3A : i32
    %convert_element_type3A = arith.extui %eq3A_53 : i1 to i32
    %cond3A = arith.constant 0 : i32
    %cond3A_54 = arith.cmpi ne, %convert_element_type3A, %cond3A : i32
    scf.if %cond3A_54 {
      %add3A_60 = arith.constant 0 : i32
      %add3A_61 = arith.addi %mul3A_2, %add3A_60 : i32
      "tpu.region"() ({
        %run_scoped3A = tpu.sem_alloc : memref<!tpu.dma_semaphore, #tpu.memory_space<semaphore_mem>>
        %dma_start3A_80 = arith.constant 0 : i32
        %dma_start3A_81 = tpu.memref_slice %arg19[%add3A_61, %dma_start3A_80] : memref<5120x128xf32, #tpu.memory_space<vmem_shared>> -> memref<32x128xf32, #tpu.memory_space<vmem_shared>>
        %dma_start3A_82 = arith.constant 0 : i32
        %dma_start3A_83 = tpu.memref_slice %arg19[%add3A_61, %dma_start3A_82] : memref<5120x128xf32, #tpu.memory_space<vmem_shared>> -> memref<32x128xf32, #tpu.memory_space<vmem_shared>>
        tpu.enqueue_dma source(%dma_start3A_83 : memref<32x128xf32, #tpu.memory_space<vmem_shared>>) target(%arg18 : memref<32x128xf32, #tpu.memory_space<vmem>>) target_semaphore(%run_scoped3A : memref<!tpu.dma_semaphore, #tpu.memory_space<semaphore_mem>>)
        %dma_wait3A = arith.constant 0 : i32
        %dma_wait3A_84 = tpu.memref_slice %arg19[%add3A_61, %dma_wait3A] : memref<5120x128xf32, #tpu.memory_space<vmem_shared>> -> memref<32x128xf32, #tpu.memory_space<vmem_shared>>
        %dma_wait3A_85 = arith.constant 0 : i32
        %dma_wait3A_86 = tpu.memref_slice %arg19[%add3A_61, %dma_wait3A_85] : memref<5120x128xf32, #tpu.memory_space<vmem_shared>> -> memref<32x128xf32, #tpu.memory_space<vmem_shared>>
        tpu.wait_dma2 semaphore(%run_scoped3A : memref<!tpu.dma_semaphore, #tpu.memory_space<semaphore_mem>>) src(%dma_wait3A_86 : memref<32x128xf32, #tpu.memory_space<vmem_shared>>) dst(%arg18 : memref<32x128xf32, #tpu.memory_space<vmem>>)
        tpu.yield
      }) : () -> ()
      "tpu.region"() ({
        %run_scoped3A = tpu.sem_alloc : memref<!tpu.dma_semaphore, #tpu.memory_space<semaphore_mem>>
        %dma_start3A_80 = arith.constant 0 : i32
        %dma_start3A_81 = tpu.memref_slice %arg7[%add3A_61, %dma_start3A_80] : memref<5120x128xf32, #tpu.memory_space<hbm>> -> memref<32x128xf32, #tpu.memory_space<hbm>>
        %dma_start3A_82 = arith.constant 0 : i32
        %dma_start3A_83 = tpu.memref_slice %arg7[%add3A_61, %dma_start3A_82] : memref<5120x128xf32, #tpu.memory_space<hbm>> -> memref<32x128xf32, #tpu.memory_space<hbm>>
        tpu.enqueue_dma source(%arg18 : memref<32x128xf32, #tpu.memory_space<vmem>>) target(%dma_start3A_83 : memref<32x128xf32, #tpu.memory_space<hbm>>) target_semaphore(%run_scoped3A : memref<!tpu.dma_semaphore, #tpu.memory_space<semaphore_mem>>)
        %dma_wait3A = arith.constant 0 : i32
        %dma_wait3A_84 = tpu.memref_slice %arg7[%add3A_61, %dma_wait3A] : memref<5120x128xf32, #tpu.memory_space<hbm>> -> memref<32x128xf32, #tpu.memory_space<hbm>>
        %dma_wait3A_85 = arith.constant 0 : i32
        %dma_wait3A_86 = tpu.memref_slice %arg7[%add3A_61, %dma_wait3A_85] : memref<5120x128xf32, #tpu.memory_space<hbm>> -> memref<32x128xf32, #tpu.memory_space<hbm>>
        tpu.wait_dma2 semaphore(%run_scoped3A : memref<!tpu.dma_semaphore, #tpu.memory_space<semaphore_mem>>) src(%arg18 : memref<32x128xf32, #tpu.memory_space<vmem>>) dst(%dma_wait3A_86 : memref<32x128xf32, #tpu.memory_space<hbm>>)
        tpu.yield
      }) : () -> ()
      "tpu.region"() ({
        %run_scoped3A = tpu.sem_alloc : memref<!tpu.dma_semaphore, #tpu.memory_space<semaphore_mem>>
        %dma_start3A_80 = arith.constant 0 : i32
        %dma_start3A_81 = tpu.memref_slice %arg20[%add3A_61, %dma_start3A_80] : memref<5120x128xf32, #tpu.memory_space<vmem_shared>> -> memref<32x128xf32, #tpu.memory_space<vmem_shared>>
        %dma_start3A_82 = arith.constant 0 : i32
        %dma_start3A_83 = tpu.memref_slice %arg20[%add3A_61, %dma_start3A_82] : memref<5120x128xf32, #tpu.memory_space<vmem_shared>> -> memref<32x128xf32, #tpu.memory_space<vmem_shared>>
        tpu.enqueue_dma source(%dma_start3A_83 : memref<32x128xf32, #tpu.memory_space<vmem_shared>>) target(%arg18 : memref<32x128xf32, #tpu.memory_space<vmem>>) target_semaphore(%run_scoped3A : memref<!tpu.dma_semaphore, #tpu.memory_space<semaphore_mem>>)
        %dma_wait3A = arith.constant 0 : i32
        %dma_wait3A_84 = tpu.memref_slice %arg20[%add3A_61, %dma_wait3A] : memref<5120x128xf32, #tpu.memory_space<vmem_shared>> -> memref<32x128xf32, #tpu.memory_space<vmem_shared>>
        %dma_wait3A_85 = arith.constant 0 : i32
        %dma_wait3A_86 = tpu.memref_slice %arg20[%add3A_61, %dma_wait3A_85] : memref<5120x128xf32, #tpu.memory_space<vmem_shared>> -> memref<32x128xf32, #tpu.memory_space<vmem_shared>>
        tpu.wait_dma2 semaphore(%run_scoped3A : memref<!tpu.dma_semaphore, #tpu.memory_space<semaphore_mem>>) src(%dma_wait3A_86 : memref<32x128xf32, #tpu.memory_space<vmem_shared>>) dst(%arg18 : memref<32x128xf32, #tpu.memory_space<vmem>>)
        tpu.yield
      }) : () -> ()
      "tpu.region"() ({
        %run_scoped3A = tpu.sem_alloc : memref<!tpu.dma_semaphore, #tpu.memory_space<semaphore_mem>>
        %dma_start3A_80 = arith.constant 0 : i32
        %dma_start3A_81 = tpu.memref_slice %arg9[%add3A_61, %dma_start3A_80] : memref<5120x128xf32, #tpu.memory_space<hbm>> -> memref<32x128xf32, #tpu.memory_space<hbm>>
        %dma_start3A_82 = arith.constant 0 : i32
        %dma_start3A_83 = tpu.memref_slice %arg9[%add3A_61, %dma_start3A_82] : memref<5120x128xf32, #tpu.memory_space<hbm>> -> memref<32x128xf32, #tpu.memory_space<hbm>>
        tpu.enqueue_dma source(%arg18 : memref<32x128xf32, #tpu.memory_space<vmem>>) target(%dma_start3A_83 : memref<32x128xf32, #tpu.memory_space<hbm>>) target_semaphore(%run_scoped3A : memref<!tpu.dma_semaphore, #tpu.memory_space<semaphore_mem>>)
        %dma_wait3A = arith.constant 0 : i32
        %dma_wait3A_84 = tpu.memref_slice %arg9[%add3A_61, %dma_wait3A] : memref<5120x128xf32, #tpu.memory_space<hbm>> -> memref<32x128xf32, #tpu.memory_space<hbm>>
        %dma_wait3A_85 = arith.constant 0 : i32
        %dma_wait3A_86 = tpu.memref_slice %arg9[%add3A_61, %dma_wait3A_85] : memref<5120x128xf32, #tpu.memory_space<hbm>> -> memref<32x128xf32, #tpu.memory_space<hbm>>
        tpu.wait_dma2 semaphore(%run_scoped3A : memref<!tpu.dma_semaphore, #tpu.memory_space<semaphore_mem>>) src(%arg18 : memref<32x128xf32, #tpu.memory_space<vmem>>) dst(%dma_wait3A_86 : memref<32x128xf32, #tpu.memory_space<hbm>>)
        tpu.yield
      }) : () -> ()
      %add3A_62 = arith.constant 32 : i32
      %add3A_63 = arith.addi %mul3A_2, %add3A_62 : i32
      "tpu.region"() ({
        %run_scoped3A = tpu.sem_alloc : memref<!tpu.dma_semaphore, #tpu.memory_space<semaphore_mem>>
        %dma_start3A_80 = arith.constant 0 : i32
        %dma_start3A_81 = tpu.memref_slice %arg19[%add3A_63, %dma_start3A_80] : memref<5120x128xf32, #tpu.memory_space<vmem_shared>> -> memref<32x128xf32, #tpu.memory_space<vmem_shared>>
        %dma_start3A_82 = arith.constant 0 : i32
        %dma_start3A_83 = tpu.memref_slice %arg19[%add3A_63, %dma_start3A_82] : memref<5120x128xf32, #tpu.memory_space<vmem_shared>> -> memref<32x128xf32, #tpu.memory_space<vmem_shared>>
        tpu.enqueue_dma source(%dma_start3A_83 : memref<32x128xf32, #tpu.memory_space<vmem_shared>>) target(%arg18 : memref<32x128xf32, #tpu.memory_space<vmem>>) target_semaphore(%run_scoped3A : memref<!tpu.dma_semaphore, #tpu.memory_space<semaphore_mem>>)
        %dma_wait3A = arith.constant 0 : i32
        %dma_wait3A_84 = tpu.memref_slice %arg19[%add3A_63, %dma_wait3A] : memref<5120x128xf32, #tpu.memory_space<vmem_shared>> -> memref<32x128xf32, #tpu.memory_space<vmem_shared>>
        %dma_wait3A_85 = arith.constant 0 : i32
        %dma_wait3A_86 = tpu.memref_slice %arg19[%add3A_63, %dma_wait3A_85] : memref<5120x128xf32, #tpu.memory_space<vmem_shared>> -> memref<32x128xf32, #tpu.memory_space<vmem_shared>>
        tpu.wait_dma2 semaphore(%run_scoped3A : memref<!tpu.dma_semaphore, #tpu.memory_space<semaphore_mem>>) src(%dma_wait3A_86 : memref<32x128xf32, #tpu.memory_space<vmem_shared>>) dst(%arg18 : memref<32x128xf32, #tpu.memory_space<vmem>>)
        tpu.yield
      }) : () -> ()
      "tpu.region"() ({
        %run_scoped3A = tpu.sem_alloc : memref<!tpu.dma_semaphore, #tpu.memory_space<semaphore_mem>>
        %dma_start3A_80 = arith.constant 0 : i32
        %dma_start3A_81 = tpu.memref_slice %arg7[%add3A_63, %dma_start3A_80] : memref<5120x128xf32, #tpu.memory_space<hbm>> -> memref<32x128xf32, #tpu.memory_space<hbm>>
        %dma_start3A_82 = arith.constant 0 : i32
        %dma_start3A_83 = tpu.memref_slice %arg7[%add3A_63, %dma_start3A_82] : memref<5120x128xf32, #tpu.memory_space<hbm>> -> memref<32x128xf32, #tpu.memory_space<hbm>>
        tpu.enqueue_dma source(%arg18 : memref<32x128xf32, #tpu.memory_space<vmem>>) target(%dma_start3A_83 : memref<32x128xf32, #tpu.memory_space<hbm>>) target_semaphore(%run_scoped3A : memref<!tpu.dma_semaphore, #tpu.memory_space<semaphore_mem>>)
        %dma_wait3A = arith.constant 0 : i32
        %dma_wait3A_84 = tpu.memref_slice %arg7[%add3A_63, %dma_wait3A] : memref<5120x128xf32, #tpu.memory_space<hbm>> -> memref<32x128xf32, #tpu.memory_space<hbm>>
        %dma_wait3A_85 = arith.constant 0 : i32
        %dma_wait3A_86 = tpu.memref_slice %arg7[%add3A_63, %dma_wait3A_85] : memref<5120x128xf32, #tpu.memory_space<hbm>> -> memref<32x128xf32, #tpu.memory_space<hbm>>
        tpu.wait_dma2 semaphore(%run_scoped3A : memref<!tpu.dma_semaphore, #tpu.memory_space<semaphore_mem>>) src(%arg18 : memref<32x128xf32, #tpu.memory_space<vmem>>) dst(%dma_wait3A_86 : memref<32x128xf32, #tpu.memory_space<hbm>>)
        tpu.yield
      }) : () -> ()
      "tpu.region"() ({
        %run_scoped3A = tpu.sem_alloc : memref<!tpu.dma_semaphore, #tpu.memory_space<semaphore_mem>>
        %dma_start3A_80 = arith.constant 0 : i32
        %dma_start3A_81 = tpu.memref_slice %arg20[%add3A_63, %dma_start3A_80] : memref<5120x128xf32, #tpu.memory_space<vmem_shared>> -> memref<32x128xf32, #tpu.memory_space<vmem_shared>>
        %dma_start3A_82 = arith.constant 0 : i32
        %dma_start3A_83 = tpu.memref_slice %arg20[%add3A_63, %dma_start3A_82] : memref<5120x128xf32, #tpu.memory_space<vmem_shared>> -> memref<32x128xf32, #tpu.memory_space<vmem_shared>>
        tpu.enqueue_dma source(%dma_start3A_83 : memref<32x128xf32, #tpu.memory_space<vmem_shared>>) target(%arg18 : memref<32x128xf32, #tpu.memory_space<vmem>>) target_semaphore(%run_scoped3A : memref<!tpu.dma_semaphore, #tpu.memory_space<semaphore_mem>>)
        %dma_wait3A = arith.constant 0 : i32
        %dma_wait3A_84 = tpu.memref_slice %arg20[%add3A_63, %dma_wait3A] : memref<5120x128xf32, #tpu.memory_space<vmem_shared>> -> memref<32x128xf32, #tpu.memory_space<vmem_shared>>
        %dma_wait3A_85 = arith.constant 0 : i32
        %dma_wait3A_86 = tpu.memref_slice %arg20[%add3A_63, %dma_wait3A_85] : memref<5120x128xf32, #tpu.memory_space<vmem_shared>> -> memref<32x128xf32, #tpu.memory_space<vmem_shared>>
        tpu.wait_dma2 semaphore(%run_scoped3A : memref<!tpu.dma_semaphore, #tpu.memory_space<semaphore_mem>>) src(%dma_wait3A_86 : memref<32x128xf32, #tpu.memory_space<vmem_shared>>) dst(%arg18 : memref<32x128xf32, #tpu.memory_space<vmem>>)
        tpu.yield
      }) : () -> ()
      "tpu.region"() ({
        %run_scoped3A = tpu.sem_alloc : memref<!tpu.dma_semaphore, #tpu.memory_space<semaphore_mem>>
        %dma_start3A_80 = arith.constant 0 : i32
        %dma_start3A_81 = tpu.memref_slice %arg9[%add3A_63, %dma_start3A_80] : memref<5120x128xf32, #tpu.memory_space<hbm>> -> memref<32x128xf32, #tpu.memory_space<hbm>>
        %dma_start3A_82 = arith.constant 0 : i32
        %dma_start3A_83 = tpu.memref_slice %arg9[%add3A_63, %dma_start3A_82] : memref<5120x128xf32, #tpu.memory_space<hbm>> -> memref<32x128xf32, #tpu.memory_space<hbm>>
        tpu.enqueue_dma source(%arg18 : memref<32x128xf32, #tpu.memory_space<vmem>>) target(%dma_start3A_83 : memref<32x128xf32, #tpu.memory_space<hbm>>) target_semaphore(%run_scoped3A : memref<!tpu.dma_semaphore, #tpu.memory_space<semaphore_mem>>)
        %dma_wait3A = arith.constant 0 : i32
        %dma_wait3A_84 = tpu.memref_slice %arg9[%add3A_63, %dma_wait3A] : memref<5120x128xf32, #tpu.memory_space<hbm>> -> memref<32x128xf32, #tpu.memory_space<hbm>>
        %dma_wait3A_85 = arith.constant 0 : i32
        %dma_wait3A_86 = tpu.memref_slice %arg9[%add3A_63, %dma_wait3A_85] : memref<5120x128xf32, #tpu.memory_space<hbm>> -> memref<32x128xf32, #tpu.memory_space<hbm>>
        tpu.wait_dma2 semaphore(%run_scoped3A : memref<!tpu.dma_semaphore, #tpu.memory_space<semaphore_mem>>) src(%arg18 : memref<32x128xf32, #tpu.memory_space<vmem>>) dst(%dma_wait3A_86 : memref<32x128xf32, #tpu.memory_space<hbm>>)
        tpu.yield
      }) : () -> ()
      %add3A_64 = arith.constant 64 : i32
      %add3A_65 = arith.addi %mul3A_2, %add3A_64 : i32
      "tpu.region"() ({
        %run_scoped3A = tpu.sem_alloc : memref<!tpu.dma_semaphore, #tpu.memory_space<semaphore_mem>>
        %dma_start3A_80 = arith.constant 0 : i32
        %dma_start3A_81 = tpu.memref_slice %arg19[%add3A_65, %dma_start3A_80] : memref<5120x128xf32, #tpu.memory_space<vmem_shared>> -> memref<32x128xf32, #tpu.memory_space<vmem_shared>>
        %dma_start3A_82 = arith.constant 0 : i32
        %dma_start3A_83 = tpu.memref_slice %arg19[%add3A_65, %dma_start3A_82] : memref<5120x128xf32, #tpu.memory_space<vmem_shared>> -> memref<32x128xf32, #tpu.memory_space<vmem_shared>>
        tpu.enqueue_dma source(%dma_start3A_83 : memref<32x128xf32, #tpu.memory_space<vmem_shared>>) target(%arg18 : memref<32x128xf32, #tpu.memory_space<vmem>>) target_semaphore(%run_scoped3A : memref<!tpu.dma_semaphore, #tpu.memory_space<semaphore_mem>>)
        %dma_wait3A = arith.constant 0 : i32
        %dma_wait3A_84 = tpu.memref_slice %arg19[%add3A_65, %dma_wait3A] : memref<5120x128xf32, #tpu.memory_space<vmem_shared>> -> memref<32x128xf32, #tpu.memory_space<vmem_shared>>
        %dma_wait3A_85 = arith.constant 0 : i32
        %dma_wait3A_86 = tpu.memref_slice %arg19[%add3A_65, %dma_wait3A_85] : memref<5120x128xf32, #tpu.memory_space<vmem_shared>> -> memref<32x128xf32, #tpu.memory_space<vmem_shared>>
        tpu.wait_dma2 semaphore(%run_scoped3A : memref<!tpu.dma_semaphore, #tpu.memory_space<semaphore_mem>>) src(%dma_wait3A_86 : memref<32x128xf32, #tpu.memory_space<vmem_shared>>) dst(%arg18 : memref<32x128xf32, #tpu.memory_space<vmem>>)
        tpu.yield
      }) : () -> ()
      "tpu.region"() ({
        %run_scoped3A = tpu.sem_alloc : memref<!tpu.dma_semaphore, #tpu.memory_space<semaphore_mem>>
        %dma_start3A_80 = arith.constant 0 : i32
        %dma_start3A_81 = tpu.memref_slice %arg7[%add3A_65, %dma_start3A_80] : memref<5120x128xf32, #tpu.memory_space<hbm>> -> memref<32x128xf32, #tpu.memory_space<hbm>>
        %dma_start3A_82 = arith.constant 0 : i32
        %dma_start3A_83 = tpu.memref_slice %arg7[%add3A_65, %dma_start3A_82] : memref<5120x128xf32, #tpu.memory_space<hbm>> -> memref<32x128xf32, #tpu.memory_space<hbm>>
        tpu.enqueue_dma source(%arg18 : memref<32x128xf32, #tpu.memory_space<vmem>>) target(%dma_start3A_83 : memref<32x128xf32, #tpu.memory_space<hbm>>) target_semaphore(%run_scoped3A : memref<!tpu.dma_semaphore, #tpu.memory_space<semaphore_mem>>)
        %dma_wait3A = arith.constant 0 : i32
        %dma_wait3A_84 = tpu.memref_slice %arg7[%add3A_65, %dma_wait3A] : memref<5120x128xf32, #tpu.memory_space<hbm>> -> memref<32x128xf32, #tpu.memory_space<hbm>>
        %dma_wait3A_85 = arith.constant 0 : i32
        %dma_wait3A_86 = tpu.memref_slice %arg7[%add3A_65, %dma_wait3A_85] : memref<5120x128xf32, #tpu.memory_space<hbm>> -> memref<32x128xf32, #tpu.memory_space<hbm>>
        tpu.wait_dma2 semaphore(%run_scoped3A : memref<!tpu.dma_semaphore, #tpu.memory_space<semaphore_mem>>) src(%arg18 : memref<32x128xf32, #tpu.memory_space<vmem>>) dst(%dma_wait3A_86 : memref<32x128xf32, #tpu.memory_space<hbm>>)
        tpu.yield
      }) : () -> ()
      "tpu.region"() ({
        %run_scoped3A = tpu.sem_alloc : memref<!tpu.dma_semaphore, #tpu.memory_space<semaphore_mem>>
        %dma_start3A_80 = arith.constant 0 : i32
        %dma_start3A_81 = tpu.memref_slice %arg20[%add3A_65, %dma_start3A_80] : memref<5120x128xf32, #tpu.memory_space<vmem_shared>> -> memref<32x128xf32, #tpu.memory_space<vmem_shared>>
        %dma_start3A_82 = arith.constant 0 : i32
        %dma_start3A_83 = tpu.memref_slice %arg20[%add3A_65, %dma_start3A_82] : memref<5120x128xf32, #tpu.memory_space<vmem_shared>> -> memref<32x128xf32, #tpu.memory_space<vmem_shared>>
        tpu.enqueue_dma source(%dma_start3A_83 : memref<32x128xf32, #tpu.memory_space<vmem_shared>>) target(%arg18 : memref<32x128xf32, #tpu.memory_space<vmem>>) target_semaphore(%run_scoped3A : memref<!tpu.dma_semaphore, #tpu.memory_space<semaphore_mem>>)
        %dma_wait3A = arith.constant 0 : i32
        %dma_wait3A_84 = tpu.memref_slice %arg20[%add3A_65, %dma_wait3A] : memref<5120x128xf32, #tpu.memory_space<vmem_shared>> -> memref<32x128xf32, #tpu.memory_space<vmem_shared>>
        %dma_wait3A_85 = arith.constant 0 : i32
        %dma_wait3A_86 = tpu.memref_slice %arg20[%add3A_65, %dma_wait3A_85] : memref<5120x128xf32, #tpu.memory_space<vmem_shared>> -> memref<32x128xf32, #tpu.memory_space<vmem_shared>>
        tpu.wait_dma2 semaphore(%run_scoped3A : memref<!tpu.dma_semaphore, #tpu.memory_space<semaphore_mem>>) src(%dma_wait3A_86 : memref<32x128xf32, #tpu.memory_space<vmem_shared>>) dst(%arg18 : memref<32x128xf32, #tpu.memory_space<vmem>>)
        tpu.yield
      }) : () -> ()
      "tpu.region"() ({
        %run_scoped3A = tpu.sem_alloc : memref<!tpu.dma_semaphore, #tpu.memory_space<semaphore_mem>>
        %dma_start3A_80 = arith.constant 0 : i32
        %dma_start3A_81 = tpu.memref_slice %arg9[%add3A_65, %dma_start3A_80] : memref<5120x128xf32, #tpu.memory_space<hbm>> -> memref<32x128xf32, #tpu.memory_space<hbm>>
        %dma_start3A_82 = arith.constant 0 : i32
        %dma_start3A_83 = tpu.memref_slice %arg9[%add3A_65, %dma_start3A_82] : memref<5120x128xf32, #tpu.memory_space<hbm>> -> memref<32x128xf32, #tpu.memory_space<hbm>>
        tpu.enqueue_dma source(%arg18 : memref<32x128xf32, #tpu.memory_space<vmem>>) target(%dma_start3A_83 : memref<32x128xf32, #tpu.memory_space<hbm>>) target_semaphore(%run_scoped3A : memref<!tpu.dma_semaphore, #tpu.memory_space<semaphore_mem>>)
        %dma_wait3A = arith.constant 0 : i32
        %dma_wait3A_84 = tpu.memref_slice %arg9[%add3A_65, %dma_wait3A] : memref<5120x128xf32, #tpu.memory_space<hbm>> -> memref<32x128xf32, #tpu.memory_space<hbm>>
        %dma_wait3A_85 = arith.constant 0 : i32
        %dma_wait3A_86 = tpu.memref_slice %arg9[%add3A_65, %dma_wait3A_85] : memref<5120x128xf32, #tpu.memory_space<hbm>> -> memref<32x128xf32, #tpu.memory_space<hbm>>
        tpu.wait_dma2 semaphore(%run_scoped3A : memref<!tpu.dma_semaphore, #tpu.memory_space<semaphore_mem>>) src(%arg18 : memref<32x128xf32, #tpu.memory_space<vmem>>) dst(%dma_wait3A_86 : memref<32x128xf32, #tpu.memory_space<hbm>>)
        tpu.yield
      }) : () -> ()
      %add3A_66 = arith.constant 96 : i32
      %add3A_67 = arith.addi %mul3A_2, %add3A_66 : i32
      "tpu.region"() ({
        %run_scoped3A = tpu.sem_alloc : memref<!tpu.dma_semaphore, #tpu.memory_space<semaphore_mem>>
        %dma_start3A_80 = arith.constant 0 : i32
        %dma_start3A_81 = tpu.memref_slice %arg19[%add3A_67, %dma_start3A_80] : memref<5120x128xf32, #tpu.memory_space<vmem_shared>> -> memref<32x128xf32, #tpu.memory_space<vmem_shared>>
        %dma_start3A_82 = arith.constant 0 : i32
        %dma_start3A_83 = tpu.memref_slice %arg19[%add3A_67, %dma_start3A_82] : memref<5120x128xf32, #tpu.memory_space<vmem_shared>> -> memref<32x128xf32, #tpu.memory_space<vmem_shared>>
        tpu.enqueue_dma source(%dma_start3A_83 : memref<32x128xf32, #tpu.memory_space<vmem_shared>>) target(%arg18 : memref<32x128xf32, #tpu.memory_space<vmem>>) target_semaphore(%run_scoped3A : memref<!tpu.dma_semaphore, #tpu.memory_space<semaphore_mem>>)
        %dma_wait3A = arith.constant 0 : i32
        %dma_wait3A_84 = tpu.memref_slice %arg19[%add3A_67, %dma_wait3A] : memref<5120x128xf32, #tpu.memory_space<vmem_shared>> -> memref<32x128xf32, #tpu.memory_space<vmem_shared>>
        %dma_wait3A_85 = arith.constant 0 : i32
        %dma_wait3A_86 = tpu.memref_slice %arg19[%add3A_67, %dma_wait3A_85] : memref<5120x128xf32, #tpu.memory_space<vmem_shared>> -> memref<32x128xf32, #tpu.memory_space<vmem_shared>>
        tpu.wait_dma2 semaphore(%run_scoped3A : memref<!tpu.dma_semaphore, #tpu.memory_space<semaphore_mem>>) src(%dma_wait3A_86 : memref<32x128xf32, #tpu.memory_space<vmem_shared>>) dst(%arg18 : memref<32x128xf32, #tpu.memory_space<vmem>>)
        tpu.yield
      }) : () -> ()
      "tpu.region"() ({
        %run_scoped3A = tpu.sem_alloc : memref<!tpu.dma_semaphore, #tpu.memory_space<semaphore_mem>>
        %dma_start3A_80 = arith.constant 0 : i32
        %dma_start3A_81 = tpu.memref_slice %arg7[%add3A_67, %dma_start3A_80] : memref<5120x128xf32, #tpu.memory_space<hbm>> -> memref<32x128xf32, #tpu.memory_space<hbm>>
        %dma_start3A_82 = arith.constant 0 : i32
        %dma_start3A_83 = tpu.memref_slice %arg7[%add3A_67, %dma_start3A_82] : memref<5120x128xf32, #tpu.memory_space<hbm>> -> memref<32x128xf32, #tpu.memory_space<hbm>>
        tpu.enqueue_dma source(%arg18 : memref<32x128xf32, #tpu.memory_space<vmem>>) target(%dma_start3A_83 : memref<32x128xf32, #tpu.memory_space<hbm>>) target_semaphore(%run_scoped3A : memref<!tpu.dma_semaphore, #tpu.memory_space<semaphore_mem>>)
        %dma_wait3A = arith.constant 0 : i32
        %dma_wait3A_84 = tpu.memref_slice %arg7[%add3A_67, %dma_wait3A] : memref<5120x128xf32, #tpu.memory_space<hbm>> -> memref<32x128xf32, #tpu.memory_space<hbm>>
        %dma_wait3A_85 = arith.constant 0 : i32
        %dma_wait3A_86 = tpu.memref_slice %arg7[%add3A_67, %dma_wait3A_85] : memref<5120x128xf32, #tpu.memory_space<hbm>> -> memref<32x128xf32, #tpu.memory_space<hbm>>
        tpu.wait_dma2 semaphore(%run_scoped3A : memref<!tpu.dma_semaphore, #tpu.memory_space<semaphore_mem>>) src(%arg18 : memref<32x128xf32, #tpu.memory_space<vmem>>) dst(%dma_wait3A_86 : memref<32x128xf32, #tpu.memory_space<hbm>>)
        tpu.yield
      }) : () -> ()
      "tpu.region"() ({
        %run_scoped3A = tpu.sem_alloc : memref<!tpu.dma_semaphore, #tpu.memory_space<semaphore_mem>>
        %dma_start3A_80 = arith.constant 0 : i32
        %dma_start3A_81 = tpu.memref_slice %arg20[%add3A_67, %dma_start3A_80] : memref<5120x128xf32, #tpu.memory_space<vmem_shared>> -> memref<32x128xf32, #tpu.memory_space<vmem_shared>>
        %dma_start3A_82 = arith.constant 0 : i32
        %dma_start3A_83 = tpu.memref_slice %arg20[%add3A_67, %dma_start3A_82] : memref<5120x128xf32, #tpu.memory_space<vmem_shared>> -> memref<32x128xf32, #tpu.memory_space<vmem_shared>>
        tpu.enqueue_dma source(%dma_start3A_83 : memref<32x128xf32, #tpu.memory_space<vmem_shared>>) target(%arg18 : memref<32x128xf32, #tpu.memory_space<vmem>>) target_semaphore(%run_scoped3A : memref<!tpu.dma_semaphore, #tpu.memory_space<semaphore_mem>>)
        %dma_wait3A = arith.constant 0 : i32
        %dma_wait3A_84 = tpu.memref_slice %arg20[%add3A_67, %dma_wait3A] : memref<5120x128xf32, #tpu.memory_space<vmem_shared>> -> memref<32x128xf32, #tpu.memory_space<vmem_shared>>
        %dma_wait3A_85 = arith.constant 0 : i32
        %dma_wait3A_86 = tpu.memref_slice %arg20[%add3A_67, %dma_wait3A_85] : memref<5120x128xf32, #tpu.memory_space<vmem_shared>> -> memref<32x128xf32, #tpu.memory_space<vmem_shared>>
        tpu.wait_dma2 semaphore(%run_scoped3A : memref<!tpu.dma_semaphore, #tpu.memory_space<semaphore_mem>>) src(%dma_wait3A_86 : memref<32x128xf32, #tpu.memory_space<vmem_shared>>) dst(%arg18 : memref<32x128xf32, #tpu.memory_space<vmem>>)
        tpu.yield
      }) : () -> ()
      "tpu.region"() ({
        %run_scoped3A = tpu.sem_alloc : memref<!tpu.dma_semaphore, #tpu.memory_space<semaphore_mem>>
        %dma_start3A_80 = arith.constant 0 : i32
        %dma_start3A_81 = tpu.memref_slice %arg9[%add3A_67, %dma_start3A_80] : memref<5120x128xf32, #tpu.memory_space<hbm>> -> memref<32x128xf32, #tpu.memory_space<hbm>>
        %dma_start3A_82 = arith.constant 0 : i32
        %dma_start3A_83 = tpu.memref_slice %arg9[%add3A_67, %dma_start3A_82] : memref<5120x128xf32, #tpu.memory_space<hbm>> -> memref<32x128xf32, #tpu.memory_space<hbm>>
        tpu.enqueue_dma source(%arg18 : memref<32x128xf32, #tpu.memory_space<vmem>>) target(%dma_start3A_83 : memref<32x128xf32, #tpu.memory_space<hbm>>) target_semaphore(%run_scoped3A : memref<!tpu.dma_semaphore, #tpu.memory_space<semaphore_mem>>)
        %dma_wait3A = arith.constant 0 : i32
        %dma_wait3A_84 = tpu.memref_slice %arg9[%add3A_67, %dma_wait3A] : memref<5120x128xf32, #tpu.memory_space<hbm>> -> memref<32x128xf32, #tpu.memory_space<hbm>>
        %dma_wait3A_85 = arith.constant 0 : i32
        %dma_wait3A_86 = tpu.memref_slice %arg9[%add3A_67, %dma_wait3A_85] : memref<5120x128xf32, #tpu.memory_space<hbm>> -> memref<32x128xf32, #tpu.memory_space<hbm>>
        tpu.wait_dma2 semaphore(%run_scoped3A : memref<!tpu.dma_semaphore, #tpu.memory_space<semaphore_mem>>) src(%arg18 : memref<32x128xf32, #tpu.memory_space<vmem>>) dst(%dma_wait3A_86 : memref<32x128xf32, #tpu.memory_space<hbm>>)
        tpu.yield
      }) : () -> ()
      %add3A_68 = arith.constant 128 : i32
      %add3A_69 = arith.addi %mul3A_2, %add3A_68 : i32
      "tpu.region"() ({
        %run_scoped3A = tpu.sem_alloc : memref<!tpu.dma_semaphore, #tpu.memory_space<semaphore_mem>>
        %dma_start3A_80 = arith.constant 0 : i32
        %dma_start3A_81 = tpu.memref_slice %arg19[%add3A_69, %dma_start3A_80] : memref<5120x128xf32, #tpu.memory_space<vmem_shared>> -> memref<32x128xf32, #tpu.memory_space<vmem_shared>>
        %dma_start3A_82 = arith.constant 0 : i32
        %dma_start3A_83 = tpu.memref_slice %arg19[%add3A_69, %dma_start3A_82] : memref<5120x128xf32, #tpu.memory_space<vmem_shared>> -> memref<32x128xf32, #tpu.memory_space<vmem_shared>>
        tpu.enqueue_dma source(%dma_start3A_83 : memref<32x128xf32, #tpu.memory_space<vmem_shared>>) target(%arg18 : memref<32x128xf32, #tpu.memory_space<vmem>>) target_semaphore(%run_scoped3A : memref<!tpu.dma_semaphore, #tpu.memory_space<semaphore_mem>>)
        %dma_wait3A = arith.constant 0 : i32
        %dma_wait3A_84 = tpu.memref_slice %arg19[%add3A_69, %dma_wait3A] : memref<5120x128xf32, #tpu.memory_space<vmem_shared>> -> memref<32x128xf32, #tpu.memory_space<vmem_shared>>
        %dma_wait3A_85 = arith.constant 0 : i32
        %dma_wait3A_86 = tpu.memref_slice %arg19[%add3A_69, %dma_wait3A_85] : memref<5120x128xf32, #tpu.memory_space<vmem_shared>> -> memref<32x128xf32, #tpu.memory_space<vmem_shared>>
        tpu.wait_dma2 semaphore(%run_scoped3A : memref<!tpu.dma_semaphore, #tpu.memory_space<semaphore_mem>>) src(%dma_wait3A_86 : memref<32x128xf32, #tpu.memory_space<vmem_shared>>) dst(%arg18 : memref<32x128xf32, #tpu.memory_space<vmem>>)
        tpu.yield
      }) : () -> ()
      "tpu.region"() ({
        %run_scoped3A = tpu.sem_alloc : memref<!tpu.dma_semaphore, #tpu.memory_space<semaphore_mem>>
        %dma_start3A_80 = arith.constant 0 : i32
        %dma_start3A_81 = tpu.memref_slice %arg7[%add3A_69, %dma_start3A_80] : memref<5120x128xf32, #tpu.memory_space<hbm>> -> memref<32x128xf32, #tpu.memory_space<hbm>>
        %dma_start3A_82 = arith.constant 0 : i32
        %dma_start3A_83 = tpu.memref_slice %arg7[%add3A_69, %dma_start3A_82] : memref<5120x128xf32, #tpu.memory_space<hbm>> -> memref<32x128xf32, #tpu.memory_space<hbm>>
        tpu.enqueue_dma source(%arg18 : memref<32x128xf32, #tpu.memory_space<vmem>>) target(%dma_start3A_83 : memref<32x128xf32, #tpu.memory_space<hbm>>) target_semaphore(%run_scoped3A : memref<!tpu.dma_semaphore, #tpu.memory_space<semaphore_mem>>)
        %dma_wait3A = arith.constant 0 : i32
        %dma_wait3A_84 = tpu.memref_slice %arg7[%add3A_69, %dma_wait3A] : memref<5120x128xf32, #tpu.memory_space<hbm>> -> memref<32x128xf32, #tpu.memory_space<hbm>>
        %dma_wait3A_85 = arith.constant 0 : i32
        %dma_wait3A_86 = tpu.memref_slice %arg7[%add3A_69, %dma_wait3A_85] : memref<5120x128xf32, #tpu.memory_space<hbm>> -> memref<32x128xf32, #tpu.memory_space<hbm>>
        tpu.wait_dma2 semaphore(%run_scoped3A : memref<!tpu.dma_semaphore, #tpu.memory_space<semaphore_mem>>) src(%arg18 : memref<32x128xf32, #tpu.memory_space<vmem>>) dst(%dma_wait3A_86 : memref<32x128xf32, #tpu.memory_space<hbm>>)
        tpu.yield
      }) : () -> ()
      "tpu.region"() ({
        %run_scoped3A = tpu.sem_alloc : memref<!tpu.dma_semaphore, #tpu.memory_space<semaphore_mem>>
        %dma_start3A_80 = arith.constant 0 : i32
        %dma_start3A_81 = tpu.memref_slice %arg20[%add3A_69, %dma_start3A_80] : memref<5120x128xf32, #tpu.memory_space<vmem_shared>> -> memref<32x128xf32, #tpu.memory_space<vmem_shared>>
        %dma_start3A_82 = arith.constant 0 : i32
        %dma_start3A_83 = tpu.memref_slice %arg20[%add3A_69, %dma_start3A_82] : memref<5120x128xf32, #tpu.memory_space<vmem_shared>> -> memref<32x128xf32, #tpu.memory_space<vmem_shared>>
        tpu.enqueue_dma source(%dma_start3A_83 : memref<32x128xf32, #tpu.memory_space<vmem_shared>>) target(%arg18 : memref<32x128xf32, #tpu.memory_space<vmem>>) target_semaphore(%run_scoped3A : memref<!tpu.dma_semaphore, #tpu.memory_space<semaphore_mem>>)
        %dma_wait3A = arith.constant 0 : i32
        %dma_wait3A_84 = tpu.memref_slice %arg20[%add3A_69, %dma_wait3A] : memref<5120x128xf32, #tpu.memory_space<vmem_shared>> -> memref<32x128xf32, #tpu.memory_space<vmem_shared>>
        %dma_wait3A_85 = arith.constant 0 : i32
        %dma_wait3A_86 = tpu.memref_slice %arg20[%add3A_69, %dma_wait3A_85] : memref<5120x128xf32, #tpu.memory_space<vmem_shared>> -> memref<32x128xf32, #tpu.memory_space<vmem_shared>>
        tpu.wait_dma2 semaphore(%run_scoped3A : memref<!tpu.dma_semaphore, #tpu.memory_space<semaphore_mem>>) src(%dma_wait3A_86 : memref<32x128xf32, #tpu.memory_space<vmem_shared>>) dst(%arg18 : memref<32x128xf32, #tpu.memory_space<vmem>>)
        tpu.yield
      }) : () -> ()
      "tpu.region"() ({
        %run_scoped3A = tpu.sem_alloc : memref<!tpu.dma_semaphore, #tpu.memory_space<semaphore_mem>>
        %dma_start3A_80 = arith.constant 0 : i32
        %dma_start3A_81 = tpu.memref_slice %arg9[%add3A_69, %dma_start3A_80] : memref<5120x128xf32, #tpu.memory_space<hbm>> -> memref<32x128xf32, #tpu.memory_space<hbm>>
        %dma_start3A_82 = arith.constant 0 : i32
        %dma_start3A_83 = tpu.memref_slice %arg9[%add3A_69, %dma_start3A_82] : memref<5120x128xf32, #tpu.memory_space<hbm>> -> memref<32x128xf32, #tpu.memory_space<hbm>>
        tpu.enqueue_dma source(%arg18 : memref<32x128xf32, #tpu.memory_space<vmem>>) target(%dma_start3A_83 : memref<32x128xf32, #tpu.memory_space<hbm>>) target_semaphore(%run_scoped3A : memref<!tpu.dma_semaphore, #tpu.memory_space<semaphore_mem>>)
        %dma_wait3A = arith.constant 0 : i32
        %dma_wait3A_84 = tpu.memref_slice %arg9[%add3A_69, %dma_wait3A] : memref<5120x128xf32, #tpu.memory_space<hbm>> -> memref<32x128xf32, #tpu.memory_space<hbm>>
        %dma_wait3A_85 = arith.constant 0 : i32
        %dma_wait3A_86 = tpu.memref_slice %arg9[%add3A_69, %dma_wait3A_85] : memref<5120x128xf32, #tpu.memory_space<hbm>> -> memref<32x128xf32, #tpu.memory_space<hbm>>
        tpu.wait_dma2 semaphore(%run_scoped3A : memref<!tpu.dma_semaphore, #tpu.memory_space<semaphore_mem>>) src(%arg18 : memref<32x128xf32, #tpu.memory_space<vmem>>) dst(%dma_wait3A_86 : memref<32x128xf32, #tpu.memory_space<hbm>>)
        tpu.yield
      }) : () -> ()
      %add3A_70 = arith.constant 160 : i32
      %add3A_71 = arith.addi %mul3A_2, %add3A_70 : i32
      "tpu.region"() ({
        %run_scoped3A = tpu.sem_alloc : memref<!tpu.dma_semaphore, #tpu.memory_space<semaphore_mem>>
        %dma_start3A_80 = arith.constant 0 : i32
        %dma_start3A_81 = tpu.memref_slice %arg19[%add3A_71, %dma_start3A_80] : memref<5120x128xf32, #tpu.memory_space<vmem_shared>> -> memref<32x128xf32, #tpu.memory_space<vmem_shared>>
        %dma_start3A_82 = arith.constant 0 : i32
        %dma_start3A_83 = tpu.memref_slice %arg19[%add3A_71, %dma_start3A_82] : memref<5120x128xf32, #tpu.memory_space<vmem_shared>> -> memref<32x128xf32, #tpu.memory_space<vmem_shared>>
        tpu.enqueue_dma source(%dma_start3A_83 : memref<32x128xf32, #tpu.memory_space<vmem_shared>>) target(%arg18 : memref<32x128xf32, #tpu.memory_space<vmem>>) target_semaphore(%run_scoped3A : memref<!tpu.dma_semaphore, #tpu.memory_space<semaphore_mem>>)
        %dma_wait3A = arith.constant 0 : i32
        %dma_wait3A_84 = tpu.memref_slice %arg19[%add3A_71, %dma_wait3A] : memref<5120x128xf32, #tpu.memory_space<vmem_shared>> -> memref<32x128xf32, #tpu.memory_space<vmem_shared>>
        %dma_wait3A_85 = arith.constant 0 : i32
        %dma_wait3A_86 = tpu.memref_slice %arg19[%add3A_71, %dma_wait3A_85] : memref<5120x128xf32, #tpu.memory_space<vmem_shared>> -> memref<32x128xf32, #tpu.memory_space<vmem_shared>>
        tpu.wait_dma2 semaphore(%run_scoped3A : memref<!tpu.dma_semaphore, #tpu.memory_space<semaphore_mem>>) src(%dma_wait3A_86 : memref<32x128xf32, #tpu.memory_space<vmem_shared>>) dst(%arg18 : memref<32x128xf32, #tpu.memory_space<vmem>>)
        tpu.yield
      }) : () -> ()
      "tpu.region"() ({
        %run_scoped3A = tpu.sem_alloc : memref<!tpu.dma_semaphore, #tpu.memory_space<semaphore_mem>>
        %dma_start3A_80 = arith.constant 0 : i32
        %dma_start3A_81 = tpu.memref_slice %arg7[%add3A_71, %dma_start3A_80] : memref<5120x128xf32, #tpu.memory_space<hbm>> -> memref<32x128xf32, #tpu.memory_space<hbm>>
        %dma_start3A_82 = arith.constant 0 : i32
        %dma_start3A_83 = tpu.memref_slice %arg7[%add3A_71, %dma_start3A_82] : memref<5120x128xf32, #tpu.memory_space<hbm>> -> memref<32x128xf32, #tpu.memory_space<hbm>>
        tpu.enqueue_dma source(%arg18 : memref<32x128xf32, #tpu.memory_space<vmem>>) target(%dma_start3A_83 : memref<32x128xf32, #tpu.memory_space<hbm>>) target_semaphore(%run_scoped3A : memref<!tpu.dma_semaphore, #tpu.memory_space<semaphore_mem>>)
        %dma_wait3A = arith.constant 0 : i32
        %dma_wait3A_84 = tpu.memref_slice %arg7[%add3A_71, %dma_wait3A] : memref<5120x128xf32, #tpu.memory_space<hbm>> -> memref<32x128xf32, #tpu.memory_space<hbm>>
        %dma_wait3A_85 = arith.constant 0 : i32
        %dma_wait3A_86 = tpu.memref_slice %arg7[%add3A_71, %dma_wait3A_85] : memref<5120x128xf32, #tpu.memory_space<hbm>> -> memref<32x128xf32, #tpu.memory_space<hbm>>
        tpu.wait_dma2 semaphore(%run_scoped3A : memref<!tpu.dma_semaphore, #tpu.memory_space<semaphore_mem>>) src(%arg18 : memref<32x128xf32, #tpu.memory_space<vmem>>) dst(%dma_wait3A_86 : memref<32x128xf32, #tpu.memory_space<hbm>>)
        tpu.yield
      }) : () -> ()
      "tpu.region"() ({
        %run_scoped3A = tpu.sem_alloc : memref<!tpu.dma_semaphore, #tpu.memory_space<semaphore_mem>>
        %dma_start3A_80 = arith.constant 0 : i32
        %dma_start3A_81 = tpu.memref_slice %arg20[%add3A_71, %dma_start3A_80] : memref<5120x128xf32, #tpu.memory_space<vmem_shared>> -> memref<32x128xf32, #tpu.memory_space<vmem_shared>>
        %dma_start3A_82 = arith.constant 0 : i32
        %dma_start3A_83 = tpu.memref_slice %arg20[%add3A_71, %dma_start3A_82] : memref<5120x128xf32, #tpu.memory_space<vmem_shared>> -> memref<32x128xf32, #tpu.memory_space<vmem_shared>>
        tpu.enqueue_dma source(%dma_start3A_83 : memref<32x128xf32, #tpu.memory_space<vmem_shared>>) target(%arg18 : memref<32x128xf32, #tpu.memory_space<vmem>>) target_semaphore(%run_scoped3A : memref<!tpu.dma_semaphore, #tpu.memory_space<semaphore_mem>>)
        %dma_wait3A = arith.constant 0 : i32
        %dma_wait3A_84 = tpu.memref_slice %arg20[%add3A_71, %dma_wait3A] : memref<5120x128xf32, #tpu.memory_space<vmem_shared>> -> memref<32x128xf32, #tpu.memory_space<vmem_shared>>
        %dma_wait3A_85 = arith.constant 0 : i32
        %dma_wait3A_86 = tpu.memref_slice %arg20[%add3A_71, %dma_wait3A_85] : memref<5120x128xf32, #tpu.memory_space<vmem_shared>> -> memref<32x128xf32, #tpu.memory_space<vmem_shared>>
        tpu.wait_dma2 semaphore(%run_scoped3A : memref<!tpu.dma_semaphore, #tpu.memory_space<semaphore_mem>>) src(%dma_wait3A_86 : memref<32x128xf32, #tpu.memory_space<vmem_shared>>) dst(%arg18 : memref<32x128xf32, #tpu.memory_space<vmem>>)
        tpu.yield
      }) : () -> ()
      "tpu.region"() ({
        %run_scoped3A = tpu.sem_alloc : memref<!tpu.dma_semaphore, #tpu.memory_space<semaphore_mem>>
        %dma_start3A_80 = arith.constant 0 : i32
        %dma_start3A_81 = tpu.memref_slice %arg9[%add3A_71, %dma_start3A_80] : memref<5120x128xf32, #tpu.memory_space<hbm>> -> memref<32x128xf32, #tpu.memory_space<hbm>>
        %dma_start3A_82 = arith.constant 0 : i32
        %dma_start3A_83 = tpu.memref_slice %arg9[%add3A_71, %dma_start3A_82] : memref<5120x128xf32, #tpu.memory_space<hbm>> -> memref<32x128xf32, #tpu.memory_space<hbm>>
        tpu.enqueue_dma source(%arg18 : memref<32x128xf32, #tpu.memory_space<vmem>>) target(%dma_start3A_83 : memref<32x128xf32, #tpu.memory_space<hbm>>) target_semaphore(%run_scoped3A : memref<!tpu.dma_semaphore, #tpu.memory_space<semaphore_mem>>)
        %dma_wait3A = arith.constant 0 : i32
        %dma_wait3A_84 = tpu.memref_slice %arg9[%add3A_71, %dma_wait3A] : memref<5120x128xf32, #tpu.memory_space<hbm>> -> memref<32x128xf32, #tpu.memory_space<hbm>>
        %dma_wait3A_85 = arith.constant 0 : i32
        %dma_wait3A_86 = tpu.memref_slice %arg9[%add3A_71, %dma_wait3A_85] : memref<5120x128xf32, #tpu.memory_space<hbm>> -> memref<32x128xf32, #tpu.memory_space<hbm>>
        tpu.wait_dma2 semaphore(%run_scoped3A : memref<!tpu.dma_semaphore, #tpu.memory_space<semaphore_mem>>) src(%arg18 : memref<32x128xf32, #tpu.memory_space<vmem>>) dst(%dma_wait3A_86 : memref<32x128xf32, #tpu.memory_space<hbm>>)
        tpu.yield
      }) : () -> ()
      %add3A_72 = arith.constant 192 : i32
      %add3A_73 = arith.addi %mul3A_2, %add3A_72 : i32
      "tpu.region"() ({
        %run_scoped3A = tpu.sem_alloc : memref<!tpu.dma_semaphore, #tpu.memory_space<semaphore_mem>>
        %dma_start3A_80 = arith.constant 0 : i32
        %dma_start3A_81 = tpu.memref_slice %arg19[%add3A_73, %dma_start3A_80] : memref<5120x128xf32, #tpu.memory_space<vmem_shared>> -> memref<32x128xf32, #tpu.memory_space<vmem_shared>>
        %dma_start3A_82 = arith.constant 0 : i32
        %dma_start3A_83 = tpu.memref_slice %arg19[%add3A_73, %dma_start3A_82] : memref<5120x128xf32, #tpu.memory_space<vmem_shared>> -> memref<32x128xf32, #tpu.memory_space<vmem_shared>>
        tpu.enqueue_dma source(%dma_start3A_83 : memref<32x128xf32, #tpu.memory_space<vmem_shared>>) target(%arg18 : memref<32x128xf32, #tpu.memory_space<vmem>>) target_semaphore(%run_scoped3A : memref<!tpu.dma_semaphore, #tpu.memory_space<semaphore_mem>>)
        %dma_wait3A = arith.constant 0 : i32
        %dma_wait3A_84 = tpu.memref_slice %arg19[%add3A_73, %dma_wait3A] : memref<5120x128xf32, #tpu.memory_space<vmem_shared>> -> memref<32x128xf32, #tpu.memory_space<vmem_shared>>
        %dma_wait3A_85 = arith.constant 0 : i32
        %dma_wait3A_86 = tpu.memref_slice %arg19[%add3A_73, %dma_wait3A_85] : memref<5120x128xf32, #tpu.memory_space<vmem_shared>> -> memref<32x128xf32, #tpu.memory_space<vmem_shared>>
        tpu.wait_dma2 semaphore(%run_scoped3A : memref<!tpu.dma_semaphore, #tpu.memory_space<semaphore_mem>>) src(%dma_wait3A_86 : memref<32x128xf32, #tpu.memory_space<vmem_shared>>) dst(%arg18 : memref<32x128xf32, #tpu.memory_space<vmem>>)
        tpu.yield
      }) : () -> ()
      "tpu.region"() ({
        %run_scoped3A = tpu.sem_alloc : memref<!tpu.dma_semaphore, #tpu.memory_space<semaphore_mem>>
        %dma_start3A_80 = arith.constant 0 : i32
        %dma_start3A_81 = tpu.memref_slice %arg7[%add3A_73, %dma_start3A_80] : memref<5120x128xf32, #tpu.memory_space<hbm>> -> memref<32x128xf32, #tpu.memory_space<hbm>>
        %dma_start3A_82 = arith.constant 0 : i32
        %dma_start3A_83 = tpu.memref_slice %arg7[%add3A_73, %dma_start3A_82] : memref<5120x128xf32, #tpu.memory_space<hbm>> -> memref<32x128xf32, #tpu.memory_space<hbm>>
        tpu.enqueue_dma source(%arg18 : memref<32x128xf32, #tpu.memory_space<vmem>>) target(%dma_start3A_83 : memref<32x128xf32, #tpu.memory_space<hbm>>) target_semaphore(%run_scoped3A : memref<!tpu.dma_semaphore, #tpu.memory_space<semaphore_mem>>)
        %dma_wait3A = arith.constant 0 : i32
        %dma_wait3A_84 = tpu.memref_slice %arg7[%add3A_73, %dma_wait3A] : memref<5120x128xf32, #tpu.memory_space<hbm>> -> memref<32x128xf32, #tpu.memory_space<hbm>>
        %dma_wait3A_85 = arith.constant 0 : i32
        %dma_wait3A_86 = tpu.memref_slice %arg7[%add3A_73, %dma_wait3A_85] : memref<5120x128xf32, #tpu.memory_space<hbm>> -> memref<32x128xf32, #tpu.memory_space<hbm>>
        tpu.wait_dma2 semaphore(%run_scoped3A : memref<!tpu.dma_semaphore, #tpu.memory_space<semaphore_mem>>) src(%arg18 : memref<32x128xf32, #tpu.memory_space<vmem>>) dst(%dma_wait3A_86 : memref<32x128xf32, #tpu.memory_space<hbm>>)
        tpu.yield
      }) : () -> ()
      "tpu.region"() ({
        %run_scoped3A = tpu.sem_alloc : memref<!tpu.dma_semaphore, #tpu.memory_space<semaphore_mem>>
        %dma_start3A_80 = arith.constant 0 : i32
        %dma_start3A_81 = tpu.memref_slice %arg20[%add3A_73, %dma_start3A_80] : memref<5120x128xf32, #tpu.memory_space<vmem_shared>> -> memref<32x128xf32, #tpu.memory_space<vmem_shared>>
        %dma_start3A_82 = arith.constant 0 : i32
        %dma_start3A_83 = tpu.memref_slice %arg20[%add3A_73, %dma_start3A_82] : memref<5120x128xf32, #tpu.memory_space<vmem_shared>> -> memref<32x128xf32, #tpu.memory_space<vmem_shared>>
        tpu.enqueue_dma source(%dma_start3A_83 : memref<32x128xf32, #tpu.memory_space<vmem_shared>>) target(%arg18 : memref<32x128xf32, #tpu.memory_space<vmem>>) target_semaphore(%run_scoped3A : memref<!tpu.dma_semaphore, #tpu.memory_space<semaphore_mem>>)
        %dma_wait3A = arith.constant 0 : i32
        %dma_wait3A_84 = tpu.memref_slice %arg20[%add3A_73, %dma_wait3A] : memref<5120x128xf32, #tpu.memory_space<vmem_shared>> -> memref<32x128xf32, #tpu.memory_space<vmem_shared>>
        %dma_wait3A_85 = arith.constant 0 : i32
        %dma_wait3A_86 = tpu.memref_slice %arg20[%add3A_73, %dma_wait3A_85] : memref<5120x128xf32, #tpu.memory_space<vmem_shared>> -> memref<32x128xf32, #tpu.memory_space<vmem_shared>>
        tpu.wait_dma2 semaphore(%run_scoped3A : memref<!tpu.dma_semaphore, #tpu.memory_space<semaphore_mem>>) src(%dma_wait3A_86 : memref<32x128xf32, #tpu.memory_space<vmem_shared>>) dst(%arg18 : memref<32x128xf32, #tpu.memory_space<vmem>>)
        tpu.yield
      }) : () -> ()
      "tpu.region"() ({
        %run_scoped3A = tpu.sem_alloc : memref<!tpu.dma_semaphore, #tpu.memory_space<semaphore_mem>>
        %dma_start3A_80 = arith.constant 0 : i32
        %dma_start3A_81 = tpu.memref_slice %arg9[%add3A_73, %dma_start3A_80] : memref<5120x128xf32, #tpu.memory_space<hbm>> -> memref<32x128xf32, #tpu.memory_space<hbm>>
        %dma_start3A_82 = arith.constant 0 : i32
        %dma_start3A_83 = tpu.memref_slice %arg9[%add3A_73, %dma_start3A_82] : memref<5120x128xf32, #tpu.memory_space<hbm>> -> memref<32x128xf32, #tpu.memory_space<hbm>>
        tpu.enqueue_dma source(%arg18 : memref<32x128xf32, #tpu.memory_space<vmem>>) target(%dma_start3A_83 : memref<32x128xf32, #tpu.memory_space<hbm>>) target_semaphore(%run_scoped3A : memref<!tpu.dma_semaphore, #tpu.memory_space<semaphore_mem>>)
        %dma_wait3A = arith.constant 0 : i32
        %dma_wait3A_84 = tpu.memref_slice %arg9[%add3A_73, %dma_wait3A] : memref<5120x128xf32, #tpu.memory_space<hbm>> -> memref<32x128xf32, #tpu.memory_space<hbm>>
        %dma_wait3A_85 = arith.constant 0 : i32
        %dma_wait3A_86 = tpu.memref_slice %arg9[%add3A_73, %dma_wait3A_85] : memref<5120x128xf32, #tpu.memory_space<hbm>> -> memref<32x128xf32, #tpu.memory_space<hbm>>
        tpu.wait_dma2 semaphore(%run_scoped3A : memref<!tpu.dma_semaphore, #tpu.memory_space<semaphore_mem>>) src(%arg18 : memref<32x128xf32, #tpu.memory_space<vmem>>) dst(%dma_wait3A_86 : memref<32x128xf32, #tpu.memory_space<hbm>>)
        tpu.yield
      }) : () -> ()
      %add3A_74 = arith.constant 224 : i32
      %add3A_75 = arith.addi %mul3A_2, %add3A_74 : i32
      "tpu.region"() ({
        %run_scoped3A = tpu.sem_alloc : memref<!tpu.dma_semaphore, #tpu.memory_space<semaphore_mem>>
        %dma_start3A_80 = arith.constant 0 : i32
        %dma_start3A_81 = tpu.memref_slice %arg19[%add3A_75, %dma_start3A_80] : memref<5120x128xf32, #tpu.memory_space<vmem_shared>> -> memref<32x128xf32, #tpu.memory_space<vmem_shared>>
        %dma_start3A_82 = arith.constant 0 : i32
        %dma_start3A_83 = tpu.memref_slice %arg19[%add3A_75, %dma_start3A_82] : memref<5120x128xf32, #tpu.memory_space<vmem_shared>> -> memref<32x128xf32, #tpu.memory_space<vmem_shared>>
        tpu.enqueue_dma source(%dma_start3A_83 : memref<32x128xf32, #tpu.memory_space<vmem_shared>>) target(%arg18 : memref<32x128xf32, #tpu.memory_space<vmem>>) target_semaphore(%run_scoped3A : memref<!tpu.dma_semaphore, #tpu.memory_space<semaphore_mem>>)
        %dma_wait3A = arith.constant 0 : i32
        %dma_wait3A_84 = tpu.memref_slice %arg19[%add3A_75, %dma_wait3A] : memref<5120x128xf32, #tpu.memory_space<vmem_shared>> -> memref<32x128xf32, #tpu.memory_space<vmem_shared>>
        %dma_wait3A_85 = arith.constant 0 : i32
        %dma_wait3A_86 = tpu.memref_slice %arg19[%add3A_75, %dma_wait3A_85] : memref<5120x128xf32, #tpu.memory_space<vmem_shared>> -> memref<32x128xf32, #tpu.memory_space<vmem_shared>>
        tpu.wait_dma2 semaphore(%run_scoped3A : memref<!tpu.dma_semaphore, #tpu.memory_space<semaphore_mem>>) src(%dma_wait3A_86 : memref<32x128xf32, #tpu.memory_space<vmem_shared>>) dst(%arg18 : memref<32x128xf32, #tpu.memory_space<vmem>>)
        tpu.yield
      }) : () -> ()
      "tpu.region"() ({
        %run_scoped3A = tpu.sem_alloc : memref<!tpu.dma_semaphore, #tpu.memory_space<semaphore_mem>>
        %dma_start3A_80 = arith.constant 0 : i32
        %dma_start3A_81 = tpu.memref_slice %arg7[%add3A_75, %dma_start3A_80] : memref<5120x128xf32, #tpu.memory_space<hbm>> -> memref<32x128xf32, #tpu.memory_space<hbm>>
        %dma_start3A_82 = arith.constant 0 : i32
        %dma_start3A_83 = tpu.memref_slice %arg7[%add3A_75, %dma_start3A_82] : memref<5120x128xf32, #tpu.memory_space<hbm>> -> memref<32x128xf32, #tpu.memory_space<hbm>>
        tpu.enqueue_dma source(%arg18 : memref<32x128xf32, #tpu.memory_space<vmem>>) target(%dma_start3A_83 : memref<32x128xf32, #tpu.memory_space<hbm>>) target_semaphore(%run_scoped3A : memref<!tpu.dma_semaphore, #tpu.memory_space<semaphore_mem>>)
        %dma_wait3A = arith.constant 0 : i32
        %dma_wait3A_84 = tpu.memref_slice %arg7[%add3A_75, %dma_wait3A] : memref<5120x128xf32, #tpu.memory_space<hbm>> -> memref<32x128xf32, #tpu.memory_space<hbm>>
        %dma_wait3A_85 = arith.constant 0 : i32
        %dma_wait3A_86 = tpu.memref_slice %arg7[%add3A_75, %dma_wait3A_85] : memref<5120x128xf32, #tpu.memory_space<hbm>> -> memref<32x128xf32, #tpu.memory_space<hbm>>
        tpu.wait_dma2 semaphore(%run_scoped3A : memref<!tpu.dma_semaphore, #tpu.memory_space<semaphore_mem>>) src(%arg18 : memref<32x128xf32, #tpu.memory_space<vmem>>) dst(%dma_wait3A_86 : memref<32x128xf32, #tpu.memory_space<hbm>>)
        tpu.yield
      }) : () -> ()
      "tpu.region"() ({
        %run_scoped3A = tpu.sem_alloc : memref<!tpu.dma_semaphore, #tpu.memory_space<semaphore_mem>>
        %dma_start3A_80 = arith.constant 0 : i32
        %dma_start3A_81 = tpu.memref_slice %arg20[%add3A_75, %dma_start3A_80] : memref<5120x128xf32, #tpu.memory_space<vmem_shared>> -> memref<32x128xf32, #tpu.memory_space<vmem_shared>>
        %dma_start3A_82 = arith.constant 0 : i32
        %dma_start3A_83 = tpu.memref_slice %arg20[%add3A_75, %dma_start3A_82] : memref<5120x128xf32, #tpu.memory_space<vmem_shared>> -> memref<32x128xf32, #tpu.memory_space<vmem_shared>>
        tpu.enqueue_dma source(%dma_start3A_83 : memref<32x128xf32, #tpu.memory_space<vmem_shared>>) target(%arg18 : memref<32x128xf32, #tpu.memory_space<vmem>>) target_semaphore(%run_scoped3A : memref<!tpu.dma_semaphore, #tpu.memory_space<semaphore_mem>>)
        %dma_wait3A = arith.constant 0 : i32
        %dma_wait3A_84 = tpu.memref_slice %arg20[%add3A_75, %dma_wait3A] : memref<5120x128xf32, #tpu.memory_space<vmem_shared>> -> memref<32x128xf32, #tpu.memory_space<vmem_shared>>
        %dma_wait3A_85 = arith.constant 0 : i32
        %dma_wait3A_86 = tpu.memref_slice %arg20[%add3A_75, %dma_wait3A_85] : memref<5120x128xf32, #tpu.memory_space<vmem_shared>> -> memref<32x128xf32, #tpu.memory_space<vmem_shared>>
        tpu.wait_dma2 semaphore(%run_scoped3A : memref<!tpu.dma_semaphore, #tpu.memory_space<semaphore_mem>>) src(%dma_wait3A_86 : memref<32x128xf32, #tpu.memory_space<vmem_shared>>) dst(%arg18 : memref<32x128xf32, #tpu.memory_space<vmem>>)
        tpu.yield
      }) : () -> ()
      "tpu.region"() ({
        %run_scoped3A = tpu.sem_alloc : memref<!tpu.dma_semaphore, #tpu.memory_space<semaphore_mem>>
        %dma_start3A_80 = arith.constant 0 : i32
        %dma_start3A_81 = tpu.memref_slice %arg9[%add3A_75, %dma_start3A_80] : memref<5120x128xf32, #tpu.memory_space<hbm>> -> memref<32x128xf32, #tpu.memory_space<hbm>>
        %dma_start3A_82 = arith.constant 0 : i32
        %dma_start3A_83 = tpu.memref_slice %arg9[%add3A_75, %dma_start3A_82] : memref<5120x128xf32, #tpu.memory_space<hbm>> -> memref<32x128xf32, #tpu.memory_space<hbm>>
        tpu.enqueue_dma source(%arg18 : memref<32x128xf32, #tpu.memory_space<vmem>>) target(%dma_start3A_83 : memref<32x128xf32, #tpu.memory_space<hbm>>) target_semaphore(%run_scoped3A : memref<!tpu.dma_semaphore, #tpu.memory_space<semaphore_mem>>)
        %dma_wait3A = arith.constant 0 : i32
        %dma_wait3A_84 = tpu.memref_slice %arg9[%add3A_75, %dma_wait3A] : memref<5120x128xf32, #tpu.memory_space<hbm>> -> memref<32x128xf32, #tpu.memory_space<hbm>>
        %dma_wait3A_85 = arith.constant 0 : i32
        %dma_wait3A_86 = tpu.memref_slice %arg9[%add3A_75, %dma_wait3A_85] : memref<5120x128xf32, #tpu.memory_space<hbm>> -> memref<32x128xf32, #tpu.memory_space<hbm>>
        tpu.wait_dma2 semaphore(%run_scoped3A : memref<!tpu.dma_semaphore, #tpu.memory_space<semaphore_mem>>) src(%arg18 : memref<32x128xf32, #tpu.memory_space<vmem>>) dst(%dma_wait3A_86 : memref<32x128xf32, #tpu.memory_space<hbm>>)
        tpu.yield
      }) : () -> ()
      %add3A_76 = arith.constant 256 : i32
      %add3A_77 = arith.addi %mul3A_2, %add3A_76 : i32
      "tpu.region"() ({
        %run_scoped3A = tpu.sem_alloc : memref<!tpu.dma_semaphore, #tpu.memory_space<semaphore_mem>>
        %dma_start3A_80 = arith.constant 0 : i32
        %dma_start3A_81 = tpu.memref_slice %arg19[%add3A_77, %dma_start3A_80] : memref<5120x128xf32, #tpu.memory_space<vmem_shared>> -> memref<32x128xf32, #tpu.memory_space<vmem_shared>>
        %dma_start3A_82 = arith.constant 0 : i32
        %dma_start3A_83 = tpu.memref_slice %arg19[%add3A_77, %dma_start3A_82] : memref<5120x128xf32, #tpu.memory_space<vmem_shared>> -> memref<32x128xf32, #tpu.memory_space<vmem_shared>>
        tpu.enqueue_dma source(%dma_start3A_83 : memref<32x128xf32, #tpu.memory_space<vmem_shared>>) target(%arg18 : memref<32x128xf32, #tpu.memory_space<vmem>>) target_semaphore(%run_scoped3A : memref<!tpu.dma_semaphore, #tpu.memory_space<semaphore_mem>>)
        %dma_wait3A = arith.constant 0 : i32
        %dma_wait3A_84 = tpu.memref_slice %arg19[%add3A_77, %dma_wait3A] : memref<5120x128xf32, #tpu.memory_space<vmem_shared>> -> memref<32x128xf32, #tpu.memory_space<vmem_shared>>
        %dma_wait3A_85 = arith.constant 0 : i32
        %dma_wait3A_86 = tpu.memref_slice %arg19[%add3A_77, %dma_wait3A_85] : memref<5120x128xf32, #tpu.memory_space<vmem_shared>> -> memref<32x128xf32, #tpu.memory_space<vmem_shared>>
        tpu.wait_dma2 semaphore(%run_scoped3A : memref<!tpu.dma_semaphore, #tpu.memory_space<semaphore_mem>>) src(%dma_wait3A_86 : memref<32x128xf32, #tpu.memory_space<vmem_shared>>) dst(%arg18 : memref<32x128xf32, #tpu.memory_space<vmem>>)
        tpu.yield
      }) : () -> ()
      "tpu.region"() ({
        %run_scoped3A = tpu.sem_alloc : memref<!tpu.dma_semaphore, #tpu.memory_space<semaphore_mem>>
        %dma_start3A_80 = arith.constant 0 : i32
        %dma_start3A_81 = tpu.memref_slice %arg7[%add3A_77, %dma_start3A_80] : memref<5120x128xf32, #tpu.memory_space<hbm>> -> memref<32x128xf32, #tpu.memory_space<hbm>>
        %dma_start3A_82 = arith.constant 0 : i32
        %dma_start3A_83 = tpu.memref_slice %arg7[%add3A_77, %dma_start3A_82] : memref<5120x128xf32, #tpu.memory_space<hbm>> -> memref<32x128xf32, #tpu.memory_space<hbm>>
        tpu.enqueue_dma source(%arg18 : memref<32x128xf32, #tpu.memory_space<vmem>>) target(%dma_start3A_83 : memref<32x128xf32, #tpu.memory_space<hbm>>) target_semaphore(%run_scoped3A : memref<!tpu.dma_semaphore, #tpu.memory_space<semaphore_mem>>)
        %dma_wait3A = arith.constant 0 : i32
        %dma_wait3A_84 = tpu.memref_slice %arg7[%add3A_77, %dma_wait3A] : memref<5120x128xf32, #tpu.memory_space<hbm>> -> memref<32x128xf32, #tpu.memory_space<hbm>>
        %dma_wait3A_85 = arith.constant 0 : i32
        %dma_wait3A_86 = tpu.memref_slice %arg7[%add3A_77, %dma_wait3A_85] : memref<5120x128xf32, #tpu.memory_space<hbm>> -> memref<32x128xf32, #tpu.memory_space<hbm>>
        tpu.wait_dma2 semaphore(%run_scoped3A : memref<!tpu.dma_semaphore, #tpu.memory_space<semaphore_mem>>) src(%arg18 : memref<32x128xf32, #tpu.memory_space<vmem>>) dst(%dma_wait3A_86 : memref<32x128xf32, #tpu.memory_space<hbm>>)
        tpu.yield
      }) : () -> ()
      "tpu.region"() ({
        %run_scoped3A = tpu.sem_alloc : memref<!tpu.dma_semaphore, #tpu.memory_space<semaphore_mem>>
        %dma_start3A_80 = arith.constant 0 : i32
        %dma_start3A_81 = tpu.memref_slice %arg20[%add3A_77, %dma_start3A_80] : memref<5120x128xf32, #tpu.memory_space<vmem_shared>> -> memref<32x128xf32, #tpu.memory_space<vmem_shared>>
        %dma_start3A_82 = arith.constant 0 : i32
        %dma_start3A_83 = tpu.memref_slice %arg20[%add3A_77, %dma_start3A_82] : memref<5120x128xf32, #tpu.memory_space<vmem_shared>> -> memref<32x128xf32, #tpu.memory_space<vmem_shared>>
        tpu.enqueue_dma source(%dma_start3A_83 : memref<32x128xf32, #tpu.memory_space<vmem_shared>>) target(%arg18 : memref<32x128xf32, #tpu.memory_space<vmem>>) target_semaphore(%run_scoped3A : memref<!tpu.dma_semaphore, #tpu.memory_space<semaphore_mem>>)
        %dma_wait3A = arith.constant 0 : i32
        %dma_wait3A_84 = tpu.memref_slice %arg20[%add3A_77, %dma_wait3A] : memref<5120x128xf32, #tpu.memory_space<vmem_shared>> -> memref<32x128xf32, #tpu.memory_space<vmem_shared>>
        %dma_wait3A_85 = arith.constant 0 : i32
        %dma_wait3A_86 = tpu.memref_slice %arg20[%add3A_77, %dma_wait3A_85] : memref<5120x128xf32, #tpu.memory_space<vmem_shared>> -> memref<32x128xf32, #tpu.memory_space<vmem_shared>>
        tpu.wait_dma2 semaphore(%run_scoped3A : memref<!tpu.dma_semaphore, #tpu.memory_space<semaphore_mem>>) src(%dma_wait3A_86 : memref<32x128xf32, #tpu.memory_space<vmem_shared>>) dst(%arg18 : memref<32x128xf32, #tpu.memory_space<vmem>>)
        tpu.yield
      }) : () -> ()
      "tpu.region"() ({
        %run_scoped3A = tpu.sem_alloc : memref<!tpu.dma_semaphore, #tpu.memory_space<semaphore_mem>>
        %dma_start3A_80 = arith.constant 0 : i32
        %dma_start3A_81 = tpu.memref_slice %arg9[%add3A_77, %dma_start3A_80] : memref<5120x128xf32, #tpu.memory_space<hbm>> -> memref<32x128xf32, #tpu.memory_space<hbm>>
        %dma_start3A_82 = arith.constant 0 : i32
        %dma_start3A_83 = tpu.memref_slice %arg9[%add3A_77, %dma_start3A_82] : memref<5120x128xf32, #tpu.memory_space<hbm>> -> memref<32x128xf32, #tpu.memory_space<hbm>>
        tpu.enqueue_dma source(%arg18 : memref<32x128xf32, #tpu.memory_space<vmem>>) target(%dma_start3A_83 : memref<32x128xf32, #tpu.memory_space<hbm>>) target_semaphore(%run_scoped3A : memref<!tpu.dma_semaphore, #tpu.memory_space<semaphore_mem>>)
        %dma_wait3A = arith.constant 0 : i32
        %dma_wait3A_84 = tpu.memref_slice %arg9[%add3A_77, %dma_wait3A] : memref<5120x128xf32, #tpu.memory_space<hbm>> -> memref<32x128xf32, #tpu.memory_space<hbm>>
        %dma_wait3A_85 = arith.constant 0 : i32
        %dma_wait3A_86 = tpu.memref_slice %arg9[%add3A_77, %dma_wait3A_85] : memref<5120x128xf32, #tpu.memory_space<hbm>> -> memref<32x128xf32, #tpu.memory_space<hbm>>
        tpu.wait_dma2 semaphore(%run_scoped3A : memref<!tpu.dma_semaphore, #tpu.memory_space<semaphore_mem>>) src(%arg18 : memref<32x128xf32, #tpu.memory_space<vmem>>) dst(%dma_wait3A_86 : memref<32x128xf32, #tpu.memory_space<hbm>>)
        tpu.yield
      }) : () -> ()
      %add3A_78 = arith.constant 288 : i32
      %add3A_79 = arith.addi %mul3A_2, %add3A_78 : i32
      "tpu.region"() ({
        %run_scoped3A = tpu.sem_alloc : memref<!tpu.dma_semaphore, #tpu.memory_space<semaphore_mem>>
        %dma_start3A_80 = arith.constant 0 : i32
        %dma_start3A_81 = tpu.memref_slice %arg19[%add3A_79, %dma_start3A_80] : memref<5120x128xf32, #tpu.memory_space<vmem_shared>> -> memref<32x128xf32, #tpu.memory_space<vmem_shared>>
        %dma_start3A_82 = arith.constant 0 : i32
        %dma_start3A_83 = tpu.memref_slice %arg19[%add3A_79, %dma_start3A_82] : memref<5120x128xf32, #tpu.memory_space<vmem_shared>> -> memref<32x128xf32, #tpu.memory_space<vmem_shared>>
        tpu.enqueue_dma source(%dma_start3A_83 : memref<32x128xf32, #tpu.memory_space<vmem_shared>>) target(%arg18 : memref<32x128xf32, #tpu.memory_space<vmem>>) target_semaphore(%run_scoped3A : memref<!tpu.dma_semaphore, #tpu.memory_space<semaphore_mem>>)
        %dma_wait3A = arith.constant 0 : i32
        %dma_wait3A_84 = tpu.memref_slice %arg19[%add3A_79, %dma_wait3A] : memref<5120x128xf32, #tpu.memory_space<vmem_shared>> -> memref<32x128xf32, #tpu.memory_space<vmem_shared>>
        %dma_wait3A_85 = arith.constant 0 : i32
        %dma_wait3A_86 = tpu.memref_slice %arg19[%add3A_79, %dma_wait3A_85] : memref<5120x128xf32, #tpu.memory_space<vmem_shared>> -> memref<32x128xf32, #tpu.memory_space<vmem_shared>>
        tpu.wait_dma2 semaphore(%run_scoped3A : memref<!tpu.dma_semaphore, #tpu.memory_space<semaphore_mem>>) src(%dma_wait3A_86 : memref<32x128xf32, #tpu.memory_space<vmem_shared>>) dst(%arg18 : memref<32x128xf32, #tpu.memory_space<vmem>>)
        tpu.yield
      }) : () -> ()
      "tpu.region"() ({
        %run_scoped3A = tpu.sem_alloc : memref<!tpu.dma_semaphore, #tpu.memory_space<semaphore_mem>>
        %dma_start3A_80 = arith.constant 0 : i32
        %dma_start3A_81 = tpu.memref_slice %arg7[%add3A_79, %dma_start3A_80] : memref<5120x128xf32, #tpu.memory_space<hbm>> -> memref<32x128xf32, #tpu.memory_space<hbm>>
        %dma_start3A_82 = arith.constant 0 : i32
        %dma_start3A_83 = tpu.memref_slice %arg7[%add3A_79, %dma_start3A_82] : memref<5120x128xf32, #tpu.memory_space<hbm>> -> memref<32x128xf32, #tpu.memory_space<hbm>>
        tpu.enqueue_dma source(%arg18 : memref<32x128xf32, #tpu.memory_space<vmem>>) target(%dma_start3A_83 : memref<32x128xf32, #tpu.memory_space<hbm>>) target_semaphore(%run_scoped3A : memref<!tpu.dma_semaphore, #tpu.memory_space<semaphore_mem>>)
        %dma_wait3A = arith.constant 0 : i32
        %dma_wait3A_84 = tpu.memref_slice %arg7[%add3A_79, %dma_wait3A] : memref<5120x128xf32, #tpu.memory_space<hbm>> -> memref<32x128xf32, #tpu.memory_space<hbm>>
        %dma_wait3A_85 = arith.constant 0 : i32
        %dma_wait3A_86 = tpu.memref_slice %arg7[%add3A_79, %dma_wait3A_85] : memref<5120x128xf32, #tpu.memory_space<hbm>> -> memref<32x128xf32, #tpu.memory_space<hbm>>
        tpu.wait_dma2 semaphore(%run_scoped3A : memref<!tpu.dma_semaphore, #tpu.memory_space<semaphore_mem>>) src(%arg18 : memref<32x128xf32, #tpu.memory_space<vmem>>) dst(%dma_wait3A_86 : memref<32x128xf32, #tpu.memory_space<hbm>>)
        tpu.yield
      }) : () -> ()
      "tpu.region"() ({
        %run_scoped3A = tpu.sem_alloc : memref<!tpu.dma_semaphore, #tpu.memory_space<semaphore_mem>>
        %dma_start3A_80 = arith.constant 0 : i32
        %dma_start3A_81 = tpu.memref_slice %arg20[%add3A_79, %dma_start3A_80] : memref<5120x128xf32, #tpu.memory_space<vmem_shared>> -> memref<32x128xf32, #tpu.memory_space<vmem_shared>>
        %dma_start3A_82 = arith.constant 0 : i32
        %dma_start3A_83 = tpu.memref_slice %arg20[%add3A_79, %dma_start3A_82] : memref<5120x128xf32, #tpu.memory_space<vmem_shared>> -> memref<32x128xf32, #tpu.memory_space<vmem_shared>>
        tpu.enqueue_dma source(%dma_start3A_83 : memref<32x128xf32, #tpu.memory_space<vmem_shared>>) target(%arg18 : memref<32x128xf32, #tpu.memory_space<vmem>>) target_semaphore(%run_scoped3A : memref<!tpu.dma_semaphore, #tpu.memory_space<semaphore_mem>>)
        %dma_wait3A = arith.constant 0 : i32
        %dma_wait3A_84 = tpu.memref_slice %arg20[%add3A_79, %dma_wait3A] : memref<5120x128xf32, #tpu.memory_space<vmem_shared>> -> memref<32x128xf32, #tpu.memory_space<vmem_shared>>
        %dma_wait3A_85 = arith.constant 0 : i32
        %dma_wait3A_86 = tpu.memref_slice %arg20[%add3A_79, %dma_wait3A_85] : memref<5120x128xf32, #tpu.memory_space<vmem_shared>> -> memref<32x128xf32, #tpu.memory_space<vmem_shared>>
        tpu.wait_dma2 semaphore(%run_scoped3A : memref<!tpu.dma_semaphore, #tpu.memory_space<semaphore_mem>>) src(%dma_wait3A_86 : memref<32x128xf32, #tpu.memory_space<vmem_shared>>) dst(%arg18 : memref<32x128xf32, #tpu.memory_space<vmem>>)
        tpu.yield
      }) : () -> ()
      "tpu.region"() ({
        %run_scoped3A = tpu.sem_alloc : memref<!tpu.dma_semaphore, #tpu.memory_space<semaphore_mem>>
        %dma_start3A_80 = arith.constant 0 : i32
        %dma_start3A_81 = tpu.memref_slice %arg9[%add3A_79, %dma_start3A_80] : memref<5120x128xf32, #tpu.memory_space<hbm>> -> memref<32x128xf32, #tpu.memory_space<hbm>>
        %dma_start3A_82 = arith.constant 0 : i32
        %dma_start3A_83 = tpu.memref_slice %arg9[%add3A_79, %dma_start3A_82] : memref<5120x128xf32, #tpu.memory_space<hbm>> -> memref<32x128xf32, #tpu.memory_space<hbm>>
        tpu.enqueue_dma source(%arg18 : memref<32x128xf32, #tpu.memory_space<vmem>>) target(%dma_start3A_83 : memref<32x128xf32, #tpu.memory_space<hbm>>) target_semaphore(%run_scoped3A : memref<!tpu.dma_semaphore, #tpu.memory_space<semaphore_mem>>)
        %dma_wait3A = arith.constant 0 : i32
        %dma_wait3A_84 = tpu.memref_slice %arg9[%add3A_79, %dma_wait3A] : memref<5120x128xf32, #tpu.memory_space<hbm>> -> memref<32x128xf32, #tpu.memory_space<hbm>>
        %dma_wait3A_85 = arith.constant 0 : i32
        %dma_wait3A_86 = tpu.memref_slice %arg9[%add3A_79, %dma_wait3A_85] : memref<5120x128xf32, #tpu.memory_space<hbm>> -> memref<32x128xf32, #tpu.memory_space<hbm>>
        tpu.wait_dma2 semaphore(%run_scoped3A : memref<!tpu.dma_semaphore, #tpu.memory_space<semaphore_mem>>) src(%arg18 : memref<32x128xf32, #tpu.memory_space<vmem>>) dst(%dma_wait3A_86 : memref<32x128xf32, #tpu.memory_space<hbm>>)
        tpu.yield
      }) : () -> ()
    } else {
    }
    %eq3A_55 = arith.constant 1 : i32
    %eq3A_56 = arith.cmpi eq, %arg0, %eq3A_55 : i32
    %convert_element_type3A_57 = arith.extui %eq3A_56 : i1 to i32
    %cond3A_58 = arith.constant 0 : i32
    %cond3A_59 = arith.cmpi ne, %convert_element_type3A_57, %cond3A_58 : i32
    scf.if %cond3A_59 {
      %add3A_60 = arith.constant 0 : i32
      %add3A_61 = arith.addi %mul3A_2, %add3A_60 : i32
      "tpu.region"() ({
        %run_scoped3A = tpu.sem_alloc : memref<!tpu.dma_semaphore, #tpu.memory_space<semaphore_mem>>
        %dma_start3A_80 = arith.constant 0 : i32
        %dma_start3A_81 = tpu.memref_slice %arg19[%add3A_61, %dma_start3A_80] : memref<5120x128xf32, #tpu.memory_space<vmem_shared>> -> memref<32x128xf32, #tpu.memory_space<vmem_shared>>
        %dma_start3A_82 = arith.constant 0 : i32
        %dma_start3A_83 = tpu.memref_slice %arg19[%add3A_61, %dma_start3A_82] : memref<5120x128xf32, #tpu.memory_space<vmem_shared>> -> memref<32x128xf32, #tpu.memory_space<vmem_shared>>
        tpu.enqueue_dma source(%dma_start3A_83 : memref<32x128xf32, #tpu.memory_space<vmem_shared>>) target(%arg18 : memref<32x128xf32, #tpu.memory_space<vmem>>) target_semaphore(%run_scoped3A : memref<!tpu.dma_semaphore, #tpu.memory_space<semaphore_mem>>)
        %dma_wait3A = arith.constant 0 : i32
        %dma_wait3A_84 = tpu.memref_slice %arg19[%add3A_61, %dma_wait3A] : memref<5120x128xf32, #tpu.memory_space<vmem_shared>> -> memref<32x128xf32, #tpu.memory_space<vmem_shared>>
        %dma_wait3A_85 = arith.constant 0 : i32
        %dma_wait3A_86 = tpu.memref_slice %arg19[%add3A_61, %dma_wait3A_85] : memref<5120x128xf32, #tpu.memory_space<vmem_shared>> -> memref<32x128xf32, #tpu.memory_space<vmem_shared>>
        tpu.wait_dma2 semaphore(%run_scoped3A : memref<!tpu.dma_semaphore, #tpu.memory_space<semaphore_mem>>) src(%dma_wait3A_86 : memref<32x128xf32, #tpu.memory_space<vmem_shared>>) dst(%arg18 : memref<32x128xf32, #tpu.memory_space<vmem>>)
        tpu.yield
      }) : () -> ()
      "tpu.region"() ({
        %run_scoped3A = tpu.sem_alloc : memref<!tpu.dma_semaphore, #tpu.memory_space<semaphore_mem>>
        %dma_start3A_80 = arith.constant 0 : i32
        %dma_start3A_81 = tpu.memref_slice %arg8[%add3A_61, %dma_start3A_80] : memref<5120x128xf32, #tpu.memory_space<hbm>> -> memref<32x128xf32, #tpu.memory_space<hbm>>
        %dma_start3A_82 = arith.constant 0 : i32
        %dma_start3A_83 = tpu.memref_slice %arg8[%add3A_61, %dma_start3A_82] : memref<5120x128xf32, #tpu.memory_space<hbm>> -> memref<32x128xf32, #tpu.memory_space<hbm>>
        tpu.enqueue_dma source(%arg18 : memref<32x128xf32, #tpu.memory_space<vmem>>) target(%dma_start3A_83 : memref<32x128xf32, #tpu.memory_space<hbm>>) target_semaphore(%run_scoped3A : memref<!tpu.dma_semaphore, #tpu.memory_space<semaphore_mem>>)
        %dma_wait3A = arith.constant 0 : i32
        %dma_wait3A_84 = tpu.memref_slice %arg8[%add3A_61, %dma_wait3A] : memref<5120x128xf32, #tpu.memory_space<hbm>> -> memref<32x128xf32, #tpu.memory_space<hbm>>
        %dma_wait3A_85 = arith.constant 0 : i32
        %dma_wait3A_86 = tpu.memref_slice %arg8[%add3A_61, %dma_wait3A_85] : memref<5120x128xf32, #tpu.memory_space<hbm>> -> memref<32x128xf32, #tpu.memory_space<hbm>>
        tpu.wait_dma2 semaphore(%run_scoped3A : memref<!tpu.dma_semaphore, #tpu.memory_space<semaphore_mem>>) src(%arg18 : memref<32x128xf32, #tpu.memory_space<vmem>>) dst(%dma_wait3A_86 : memref<32x128xf32, #tpu.memory_space<hbm>>)
        tpu.yield
      }) : () -> ()
      "tpu.region"() ({
        %run_scoped3A = tpu.sem_alloc : memref<!tpu.dma_semaphore, #tpu.memory_space<semaphore_mem>>
        %dma_start3A_80 = arith.constant 0 : i32
        %dma_start3A_81 = tpu.memref_slice %arg20[%add3A_61, %dma_start3A_80] : memref<5120x128xf32, #tpu.memory_space<vmem_shared>> -> memref<32x128xf32, #tpu.memory_space<vmem_shared>>
        %dma_start3A_82 = arith.constant 0 : i32
        %dma_start3A_83 = tpu.memref_slice %arg20[%add3A_61, %dma_start3A_82] : memref<5120x128xf32, #tpu.memory_space<vmem_shared>> -> memref<32x128xf32, #tpu.memory_space<vmem_shared>>
        tpu.enqueue_dma source(%dma_start3A_83 : memref<32x128xf32, #tpu.memory_space<vmem_shared>>) target(%arg18 : memref<32x128xf32, #tpu.memory_space<vmem>>) target_semaphore(%run_scoped3A : memref<!tpu.dma_semaphore, #tpu.memory_space<semaphore_mem>>)
        %dma_wait3A = arith.constant 0 : i32
        %dma_wait3A_84 = tpu.memref_slice %arg20[%add3A_61, %dma_wait3A] : memref<5120x128xf32, #tpu.memory_space<vmem_shared>> -> memref<32x128xf32, #tpu.memory_space<vmem_shared>>
        %dma_wait3A_85 = arith.constant 0 : i32
        %dma_wait3A_86 = tpu.memref_slice %arg20[%add3A_61, %dma_wait3A_85] : memref<5120x128xf32, #tpu.memory_space<vmem_shared>> -> memref<32x128xf32, #tpu.memory_space<vmem_shared>>
        tpu.wait_dma2 semaphore(%run_scoped3A : memref<!tpu.dma_semaphore, #tpu.memory_space<semaphore_mem>>) src(%dma_wait3A_86 : memref<32x128xf32, #tpu.memory_space<vmem_shared>>) dst(%arg18 : memref<32x128xf32, #tpu.memory_space<vmem>>)
        tpu.yield
      }) : () -> ()
      "tpu.region"() ({
        %run_scoped3A = tpu.sem_alloc : memref<!tpu.dma_semaphore, #tpu.memory_space<semaphore_mem>>
        %dma_start3A_80 = arith.constant 0 : i32
        %dma_start3A_81 = tpu.memref_slice %arg10[%add3A_61, %dma_start3A_80] : memref<5120x128xf32, #tpu.memory_space<hbm>> -> memref<32x128xf32, #tpu.memory_space<hbm>>
        %dma_start3A_82 = arith.constant 0 : i32
        %dma_start3A_83 = tpu.memref_slice %arg10[%add3A_61, %dma_start3A_82] : memref<5120x128xf32, #tpu.memory_space<hbm>> -> memref<32x128xf32, #tpu.memory_space<hbm>>
        tpu.enqueue_dma source(%arg18 : memref<32x128xf32, #tpu.memory_space<vmem>>) target(%dma_start3A_83 : memref<32x128xf32, #tpu.memory_space<hbm>>) target_semaphore(%run_scoped3A : memref<!tpu.dma_semaphore, #tpu.memory_space<semaphore_mem>>)
        %dma_wait3A = arith.constant 0 : i32
        %dma_wait3A_84 = tpu.memref_slice %arg10[%add3A_61, %dma_wait3A] : memref<5120x128xf32, #tpu.memory_space<hbm>> -> memref<32x128xf32, #tpu.memory_space<hbm>>
        %dma_wait3A_85 = arith.constant 0 : i32
        %dma_wait3A_86 = tpu.memref_slice %arg10[%add3A_61, %dma_wait3A_85] : memref<5120x128xf32, #tpu.memory_space<hbm>> -> memref<32x128xf32, #tpu.memory_space<hbm>>
        tpu.wait_dma2 semaphore(%run_scoped3A : memref<!tpu.dma_semaphore, #tpu.memory_space<semaphore_mem>>) src(%arg18 : memref<32x128xf32, #tpu.memory_space<vmem>>) dst(%dma_wait3A_86 : memref<32x128xf32, #tpu.memory_space<hbm>>)
        tpu.yield
      }) : () -> ()
      %add3A_62 = arith.constant 32 : i32
      %add3A_63 = arith.addi %mul3A_2, %add3A_62 : i32
      "tpu.region"() ({
        %run_scoped3A = tpu.sem_alloc : memref<!tpu.dma_semaphore, #tpu.memory_space<semaphore_mem>>
        %dma_start3A_80 = arith.constant 0 : i32
        %dma_start3A_81 = tpu.memref_slice %arg19[%add3A_63, %dma_start3A_80] : memref<5120x128xf32, #tpu.memory_space<vmem_shared>> -> memref<32x128xf32, #tpu.memory_space<vmem_shared>>
        %dma_start3A_82 = arith.constant 0 : i32
        %dma_start3A_83 = tpu.memref_slice %arg19[%add3A_63, %dma_start3A_82] : memref<5120x128xf32, #tpu.memory_space<vmem_shared>> -> memref<32x128xf32, #tpu.memory_space<vmem_shared>>
        tpu.enqueue_dma source(%dma_start3A_83 : memref<32x128xf32, #tpu.memory_space<vmem_shared>>) target(%arg18 : memref<32x128xf32, #tpu.memory_space<vmem>>) target_semaphore(%run_scoped3A : memref<!tpu.dma_semaphore, #tpu.memory_space<semaphore_mem>>)
        %dma_wait3A = arith.constant 0 : i32
        %dma_wait3A_84 = tpu.memref_slice %arg19[%add3A_63, %dma_wait3A] : memref<5120x128xf32, #tpu.memory_space<vmem_shared>> -> memref<32x128xf32, #tpu.memory_space<vmem_shared>>
        %dma_wait3A_85 = arith.constant 0 : i32
        %dma_wait3A_86 = tpu.memref_slice %arg19[%add3A_63, %dma_wait3A_85] : memref<5120x128xf32, #tpu.memory_space<vmem_shared>> -> memref<32x128xf32, #tpu.memory_space<vmem_shared>>
        tpu.wait_dma2 semaphore(%run_scoped3A : memref<!tpu.dma_semaphore, #tpu.memory_space<semaphore_mem>>) src(%dma_wait3A_86 : memref<32x128xf32, #tpu.memory_space<vmem_shared>>) dst(%arg18 : memref<32x128xf32, #tpu.memory_space<vmem>>)
        tpu.yield
      }) : () -> ()
      "tpu.region"() ({
        %run_scoped3A = tpu.sem_alloc : memref<!tpu.dma_semaphore, #tpu.memory_space<semaphore_mem>>
        %dma_start3A_80 = arith.constant 0 : i32
        %dma_start3A_81 = tpu.memref_slice %arg8[%add3A_63, %dma_start3A_80] : memref<5120x128xf32, #tpu.memory_space<hbm>> -> memref<32x128xf32, #tpu.memory_space<hbm>>
        %dma_start3A_82 = arith.constant 0 : i32
        %dma_start3A_83 = tpu.memref_slice %arg8[%add3A_63, %dma_start3A_82] : memref<5120x128xf32, #tpu.memory_space<hbm>> -> memref<32x128xf32, #tpu.memory_space<hbm>>
        tpu.enqueue_dma source(%arg18 : memref<32x128xf32, #tpu.memory_space<vmem>>) target(%dma_start3A_83 : memref<32x128xf32, #tpu.memory_space<hbm>>) target_semaphore(%run_scoped3A : memref<!tpu.dma_semaphore, #tpu.memory_space<semaphore_mem>>)
        %dma_wait3A = arith.constant 0 : i32
        %dma_wait3A_84 = tpu.memref_slice %arg8[%add3A_63, %dma_wait3A] : memref<5120x128xf32, #tpu.memory_space<hbm>> -> memref<32x128xf32, #tpu.memory_space<hbm>>
        %dma_wait3A_85 = arith.constant 0 : i32
        %dma_wait3A_86 = tpu.memref_slice %arg8[%add3A_63, %dma_wait3A_85] : memref<5120x128xf32, #tpu.memory_space<hbm>> -> memref<32x128xf32, #tpu.memory_space<hbm>>
        tpu.wait_dma2 semaphore(%run_scoped3A : memref<!tpu.dma_semaphore, #tpu.memory_space<semaphore_mem>>) src(%arg18 : memref<32x128xf32, #tpu.memory_space<vmem>>) dst(%dma_wait3A_86 : memref<32x128xf32, #tpu.memory_space<hbm>>)
        tpu.yield
      }) : () -> ()
      "tpu.region"() ({
        %run_scoped3A = tpu.sem_alloc : memref<!tpu.dma_semaphore, #tpu.memory_space<semaphore_mem>>
        %dma_start3A_80 = arith.constant 0 : i32
        %dma_start3A_81 = tpu.memref_slice %arg20[%add3A_63, %dma_start3A_80] : memref<5120x128xf32, #tpu.memory_space<vmem_shared>> -> memref<32x128xf32, #tpu.memory_space<vmem_shared>>
        %dma_start3A_82 = arith.constant 0 : i32
        %dma_start3A_83 = tpu.memref_slice %arg20[%add3A_63, %dma_start3A_82] : memref<5120x128xf32, #tpu.memory_space<vmem_shared>> -> memref<32x128xf32, #tpu.memory_space<vmem_shared>>
        tpu.enqueue_dma source(%dma_start3A_83 : memref<32x128xf32, #tpu.memory_space<vmem_shared>>) target(%arg18 : memref<32x128xf32, #tpu.memory_space<vmem>>) target_semaphore(%run_scoped3A : memref<!tpu.dma_semaphore, #tpu.memory_space<semaphore_mem>>)
        %dma_wait3A = arith.constant 0 : i32
        %dma_wait3A_84 = tpu.memref_slice %arg20[%add3A_63, %dma_wait3A] : memref<5120x128xf32, #tpu.memory_space<vmem_shared>> -> memref<32x128xf32, #tpu.memory_space<vmem_shared>>
        %dma_wait3A_85 = arith.constant 0 : i32
        %dma_wait3A_86 = tpu.memref_slice %arg20[%add3A_63, %dma_wait3A_85] : memref<5120x128xf32, #tpu.memory_space<vmem_shared>> -> memref<32x128xf32, #tpu.memory_space<vmem_shared>>
        tpu.wait_dma2 semaphore(%run_scoped3A : memref<!tpu.dma_semaphore, #tpu.memory_space<semaphore_mem>>) src(%dma_wait3A_86 : memref<32x128xf32, #tpu.memory_space<vmem_shared>>) dst(%arg18 : memref<32x128xf32, #tpu.memory_space<vmem>>)
        tpu.yield
      }) : () -> ()
      "tpu.region"() ({
        %run_scoped3A = tpu.sem_alloc : memref<!tpu.dma_semaphore, #tpu.memory_space<semaphore_mem>>
        %dma_start3A_80 = arith.constant 0 : i32
        %dma_start3A_81 = tpu.memref_slice %arg10[%add3A_63, %dma_start3A_80] : memref<5120x128xf32, #tpu.memory_space<hbm>> -> memref<32x128xf32, #tpu.memory_space<hbm>>
        %dma_start3A_82 = arith.constant 0 : i32
        %dma_start3A_83 = tpu.memref_slice %arg10[%add3A_63, %dma_start3A_82] : memref<5120x128xf32, #tpu.memory_space<hbm>> -> memref<32x128xf32, #tpu.memory_space<hbm>>
        tpu.enqueue_dma source(%arg18 : memref<32x128xf32, #tpu.memory_space<vmem>>) target(%dma_start3A_83 : memref<32x128xf32, #tpu.memory_space<hbm>>) target_semaphore(%run_scoped3A : memref<!tpu.dma_semaphore, #tpu.memory_space<semaphore_mem>>)
        %dma_wait3A = arith.constant 0 : i32
        %dma_wait3A_84 = tpu.memref_slice %arg10[%add3A_63, %dma_wait3A] : memref<5120x128xf32, #tpu.memory_space<hbm>> -> memref<32x128xf32, #tpu.memory_space<hbm>>
        %dma_wait3A_85 = arith.constant 0 : i32
        %dma_wait3A_86 = tpu.memref_slice %arg10[%add3A_63, %dma_wait3A_85] : memref<5120x128xf32, #tpu.memory_space<hbm>> -> memref<32x128xf32, #tpu.memory_space<hbm>>
        tpu.wait_dma2 semaphore(%run_scoped3A : memref<!tpu.dma_semaphore, #tpu.memory_space<semaphore_mem>>) src(%arg18 : memref<32x128xf32, #tpu.memory_space<vmem>>) dst(%dma_wait3A_86 : memref<32x128xf32, #tpu.memory_space<hbm>>)
        tpu.yield
      }) : () -> ()
      %add3A_64 = arith.constant 64 : i32
      %add3A_65 = arith.addi %mul3A_2, %add3A_64 : i32
      "tpu.region"() ({
        %run_scoped3A = tpu.sem_alloc : memref<!tpu.dma_semaphore, #tpu.memory_space<semaphore_mem>>
        %dma_start3A_80 = arith.constant 0 : i32
        %dma_start3A_81 = tpu.memref_slice %arg19[%add3A_65, %dma_start3A_80] : memref<5120x128xf32, #tpu.memory_space<vmem_shared>> -> memref<32x128xf32, #tpu.memory_space<vmem_shared>>
        %dma_start3A_82 = arith.constant 0 : i32
        %dma_start3A_83 = tpu.memref_slice %arg19[%add3A_65, %dma_start3A_82] : memref<5120x128xf32, #tpu.memory_space<vmem_shared>> -> memref<32x128xf32, #tpu.memory_space<vmem_shared>>
        tpu.enqueue_dma source(%dma_start3A_83 : memref<32x128xf32, #tpu.memory_space<vmem_shared>>) target(%arg18 : memref<32x128xf32, #tpu.memory_space<vmem>>) target_semaphore(%run_scoped3A : memref<!tpu.dma_semaphore, #tpu.memory_space<semaphore_mem>>)
        %dma_wait3A = arith.constant 0 : i32
        %dma_wait3A_84 = tpu.memref_slice %arg19[%add3A_65, %dma_wait3A] : memref<5120x128xf32, #tpu.memory_space<vmem_shared>> -> memref<32x128xf32, #tpu.memory_space<vmem_shared>>
        %dma_wait3A_85 = arith.constant 0 : i32
        %dma_wait3A_86 = tpu.memref_slice %arg19[%add3A_65, %dma_wait3A_85] : memref<5120x128xf32, #tpu.memory_space<vmem_shared>> -> memref<32x128xf32, #tpu.memory_space<vmem_shared>>
        tpu.wait_dma2 semaphore(%run_scoped3A : memref<!tpu.dma_semaphore, #tpu.memory_space<semaphore_mem>>) src(%dma_wait3A_86 : memref<32x128xf32, #tpu.memory_space<vmem_shared>>) dst(%arg18 : memref<32x128xf32, #tpu.memory_space<vmem>>)
        tpu.yield
      }) : () -> ()
      "tpu.region"() ({
        %run_scoped3A = tpu.sem_alloc : memref<!tpu.dma_semaphore, #tpu.memory_space<semaphore_mem>>
        %dma_start3A_80 = arith.constant 0 : i32
        %dma_start3A_81 = tpu.memref_slice %arg8[%add3A_65, %dma_start3A_80] : memref<5120x128xf32, #tpu.memory_space<hbm>> -> memref<32x128xf32, #tpu.memory_space<hbm>>
        %dma_start3A_82 = arith.constant 0 : i32
        %dma_start3A_83 = tpu.memref_slice %arg8[%add3A_65, %dma_start3A_82] : memref<5120x128xf32, #tpu.memory_space<hbm>> -> memref<32x128xf32, #tpu.memory_space<hbm>>
        tpu.enqueue_dma source(%arg18 : memref<32x128xf32, #tpu.memory_space<vmem>>) target(%dma_start3A_83 : memref<32x128xf32, #tpu.memory_space<hbm>>) target_semaphore(%run_scoped3A : memref<!tpu.dma_semaphore, #tpu.memory_space<semaphore_mem>>)
        %dma_wait3A = arith.constant 0 : i32
        %dma_wait3A_84 = tpu.memref_slice %arg8[%add3A_65, %dma_wait3A] : memref<5120x128xf32, #tpu.memory_space<hbm>> -> memref<32x128xf32, #tpu.memory_space<hbm>>
        %dma_wait3A_85 = arith.constant 0 : i32
        %dma_wait3A_86 = tpu.memref_slice %arg8[%add3A_65, %dma_wait3A_85] : memref<5120x128xf32, #tpu.memory_space<hbm>> -> memref<32x128xf32, #tpu.memory_space<hbm>>
        tpu.wait_dma2 semaphore(%run_scoped3A : memref<!tpu.dma_semaphore, #tpu.memory_space<semaphore_mem>>) src(%arg18 : memref<32x128xf32, #tpu.memory_space<vmem>>) dst(%dma_wait3A_86 : memref<32x128xf32, #tpu.memory_space<hbm>>)
        tpu.yield
      }) : () -> ()
      "tpu.region"() ({
        %run_scoped3A = tpu.sem_alloc : memref<!tpu.dma_semaphore, #tpu.memory_space<semaphore_mem>>
        %dma_start3A_80 = arith.constant 0 : i32
        %dma_start3A_81 = tpu.memref_slice %arg20[%add3A_65, %dma_start3A_80] : memref<5120x128xf32, #tpu.memory_space<vmem_shared>> -> memref<32x128xf32, #tpu.memory_space<vmem_shared>>
        %dma_start3A_82 = arith.constant 0 : i32
        %dma_start3A_83 = tpu.memref_slice %arg20[%add3A_65, %dma_start3A_82] : memref<5120x128xf32, #tpu.memory_space<vmem_shared>> -> memref<32x128xf32, #tpu.memory_space<vmem_shared>>
        tpu.enqueue_dma source(%dma_start3A_83 : memref<32x128xf32, #tpu.memory_space<vmem_shared>>) target(%arg18 : memref<32x128xf32, #tpu.memory_space<vmem>>) target_semaphore(%run_scoped3A : memref<!tpu.dma_semaphore, #tpu.memory_space<semaphore_mem>>)
        %dma_wait3A = arith.constant 0 : i32
        %dma_wait3A_84 = tpu.memref_slice %arg20[%add3A_65, %dma_wait3A] : memref<5120x128xf32, #tpu.memory_space<vmem_shared>> -> memref<32x128xf32, #tpu.memory_space<vmem_shared>>
        %dma_wait3A_85 = arith.constant 0 : i32
        %dma_wait3A_86 = tpu.memref_slice %arg20[%add3A_65, %dma_wait3A_85] : memref<5120x128xf32, #tpu.memory_space<vmem_shared>> -> memref<32x128xf32, #tpu.memory_space<vmem_shared>>
        tpu.wait_dma2 semaphore(%run_scoped3A : memref<!tpu.dma_semaphore, #tpu.memory_space<semaphore_mem>>) src(%dma_wait3A_86 : memref<32x128xf32, #tpu.memory_space<vmem_shared>>) dst(%arg18 : memref<32x128xf32, #tpu.memory_space<vmem>>)
        tpu.yield
      }) : () -> ()
      "tpu.region"() ({
        %run_scoped3A = tpu.sem_alloc : memref<!tpu.dma_semaphore, #tpu.memory_space<semaphore_mem>>
        %dma_start3A_80 = arith.constant 0 : i32
        %dma_start3A_81 = tpu.memref_slice %arg10[%add3A_65, %dma_start3A_80] : memref<5120x128xf32, #tpu.memory_space<hbm>> -> memref<32x128xf32, #tpu.memory_space<hbm>>
        %dma_start3A_82 = arith.constant 0 : i32
        %dma_start3A_83 = tpu.memref_slice %arg10[%add3A_65, %dma_start3A_82] : memref<5120x128xf32, #tpu.memory_space<hbm>> -> memref<32x128xf32, #tpu.memory_space<hbm>>
        tpu.enqueue_dma source(%arg18 : memref<32x128xf32, #tpu.memory_space<vmem>>) target(%dma_start3A_83 : memref<32x128xf32, #tpu.memory_space<hbm>>) target_semaphore(%run_scoped3A : memref<!tpu.dma_semaphore, #tpu.memory_space<semaphore_mem>>)
        %dma_wait3A = arith.constant 0 : i32
        %dma_wait3A_84 = tpu.memref_slice %arg10[%add3A_65, %dma_wait3A] : memref<5120x128xf32, #tpu.memory_space<hbm>> -> memref<32x128xf32, #tpu.memory_space<hbm>>
        %dma_wait3A_85 = arith.constant 0 : i32
        %dma_wait3A_86 = tpu.memref_slice %arg10[%add3A_65, %dma_wait3A_85] : memref<5120x128xf32, #tpu.memory_space<hbm>> -> memref<32x128xf32, #tpu.memory_space<hbm>>
        tpu.wait_dma2 semaphore(%run_scoped3A : memref<!tpu.dma_semaphore, #tpu.memory_space<semaphore_mem>>) src(%arg18 : memref<32x128xf32, #tpu.memory_space<vmem>>) dst(%dma_wait3A_86 : memref<32x128xf32, #tpu.memory_space<hbm>>)
        tpu.yield
      }) : () -> ()
      %add3A_66 = arith.constant 96 : i32
      %add3A_67 = arith.addi %mul3A_2, %add3A_66 : i32
      "tpu.region"() ({
        %run_scoped3A = tpu.sem_alloc : memref<!tpu.dma_semaphore, #tpu.memory_space<semaphore_mem>>
        %dma_start3A_80 = arith.constant 0 : i32
        %dma_start3A_81 = tpu.memref_slice %arg19[%add3A_67, %dma_start3A_80] : memref<5120x128xf32, #tpu.memory_space<vmem_shared>> -> memref<32x128xf32, #tpu.memory_space<vmem_shared>>
        %dma_start3A_82 = arith.constant 0 : i32
        %dma_start3A_83 = tpu.memref_slice %arg19[%add3A_67, %dma_start3A_82] : memref<5120x128xf32, #tpu.memory_space<vmem_shared>> -> memref<32x128xf32, #tpu.memory_space<vmem_shared>>
        tpu.enqueue_dma source(%dma_start3A_83 : memref<32x128xf32, #tpu.memory_space<vmem_shared>>) target(%arg18 : memref<32x128xf32, #tpu.memory_space<vmem>>) target_semaphore(%run_scoped3A : memref<!tpu.dma_semaphore, #tpu.memory_space<semaphore_mem>>)
        %dma_wait3A = arith.constant 0 : i32
        %dma_wait3A_84 = tpu.memref_slice %arg19[%add3A_67, %dma_wait3A] : memref<5120x128xf32, #tpu.memory_space<vmem_shared>> -> memref<32x128xf32, #tpu.memory_space<vmem_shared>>
        %dma_wait3A_85 = arith.constant 0 : i32
        %dma_wait3A_86 = tpu.memref_slice %arg19[%add3A_67, %dma_wait3A_85] : memref<5120x128xf32, #tpu.memory_space<vmem_shared>> -> memref<32x128xf32, #tpu.memory_space<vmem_shared>>
        tpu.wait_dma2 semaphore(%run_scoped3A : memref<!tpu.dma_semaphore, #tpu.memory_space<semaphore_mem>>) src(%dma_wait3A_86 : memref<32x128xf32, #tpu.memory_space<vmem_shared>>) dst(%arg18 : memref<32x128xf32, #tpu.memory_space<vmem>>)
        tpu.yield
      }) : () -> ()
      "tpu.region"() ({
        %run_scoped3A = tpu.sem_alloc : memref<!tpu.dma_semaphore, #tpu.memory_space<semaphore_mem>>
        %dma_start3A_80 = arith.constant 0 : i32
        %dma_start3A_81 = tpu.memref_slice %arg8[%add3A_67, %dma_start3A_80] : memref<5120x128xf32, #tpu.memory_space<hbm>> -> memref<32x128xf32, #tpu.memory_space<hbm>>
        %dma_start3A_82 = arith.constant 0 : i32
        %dma_start3A_83 = tpu.memref_slice %arg8[%add3A_67, %dma_start3A_82] : memref<5120x128xf32, #tpu.memory_space<hbm>> -> memref<32x128xf32, #tpu.memory_space<hbm>>
        tpu.enqueue_dma source(%arg18 : memref<32x128xf32, #tpu.memory_space<vmem>>) target(%dma_start3A_83 : memref<32x128xf32, #tpu.memory_space<hbm>>) target_semaphore(%run_scoped3A : memref<!tpu.dma_semaphore, #tpu.memory_space<semaphore_mem>>)
        %dma_wait3A = arith.constant 0 : i32
        %dma_wait3A_84 = tpu.memref_slice %arg8[%add3A_67, %dma_wait3A] : memref<5120x128xf32, #tpu.memory_space<hbm>> -> memref<32x128xf32, #tpu.memory_space<hbm>>
        %dma_wait3A_85 = arith.constant 0 : i32
        %dma_wait3A_86 = tpu.memref_slice %arg8[%add3A_67, %dma_wait3A_85] : memref<5120x128xf32, #tpu.memory_space<hbm>> -> memref<32x128xf32, #tpu.memory_space<hbm>>
        tpu.wait_dma2 semaphore(%run_scoped3A : memref<!tpu.dma_semaphore, #tpu.memory_space<semaphore_mem>>) src(%arg18 : memref<32x128xf32, #tpu.memory_space<vmem>>) dst(%dma_wait3A_86 : memref<32x128xf32, #tpu.memory_space<hbm>>)
        tpu.yield
      }) : () -> ()
      "tpu.region"() ({
        %run_scoped3A = tpu.sem_alloc : memref<!tpu.dma_semaphore, #tpu.memory_space<semaphore_mem>>
        %dma_start3A_80 = arith.constant 0 : i32
        %dma_start3A_81 = tpu.memref_slice %arg20[%add3A_67, %dma_start3A_80] : memref<5120x128xf32, #tpu.memory_space<vmem_shared>> -> memref<32x128xf32, #tpu.memory_space<vmem_shared>>
        %dma_start3A_82 = arith.constant 0 : i32
        %dma_start3A_83 = tpu.memref_slice %arg20[%add3A_67, %dma_start3A_82] : memref<5120x128xf32, #tpu.memory_space<vmem_shared>> -> memref<32x128xf32, #tpu.memory_space<vmem_shared>>
        tpu.enqueue_dma source(%dma_start3A_83 : memref<32x128xf32, #tpu.memory_space<vmem_shared>>) target(%arg18 : memref<32x128xf32, #tpu.memory_space<vmem>>) target_semaphore(%run_scoped3A : memref<!tpu.dma_semaphore, #tpu.memory_space<semaphore_mem>>)
        %dma_wait3A = arith.constant 0 : i32
        %dma_wait3A_84 = tpu.memref_slice %arg20[%add3A_67, %dma_wait3A] : memref<5120x128xf32, #tpu.memory_space<vmem_shared>> -> memref<32x128xf32, #tpu.memory_space<vmem_shared>>
        %dma_wait3A_85 = arith.constant 0 : i32
        %dma_wait3A_86 = tpu.memref_slice %arg20[%add3A_67, %dma_wait3A_85] : memref<5120x128xf32, #tpu.memory_space<vmem_shared>> -> memref<32x128xf32, #tpu.memory_space<vmem_shared>>
        tpu.wait_dma2 semaphore(%run_scoped3A : memref<!tpu.dma_semaphore, #tpu.memory_space<semaphore_mem>>) src(%dma_wait3A_86 : memref<32x128xf32, #tpu.memory_space<vmem_shared>>) dst(%arg18 : memref<32x128xf32, #tpu.memory_space<vmem>>)
        tpu.yield
      }) : () -> ()
      "tpu.region"() ({
        %run_scoped3A = tpu.sem_alloc : memref<!tpu.dma_semaphore, #tpu.memory_space<semaphore_mem>>
        %dma_start3A_80 = arith.constant 0 : i32
        %dma_start3A_81 = tpu.memref_slice %arg10[%add3A_67, %dma_start3A_80] : memref<5120x128xf32, #tpu.memory_space<hbm>> -> memref<32x128xf32, #tpu.memory_space<hbm>>
        %dma_start3A_82 = arith.constant 0 : i32
        %dma_start3A_83 = tpu.memref_slice %arg10[%add3A_67, %dma_start3A_82] : memref<5120x128xf32, #tpu.memory_space<hbm>> -> memref<32x128xf32, #tpu.memory_space<hbm>>
        tpu.enqueue_dma source(%arg18 : memref<32x128xf32, #tpu.memory_space<vmem>>) target(%dma_start3A_83 : memref<32x128xf32, #tpu.memory_space<hbm>>) target_semaphore(%run_scoped3A : memref<!tpu.dma_semaphore, #tpu.memory_space<semaphore_mem>>)
        %dma_wait3A = arith.constant 0 : i32
        %dma_wait3A_84 = tpu.memref_slice %arg10[%add3A_67, %dma_wait3A] : memref<5120x128xf32, #tpu.memory_space<hbm>> -> memref<32x128xf32, #tpu.memory_space<hbm>>
        %dma_wait3A_85 = arith.constant 0 : i32
        %dma_wait3A_86 = tpu.memref_slice %arg10[%add3A_67, %dma_wait3A_85] : memref<5120x128xf32, #tpu.memory_space<hbm>> -> memref<32x128xf32, #tpu.memory_space<hbm>>
        tpu.wait_dma2 semaphore(%run_scoped3A : memref<!tpu.dma_semaphore, #tpu.memory_space<semaphore_mem>>) src(%arg18 : memref<32x128xf32, #tpu.memory_space<vmem>>) dst(%dma_wait3A_86 : memref<32x128xf32, #tpu.memory_space<hbm>>)
        tpu.yield
      }) : () -> ()
      %add3A_68 = arith.constant 128 : i32
      %add3A_69 = arith.addi %mul3A_2, %add3A_68 : i32
      "tpu.region"() ({
        %run_scoped3A = tpu.sem_alloc : memref<!tpu.dma_semaphore, #tpu.memory_space<semaphore_mem>>
        %dma_start3A_80 = arith.constant 0 : i32
        %dma_start3A_81 = tpu.memref_slice %arg19[%add3A_69, %dma_start3A_80] : memref<5120x128xf32, #tpu.memory_space<vmem_shared>> -> memref<32x128xf32, #tpu.memory_space<vmem_shared>>
        %dma_start3A_82 = arith.constant 0 : i32
        %dma_start3A_83 = tpu.memref_slice %arg19[%add3A_69, %dma_start3A_82] : memref<5120x128xf32, #tpu.memory_space<vmem_shared>> -> memref<32x128xf32, #tpu.memory_space<vmem_shared>>
        tpu.enqueue_dma source(%dma_start3A_83 : memref<32x128xf32, #tpu.memory_space<vmem_shared>>) target(%arg18 : memref<32x128xf32, #tpu.memory_space<vmem>>) target_semaphore(%run_scoped3A : memref<!tpu.dma_semaphore, #tpu.memory_space<semaphore_mem>>)
        %dma_wait3A = arith.constant 0 : i32
        %dma_wait3A_84 = tpu.memref_slice %arg19[%add3A_69, %dma_wait3A] : memref<5120x128xf32, #tpu.memory_space<vmem_shared>> -> memref<32x128xf32, #tpu.memory_space<vmem_shared>>
        %dma_wait3A_85 = arith.constant 0 : i32
        %dma_wait3A_86 = tpu.memref_slice %arg19[%add3A_69, %dma_wait3A_85] : memref<5120x128xf32, #tpu.memory_space<vmem_shared>> -> memref<32x128xf32, #tpu.memory_space<vmem_shared>>
        tpu.wait_dma2 semaphore(%run_scoped3A : memref<!tpu.dma_semaphore, #tpu.memory_space<semaphore_mem>>) src(%dma_wait3A_86 : memref<32x128xf32, #tpu.memory_space<vmem_shared>>) dst(%arg18 : memref<32x128xf32, #tpu.memory_space<vmem>>)
        tpu.yield
      }) : () -> ()
      "tpu.region"() ({
        %run_scoped3A = tpu.sem_alloc : memref<!tpu.dma_semaphore, #tpu.memory_space<semaphore_mem>>
        %dma_start3A_80 = arith.constant 0 : i32
        %dma_start3A_81 = tpu.memref_slice %arg8[%add3A_69, %dma_start3A_80] : memref<5120x128xf32, #tpu.memory_space<hbm>> -> memref<32x128xf32, #tpu.memory_space<hbm>>
        %dma_start3A_82 = arith.constant 0 : i32
        %dma_start3A_83 = tpu.memref_slice %arg8[%add3A_69, %dma_start3A_82] : memref<5120x128xf32, #tpu.memory_space<hbm>> -> memref<32x128xf32, #tpu.memory_space<hbm>>
        tpu.enqueue_dma source(%arg18 : memref<32x128xf32, #tpu.memory_space<vmem>>) target(%dma_start3A_83 : memref<32x128xf32, #tpu.memory_space<hbm>>) target_semaphore(%run_scoped3A : memref<!tpu.dma_semaphore, #tpu.memory_space<semaphore_mem>>)
        %dma_wait3A = arith.constant 0 : i32
        %dma_wait3A_84 = tpu.memref_slice %arg8[%add3A_69, %dma_wait3A] : memref<5120x128xf32, #tpu.memory_space<hbm>> -> memref<32x128xf32, #tpu.memory_space<hbm>>
        %dma_wait3A_85 = arith.constant 0 : i32
        %dma_wait3A_86 = tpu.memref_slice %arg8[%add3A_69, %dma_wait3A_85] : memref<5120x128xf32, #tpu.memory_space<hbm>> -> memref<32x128xf32, #tpu.memory_space<hbm>>
        tpu.wait_dma2 semaphore(%run_scoped3A : memref<!tpu.dma_semaphore, #tpu.memory_space<semaphore_mem>>) src(%arg18 : memref<32x128xf32, #tpu.memory_space<vmem>>) dst(%dma_wait3A_86 : memref<32x128xf32, #tpu.memory_space<hbm>>)
        tpu.yield
      }) : () -> ()
      "tpu.region"() ({
        %run_scoped3A = tpu.sem_alloc : memref<!tpu.dma_semaphore, #tpu.memory_space<semaphore_mem>>
        %dma_start3A_80 = arith.constant 0 : i32
        %dma_start3A_81 = tpu.memref_slice %arg20[%add3A_69, %dma_start3A_80] : memref<5120x128xf32, #tpu.memory_space<vmem_shared>> -> memref<32x128xf32, #tpu.memory_space<vmem_shared>>
        %dma_start3A_82 = arith.constant 0 : i32
        %dma_start3A_83 = tpu.memref_slice %arg20[%add3A_69, %dma_start3A_82] : memref<5120x128xf32, #tpu.memory_space<vmem_shared>> -> memref<32x128xf32, #tpu.memory_space<vmem_shared>>
        tpu.enqueue_dma source(%dma_start3A_83 : memref<32x128xf32, #tpu.memory_space<vmem_shared>>) target(%arg18 : memref<32x128xf32, #tpu.memory_space<vmem>>) target_semaphore(%run_scoped3A : memref<!tpu.dma_semaphore, #tpu.memory_space<semaphore_mem>>)
        %dma_wait3A = arith.constant 0 : i32
        %dma_wait3A_84 = tpu.memref_slice %arg20[%add3A_69, %dma_wait3A] : memref<5120x128xf32, #tpu.memory_space<vmem_shared>> -> memref<32x128xf32, #tpu.memory_space<vmem_shared>>
        %dma_wait3A_85 = arith.constant 0 : i32
        %dma_wait3A_86 = tpu.memref_slice %arg20[%add3A_69, %dma_wait3A_85] : memref<5120x128xf32, #tpu.memory_space<vmem_shared>> -> memref<32x128xf32, #tpu.memory_space<vmem_shared>>
        tpu.wait_dma2 semaphore(%run_scoped3A : memref<!tpu.dma_semaphore, #tpu.memory_space<semaphore_mem>>) src(%dma_wait3A_86 : memref<32x128xf32, #tpu.memory_space<vmem_shared>>) dst(%arg18 : memref<32x128xf32, #tpu.memory_space<vmem>>)
        tpu.yield
      }) : () -> ()
      "tpu.region"() ({
        %run_scoped3A = tpu.sem_alloc : memref<!tpu.dma_semaphore, #tpu.memory_space<semaphore_mem>>
        %dma_start3A_80 = arith.constant 0 : i32
        %dma_start3A_81 = tpu.memref_slice %arg10[%add3A_69, %dma_start3A_80] : memref<5120x128xf32, #tpu.memory_space<hbm>> -> memref<32x128xf32, #tpu.memory_space<hbm>>
        %dma_start3A_82 = arith.constant 0 : i32
        %dma_start3A_83 = tpu.memref_slice %arg10[%add3A_69, %dma_start3A_82] : memref<5120x128xf32, #tpu.memory_space<hbm>> -> memref<32x128xf32, #tpu.memory_space<hbm>>
        tpu.enqueue_dma source(%arg18 : memref<32x128xf32, #tpu.memory_space<vmem>>) target(%dma_start3A_83 : memref<32x128xf32, #tpu.memory_space<hbm>>) target_semaphore(%run_scoped3A : memref<!tpu.dma_semaphore, #tpu.memory_space<semaphore_mem>>)
        %dma_wait3A = arith.constant 0 : i32
        %dma_wait3A_84 = tpu.memref_slice %arg10[%add3A_69, %dma_wait3A] : memref<5120x128xf32, #tpu.memory_space<hbm>> -> memref<32x128xf32, #tpu.memory_space<hbm>>
        %dma_wait3A_85 = arith.constant 0 : i32
        %dma_wait3A_86 = tpu.memref_slice %arg10[%add3A_69, %dma_wait3A_85] : memref<5120x128xf32, #tpu.memory_space<hbm>> -> memref<32x128xf32, #tpu.memory_space<hbm>>
        tpu.wait_dma2 semaphore(%run_scoped3A : memref<!tpu.dma_semaphore, #tpu.memory_space<semaphore_mem>>) src(%arg18 : memref<32x128xf32, #tpu.memory_space<vmem>>) dst(%dma_wait3A_86 : memref<32x128xf32, #tpu.memory_space<hbm>>)
        tpu.yield
      }) : () -> ()
      %add3A_70 = arith.constant 160 : i32
      %add3A_71 = arith.addi %mul3A_2, %add3A_70 : i32
      "tpu.region"() ({
        %run_scoped3A = tpu.sem_alloc : memref<!tpu.dma_semaphore, #tpu.memory_space<semaphore_mem>>
        %dma_start3A_80 = arith.constant 0 : i32
        %dma_start3A_81 = tpu.memref_slice %arg19[%add3A_71, %dma_start3A_80] : memref<5120x128xf32, #tpu.memory_space<vmem_shared>> -> memref<32x128xf32, #tpu.memory_space<vmem_shared>>
        %dma_start3A_82 = arith.constant 0 : i32
        %dma_start3A_83 = tpu.memref_slice %arg19[%add3A_71, %dma_start3A_82] : memref<5120x128xf32, #tpu.memory_space<vmem_shared>> -> memref<32x128xf32, #tpu.memory_space<vmem_shared>>
        tpu.enqueue_dma source(%dma_start3A_83 : memref<32x128xf32, #tpu.memory_space<vmem_shared>>) target(%arg18 : memref<32x128xf32, #tpu.memory_space<vmem>>) target_semaphore(%run_scoped3A : memref<!tpu.dma_semaphore, #tpu.memory_space<semaphore_mem>>)
        %dma_wait3A = arith.constant 0 : i32
        %dma_wait3A_84 = tpu.memref_slice %arg19[%add3A_71, %dma_wait3A] : memref<5120x128xf32, #tpu.memory_space<vmem_shared>> -> memref<32x128xf32, #tpu.memory_space<vmem_shared>>
        %dma_wait3A_85 = arith.constant 0 : i32
        %dma_wait3A_86 = tpu.memref_slice %arg19[%add3A_71, %dma_wait3A_85] : memref<5120x128xf32, #tpu.memory_space<vmem_shared>> -> memref<32x128xf32, #tpu.memory_space<vmem_shared>>
        tpu.wait_dma2 semaphore(%run_scoped3A : memref<!tpu.dma_semaphore, #tpu.memory_space<semaphore_mem>>) src(%dma_wait3A_86 : memref<32x128xf32, #tpu.memory_space<vmem_shared>>) dst(%arg18 : memref<32x128xf32, #tpu.memory_space<vmem>>)
        tpu.yield
      }) : () -> ()
      "tpu.region"() ({
        %run_scoped3A = tpu.sem_alloc : memref<!tpu.dma_semaphore, #tpu.memory_space<semaphore_mem>>
        %dma_start3A_80 = arith.constant 0 : i32
        %dma_start3A_81 = tpu.memref_slice %arg8[%add3A_71, %dma_start3A_80] : memref<5120x128xf32, #tpu.memory_space<hbm>> -> memref<32x128xf32, #tpu.memory_space<hbm>>
        %dma_start3A_82 = arith.constant 0 : i32
        %dma_start3A_83 = tpu.memref_slice %arg8[%add3A_71, %dma_start3A_82] : memref<5120x128xf32, #tpu.memory_space<hbm>> -> memref<32x128xf32, #tpu.memory_space<hbm>>
        tpu.enqueue_dma source(%arg18 : memref<32x128xf32, #tpu.memory_space<vmem>>) target(%dma_start3A_83 : memref<32x128xf32, #tpu.memory_space<hbm>>) target_semaphore(%run_scoped3A : memref<!tpu.dma_semaphore, #tpu.memory_space<semaphore_mem>>)
        %dma_wait3A = arith.constant 0 : i32
        %dma_wait3A_84 = tpu.memref_slice %arg8[%add3A_71, %dma_wait3A] : memref<5120x128xf32, #tpu.memory_space<hbm>> -> memref<32x128xf32, #tpu.memory_space<hbm>>
        %dma_wait3A_85 = arith.constant 0 : i32
        %dma_wait3A_86 = tpu.memref_slice %arg8[%add3A_71, %dma_wait3A_85] : memref<5120x128xf32, #tpu.memory_space<hbm>> -> memref<32x128xf32, #tpu.memory_space<hbm>>
        tpu.wait_dma2 semaphore(%run_scoped3A : memref<!tpu.dma_semaphore, #tpu.memory_space<semaphore_mem>>) src(%arg18 : memref<32x128xf32, #tpu.memory_space<vmem>>) dst(%dma_wait3A_86 : memref<32x128xf32, #tpu.memory_space<hbm>>)
        tpu.yield
      }) : () -> ()
      "tpu.region"() ({
        %run_scoped3A = tpu.sem_alloc : memref<!tpu.dma_semaphore, #tpu.memory_space<semaphore_mem>>
        %dma_start3A_80 = arith.constant 0 : i32
        %dma_start3A_81 = tpu.memref_slice %arg20[%add3A_71, %dma_start3A_80] : memref<5120x128xf32, #tpu.memory_space<vmem_shared>> -> memref<32x128xf32, #tpu.memory_space<vmem_shared>>
        %dma_start3A_82 = arith.constant 0 : i32
        %dma_start3A_83 = tpu.memref_slice %arg20[%add3A_71, %dma_start3A_82] : memref<5120x128xf32, #tpu.memory_space<vmem_shared>> -> memref<32x128xf32, #tpu.memory_space<vmem_shared>>
        tpu.enqueue_dma source(%dma_start3A_83 : memref<32x128xf32, #tpu.memory_space<vmem_shared>>) target(%arg18 : memref<32x128xf32, #tpu.memory_space<vmem>>) target_semaphore(%run_scoped3A : memref<!tpu.dma_semaphore, #tpu.memory_space<semaphore_mem>>)
        %dma_wait3A = arith.constant 0 : i32
        %dma_wait3A_84 = tpu.memref_slice %arg20[%add3A_71, %dma_wait3A] : memref<5120x128xf32, #tpu.memory_space<vmem_shared>> -> memref<32x128xf32, #tpu.memory_space<vmem_shared>>
        %dma_wait3A_85 = arith.constant 0 : i32
        %dma_wait3A_86 = tpu.memref_slice %arg20[%add3A_71, %dma_wait3A_85] : memref<5120x128xf32, #tpu.memory_space<vmem_shared>> -> memref<32x128xf32, #tpu.memory_space<vmem_shared>>
        tpu.wait_dma2 semaphore(%run_scoped3A : memref<!tpu.dma_semaphore, #tpu.memory_space<semaphore_mem>>) src(%dma_wait3A_86 : memref<32x128xf32, #tpu.memory_space<vmem_shared>>) dst(%arg18 : memref<32x128xf32, #tpu.memory_space<vmem>>)
        tpu.yield
      }) : () -> ()
      "tpu.region"() ({
        %run_scoped3A = tpu.sem_alloc : memref<!tpu.dma_semaphore, #tpu.memory_space<semaphore_mem>>
        %dma_start3A_80 = arith.constant 0 : i32
        %dma_start3A_81 = tpu.memref_slice %arg10[%add3A_71, %dma_start3A_80] : memref<5120x128xf32, #tpu.memory_space<hbm>> -> memref<32x128xf32, #tpu.memory_space<hbm>>
        %dma_start3A_82 = arith.constant 0 : i32
        %dma_start3A_83 = tpu.memref_slice %arg10[%add3A_71, %dma_start3A_82] : memref<5120x128xf32, #tpu.memory_space<hbm>> -> memref<32x128xf32, #tpu.memory_space<hbm>>
        tpu.enqueue_dma source(%arg18 : memref<32x128xf32, #tpu.memory_space<vmem>>) target(%dma_start3A_83 : memref<32x128xf32, #tpu.memory_space<hbm>>) target_semaphore(%run_scoped3A : memref<!tpu.dma_semaphore, #tpu.memory_space<semaphore_mem>>)
        %dma_wait3A = arith.constant 0 : i32
        %dma_wait3A_84 = tpu.memref_slice %arg10[%add3A_71, %dma_wait3A] : memref<5120x128xf32, #tpu.memory_space<hbm>> -> memref<32x128xf32, #tpu.memory_space<hbm>>
        %dma_wait3A_85 = arith.constant 0 : i32
        %dma_wait3A_86 = tpu.memref_slice %arg10[%add3A_71, %dma_wait3A_85] : memref<5120x128xf32, #tpu.memory_space<hbm>> -> memref<32x128xf32, #tpu.memory_space<hbm>>
        tpu.wait_dma2 semaphore(%run_scoped3A : memref<!tpu.dma_semaphore, #tpu.memory_space<semaphore_mem>>) src(%arg18 : memref<32x128xf32, #tpu.memory_space<vmem>>) dst(%dma_wait3A_86 : memref<32x128xf32, #tpu.memory_space<hbm>>)
        tpu.yield
      }) : () -> ()
      %add3A_72 = arith.constant 192 : i32
      %add3A_73 = arith.addi %mul3A_2, %add3A_72 : i32
      "tpu.region"() ({
        %run_scoped3A = tpu.sem_alloc : memref<!tpu.dma_semaphore, #tpu.memory_space<semaphore_mem>>
        %dma_start3A_80 = arith.constant 0 : i32
        %dma_start3A_81 = tpu.memref_slice %arg19[%add3A_73, %dma_start3A_80] : memref<5120x128xf32, #tpu.memory_space<vmem_shared>> -> memref<32x128xf32, #tpu.memory_space<vmem_shared>>
        %dma_start3A_82 = arith.constant 0 : i32
        %dma_start3A_83 = tpu.memref_slice %arg19[%add3A_73, %dma_start3A_82] : memref<5120x128xf32, #tpu.memory_space<vmem_shared>> -> memref<32x128xf32, #tpu.memory_space<vmem_shared>>
        tpu.enqueue_dma source(%dma_start3A_83 : memref<32x128xf32, #tpu.memory_space<vmem_shared>>) target(%arg18 : memref<32x128xf32, #tpu.memory_space<vmem>>) target_semaphore(%run_scoped3A : memref<!tpu.dma_semaphore, #tpu.memory_space<semaphore_mem>>)
        %dma_wait3A = arith.constant 0 : i32
        %dma_wait3A_84 = tpu.memref_slice %arg19[%add3A_73, %dma_wait3A] : memref<5120x128xf32, #tpu.memory_space<vmem_shared>> -> memref<32x128xf32, #tpu.memory_space<vmem_shared>>
        %dma_wait3A_85 = arith.constant 0 : i32
        %dma_wait3A_86 = tpu.memref_slice %arg19[%add3A_73, %dma_wait3A_85] : memref<5120x128xf32, #tpu.memory_space<vmem_shared>> -> memref<32x128xf32, #tpu.memory_space<vmem_shared>>
        tpu.wait_dma2 semaphore(%run_scoped3A : memref<!tpu.dma_semaphore, #tpu.memory_space<semaphore_mem>>) src(%dma_wait3A_86 : memref<32x128xf32, #tpu.memory_space<vmem_shared>>) dst(%arg18 : memref<32x128xf32, #tpu.memory_space<vmem>>)
        tpu.yield
      }) : () -> ()
      "tpu.region"() ({
        %run_scoped3A = tpu.sem_alloc : memref<!tpu.dma_semaphore, #tpu.memory_space<semaphore_mem>>
        %dma_start3A_80 = arith.constant 0 : i32
        %dma_start3A_81 = tpu.memref_slice %arg8[%add3A_73, %dma_start3A_80] : memref<5120x128xf32, #tpu.memory_space<hbm>> -> memref<32x128xf32, #tpu.memory_space<hbm>>
        %dma_start3A_82 = arith.constant 0 : i32
        %dma_start3A_83 = tpu.memref_slice %arg8[%add3A_73, %dma_start3A_82] : memref<5120x128xf32, #tpu.memory_space<hbm>> -> memref<32x128xf32, #tpu.memory_space<hbm>>
        tpu.enqueue_dma source(%arg18 : memref<32x128xf32, #tpu.memory_space<vmem>>) target(%dma_start3A_83 : memref<32x128xf32, #tpu.memory_space<hbm>>) target_semaphore(%run_scoped3A : memref<!tpu.dma_semaphore, #tpu.memory_space<semaphore_mem>>)
        %dma_wait3A = arith.constant 0 : i32
        %dma_wait3A_84 = tpu.memref_slice %arg8[%add3A_73, %dma_wait3A] : memref<5120x128xf32, #tpu.memory_space<hbm>> -> memref<32x128xf32, #tpu.memory_space<hbm>>
        %dma_wait3A_85 = arith.constant 0 : i32
        %dma_wait3A_86 = tpu.memref_slice %arg8[%add3A_73, %dma_wait3A_85] : memref<5120x128xf32, #tpu.memory_space<hbm>> -> memref<32x128xf32, #tpu.memory_space<hbm>>
        tpu.wait_dma2 semaphore(%run_scoped3A : memref<!tpu.dma_semaphore, #tpu.memory_space<semaphore_mem>>) src(%arg18 : memref<32x128xf32, #tpu.memory_space<vmem>>) dst(%dma_wait3A_86 : memref<32x128xf32, #tpu.memory_space<hbm>>)
        tpu.yield
      }) : () -> ()
      "tpu.region"() ({
        %run_scoped3A = tpu.sem_alloc : memref<!tpu.dma_semaphore, #tpu.memory_space<semaphore_mem>>
        %dma_start3A_80 = arith.constant 0 : i32
        %dma_start3A_81 = tpu.memref_slice %arg20[%add3A_73, %dma_start3A_80] : memref<5120x128xf32, #tpu.memory_space<vmem_shared>> -> memref<32x128xf32, #tpu.memory_space<vmem_shared>>
        %dma_start3A_82 = arith.constant 0 : i32
        %dma_start3A_83 = tpu.memref_slice %arg20[%add3A_73, %dma_start3A_82] : memref<5120x128xf32, #tpu.memory_space<vmem_shared>> -> memref<32x128xf32, #tpu.memory_space<vmem_shared>>
        tpu.enqueue_dma source(%dma_start3A_83 : memref<32x128xf32, #tpu.memory_space<vmem_shared>>) target(%arg18 : memref<32x128xf32, #tpu.memory_space<vmem>>) target_semaphore(%run_scoped3A : memref<!tpu.dma_semaphore, #tpu.memory_space<semaphore_mem>>)
        %dma_wait3A = arith.constant 0 : i32
        %dma_wait3A_84 = tpu.memref_slice %arg20[%add3A_73, %dma_wait3A] : memref<5120x128xf32, #tpu.memory_space<vmem_shared>> -> memref<32x128xf32, #tpu.memory_space<vmem_shared>>
        %dma_wait3A_85 = arith.constant 0 : i32
        %dma_wait3A_86 = tpu.memref_slice %arg20[%add3A_73, %dma_wait3A_85] : memref<5120x128xf32, #tpu.memory_space<vmem_shared>> -> memref<32x128xf32, #tpu.memory_space<vmem_shared>>
        tpu.wait_dma2 semaphore(%run_scoped3A : memref<!tpu.dma_semaphore, #tpu.memory_space<semaphore_mem>>) src(%dma_wait3A_86 : memref<32x128xf32, #tpu.memory_space<vmem_shared>>) dst(%arg18 : memref<32x128xf32, #tpu.memory_space<vmem>>)
        tpu.yield
      }) : () -> ()
      "tpu.region"() ({
        %run_scoped3A = tpu.sem_alloc : memref<!tpu.dma_semaphore, #tpu.memory_space<semaphore_mem>>
        %dma_start3A_80 = arith.constant 0 : i32
        %dma_start3A_81 = tpu.memref_slice %arg10[%add3A_73, %dma_start3A_80] : memref<5120x128xf32, #tpu.memory_space<hbm>> -> memref<32x128xf32, #tpu.memory_space<hbm>>
        %dma_start3A_82 = arith.constant 0 : i32
        %dma_start3A_83 = tpu.memref_slice %arg10[%add3A_73, %dma_start3A_82] : memref<5120x128xf32, #tpu.memory_space<hbm>> -> memref<32x128xf32, #tpu.memory_space<hbm>>
        tpu.enqueue_dma source(%arg18 : memref<32x128xf32, #tpu.memory_space<vmem>>) target(%dma_start3A_83 : memref<32x128xf32, #tpu.memory_space<hbm>>) target_semaphore(%run_scoped3A : memref<!tpu.dma_semaphore, #tpu.memory_space<semaphore_mem>>)
        %dma_wait3A = arith.constant 0 : i32
        %dma_wait3A_84 = tpu.memref_slice %arg10[%add3A_73, %dma_wait3A] : memref<5120x128xf32, #tpu.memory_space<hbm>> -> memref<32x128xf32, #tpu.memory_space<hbm>>
        %dma_wait3A_85 = arith.constant 0 : i32
        %dma_wait3A_86 = tpu.memref_slice %arg10[%add3A_73, %dma_wait3A_85] : memref<5120x128xf32, #tpu.memory_space<hbm>> -> memref<32x128xf32, #tpu.memory_space<hbm>>
        tpu.wait_dma2 semaphore(%run_scoped3A : memref<!tpu.dma_semaphore, #tpu.memory_space<semaphore_mem>>) src(%arg18 : memref<32x128xf32, #tpu.memory_space<vmem>>) dst(%dma_wait3A_86 : memref<32x128xf32, #tpu.memory_space<hbm>>)
        tpu.yield
      }) : () -> ()
      %add3A_74 = arith.constant 224 : i32
      %add3A_75 = arith.addi %mul3A_2, %add3A_74 : i32
      "tpu.region"() ({
        %run_scoped3A = tpu.sem_alloc : memref<!tpu.dma_semaphore, #tpu.memory_space<semaphore_mem>>
        %dma_start3A_80 = arith.constant 0 : i32
        %dma_start3A_81 = tpu.memref_slice %arg19[%add3A_75, %dma_start3A_80] : memref<5120x128xf32, #tpu.memory_space<vmem_shared>> -> memref<32x128xf32, #tpu.memory_space<vmem_shared>>
        %dma_start3A_82 = arith.constant 0 : i32
        %dma_start3A_83 = tpu.memref_slice %arg19[%add3A_75, %dma_start3A_82] : memref<5120x128xf32, #tpu.memory_space<vmem_shared>> -> memref<32x128xf32, #tpu.memory_space<vmem_shared>>
        tpu.enqueue_dma source(%dma_start3A_83 : memref<32x128xf32, #tpu.memory_space<vmem_shared>>) target(%arg18 : memref<32x128xf32, #tpu.memory_space<vmem>>) target_semaphore(%run_scoped3A : memref<!tpu.dma_semaphore, #tpu.memory_space<semaphore_mem>>)
        %dma_wait3A = arith.constant 0 : i32
        %dma_wait3A_84 = tpu.memref_slice %arg19[%add3A_75, %dma_wait3A] : memref<5120x128xf32, #tpu.memory_space<vmem_shared>> -> memref<32x128xf32, #tpu.memory_space<vmem_shared>>
        %dma_wait3A_85 = arith.constant 0 : i32
        %dma_wait3A_86 = tpu.memref_slice %arg19[%add3A_75, %dma_wait3A_85] : memref<5120x128xf32, #tpu.memory_space<vmem_shared>> -> memref<32x128xf32, #tpu.memory_space<vmem_shared>>
        tpu.wait_dma2 semaphore(%run_scoped3A : memref<!tpu.dma_semaphore, #tpu.memory_space<semaphore_mem>>) src(%dma_wait3A_86 : memref<32x128xf32, #tpu.memory_space<vmem_shared>>) dst(%arg18 : memref<32x128xf32, #tpu.memory_space<vmem>>)
        tpu.yield
      }) : () -> ()
      "tpu.region"() ({
        %run_scoped3A = tpu.sem_alloc : memref<!tpu.dma_semaphore, #tpu.memory_space<semaphore_mem>>
        %dma_start3A_80 = arith.constant 0 : i32
        %dma_start3A_81 = tpu.memref_slice %arg8[%add3A_75, %dma_start3A_80] : memref<5120x128xf32, #tpu.memory_space<hbm>> -> memref<32x128xf32, #tpu.memory_space<hbm>>
        %dma_start3A_82 = arith.constant 0 : i32
        %dma_start3A_83 = tpu.memref_slice %arg8[%add3A_75, %dma_start3A_82] : memref<5120x128xf32, #tpu.memory_space<hbm>> -> memref<32x128xf32, #tpu.memory_space<hbm>>
        tpu.enqueue_dma source(%arg18 : memref<32x128xf32, #tpu.memory_space<vmem>>) target(%dma_start3A_83 : memref<32x128xf32, #tpu.memory_space<hbm>>) target_semaphore(%run_scoped3A : memref<!tpu.dma_semaphore, #tpu.memory_space<semaphore_mem>>)
        %dma_wait3A = arith.constant 0 : i32
        %dma_wait3A_84 = tpu.memref_slice %arg8[%add3A_75, %dma_wait3A] : memref<5120x128xf32, #tpu.memory_space<hbm>> -> memref<32x128xf32, #tpu.memory_space<hbm>>
        %dma_wait3A_85 = arith.constant 0 : i32
        %dma_wait3A_86 = tpu.memref_slice %arg8[%add3A_75, %dma_wait3A_85] : memref<5120x128xf32, #tpu.memory_space<hbm>> -> memref<32x128xf32, #tpu.memory_space<hbm>>
        tpu.wait_dma2 semaphore(%run_scoped3A : memref<!tpu.dma_semaphore, #tpu.memory_space<semaphore_mem>>) src(%arg18 : memref<32x128xf32, #tpu.memory_space<vmem>>) dst(%dma_wait3A_86 : memref<32x128xf32, #tpu.memory_space<hbm>>)
        tpu.yield
      }) : () -> ()
      "tpu.region"() ({
        %run_scoped3A = tpu.sem_alloc : memref<!tpu.dma_semaphore, #tpu.memory_space<semaphore_mem>>
        %dma_start3A_80 = arith.constant 0 : i32
        %dma_start3A_81 = tpu.memref_slice %arg20[%add3A_75, %dma_start3A_80] : memref<5120x128xf32, #tpu.memory_space<vmem_shared>> -> memref<32x128xf32, #tpu.memory_space<vmem_shared>>
        %dma_start3A_82 = arith.constant 0 : i32
        %dma_start3A_83 = tpu.memref_slice %arg20[%add3A_75, %dma_start3A_82] : memref<5120x128xf32, #tpu.memory_space<vmem_shared>> -> memref<32x128xf32, #tpu.memory_space<vmem_shared>>
        tpu.enqueue_dma source(%dma_start3A_83 : memref<32x128xf32, #tpu.memory_space<vmem_shared>>) target(%arg18 : memref<32x128xf32, #tpu.memory_space<vmem>>) target_semaphore(%run_scoped3A : memref<!tpu.dma_semaphore, #tpu.memory_space<semaphore_mem>>)
        %dma_wait3A = arith.constant 0 : i32
        %dma_wait3A_84 = tpu.memref_slice %arg20[%add3A_75, %dma_wait3A] : memref<5120x128xf32, #tpu.memory_space<vmem_shared>> -> memref<32x128xf32, #tpu.memory_space<vmem_shared>>
        %dma_wait3A_85 = arith.constant 0 : i32
        %dma_wait3A_86 = tpu.memref_slice %arg20[%add3A_75, %dma_wait3A_85] : memref<5120x128xf32, #tpu.memory_space<vmem_shared>> -> memref<32x128xf32, #tpu.memory_space<vmem_shared>>
        tpu.wait_dma2 semaphore(%run_scoped3A : memref<!tpu.dma_semaphore, #tpu.memory_space<semaphore_mem>>) src(%dma_wait3A_86 : memref<32x128xf32, #tpu.memory_space<vmem_shared>>) dst(%arg18 : memref<32x128xf32, #tpu.memory_space<vmem>>)
        tpu.yield
      }) : () -> ()
      "tpu.region"() ({
        %run_scoped3A = tpu.sem_alloc : memref<!tpu.dma_semaphore, #tpu.memory_space<semaphore_mem>>
        %dma_start3A_80 = arith.constant 0 : i32
        %dma_start3A_81 = tpu.memref_slice %arg10[%add3A_75, %dma_start3A_80] : memref<5120x128xf32, #tpu.memory_space<hbm>> -> memref<32x128xf32, #tpu.memory_space<hbm>>
        %dma_start3A_82 = arith.constant 0 : i32
        %dma_start3A_83 = tpu.memref_slice %arg10[%add3A_75, %dma_start3A_82] : memref<5120x128xf32, #tpu.memory_space<hbm>> -> memref<32x128xf32, #tpu.memory_space<hbm>>
        tpu.enqueue_dma source(%arg18 : memref<32x128xf32, #tpu.memory_space<vmem>>) target(%dma_start3A_83 : memref<32x128xf32, #tpu.memory_space<hbm>>) target_semaphore(%run_scoped3A : memref<!tpu.dma_semaphore, #tpu.memory_space<semaphore_mem>>)
        %dma_wait3A = arith.constant 0 : i32
        %dma_wait3A_84 = tpu.memref_slice %arg10[%add3A_75, %dma_wait3A] : memref<5120x128xf32, #tpu.memory_space<hbm>> -> memref<32x128xf32, #tpu.memory_space<hbm>>
        %dma_wait3A_85 = arith.constant 0 : i32
        %dma_wait3A_86 = tpu.memref_slice %arg10[%add3A_75, %dma_wait3A_85] : memref<5120x128xf32, #tpu.memory_space<hbm>> -> memref<32x128xf32, #tpu.memory_space<hbm>>
        tpu.wait_dma2 semaphore(%run_scoped3A : memref<!tpu.dma_semaphore, #tpu.memory_space<semaphore_mem>>) src(%arg18 : memref<32x128xf32, #tpu.memory_space<vmem>>) dst(%dma_wait3A_86 : memref<32x128xf32, #tpu.memory_space<hbm>>)
        tpu.yield
      }) : () -> ()
      %add3A_76 = arith.constant 256 : i32
      %add3A_77 = arith.addi %mul3A_2, %add3A_76 : i32
      "tpu.region"() ({
        %run_scoped3A = tpu.sem_alloc : memref<!tpu.dma_semaphore, #tpu.memory_space<semaphore_mem>>
        %dma_start3A_80 = arith.constant 0 : i32
        %dma_start3A_81 = tpu.memref_slice %arg19[%add3A_77, %dma_start3A_80] : memref<5120x128xf32, #tpu.memory_space<vmem_shared>> -> memref<32x128xf32, #tpu.memory_space<vmem_shared>>
        %dma_start3A_82 = arith.constant 0 : i32
        %dma_start3A_83 = tpu.memref_slice %arg19[%add3A_77, %dma_start3A_82] : memref<5120x128xf32, #tpu.memory_space<vmem_shared>> -> memref<32x128xf32, #tpu.memory_space<vmem_shared>>
        tpu.enqueue_dma source(%dma_start3A_83 : memref<32x128xf32, #tpu.memory_space<vmem_shared>>) target(%arg18 : memref<32x128xf32, #tpu.memory_space<vmem>>) target_semaphore(%run_scoped3A : memref<!tpu.dma_semaphore, #tpu.memory_space<semaphore_mem>>)
        %dma_wait3A = arith.constant 0 : i32
        %dma_wait3A_84 = tpu.memref_slice %arg19[%add3A_77, %dma_wait3A] : memref<5120x128xf32, #tpu.memory_space<vmem_shared>> -> memref<32x128xf32, #tpu.memory_space<vmem_shared>>
        %dma_wait3A_85 = arith.constant 0 : i32
        %dma_wait3A_86 = tpu.memref_slice %arg19[%add3A_77, %dma_wait3A_85] : memref<5120x128xf32, #tpu.memory_space<vmem_shared>> -> memref<32x128xf32, #tpu.memory_space<vmem_shared>>
        tpu.wait_dma2 semaphore(%run_scoped3A : memref<!tpu.dma_semaphore, #tpu.memory_space<semaphore_mem>>) src(%dma_wait3A_86 : memref<32x128xf32, #tpu.memory_space<vmem_shared>>) dst(%arg18 : memref<32x128xf32, #tpu.memory_space<vmem>>)
        tpu.yield
      }) : () -> ()
      "tpu.region"() ({
        %run_scoped3A = tpu.sem_alloc : memref<!tpu.dma_semaphore, #tpu.memory_space<semaphore_mem>>
        %dma_start3A_80 = arith.constant 0 : i32
        %dma_start3A_81 = tpu.memref_slice %arg8[%add3A_77, %dma_start3A_80] : memref<5120x128xf32, #tpu.memory_space<hbm>> -> memref<32x128xf32, #tpu.memory_space<hbm>>
        %dma_start3A_82 = arith.constant 0 : i32
        %dma_start3A_83 = tpu.memref_slice %arg8[%add3A_77, %dma_start3A_82] : memref<5120x128xf32, #tpu.memory_space<hbm>> -> memref<32x128xf32, #tpu.memory_space<hbm>>
        tpu.enqueue_dma source(%arg18 : memref<32x128xf32, #tpu.memory_space<vmem>>) target(%dma_start3A_83 : memref<32x128xf32, #tpu.memory_space<hbm>>) target_semaphore(%run_scoped3A : memref<!tpu.dma_semaphore, #tpu.memory_space<semaphore_mem>>)
        %dma_wait3A = arith.constant 0 : i32
        %dma_wait3A_84 = tpu.memref_slice %arg8[%add3A_77, %dma_wait3A] : memref<5120x128xf32, #tpu.memory_space<hbm>> -> memref<32x128xf32, #tpu.memory_space<hbm>>
        %dma_wait3A_85 = arith.constant 0 : i32
        %dma_wait3A_86 = tpu.memref_slice %arg8[%add3A_77, %dma_wait3A_85] : memref<5120x128xf32, #tpu.memory_space<hbm>> -> memref<32x128xf32, #tpu.memory_space<hbm>>
        tpu.wait_dma2 semaphore(%run_scoped3A : memref<!tpu.dma_semaphore, #tpu.memory_space<semaphore_mem>>) src(%arg18 : memref<32x128xf32, #tpu.memory_space<vmem>>) dst(%dma_wait3A_86 : memref<32x128xf32, #tpu.memory_space<hbm>>)
        tpu.yield
      }) : () -> ()
      "tpu.region"() ({
        %run_scoped3A = tpu.sem_alloc : memref<!tpu.dma_semaphore, #tpu.memory_space<semaphore_mem>>
        %dma_start3A_80 = arith.constant 0 : i32
        %dma_start3A_81 = tpu.memref_slice %arg20[%add3A_77, %dma_start3A_80] : memref<5120x128xf32, #tpu.memory_space<vmem_shared>> -> memref<32x128xf32, #tpu.memory_space<vmem_shared>>
        %dma_start3A_82 = arith.constant 0 : i32
        %dma_start3A_83 = tpu.memref_slice %arg20[%add3A_77, %dma_start3A_82] : memref<5120x128xf32, #tpu.memory_space<vmem_shared>> -> memref<32x128xf32, #tpu.memory_space<vmem_shared>>
        tpu.enqueue_dma source(%dma_start3A_83 : memref<32x128xf32, #tpu.memory_space<vmem_shared>>) target(%arg18 : memref<32x128xf32, #tpu.memory_space<vmem>>) target_semaphore(%run_scoped3A : memref<!tpu.dma_semaphore, #tpu.memory_space<semaphore_mem>>)
        %dma_wait3A = arith.constant 0 : i32
        %dma_wait3A_84 = tpu.memref_slice %arg20[%add3A_77, %dma_wait3A] : memref<5120x128xf32, #tpu.memory_space<vmem_shared>> -> memref<32x128xf32, #tpu.memory_space<vmem_shared>>
        %dma_wait3A_85 = arith.constant 0 : i32
        %dma_wait3A_86 = tpu.memref_slice %arg20[%add3A_77, %dma_wait3A_85] : memref<5120x128xf32, #tpu.memory_space<vmem_shared>> -> memref<32x128xf32, #tpu.memory_space<vmem_shared>>
        tpu.wait_dma2 semaphore(%run_scoped3A : memref<!tpu.dma_semaphore, #tpu.memory_space<semaphore_mem>>) src(%dma_wait3A_86 : memref<32x128xf32, #tpu.memory_space<vmem_shared>>) dst(%arg18 : memref<32x128xf32, #tpu.memory_space<vmem>>)
        tpu.yield
      }) : () -> ()
      "tpu.region"() ({
        %run_scoped3A = tpu.sem_alloc : memref<!tpu.dma_semaphore, #tpu.memory_space<semaphore_mem>>
        %dma_start3A_80 = arith.constant 0 : i32
        %dma_start3A_81 = tpu.memref_slice %arg10[%add3A_77, %dma_start3A_80] : memref<5120x128xf32, #tpu.memory_space<hbm>> -> memref<32x128xf32, #tpu.memory_space<hbm>>
        %dma_start3A_82 = arith.constant 0 : i32
        %dma_start3A_83 = tpu.memref_slice %arg10[%add3A_77, %dma_start3A_82] : memref<5120x128xf32, #tpu.memory_space<hbm>> -> memref<32x128xf32, #tpu.memory_space<hbm>>
        tpu.enqueue_dma source(%arg18 : memref<32x128xf32, #tpu.memory_space<vmem>>) target(%dma_start3A_83 : memref<32x128xf32, #tpu.memory_space<hbm>>) target_semaphore(%run_scoped3A : memref<!tpu.dma_semaphore, #tpu.memory_space<semaphore_mem>>)
        %dma_wait3A = arith.constant 0 : i32
        %dma_wait3A_84 = tpu.memref_slice %arg10[%add3A_77, %dma_wait3A] : memref<5120x128xf32, #tpu.memory_space<hbm>> -> memref<32x128xf32, #tpu.memory_space<hbm>>
        %dma_wait3A_85 = arith.constant 0 : i32
        %dma_wait3A_86 = tpu.memref_slice %arg10[%add3A_77, %dma_wait3A_85] : memref<5120x128xf32, #tpu.memory_space<hbm>> -> memref<32x128xf32, #tpu.memory_space<hbm>>
        tpu.wait_dma2 semaphore(%run_scoped3A : memref<!tpu.dma_semaphore, #tpu.memory_space<semaphore_mem>>) src(%arg18 : memref<32x128xf32, #tpu.memory_space<vmem>>) dst(%dma_wait3A_86 : memref<32x128xf32, #tpu.memory_space<hbm>>)
        tpu.yield
      }) : () -> ()
      %add3A_78 = arith.constant 288 : i32
      %add3A_79 = arith.addi %mul3A_2, %add3A_78 : i32
      "tpu.region"() ({
        %run_scoped3A = tpu.sem_alloc : memref<!tpu.dma_semaphore, #tpu.memory_space<semaphore_mem>>
        %dma_start3A_80 = arith.constant 0 : i32
        %dma_start3A_81 = tpu.memref_slice %arg19[%add3A_79, %dma_start3A_80] : memref<5120x128xf32, #tpu.memory_space<vmem_shared>> -> memref<32x128xf32, #tpu.memory_space<vmem_shared>>
        %dma_start3A_82 = arith.constant 0 : i32
        %dma_start3A_83 = tpu.memref_slice %arg19[%add3A_79, %dma_start3A_82] : memref<5120x128xf32, #tpu.memory_space<vmem_shared>> -> memref<32x128xf32, #tpu.memory_space<vmem_shared>>
        tpu.enqueue_dma source(%dma_start3A_83 : memref<32x128xf32, #tpu.memory_space<vmem_shared>>) target(%arg18 : memref<32x128xf32, #tpu.memory_space<vmem>>) target_semaphore(%run_scoped3A : memref<!tpu.dma_semaphore, #tpu.memory_space<semaphore_mem>>)
        %dma_wait3A = arith.constant 0 : i32
        %dma_wait3A_84 = tpu.memref_slice %arg19[%add3A_79, %dma_wait3A] : memref<5120x128xf32, #tpu.memory_space<vmem_shared>> -> memref<32x128xf32, #tpu.memory_space<vmem_shared>>
        %dma_wait3A_85 = arith.constant 0 : i32
        %dma_wait3A_86 = tpu.memref_slice %arg19[%add3A_79, %dma_wait3A_85] : memref<5120x128xf32, #tpu.memory_space<vmem_shared>> -> memref<32x128xf32, #tpu.memory_space<vmem_shared>>
        tpu.wait_dma2 semaphore(%run_scoped3A : memref<!tpu.dma_semaphore, #tpu.memory_space<semaphore_mem>>) src(%dma_wait3A_86 : memref<32x128xf32, #tpu.memory_space<vmem_shared>>) dst(%arg18 : memref<32x128xf32, #tpu.memory_space<vmem>>)
        tpu.yield
      }) : () -> ()
      "tpu.region"() ({
        %run_scoped3A = tpu.sem_alloc : memref<!tpu.dma_semaphore, #tpu.memory_space<semaphore_mem>>
        %dma_start3A_80 = arith.constant 0 : i32
        %dma_start3A_81 = tpu.memref_slice %arg8[%add3A_79, %dma_start3A_80] : memref<5120x128xf32, #tpu.memory_space<hbm>> -> memref<32x128xf32, #tpu.memory_space<hbm>>
        %dma_start3A_82 = arith.constant 0 : i32
        %dma_start3A_83 = tpu.memref_slice %arg8[%add3A_79, %dma_start3A_82] : memref<5120x128xf32, #tpu.memory_space<hbm>> -> memref<32x128xf32, #tpu.memory_space<hbm>>
        tpu.enqueue_dma source(%arg18 : memref<32x128xf32, #tpu.memory_space<vmem>>) target(%dma_start3A_83 : memref<32x128xf32, #tpu.memory_space<hbm>>) target_semaphore(%run_scoped3A : memref<!tpu.dma_semaphore, #tpu.memory_space<semaphore_mem>>)
        %dma_wait3A = arith.constant 0 : i32
        %dma_wait3A_84 = tpu.memref_slice %arg8[%add3A_79, %dma_wait3A] : memref<5120x128xf32, #tpu.memory_space<hbm>> -> memref<32x128xf32, #tpu.memory_space<hbm>>
        %dma_wait3A_85 = arith.constant 0 : i32
        %dma_wait3A_86 = tpu.memref_slice %arg8[%add3A_79, %dma_wait3A_85] : memref<5120x128xf32, #tpu.memory_space<hbm>> -> memref<32x128xf32, #tpu.memory_space<hbm>>
        tpu.wait_dma2 semaphore(%run_scoped3A : memref<!tpu.dma_semaphore, #tpu.memory_space<semaphore_mem>>) src(%arg18 : memref<32x128xf32, #tpu.memory_space<vmem>>) dst(%dma_wait3A_86 : memref<32x128xf32, #tpu.memory_space<hbm>>)
        tpu.yield
      }) : () -> ()
      "tpu.region"() ({
        %run_scoped3A = tpu.sem_alloc : memref<!tpu.dma_semaphore, #tpu.memory_space<semaphore_mem>>
        %dma_start3A_80 = arith.constant 0 : i32
        %dma_start3A_81 = tpu.memref_slice %arg20[%add3A_79, %dma_start3A_80] : memref<5120x128xf32, #tpu.memory_space<vmem_shared>> -> memref<32x128xf32, #tpu.memory_space<vmem_shared>>
        %dma_start3A_82 = arith.constant 0 : i32
        %dma_start3A_83 = tpu.memref_slice %arg20[%add3A_79, %dma_start3A_82] : memref<5120x128xf32, #tpu.memory_space<vmem_shared>> -> memref<32x128xf32, #tpu.memory_space<vmem_shared>>
        tpu.enqueue_dma source(%dma_start3A_83 : memref<32x128xf32, #tpu.memory_space<vmem_shared>>) target(%arg18 : memref<32x128xf32, #tpu.memory_space<vmem>>) target_semaphore(%run_scoped3A : memref<!tpu.dma_semaphore, #tpu.memory_space<semaphore_mem>>)
        %dma_wait3A = arith.constant 0 : i32
        %dma_wait3A_84 = tpu.memref_slice %arg20[%add3A_79, %dma_wait3A] : memref<5120x128xf32, #tpu.memory_space<vmem_shared>> -> memref<32x128xf32, #tpu.memory_space<vmem_shared>>
        %dma_wait3A_85 = arith.constant 0 : i32
        %dma_wait3A_86 = tpu.memref_slice %arg20[%add3A_79, %dma_wait3A_85] : memref<5120x128xf32, #tpu.memory_space<vmem_shared>> -> memref<32x128xf32, #tpu.memory_space<vmem_shared>>
        tpu.wait_dma2 semaphore(%run_scoped3A : memref<!tpu.dma_semaphore, #tpu.memory_space<semaphore_mem>>) src(%dma_wait3A_86 : memref<32x128xf32, #tpu.memory_space<vmem_shared>>) dst(%arg18 : memref<32x128xf32, #tpu.memory_space<vmem>>)
        tpu.yield
      }) : () -> ()
      "tpu.region"() ({
        %run_scoped3A = tpu.sem_alloc : memref<!tpu.dma_semaphore, #tpu.memory_space<semaphore_mem>>
        %dma_start3A_80 = arith.constant 0 : i32
        %dma_start3A_81 = tpu.memref_slice %arg10[%add3A_79, %dma_start3A_80] : memref<5120x128xf32, #tpu.memory_space<hbm>> -> memref<32x128xf32, #tpu.memory_space<hbm>>
        %dma_start3A_82 = arith.constant 0 : i32
        %dma_start3A_83 = tpu.memref_slice %arg10[%add3A_79, %dma_start3A_82] : memref<5120x128xf32, #tpu.memory_space<hbm>> -> memref<32x128xf32, #tpu.memory_space<hbm>>
        tpu.enqueue_dma source(%arg18 : memref<32x128xf32, #tpu.memory_space<vmem>>) target(%dma_start3A_83 : memref<32x128xf32, #tpu.memory_space<hbm>>) target_semaphore(%run_scoped3A : memref<!tpu.dma_semaphore, #tpu.memory_space<semaphore_mem>>)
        %dma_wait3A = arith.constant 0 : i32
        %dma_wait3A_84 = tpu.memref_slice %arg10[%add3A_79, %dma_wait3A] : memref<5120x128xf32, #tpu.memory_space<hbm>> -> memref<32x128xf32, #tpu.memory_space<hbm>>
        %dma_wait3A_85 = arith.constant 0 : i32
        %dma_wait3A_86 = tpu.memref_slice %arg10[%add3A_79, %dma_wait3A_85] : memref<5120x128xf32, #tpu.memory_space<hbm>> -> memref<32x128xf32, #tpu.memory_space<hbm>>
        tpu.wait_dma2 semaphore(%run_scoped3A : memref<!tpu.dma_semaphore, #tpu.memory_space<semaphore_mem>>) src(%arg18 : memref<32x128xf32, #tpu.memory_space<vmem>>) dst(%dma_wait3A_86 : memref<32x128xf32, #tpu.memory_space<hbm>>)
        tpu.yield
      }) : () -> ()
    } else {
    }
    return
  }
}

#map = affine_map<(d0, d1) -> (0, 0)>
#map1 = affine_map<(d0, d1) -> (0)>
module attributes {stable_mosaic.version = 14 : i64} {
  func.func @k(%arg0: i32, %arg1: i32, %arg2: memref<5120x128xf32, #tpu.memory_space<hbm>>, %arg3: memref<65536xi32, #tpu.memory_space<hbm>>, %arg4: memref<65536xi32, #tpu.memory_space<hbm>>, %arg5: memref<32x128xf32, #tpu.memory_space<hbm>>, %arg6: memref<128x128xf32, #tpu.memory_space<hbm>>, %arg7: memref<2048x128xf32, #tpu.memory_space<hbm>>, %arg8: memref<2048x128xf32, #tpu.memory_space<hbm>>, %arg9: memref<2048x128xf32, #tpu.memory_space<hbm>>, %arg10: memref<2048x128xf32, #tpu.memory_space<hbm>>, %arg11: memref<128xi32, #tpu.memory_space<vmem>>, %arg12: memref<128xi32, #tpu.memory_space<vmem>>, %arg13: memref<128xi32, #tpu.memory_space<vmem>>, %arg14: memref<128xi32, #tpu.memory_space<vmem>>, %arg15: memref<128x128xf32, #tpu.memory_space<vmem>>, %arg16: memref<128x128xf32, #tpu.memory_space<vmem>>, %arg17: memref<128x128xf32, #tpu.memory_space<vmem>>, %arg18: memref<32x128xf32, #tpu.memory_space<vmem>>, %arg19: memref<2048x128xf32, #tpu.memory_space<vmem_shared>>, %arg20: memref<2048x128xf32, #tpu.memory_space<vmem_shared>>, %arg21: memref<!tpu.dma_semaphore, #tpu.memory_space<semaphore_mem>>, %arg22: memref<!tpu.dma_semaphore, #tpu.memory_space<semaphore_mem>>) attributes {dimension_semantics = [#tpu.dimension_semantics<core_parallel>, #tpu.dimension_semantics<subcore_parallel>], iteration_bounds = array<i64: 2, 16>, scalar_prefetch = 0 : i64, scratch_operands = 12 : i64, tpu.core_type = #tpu.core_type<sc_vector_subcore>, window_params = [{transform_indices = #map}, {transform_indices = #map1}, {transform_indices = #map1}, {transform_indices = #map}, {transform_indices = #map}, {transform_indices = #map}, {transform_indices = #map}, {transform_indices = #map}, {transform_indices = #map}]} {
    %mul3A = arith.constant 16 : i32
    %mul3A_0 = arith.muli %arg0, %mul3A : i32
    %add3A = arith.addi %mul3A_0, %arg1 : i32
    %mul3A_1 = arith.constant 128 : i32
    %mul3A_2 = arith.muli %arg1, %mul3A_1 : i32
    %mul3A_3 = arith.constant 2048 : i32
    %mul3A_4 = arith.muli %add3A, %mul3A_3 : i32
    "tpu.region"() ({
      %run_scoped3A = tpu.sem_alloc : memref<!tpu.dma_semaphore, #tpu.memory_space<semaphore_mem>>
      tpu.enqueue_dma source(%arg5 : memref<32x128xf32, #tpu.memory_space<hbm>>) target(%arg18 : memref<32x128xf32, #tpu.memory_space<vmem>>) target_semaphore(%run_scoped3A : memref<!tpu.dma_semaphore, #tpu.memory_space<semaphore_mem>>)
      tpu.wait_dma2 semaphore(%run_scoped3A : memref<!tpu.dma_semaphore, #tpu.memory_space<semaphore_mem>>) src(%arg5 : memref<32x128xf32, #tpu.memory_space<hbm>>) dst(%arg18 : memref<32x128xf32, #tpu.memory_space<vmem>>)
      tpu.yield
    }) : () -> ()
    "tpu.region"() ({
      %run_scoped3A = tpu.sem_alloc : memref<!tpu.dma_semaphore, #tpu.memory_space<semaphore_mem>>
      tpu.enqueue_dma source(%arg6 : memref<128x128xf32, #tpu.memory_space<hbm>>) target(%arg17 : memref<128x128xf32, #tpu.memory_space<vmem>>) target_semaphore(%run_scoped3A : memref<!tpu.dma_semaphore, #tpu.memory_space<semaphore_mem>>)
      tpu.wait_dma2 semaphore(%run_scoped3A : memref<!tpu.dma_semaphore, #tpu.memory_space<semaphore_mem>>) src(%arg6 : memref<128x128xf32, #tpu.memory_space<hbm>>) dst(%arg17 : memref<128x128xf32, #tpu.memory_space<vmem>>)
      tpu.yield
    }) : () -> ()
    %add3A_5 = arith.constant 0 : i32
    %add3A_6 = arith.addi %mul3A_2, %add3A_5 : i32
    "tpu.region"() ({
      %run_scoped3A = tpu.sem_alloc : memref<!tpu.dma_semaphore, #tpu.memory_space<semaphore_mem>>
      %dma_start3A_36 = arith.constant 0 : i32
      %dma_start3A_37 = tpu.memref_slice %arg19[%add3A_6, %dma_start3A_36] : memref<2048x128xf32, #tpu.memory_space<vmem_shared>> -> memref<32x128xf32, #tpu.memory_space<vmem_shared>>
      %dma_start3A_38 = arith.constant 0 : i32
      %dma_start3A_39 = tpu.memref_slice %arg19[%add3A_6, %dma_start3A_38] : memref<2048x128xf32, #tpu.memory_space<vmem_shared>> -> memref<32x128xf32, #tpu.memory_space<vmem_shared>>
      tpu.enqueue_dma source(%arg18 : memref<32x128xf32, #tpu.memory_space<vmem>>) target(%dma_start3A_39 : memref<32x128xf32, #tpu.memory_space<vmem_shared>>) target_semaphore(%run_scoped3A : memref<!tpu.dma_semaphore, #tpu.memory_space<semaphore_mem>>)
      %dma_wait3A = arith.constant 0 : i32
      %dma_wait3A_40 = tpu.memref_slice %arg19[%add3A_6, %dma_wait3A] : memref<2048x128xf32, #tpu.memory_space<vmem_shared>> -> memref<32x128xf32, #tpu.memory_space<vmem_shared>>
      %dma_wait3A_41 = arith.constant 0 : i32
      %dma_wait3A_42 = tpu.memref_slice %arg19[%add3A_6, %dma_wait3A_41] : memref<2048x128xf32, #tpu.memory_space<vmem_shared>> -> memref<32x128xf32, #tpu.memory_space<vmem_shared>>
      tpu.wait_dma2 semaphore(%run_scoped3A : memref<!tpu.dma_semaphore, #tpu.memory_space<semaphore_mem>>) src(%arg18 : memref<32x128xf32, #tpu.memory_space<vmem>>) dst(%dma_wait3A_42 : memref<32x128xf32, #tpu.memory_space<vmem_shared>>)
      tpu.yield
    }) : () -> ()
    %add3A_7 = arith.constant 0 : i32
    %add3A_8 = arith.addi %mul3A_2, %add3A_7 : i32
    "tpu.region"() ({
      %run_scoped3A = tpu.sem_alloc : memref<!tpu.dma_semaphore, #tpu.memory_space<semaphore_mem>>
      %dma_start3A_36 = arith.constant 0 : i32
      %dma_start3A_37 = tpu.memref_slice %arg20[%add3A_8, %dma_start3A_36] : memref<2048x128xf32, #tpu.memory_space<vmem_shared>> -> memref<32x128xf32, #tpu.memory_space<vmem_shared>>
      %dma_start3A_38 = arith.constant 0 : i32
      %dma_start3A_39 = tpu.memref_slice %arg20[%add3A_8, %dma_start3A_38] : memref<2048x128xf32, #tpu.memory_space<vmem_shared>> -> memref<32x128xf32, #tpu.memory_space<vmem_shared>>
      tpu.enqueue_dma source(%arg18 : memref<32x128xf32, #tpu.memory_space<vmem>>) target(%dma_start3A_39 : memref<32x128xf32, #tpu.memory_space<vmem_shared>>) target_semaphore(%run_scoped3A : memref<!tpu.dma_semaphore, #tpu.memory_space<semaphore_mem>>)
      %dma_wait3A = arith.constant 0 : i32
      %dma_wait3A_40 = tpu.memref_slice %arg20[%add3A_8, %dma_wait3A] : memref<2048x128xf32, #tpu.memory_space<vmem_shared>> -> memref<32x128xf32, #tpu.memory_space<vmem_shared>>
      %dma_wait3A_41 = arith.constant 0 : i32
      %dma_wait3A_42 = tpu.memref_slice %arg20[%add3A_8, %dma_wait3A_41] : memref<2048x128xf32, #tpu.memory_space<vmem_shared>> -> memref<32x128xf32, #tpu.memory_space<vmem_shared>>
      tpu.wait_dma2 semaphore(%run_scoped3A : memref<!tpu.dma_semaphore, #tpu.memory_space<semaphore_mem>>) src(%arg18 : memref<32x128xf32, #tpu.memory_space<vmem>>) dst(%dma_wait3A_42 : memref<32x128xf32, #tpu.memory_space<vmem_shared>>)
      tpu.yield
    }) : () -> ()
    %add3A_9 = arith.constant 32 : i32
    %add3A_10 = arith.addi %mul3A_2, %add3A_9 : i32
    "tpu.region"() ({
      %run_scoped3A = tpu.sem_alloc : memref<!tpu.dma_semaphore, #tpu.memory_space<semaphore_mem>>
      %dma_start3A_36 = arith.constant 0 : i32
      %dma_start3A_37 = tpu.memref_slice %arg19[%add3A_10, %dma_start3A_36] : memref<2048x128xf32, #tpu.memory_space<vmem_shared>> -> memref<32x128xf32, #tpu.memory_space<vmem_shared>>
      %dma_start3A_38 = arith.constant 0 : i32
      %dma_start3A_39 = tpu.memref_slice %arg19[%add3A_10, %dma_start3A_38] : memref<2048x128xf32, #tpu.memory_space<vmem_shared>> -> memref<32x128xf32, #tpu.memory_space<vmem_shared>>
      tpu.enqueue_dma source(%arg18 : memref<32x128xf32, #tpu.memory_space<vmem>>) target(%dma_start3A_39 : memref<32x128xf32, #tpu.memory_space<vmem_shared>>) target_semaphore(%run_scoped3A : memref<!tpu.dma_semaphore, #tpu.memory_space<semaphore_mem>>)
      %dma_wait3A = arith.constant 0 : i32
      %dma_wait3A_40 = tpu.memref_slice %arg19[%add3A_10, %dma_wait3A] : memref<2048x128xf32, #tpu.memory_space<vmem_shared>> -> memref<32x128xf32, #tpu.memory_space<vmem_shared>>
      %dma_wait3A_41 = arith.constant 0 : i32
      %dma_wait3A_42 = tpu.memref_slice %arg19[%add3A_10, %dma_wait3A_41] : memref<2048x128xf32, #tpu.memory_space<vmem_shared>> -> memref<32x128xf32, #tpu.memory_space<vmem_shared>>
      tpu.wait_dma2 semaphore(%run_scoped3A : memref<!tpu.dma_semaphore, #tpu.memory_space<semaphore_mem>>) src(%arg18 : memref<32x128xf32, #tpu.memory_space<vmem>>) dst(%dma_wait3A_42 : memref<32x128xf32, #tpu.memory_space<vmem_shared>>)
      tpu.yield
    }) : () -> ()
    %add3A_11 = arith.constant 32 : i32
    %add3A_12 = arith.addi %mul3A_2, %add3A_11 : i32
    "tpu.region"() ({
      %run_scoped3A = tpu.sem_alloc : memref<!tpu.dma_semaphore, #tpu.memory_space<semaphore_mem>>
      %dma_start3A_36 = arith.constant 0 : i32
      %dma_start3A_37 = tpu.memref_slice %arg20[%add3A_12, %dma_start3A_36] : memref<2048x128xf32, #tpu.memory_space<vmem_shared>> -> memref<32x128xf32, #tpu.memory_space<vmem_shared>>
      %dma_start3A_38 = arith.constant 0 : i32
      %dma_start3A_39 = tpu.memref_slice %arg20[%add3A_12, %dma_start3A_38] : memref<2048x128xf32, #tpu.memory_space<vmem_shared>> -> memref<32x128xf32, #tpu.memory_space<vmem_shared>>
      tpu.enqueue_dma source(%arg18 : memref<32x128xf32, #tpu.memory_space<vmem>>) target(%dma_start3A_39 : memref<32x128xf32, #tpu.memory_space<vmem_shared>>) target_semaphore(%run_scoped3A : memref<!tpu.dma_semaphore, #tpu.memory_space<semaphore_mem>>)
      %dma_wait3A = arith.constant 0 : i32
      %dma_wait3A_40 = tpu.memref_slice %arg20[%add3A_12, %dma_wait3A] : memref<2048x128xf32, #tpu.memory_space<vmem_shared>> -> memref<32x128xf32, #tpu.memory_space<vmem_shared>>
      %dma_wait3A_41 = arith.constant 0 : i32
      %dma_wait3A_42 = tpu.memref_slice %arg20[%add3A_12, %dma_wait3A_41] : memref<2048x128xf32, #tpu.memory_space<vmem_shared>> -> memref<32x128xf32, #tpu.memory_space<vmem_shared>>
      tpu.wait_dma2 semaphore(%run_scoped3A : memref<!tpu.dma_semaphore, #tpu.memory_space<semaphore_mem>>) src(%arg18 : memref<32x128xf32, #tpu.memory_space<vmem>>) dst(%dma_wait3A_42 : memref<32x128xf32, #tpu.memory_space<vmem_shared>>)
      tpu.yield
    }) : () -> ()
    %add3A_13 = arith.constant 64 : i32
    %add3A_14 = arith.addi %mul3A_2, %add3A_13 : i32
    "tpu.region"() ({
      %run_scoped3A = tpu.sem_alloc : memref<!tpu.dma_semaphore, #tpu.memory_space<semaphore_mem>>
      %dma_start3A_36 = arith.constant 0 : i32
      %dma_start3A_37 = tpu.memref_slice %arg19[%add3A_14, %dma_start3A_36] : memref<2048x128xf32, #tpu.memory_space<vmem_shared>> -> memref<32x128xf32, #tpu.memory_space<vmem_shared>>
      %dma_start3A_38 = arith.constant 0 : i32
      %dma_start3A_39 = tpu.memref_slice %arg19[%add3A_14, %dma_start3A_38] : memref<2048x128xf32, #tpu.memory_space<vmem_shared>> -> memref<32x128xf32, #tpu.memory_space<vmem_shared>>
      tpu.enqueue_dma source(%arg18 : memref<32x128xf32, #tpu.memory_space<vmem>>) target(%dma_start3A_39 : memref<32x128xf32, #tpu.memory_space<vmem_shared>>) target_semaphore(%run_scoped3A : memref<!tpu.dma_semaphore, #tpu.memory_space<semaphore_mem>>)
      %dma_wait3A = arith.constant 0 : i32
      %dma_wait3A_40 = tpu.memref_slice %arg19[%add3A_14, %dma_wait3A] : memref<2048x128xf32, #tpu.memory_space<vmem_shared>> -> memref<32x128xf32, #tpu.memory_space<vmem_shared>>
      %dma_wait3A_41 = arith.constant 0 : i32
      %dma_wait3A_42 = tpu.memref_slice %arg19[%add3A_14, %dma_wait3A_41] : memref<2048x128xf32, #tpu.memory_space<vmem_shared>> -> memref<32x128xf32, #tpu.memory_space<vmem_shared>>
      tpu.wait_dma2 semaphore(%run_scoped3A : memref<!tpu.dma_semaphore, #tpu.memory_space<semaphore_mem>>) src(%arg18 : memref<32x128xf32, #tpu.memory_space<vmem>>) dst(%dma_wait3A_42 : memref<32x128xf32, #tpu.memory_space<vmem_shared>>)
      tpu.yield
    }) : () -> ()
    %add3A_15 = arith.constant 64 : i32
    %add3A_16 = arith.addi %mul3A_2, %add3A_15 : i32
    "tpu.region"() ({
      %run_scoped3A = tpu.sem_alloc : memref<!tpu.dma_semaphore, #tpu.memory_space<semaphore_mem>>
      %dma_start3A_36 = arith.constant 0 : i32
      %dma_start3A_37 = tpu.memref_slice %arg20[%add3A_16, %dma_start3A_36] : memref<2048x128xf32, #tpu.memory_space<vmem_shared>> -> memref<32x128xf32, #tpu.memory_space<vmem_shared>>
      %dma_start3A_38 = arith.constant 0 : i32
      %dma_start3A_39 = tpu.memref_slice %arg20[%add3A_16, %dma_start3A_38] : memref<2048x128xf32, #tpu.memory_space<vmem_shared>> -> memref<32x128xf32, #tpu.memory_space<vmem_shared>>
      tpu.enqueue_dma source(%arg18 : memref<32x128xf32, #tpu.memory_space<vmem>>) target(%dma_start3A_39 : memref<32x128xf32, #tpu.memory_space<vmem_shared>>) target_semaphore(%run_scoped3A : memref<!tpu.dma_semaphore, #tpu.memory_space<semaphore_mem>>)
      %dma_wait3A = arith.constant 0 : i32
      %dma_wait3A_40 = tpu.memref_slice %arg20[%add3A_16, %dma_wait3A] : memref<2048x128xf32, #tpu.memory_space<vmem_shared>> -> memref<32x128xf32, #tpu.memory_space<vmem_shared>>
      %dma_wait3A_41 = arith.constant 0 : i32
      %dma_wait3A_42 = tpu.memref_slice %arg20[%add3A_16, %dma_wait3A_41] : memref<2048x128xf32, #tpu.memory_space<vmem_shared>> -> memref<32x128xf32, #tpu.memory_space<vmem_shared>>
      tpu.wait_dma2 semaphore(%run_scoped3A : memref<!tpu.dma_semaphore, #tpu.memory_space<semaphore_mem>>) src(%arg18 : memref<32x128xf32, #tpu.memory_space<vmem>>) dst(%dma_wait3A_42 : memref<32x128xf32, #tpu.memory_space<vmem_shared>>)
      tpu.yield
    }) : () -> ()
    %add3A_17 = arith.constant 96 : i32
    %add3A_18 = arith.addi %mul3A_2, %add3A_17 : i32
    "tpu.region"() ({
      %run_scoped3A = tpu.sem_alloc : memref<!tpu.dma_semaphore, #tpu.memory_space<semaphore_mem>>
      %dma_start3A_36 = arith.constant 0 : i32
      %dma_start3A_37 = tpu.memref_slice %arg19[%add3A_18, %dma_start3A_36] : memref<2048x128xf32, #tpu.memory_space<vmem_shared>> -> memref<32x128xf32, #tpu.memory_space<vmem_shared>>
      %dma_start3A_38 = arith.constant 0 : i32
      %dma_start3A_39 = tpu.memref_slice %arg19[%add3A_18, %dma_start3A_38] : memref<2048x128xf32, #tpu.memory_space<vmem_shared>> -> memref<32x128xf32, #tpu.memory_space<vmem_shared>>
      tpu.enqueue_dma source(%arg18 : memref<32x128xf32, #tpu.memory_space<vmem>>) target(%dma_start3A_39 : memref<32x128xf32, #tpu.memory_space<vmem_shared>>) target_semaphore(%run_scoped3A : memref<!tpu.dma_semaphore, #tpu.memory_space<semaphore_mem>>)
      %dma_wait3A = arith.constant 0 : i32
      %dma_wait3A_40 = tpu.memref_slice %arg19[%add3A_18, %dma_wait3A] : memref<2048x128xf32, #tpu.memory_space<vmem_shared>> -> memref<32x128xf32, #tpu.memory_space<vmem_shared>>
      %dma_wait3A_41 = arith.constant 0 : i32
      %dma_wait3A_42 = tpu.memref_slice %arg19[%add3A_18, %dma_wait3A_41] : memref<2048x128xf32, #tpu.memory_space<vmem_shared>> -> memref<32x128xf32, #tpu.memory_space<vmem_shared>>
      tpu.wait_dma2 semaphore(%run_scoped3A : memref<!tpu.dma_semaphore, #tpu.memory_space<semaphore_mem>>) src(%arg18 : memref<32x128xf32, #tpu.memory_space<vmem>>) dst(%dma_wait3A_42 : memref<32x128xf32, #tpu.memory_space<vmem_shared>>)
      tpu.yield
    }) : () -> ()
    %add3A_19 = arith.constant 96 : i32
    %add3A_20 = arith.addi %mul3A_2, %add3A_19 : i32
    "tpu.region"() ({
      %run_scoped3A = tpu.sem_alloc : memref<!tpu.dma_semaphore, #tpu.memory_space<semaphore_mem>>
      %dma_start3A_36 = arith.constant 0 : i32
      %dma_start3A_37 = tpu.memref_slice %arg20[%add3A_20, %dma_start3A_36] : memref<2048x128xf32, #tpu.memory_space<vmem_shared>> -> memref<32x128xf32, #tpu.memory_space<vmem_shared>>
      %dma_start3A_38 = arith.constant 0 : i32
      %dma_start3A_39 = tpu.memref_slice %arg20[%add3A_20, %dma_start3A_38] : memref<2048x128xf32, #tpu.memory_space<vmem_shared>> -> memref<32x128xf32, #tpu.memory_space<vmem_shared>>
      tpu.enqueue_dma source(%arg18 : memref<32x128xf32, #tpu.memory_space<vmem>>) target(%dma_start3A_39 : memref<32x128xf32, #tpu.memory_space<vmem_shared>>) target_semaphore(%run_scoped3A : memref<!tpu.dma_semaphore, #tpu.memory_space<semaphore_mem>>)
      %dma_wait3A = arith.constant 0 : i32
      %dma_wait3A_40 = tpu.memref_slice %arg20[%add3A_20, %dma_wait3A] : memref<2048x128xf32, #tpu.memory_space<vmem_shared>> -> memref<32x128xf32, #tpu.memory_space<vmem_shared>>
      %dma_wait3A_41 = arith.constant 0 : i32
      %dma_wait3A_42 = tpu.memref_slice %arg20[%add3A_20, %dma_wait3A_41] : memref<2048x128xf32, #tpu.memory_space<vmem_shared>> -> memref<32x128xf32, #tpu.memory_space<vmem_shared>>
      tpu.wait_dma2 semaphore(%run_scoped3A : memref<!tpu.dma_semaphore, #tpu.memory_space<semaphore_mem>>) src(%arg18 : memref<32x128xf32, #tpu.memory_space<vmem>>) dst(%dma_wait3A_42 : memref<32x128xf32, #tpu.memory_space<vmem_shared>>)
      tpu.yield
    }) : () -> ()
    %barrier3A = arith.constant 0 : index
    tpu.barrier barrier_id(%barrier3A)
    "tpu.region"() ({
      %run_scoped3A = tpu.sem_alloc : memref<!tpu.dma_semaphore, #tpu.memory_space<semaphore_mem>>
      %dma_start3A_36 = tpu.memref_slice %arg3[%mul3A_4] : memref<65536xi32, #tpu.memory_space<hbm>> -> memref<128xi32, #tpu.memory_space<hbm>>
      %dma_start3A_37 = tpu.memref_slice %arg3[%mul3A_4] : memref<65536xi32, #tpu.memory_space<hbm>> -> memref<128xi32, #tpu.memory_space<hbm>>
      tpu.enqueue_dma source(%dma_start3A_37 : memref<128xi32, #tpu.memory_space<hbm>>) target(%arg11 : memref<128xi32, #tpu.memory_space<vmem>>) target_semaphore(%run_scoped3A : memref<!tpu.dma_semaphore, #tpu.memory_space<semaphore_mem>>)
      %dma_wait3A = tpu.memref_slice %arg3[%mul3A_4] : memref<65536xi32, #tpu.memory_space<hbm>> -> memref<128xi32, #tpu.memory_space<hbm>>
      %dma_wait3A_38 = tpu.memref_slice %arg3[%mul3A_4] : memref<65536xi32, #tpu.memory_space<hbm>> -> memref<128xi32, #tpu.memory_space<hbm>>
      tpu.wait_dma2 semaphore(%run_scoped3A : memref<!tpu.dma_semaphore, #tpu.memory_space<semaphore_mem>>) src(%dma_wait3A_38 : memref<128xi32, #tpu.memory_space<hbm>>) dst(%arg11 : memref<128xi32, #tpu.memory_space<vmem>>)
      tpu.yield
    }) : () -> ()
    "tpu.region"() ({
      %run_scoped3A = tpu.sem_alloc : memref<!tpu.dma_semaphore, #tpu.memory_space<semaphore_mem>>
      %dma_start3A_36 = tpu.memref_slice %arg4[%mul3A_4] : memref<65536xi32, #tpu.memory_space<hbm>> -> memref<128xi32, #tpu.memory_space<hbm>>
      %dma_start3A_37 = tpu.memref_slice %arg4[%mul3A_4] : memref<65536xi32, #tpu.memory_space<hbm>> -> memref<128xi32, #tpu.memory_space<hbm>>
      tpu.enqueue_dma source(%dma_start3A_37 : memref<128xi32, #tpu.memory_space<hbm>>) target(%arg13 : memref<128xi32, #tpu.memory_space<vmem>>) target_semaphore(%run_scoped3A : memref<!tpu.dma_semaphore, #tpu.memory_space<semaphore_mem>>)
      %dma_wait3A = tpu.memref_slice %arg4[%mul3A_4] : memref<65536xi32, #tpu.memory_space<hbm>> -> memref<128xi32, #tpu.memory_space<hbm>>
      %dma_wait3A_38 = tpu.memref_slice %arg4[%mul3A_4] : memref<65536xi32, #tpu.memory_space<hbm>> -> memref<128xi32, #tpu.memory_space<hbm>>
      tpu.wait_dma2 semaphore(%run_scoped3A : memref<!tpu.dma_semaphore, #tpu.memory_space<semaphore_mem>>) src(%dma_wait3A_38 : memref<128xi32, #tpu.memory_space<hbm>>) dst(%arg13 : memref<128xi32, #tpu.memory_space<vmem>>)
      tpu.yield
    }) : () -> ()
    %dma_start3A = arith.constant 0 : i32
    %dma_start3A_21 = arith.constant 0 : i32
    %dma_start3A_22 = tpu.memref_slice %arg2[%dma_start3A, %dma_start3A_21] : memref<5120x128xf32, #tpu.memory_space<hbm>> -> memref<5120x128xf32, #tpu.memory_space<hbm>>
    tpu.enqueue_indirect_dma source(%dma_start3A_22 : memref<5120x128xf32, #tpu.memory_space<hbm>>) target(%arg15 : memref<128x128xf32, #tpu.memory_space<vmem>>) offsets(%arg11 : memref<128xi32, #tpu.memory_space<vmem>>) semaphore(%arg21 : memref<!tpu.dma_semaphore, #tpu.memory_space<semaphore_mem>>)
    %scan3A = arith.constant 0 : i32
    %scan3A_23 = arith.constant 0 : i32
    %scan3A_24 = arith.constant 8 : i32
    %scan3A_25 = arith.addi %scan3A_23, %scan3A_24 : i32
    %scan3A_26 = arith.constant 1 : i32
    scf.for %scan3A_36 = %scan3A_23 to %scan3A_25 step %scan3A_26  : i32 {
      %mul3A_37 = arith.constant 2 : i32
      %mul3A_38 = arith.muli %scan3A_36, %mul3A_37 : i32
      %add3A_39 = arith.constant 0 : i32
      %add3A_40 = arith.addi %mul3A_38, %add3A_39 : i32
      %add3A_41 = arith.constant 1 : i32
      %add3A_42 = arith.addi %add3A_40, %add3A_41 : i32
      %lt3A = arith.constant 16 : i32
      %lt3A_43 = arith.cmpi slt, %add3A_42, %lt3A : i32
      %convert_element_type3A_44 = arith.extui %lt3A_43 : i1 to i32
      %cond3A_45 = arith.constant 0 : i32
      %cond3A_46 = arith.cmpi ne, %convert_element_type3A_44, %cond3A_45 : i32
      scf.if %cond3A_46 {
        %add3A_69 = arith.constant 1 : i32
        %add3A_70 = arith.addi %add3A_40, %add3A_69 : i32
        %mul3A_71 = arith.constant 128 : i32
        %mul3A_72 = arith.muli %add3A_70, %mul3A_71 : i32
        %add3A_73 = arith.addi %mul3A_4, %mul3A_72 : i32
        "tpu.region"() ({
          %run_scoped3A = tpu.sem_alloc : memref<!tpu.dma_semaphore, #tpu.memory_space<semaphore_mem>>
          %dma_start3A_82 = tpu.memref_slice %arg3[%add3A_73] : memref<65536xi32, #tpu.memory_space<hbm>> -> memref<128xi32, #tpu.memory_space<hbm>>
          %dma_start3A_83 = tpu.memref_slice %arg3[%add3A_73] : memref<65536xi32, #tpu.memory_space<hbm>> -> memref<128xi32, #tpu.memory_space<hbm>>
          tpu.enqueue_dma source(%dma_start3A_83 : memref<128xi32, #tpu.memory_space<hbm>>) target(%arg12 : memref<128xi32, #tpu.memory_space<vmem>>) target_semaphore(%run_scoped3A : memref<!tpu.dma_semaphore, #tpu.memory_space<semaphore_mem>>)
          %dma_wait3A_84 = tpu.memref_slice %arg3[%add3A_73] : memref<65536xi32, #tpu.memory_space<hbm>> -> memref<128xi32, #tpu.memory_space<hbm>>
          %dma_wait3A_85 = tpu.memref_slice %arg3[%add3A_73] : memref<65536xi32, #tpu.memory_space<hbm>> -> memref<128xi32, #tpu.memory_space<hbm>>
          tpu.wait_dma2 semaphore(%run_scoped3A : memref<!tpu.dma_semaphore, #tpu.memory_space<semaphore_mem>>) src(%dma_wait3A_85 : memref<128xi32, #tpu.memory_space<hbm>>) dst(%arg12 : memref<128xi32, #tpu.memory_space<vmem>>)
          tpu.yield
        }) : () -> ()
        %add3A_74 = arith.constant 1 : i32
        %add3A_75 = arith.addi %add3A_40, %add3A_74 : i32
        %mul3A_76 = arith.constant 128 : i32
        %mul3A_77 = arith.muli %add3A_75, %mul3A_76 : i32
        %add3A_78 = arith.addi %mul3A_4, %mul3A_77 : i32
        "tpu.region"() ({
          %run_scoped3A = tpu.sem_alloc : memref<!tpu.dma_semaphore, #tpu.memory_space<semaphore_mem>>
          %dma_start3A_82 = tpu.memref_slice %arg4[%add3A_78] : memref<65536xi32, #tpu.memory_space<hbm>> -> memref<128xi32, #tpu.memory_space<hbm>>
          %dma_start3A_83 = tpu.memref_slice %arg4[%add3A_78] : memref<65536xi32, #tpu.memory_space<hbm>> -> memref<128xi32, #tpu.memory_space<hbm>>
          tpu.enqueue_dma source(%dma_start3A_83 : memref<128xi32, #tpu.memory_space<hbm>>) target(%arg14 : memref<128xi32, #tpu.memory_space<vmem>>) target_semaphore(%run_scoped3A : memref<!tpu.dma_semaphore, #tpu.memory_space<semaphore_mem>>)
          %dma_wait3A_84 = tpu.memref_slice %arg4[%add3A_78] : memref<65536xi32, #tpu.memory_space<hbm>> -> memref<128xi32, #tpu.memory_space<hbm>>
          %dma_wait3A_85 = tpu.memref_slice %arg4[%add3A_78] : memref<65536xi32, #tpu.memory_space<hbm>> -> memref<128xi32, #tpu.memory_space<hbm>>
          tpu.wait_dma2 semaphore(%run_scoped3A : memref<!tpu.dma_semaphore, #tpu.memory_space<semaphore_mem>>) src(%dma_wait3A_85 : memref<128xi32, #tpu.memory_space<hbm>>) dst(%arg14 : memref<128xi32, #tpu.memory_space<vmem>>)
          tpu.yield
        }) : () -> ()
        %dma_start3A_79 = arith.constant 0 : i32
        %dma_start3A_80 = arith.constant 0 : i32
        %dma_start3A_81 = tpu.memref_slice %arg2[%dma_start3A_79, %dma_start3A_80] : memref<5120x128xf32, #tpu.memory_space<hbm>> -> memref<5120x128xf32, #tpu.memory_space<hbm>>
        tpu.enqueue_indirect_dma source(%dma_start3A_81 : memref<5120x128xf32, #tpu.memory_space<hbm>>) target(%arg16 : memref<128x128xf32, #tpu.memory_space<vmem>>) offsets(%arg12 : memref<128xi32, #tpu.memory_space<vmem>>) semaphore(%arg22 : memref<!tpu.dma_semaphore, #tpu.memory_space<semaphore_mem>>)
      } else {
      }
      %dma_wait3A = arith.constant 0 : i32
      %dma_wait3A_47 = arith.constant 0 : i32
      %dma_wait3A_48 = tpu.memref_slice %arg2[%dma_wait3A, %dma_wait3A_47] : memref<5120x128xf32, #tpu.memory_space<hbm>> -> memref<128x128xf32, #tpu.memory_space<hbm>>
      %dma_wait3A_49 = arith.constant 0 : i32
      %dma_wait3A_50 = arith.constant 0 : i32
      %dma_wait3A_51 = tpu.memref_slice %arg2[%dma_wait3A_49, %dma_wait3A_50] : memref<5120x128xf32, #tpu.memory_space<hbm>> -> memref<128x128xf32, #tpu.memory_space<hbm>>
      tpu.wait_dma2 semaphore(%arg21 : memref<!tpu.dma_semaphore, #tpu.memory_space<semaphore_mem>>) src(%dma_wait3A_51 : memref<128x128xf32, #tpu.memory_space<hbm>>) dst(%arg15 : memref<128x128xf32, #tpu.memory_space<vmem>>)
      "tpu.region"() ({
        %run_scoped3A = tpu.sem_alloc : memref<!tpu.dma_semaphore, #tpu.memory_space<semaphore_mem>>
        %dma_start3A_69 = arith.constant 0 : i32
        %dma_start3A_70 = arith.constant 0 : i32
        %dma_start3A_71 = tpu.memref_slice %arg19[%dma_start3A_69, %dma_start3A_70] : memref<2048x128xf32, #tpu.memory_space<vmem_shared>> -> memref<2048x128xf32, #tpu.memory_space<vmem_shared>>
        tpu.enqueue_indirect_dma source(%arg15 : memref<128x128xf32, #tpu.memory_space<vmem>>) target(%dma_start3A_71 : memref<2048x128xf32, #tpu.memory_space<vmem_shared>>) offsets(%arg13 : memref<128xi32, #tpu.memory_space<vmem>>) semaphore(%run_scoped3A : memref<!tpu.dma_semaphore, #tpu.memory_space<semaphore_mem>>) {add = true}
        %dma_wait3A_72 = arith.constant 0 : i32
        %dma_wait3A_73 = arith.constant 0 : i32
        %dma_wait3A_74 = tpu.memref_slice %arg19[%dma_wait3A_72, %dma_wait3A_73] : memref<2048x128xf32, #tpu.memory_space<vmem_shared>> -> memref<2048x128xf32, #tpu.memory_space<vmem_shared>>
        tpu.wait_indirect_dma semaphore(%run_scoped3A : memref<!tpu.dma_semaphore, #tpu.memory_space<semaphore_mem>>) src(%arg15 : memref<128x128xf32, #tpu.memory_space<vmem>>) dst(%dma_wait3A_74 : memref<2048x128xf32, #tpu.memory_space<vmem_shared>>)
        tpu.yield
      }) : () -> ()
      "tpu.region"() ({
        %run_scoped3A = tpu.sem_alloc : memref<!tpu.dma_semaphore, #tpu.memory_space<semaphore_mem>>
        %dma_start3A_69 = arith.constant 0 : i32
        %dma_start3A_70 = arith.constant 0 : i32
        %dma_start3A_71 = tpu.memref_slice %arg20[%dma_start3A_69, %dma_start3A_70] : memref<2048x128xf32, #tpu.memory_space<vmem_shared>> -> memref<2048x128xf32, #tpu.memory_space<vmem_shared>>
        tpu.enqueue_indirect_dma source(%arg17 : memref<128x128xf32, #tpu.memory_space<vmem>>) target(%dma_start3A_71 : memref<2048x128xf32, #tpu.memory_space<vmem_shared>>) offsets(%arg13 : memref<128xi32, #tpu.memory_space<vmem>>) semaphore(%run_scoped3A : memref<!tpu.dma_semaphore, #tpu.memory_space<semaphore_mem>>) {add = true}
        %dma_wait3A_72 = arith.constant 0 : i32
        %dma_wait3A_73 = arith.constant 0 : i32
        %dma_wait3A_74 = tpu.memref_slice %arg20[%dma_wait3A_72, %dma_wait3A_73] : memref<2048x128xf32, #tpu.memory_space<vmem_shared>> -> memref<2048x128xf32, #tpu.memory_space<vmem_shared>>
        tpu.wait_indirect_dma semaphore(%run_scoped3A : memref<!tpu.dma_semaphore, #tpu.memory_space<semaphore_mem>>) src(%arg17 : memref<128x128xf32, #tpu.memory_space<vmem>>) dst(%dma_wait3A_74 : memref<2048x128xf32, #tpu.memory_space<vmem_shared>>)
        tpu.yield
      }) : () -> ()
      %mul3A_52 = arith.constant 2 : i32
      %mul3A_53 = arith.muli %scan3A_36, %mul3A_52 : i32
      %add3A_54 = arith.constant 1 : i32
      %add3A_55 = arith.addi %mul3A_53, %add3A_54 : i32
      %add3A_56 = arith.constant 1 : i32
      %add3A_57 = arith.addi %add3A_55, %add3A_56 : i32
      %lt3A_58 = arith.constant 16 : i32
      %lt3A_59 = arith.cmpi slt, %add3A_57, %lt3A_58 : i32
      %convert_element_type3A_60 = arith.extui %lt3A_59 : i1 to i32
      %cond3A_61 = arith.constant 0 : i32
      %cond3A_62 = arith.cmpi ne, %convert_element_type3A_60, %cond3A_61 : i32
      scf.if %cond3A_62 {
        %add3A_69 = arith.constant 1 : i32
        %add3A_70 = arith.addi %add3A_55, %add3A_69 : i32
        %mul3A_71 = arith.constant 128 : i32
        %mul3A_72 = arith.muli %add3A_70, %mul3A_71 : i32
        %add3A_73 = arith.addi %mul3A_4, %mul3A_72 : i32
        "tpu.region"() ({
          %run_scoped3A = tpu.sem_alloc : memref<!tpu.dma_semaphore, #tpu.memory_space<semaphore_mem>>
          %dma_start3A_82 = tpu.memref_slice %arg3[%add3A_73] : memref<65536xi32, #tpu.memory_space<hbm>> -> memref<128xi32, #tpu.memory_space<hbm>>
          %dma_start3A_83 = tpu.memref_slice %arg3[%add3A_73] : memref<65536xi32, #tpu.memory_space<hbm>> -> memref<128xi32, #tpu.memory_space<hbm>>
          tpu.enqueue_dma source(%dma_start3A_83 : memref<128xi32, #tpu.memory_space<hbm>>) target(%arg11 : memref<128xi32, #tpu.memory_space<vmem>>) target_semaphore(%run_scoped3A : memref<!tpu.dma_semaphore, #tpu.memory_space<semaphore_mem>>)
          %dma_wait3A_84 = tpu.memref_slice %arg3[%add3A_73] : memref<65536xi32, #tpu.memory_space<hbm>> -> memref<128xi32, #tpu.memory_space<hbm>>
          %dma_wait3A_85 = tpu.memref_slice %arg3[%add3A_73] : memref<65536xi32, #tpu.memory_space<hbm>> -> memref<128xi32, #tpu.memory_space<hbm>>
          tpu.wait_dma2 semaphore(%run_scoped3A : memref<!tpu.dma_semaphore, #tpu.memory_space<semaphore_mem>>) src(%dma_wait3A_85 : memref<128xi32, #tpu.memory_space<hbm>>) dst(%arg11 : memref<128xi32, #tpu.memory_space<vmem>>)
          tpu.yield
        }) : () -> ()
        %add3A_74 = arith.constant 1 : i32
        %add3A_75 = arith.addi %add3A_55, %add3A_74 : i32
        %mul3A_76 = arith.constant 128 : i32
        %mul3A_77 = arith.muli %add3A_75, %mul3A_76 : i32
        %add3A_78 = arith.addi %mul3A_4, %mul3A_77 : i32
        "tpu.region"() ({
          %run_scoped3A = tpu.sem_alloc : memref<!tpu.dma_semaphore, #tpu.memory_space<semaphore_mem>>
          %dma_start3A_82 = tpu.memref_slice %arg4[%add3A_78] : memref<65536xi32, #tpu.memory_space<hbm>> -> memref<128xi32, #tpu.memory_space<hbm>>
          %dma_start3A_83 = tpu.memref_slice %arg4[%add3A_78] : memref<65536xi32, #tpu.memory_space<hbm>> -> memref<128xi32, #tpu.memory_space<hbm>>
          tpu.enqueue_dma source(%dma_start3A_83 : memref<128xi32, #tpu.memory_space<hbm>>) target(%arg13 : memref<128xi32, #tpu.memory_space<vmem>>) target_semaphore(%run_scoped3A : memref<!tpu.dma_semaphore, #tpu.memory_space<semaphore_mem>>)
          %dma_wait3A_84 = tpu.memref_slice %arg4[%add3A_78] : memref<65536xi32, #tpu.memory_space<hbm>> -> memref<128xi32, #tpu.memory_space<hbm>>
          %dma_wait3A_85 = tpu.memref_slice %arg4[%add3A_78] : memref<65536xi32, #tpu.memory_space<hbm>> -> memref<128xi32, #tpu.memory_space<hbm>>
          tpu.wait_dma2 semaphore(%run_scoped3A : memref<!tpu.dma_semaphore, #tpu.memory_space<semaphore_mem>>) src(%dma_wait3A_85 : memref<128xi32, #tpu.memory_space<hbm>>) dst(%arg13 : memref<128xi32, #tpu.memory_space<vmem>>)
          tpu.yield
        }) : () -> ()
        %dma_start3A_79 = arith.constant 0 : i32
        %dma_start3A_80 = arith.constant 0 : i32
        %dma_start3A_81 = tpu.memref_slice %arg2[%dma_start3A_79, %dma_start3A_80] : memref<5120x128xf32, #tpu.memory_space<hbm>> -> memref<5120x128xf32, #tpu.memory_space<hbm>>
        tpu.enqueue_indirect_dma source(%dma_start3A_81 : memref<5120x128xf32, #tpu.memory_space<hbm>>) target(%arg15 : memref<128x128xf32, #tpu.memory_space<vmem>>) offsets(%arg11 : memref<128xi32, #tpu.memory_space<vmem>>) semaphore(%arg21 : memref<!tpu.dma_semaphore, #tpu.memory_space<semaphore_mem>>)
      } else {
      }
      %dma_wait3A_63 = arith.constant 0 : i32
      %dma_wait3A_64 = arith.constant 0 : i32
      %dma_wait3A_65 = tpu.memref_slice %arg2[%dma_wait3A_63, %dma_wait3A_64] : memref<5120x128xf32, #tpu.memory_space<hbm>> -> memref<128x128xf32, #tpu.memory_space<hbm>>
      %dma_wait3A_66 = arith.constant 0 : i32
      %dma_wait3A_67 = arith.constant 0 : i32
      %dma_wait3A_68 = tpu.memref_slice %arg2[%dma_wait3A_66, %dma_wait3A_67] : memref<5120x128xf32, #tpu.memory_space<hbm>> -> memref<128x128xf32, #tpu.memory_space<hbm>>
      tpu.wait_dma2 semaphore(%arg22 : memref<!tpu.dma_semaphore, #tpu.memory_space<semaphore_mem>>) src(%dma_wait3A_68 : memref<128x128xf32, #tpu.memory_space<hbm>>) dst(%arg16 : memref<128x128xf32, #tpu.memory_space<vmem>>)
      "tpu.region"() ({
        %run_scoped3A = tpu.sem_alloc : memref<!tpu.dma_semaphore, #tpu.memory_space<semaphore_mem>>
        %dma_start3A_69 = arith.constant 0 : i32
        %dma_start3A_70 = arith.constant 0 : i32
        %dma_start3A_71 = tpu.memref_slice %arg19[%dma_start3A_69, %dma_start3A_70] : memref<2048x128xf32, #tpu.memory_space<vmem_shared>> -> memref<2048x128xf32, #tpu.memory_space<vmem_shared>>
        tpu.enqueue_indirect_dma source(%arg16 : memref<128x128xf32, #tpu.memory_space<vmem>>) target(%dma_start3A_71 : memref<2048x128xf32, #tpu.memory_space<vmem_shared>>) offsets(%arg14 : memref<128xi32, #tpu.memory_space<vmem>>) semaphore(%run_scoped3A : memref<!tpu.dma_semaphore, #tpu.memory_space<semaphore_mem>>) {add = true}
        %dma_wait3A_72 = arith.constant 0 : i32
        %dma_wait3A_73 = arith.constant 0 : i32
        %dma_wait3A_74 = tpu.memref_slice %arg19[%dma_wait3A_72, %dma_wait3A_73] : memref<2048x128xf32, #tpu.memory_space<vmem_shared>> -> memref<2048x128xf32, #tpu.memory_space<vmem_shared>>
        tpu.wait_indirect_dma semaphore(%run_scoped3A : memref<!tpu.dma_semaphore, #tpu.memory_space<semaphore_mem>>) src(%arg16 : memref<128x128xf32, #tpu.memory_space<vmem>>) dst(%dma_wait3A_74 : memref<2048x128xf32, #tpu.memory_space<vmem_shared>>)
        tpu.yield
      }) : () -> ()
      "tpu.region"() ({
        %run_scoped3A = tpu.sem_alloc : memref<!tpu.dma_semaphore, #tpu.memory_space<semaphore_mem>>
        %dma_start3A_69 = arith.constant 0 : i32
        %dma_start3A_70 = arith.constant 0 : i32
        %dma_start3A_71 = tpu.memref_slice %arg20[%dma_start3A_69, %dma_start3A_70] : memref<2048x128xf32, #tpu.memory_space<vmem_shared>> -> memref<2048x128xf32, #tpu.memory_space<vmem_shared>>
        tpu.enqueue_indirect_dma source(%arg17 : memref<128x128xf32, #tpu.memory_space<vmem>>) target(%dma_start3A_71 : memref<2048x128xf32, #tpu.memory_space<vmem_shared>>) offsets(%arg14 : memref<128xi32, #tpu.memory_space<vmem>>) semaphore(%run_scoped3A : memref<!tpu.dma_semaphore, #tpu.memory_space<semaphore_mem>>) {add = true}
        %dma_wait3A_72 = arith.constant 0 : i32
        %dma_wait3A_73 = arith.constant 0 : i32
        %dma_wait3A_74 = tpu.memref_slice %arg20[%dma_wait3A_72, %dma_wait3A_73] : memref<2048x128xf32, #tpu.memory_space<vmem_shared>> -> memref<2048x128xf32, #tpu.memory_space<vmem_shared>>
        tpu.wait_indirect_dma semaphore(%run_scoped3A : memref<!tpu.dma_semaphore, #tpu.memory_space<semaphore_mem>>) src(%arg17 : memref<128x128xf32, #tpu.memory_space<vmem>>) dst(%dma_wait3A_74 : memref<2048x128xf32, #tpu.memory_space<vmem_shared>>)
        tpu.yield
      }) : () -> ()
    }
    %scan3A_27 = arith.constant 8 : i32
    %barrier3A_28 = arith.constant 0 : index
    tpu.barrier barrier_id(%barrier3A_28)
    %eq3A = arith.constant 0 : i32
    %eq3A_29 = arith.cmpi eq, %arg0, %eq3A : i32
    %convert_element_type3A = arith.extui %eq3A_29 : i1 to i32
    %cond3A = arith.constant 0 : i32
    %cond3A_30 = arith.cmpi ne, %convert_element_type3A, %cond3A : i32
    scf.if %cond3A_30 {
      %add3A_36 = arith.constant 0 : i32
      %add3A_37 = arith.addi %mul3A_2, %add3A_36 : i32
      "tpu.region"() ({
        %run_scoped3A = tpu.sem_alloc : memref<!tpu.dma_semaphore, #tpu.memory_space<semaphore_mem>>
        %dma_start3A_44 = arith.constant 0 : i32
        %dma_start3A_45 = tpu.memref_slice %arg19[%add3A_37, %dma_start3A_44] : memref<2048x128xf32, #tpu.memory_space<vmem_shared>> -> memref<32x128xf32, #tpu.memory_space<vmem_shared>>
        %dma_start3A_46 = arith.constant 0 : i32
        %dma_start3A_47 = tpu.memref_slice %arg19[%add3A_37, %dma_start3A_46] : memref<2048x128xf32, #tpu.memory_space<vmem_shared>> -> memref<32x128xf32, #tpu.memory_space<vmem_shared>>
        tpu.enqueue_dma source(%dma_start3A_47 : memref<32x128xf32, #tpu.memory_space<vmem_shared>>) target(%arg18 : memref<32x128xf32, #tpu.memory_space<vmem>>) target_semaphore(%run_scoped3A : memref<!tpu.dma_semaphore, #tpu.memory_space<semaphore_mem>>)
        %dma_wait3A = arith.constant 0 : i32
        %dma_wait3A_48 = tpu.memref_slice %arg19[%add3A_37, %dma_wait3A] : memref<2048x128xf32, #tpu.memory_space<vmem_shared>> -> memref<32x128xf32, #tpu.memory_space<vmem_shared>>
        %dma_wait3A_49 = arith.constant 0 : i32
        %dma_wait3A_50 = tpu.memref_slice %arg19[%add3A_37, %dma_wait3A_49] : memref<2048x128xf32, #tpu.memory_space<vmem_shared>> -> memref<32x128xf32, #tpu.memory_space<vmem_shared>>
        tpu.wait_dma2 semaphore(%run_scoped3A : memref<!tpu.dma_semaphore, #tpu.memory_space<semaphore_mem>>) src(%dma_wait3A_50 : memref<32x128xf32, #tpu.memory_space<vmem_shared>>) dst(%arg18 : memref<32x128xf32, #tpu.memory_space<vmem>>)
        tpu.yield
      }) : () -> ()
      "tpu.region"() ({
        %run_scoped3A = tpu.sem_alloc : memref<!tpu.dma_semaphore, #tpu.memory_space<semaphore_mem>>
        %dma_start3A_44 = arith.constant 0 : i32
        %dma_start3A_45 = tpu.memref_slice %arg7[%add3A_37, %dma_start3A_44] : memref<2048x128xf32, #tpu.memory_space<hbm>> -> memref<32x128xf32, #tpu.memory_space<hbm>>
        %dma_start3A_46 = arith.constant 0 : i32
        %dma_start3A_47 = tpu.memref_slice %arg7[%add3A_37, %dma_start3A_46] : memref<2048x128xf32, #tpu.memory_space<hbm>> -> memref<32x128xf32, #tpu.memory_space<hbm>>
        tpu.enqueue_dma source(%arg18 : memref<32x128xf32, #tpu.memory_space<vmem>>) target(%dma_start3A_47 : memref<32x128xf32, #tpu.memory_space<hbm>>) target_semaphore(%run_scoped3A : memref<!tpu.dma_semaphore, #tpu.memory_space<semaphore_mem>>)
        %dma_wait3A = arith.constant 0 : i32
        %dma_wait3A_48 = tpu.memref_slice %arg7[%add3A_37, %dma_wait3A] : memref<2048x128xf32, #tpu.memory_space<hbm>> -> memref<32x128xf32, #tpu.memory_space<hbm>>
        %dma_wait3A_49 = arith.constant 0 : i32
        %dma_wait3A_50 = tpu.memref_slice %arg7[%add3A_37, %dma_wait3A_49] : memref<2048x128xf32, #tpu.memory_space<hbm>> -> memref<32x128xf32, #tpu.memory_space<hbm>>
        tpu.wait_dma2 semaphore(%run_scoped3A : memref<!tpu.dma_semaphore, #tpu.memory_space<semaphore_mem>>) src(%arg18 : memref<32x128xf32, #tpu.memory_space<vmem>>) dst(%dma_wait3A_50 : memref<32x128xf32, #tpu.memory_space<hbm>>)
        tpu.yield
      }) : () -> ()
      "tpu.region"() ({
        %run_scoped3A = tpu.sem_alloc : memref<!tpu.dma_semaphore, #tpu.memory_space<semaphore_mem>>
        %dma_start3A_44 = arith.constant 0 : i32
        %dma_start3A_45 = tpu.memref_slice %arg20[%add3A_37, %dma_start3A_44] : memref<2048x128xf32, #tpu.memory_space<vmem_shared>> -> memref<32x128xf32, #tpu.memory_space<vmem_shared>>
        %dma_start3A_46 = arith.constant 0 : i32
        %dma_start3A_47 = tpu.memref_slice %arg20[%add3A_37, %dma_start3A_46] : memref<2048x128xf32, #tpu.memory_space<vmem_shared>> -> memref<32x128xf32, #tpu.memory_space<vmem_shared>>
        tpu.enqueue_dma source(%dma_start3A_47 : memref<32x128xf32, #tpu.memory_space<vmem_shared>>) target(%arg18 : memref<32x128xf32, #tpu.memory_space<vmem>>) target_semaphore(%run_scoped3A : memref<!tpu.dma_semaphore, #tpu.memory_space<semaphore_mem>>)
        %dma_wait3A = arith.constant 0 : i32
        %dma_wait3A_48 = tpu.memref_slice %arg20[%add3A_37, %dma_wait3A] : memref<2048x128xf32, #tpu.memory_space<vmem_shared>> -> memref<32x128xf32, #tpu.memory_space<vmem_shared>>
        %dma_wait3A_49 = arith.constant 0 : i32
        %dma_wait3A_50 = tpu.memref_slice %arg20[%add3A_37, %dma_wait3A_49] : memref<2048x128xf32, #tpu.memory_space<vmem_shared>> -> memref<32x128xf32, #tpu.memory_space<vmem_shared>>
        tpu.wait_dma2 semaphore(%run_scoped3A : memref<!tpu.dma_semaphore, #tpu.memory_space<semaphore_mem>>) src(%dma_wait3A_50 : memref<32x128xf32, #tpu.memory_space<vmem_shared>>) dst(%arg18 : memref<32x128xf32, #tpu.memory_space<vmem>>)
        tpu.yield
      }) : () -> ()
      "tpu.region"() ({
        %run_scoped3A = tpu.sem_alloc : memref<!tpu.dma_semaphore, #tpu.memory_space<semaphore_mem>>
        %dma_start3A_44 = arith.constant 0 : i32
        %dma_start3A_45 = tpu.memref_slice %arg9[%add3A_37, %dma_start3A_44] : memref<2048x128xf32, #tpu.memory_space<hbm>> -> memref<32x128xf32, #tpu.memory_space<hbm>>
        %dma_start3A_46 = arith.constant 0 : i32
        %dma_start3A_47 = tpu.memref_slice %arg9[%add3A_37, %dma_start3A_46] : memref<2048x128xf32, #tpu.memory_space<hbm>> -> memref<32x128xf32, #tpu.memory_space<hbm>>
        tpu.enqueue_dma source(%arg18 : memref<32x128xf32, #tpu.memory_space<vmem>>) target(%dma_start3A_47 : memref<32x128xf32, #tpu.memory_space<hbm>>) target_semaphore(%run_scoped3A : memref<!tpu.dma_semaphore, #tpu.memory_space<semaphore_mem>>)
        %dma_wait3A = arith.constant 0 : i32
        %dma_wait3A_48 = tpu.memref_slice %arg9[%add3A_37, %dma_wait3A] : memref<2048x128xf32, #tpu.memory_space<hbm>> -> memref<32x128xf32, #tpu.memory_space<hbm>>
        %dma_wait3A_49 = arith.constant 0 : i32
        %dma_wait3A_50 = tpu.memref_slice %arg9[%add3A_37, %dma_wait3A_49] : memref<2048x128xf32, #tpu.memory_space<hbm>> -> memref<32x128xf32, #tpu.memory_space<hbm>>
        tpu.wait_dma2 semaphore(%run_scoped3A : memref<!tpu.dma_semaphore, #tpu.memory_space<semaphore_mem>>) src(%arg18 : memref<32x128xf32, #tpu.memory_space<vmem>>) dst(%dma_wait3A_50 : memref<32x128xf32, #tpu.memory_space<hbm>>)
        tpu.yield
      }) : () -> ()
      %add3A_38 = arith.constant 32 : i32
      %add3A_39 = arith.addi %mul3A_2, %add3A_38 : i32
      "tpu.region"() ({
        %run_scoped3A = tpu.sem_alloc : memref<!tpu.dma_semaphore, #tpu.memory_space<semaphore_mem>>
        %dma_start3A_44 = arith.constant 0 : i32
        %dma_start3A_45 = tpu.memref_slice %arg19[%add3A_39, %dma_start3A_44] : memref<2048x128xf32, #tpu.memory_space<vmem_shared>> -> memref<32x128xf32, #tpu.memory_space<vmem_shared>>
        %dma_start3A_46 = arith.constant 0 : i32
        %dma_start3A_47 = tpu.memref_slice %arg19[%add3A_39, %dma_start3A_46] : memref<2048x128xf32, #tpu.memory_space<vmem_shared>> -> memref<32x128xf32, #tpu.memory_space<vmem_shared>>
        tpu.enqueue_dma source(%dma_start3A_47 : memref<32x128xf32, #tpu.memory_space<vmem_shared>>) target(%arg18 : memref<32x128xf32, #tpu.memory_space<vmem>>) target_semaphore(%run_scoped3A : memref<!tpu.dma_semaphore, #tpu.memory_space<semaphore_mem>>)
        %dma_wait3A = arith.constant 0 : i32
        %dma_wait3A_48 = tpu.memref_slice %arg19[%add3A_39, %dma_wait3A] : memref<2048x128xf32, #tpu.memory_space<vmem_shared>> -> memref<32x128xf32, #tpu.memory_space<vmem_shared>>
        %dma_wait3A_49 = arith.constant 0 : i32
        %dma_wait3A_50 = tpu.memref_slice %arg19[%add3A_39, %dma_wait3A_49] : memref<2048x128xf32, #tpu.memory_space<vmem_shared>> -> memref<32x128xf32, #tpu.memory_space<vmem_shared>>
        tpu.wait_dma2 semaphore(%run_scoped3A : memref<!tpu.dma_semaphore, #tpu.memory_space<semaphore_mem>>) src(%dma_wait3A_50 : memref<32x128xf32, #tpu.memory_space<vmem_shared>>) dst(%arg18 : memref<32x128xf32, #tpu.memory_space<vmem>>)
        tpu.yield
      }) : () -> ()
      "tpu.region"() ({
        %run_scoped3A = tpu.sem_alloc : memref<!tpu.dma_semaphore, #tpu.memory_space<semaphore_mem>>
        %dma_start3A_44 = arith.constant 0 : i32
        %dma_start3A_45 = tpu.memref_slice %arg7[%add3A_39, %dma_start3A_44] : memref<2048x128xf32, #tpu.memory_space<hbm>> -> memref<32x128xf32, #tpu.memory_space<hbm>>
        %dma_start3A_46 = arith.constant 0 : i32
        %dma_start3A_47 = tpu.memref_slice %arg7[%add3A_39, %dma_start3A_46] : memref<2048x128xf32, #tpu.memory_space<hbm>> -> memref<32x128xf32, #tpu.memory_space<hbm>>
        tpu.enqueue_dma source(%arg18 : memref<32x128xf32, #tpu.memory_space<vmem>>) target(%dma_start3A_47 : memref<32x128xf32, #tpu.memory_space<hbm>>) target_semaphore(%run_scoped3A : memref<!tpu.dma_semaphore, #tpu.memory_space<semaphore_mem>>)
        %dma_wait3A = arith.constant 0 : i32
        %dma_wait3A_48 = tpu.memref_slice %arg7[%add3A_39, %dma_wait3A] : memref<2048x128xf32, #tpu.memory_space<hbm>> -> memref<32x128xf32, #tpu.memory_space<hbm>>
        %dma_wait3A_49 = arith.constant 0 : i32
        %dma_wait3A_50 = tpu.memref_slice %arg7[%add3A_39, %dma_wait3A_49] : memref<2048x128xf32, #tpu.memory_space<hbm>> -> memref<32x128xf32, #tpu.memory_space<hbm>>
        tpu.wait_dma2 semaphore(%run_scoped3A : memref<!tpu.dma_semaphore, #tpu.memory_space<semaphore_mem>>) src(%arg18 : memref<32x128xf32, #tpu.memory_space<vmem>>) dst(%dma_wait3A_50 : memref<32x128xf32, #tpu.memory_space<hbm>>)
        tpu.yield
      }) : () -> ()
      "tpu.region"() ({
        %run_scoped3A = tpu.sem_alloc : memref<!tpu.dma_semaphore, #tpu.memory_space<semaphore_mem>>
        %dma_start3A_44 = arith.constant 0 : i32
        %dma_start3A_45 = tpu.memref_slice %arg20[%add3A_39, %dma_start3A_44] : memref<2048x128xf32, #tpu.memory_space<vmem_shared>> -> memref<32x128xf32, #tpu.memory_space<vmem_shared>>
        %dma_start3A_46 = arith.constant 0 : i32
        %dma_start3A_47 = tpu.memref_slice %arg20[%add3A_39, %dma_start3A_46] : memref<2048x128xf32, #tpu.memory_space<vmem_shared>> -> memref<32x128xf32, #tpu.memory_space<vmem_shared>>
        tpu.enqueue_dma source(%dma_start3A_47 : memref<32x128xf32, #tpu.memory_space<vmem_shared>>) target(%arg18 : memref<32x128xf32, #tpu.memory_space<vmem>>) target_semaphore(%run_scoped3A : memref<!tpu.dma_semaphore, #tpu.memory_space<semaphore_mem>>)
        %dma_wait3A = arith.constant 0 : i32
        %dma_wait3A_48 = tpu.memref_slice %arg20[%add3A_39, %dma_wait3A] : memref<2048x128xf32, #tpu.memory_space<vmem_shared>> -> memref<32x128xf32, #tpu.memory_space<vmem_shared>>
        %dma_wait3A_49 = arith.constant 0 : i32
        %dma_wait3A_50 = tpu.memref_slice %arg20[%add3A_39, %dma_wait3A_49] : memref<2048x128xf32, #tpu.memory_space<vmem_shared>> -> memref<32x128xf32, #tpu.memory_space<vmem_shared>>
        tpu.wait_dma2 semaphore(%run_scoped3A : memref<!tpu.dma_semaphore, #tpu.memory_space<semaphore_mem>>) src(%dma_wait3A_50 : memref<32x128xf32, #tpu.memory_space<vmem_shared>>) dst(%arg18 : memref<32x128xf32, #tpu.memory_space<vmem>>)
        tpu.yield
      }) : () -> ()
      "tpu.region"() ({
        %run_scoped3A = tpu.sem_alloc : memref<!tpu.dma_semaphore, #tpu.memory_space<semaphore_mem>>
        %dma_start3A_44 = arith.constant 0 : i32
        %dma_start3A_45 = tpu.memref_slice %arg9[%add3A_39, %dma_start3A_44] : memref<2048x128xf32, #tpu.memory_space<hbm>> -> memref<32x128xf32, #tpu.memory_space<hbm>>
        %dma_start3A_46 = arith.constant 0 : i32
        %dma_start3A_47 = tpu.memref_slice %arg9[%add3A_39, %dma_start3A_46] : memref<2048x128xf32, #tpu.memory_space<hbm>> -> memref<32x128xf32, #tpu.memory_space<hbm>>
        tpu.enqueue_dma source(%arg18 : memref<32x128xf32, #tpu.memory_space<vmem>>) target(%dma_start3A_47 : memref<32x128xf32, #tpu.memory_space<hbm>>) target_semaphore(%run_scoped3A : memref<!tpu.dma_semaphore, #tpu.memory_space<semaphore_mem>>)
        %dma_wait3A = arith.constant 0 : i32
        %dma_wait3A_48 = tpu.memref_slice %arg9[%add3A_39, %dma_wait3A] : memref<2048x128xf32, #tpu.memory_space<hbm>> -> memref<32x128xf32, #tpu.memory_space<hbm>>
        %dma_wait3A_49 = arith.constant 0 : i32
        %dma_wait3A_50 = tpu.memref_slice %arg9[%add3A_39, %dma_wait3A_49] : memref<2048x128xf32, #tpu.memory_space<hbm>> -> memref<32x128xf32, #tpu.memory_space<hbm>>
        tpu.wait_dma2 semaphore(%run_scoped3A : memref<!tpu.dma_semaphore, #tpu.memory_space<semaphore_mem>>) src(%arg18 : memref<32x128xf32, #tpu.memory_space<vmem>>) dst(%dma_wait3A_50 : memref<32x128xf32, #tpu.memory_space<hbm>>)
        tpu.yield
      }) : () -> ()
      %add3A_40 = arith.constant 64 : i32
      %add3A_41 = arith.addi %mul3A_2, %add3A_40 : i32
      "tpu.region"() ({
        %run_scoped3A = tpu.sem_alloc : memref<!tpu.dma_semaphore, #tpu.memory_space<semaphore_mem>>
        %dma_start3A_44 = arith.constant 0 : i32
        %dma_start3A_45 = tpu.memref_slice %arg19[%add3A_41, %dma_start3A_44] : memref<2048x128xf32, #tpu.memory_space<vmem_shared>> -> memref<32x128xf32, #tpu.memory_space<vmem_shared>>
        %dma_start3A_46 = arith.constant 0 : i32
        %dma_start3A_47 = tpu.memref_slice %arg19[%add3A_41, %dma_start3A_46] : memref<2048x128xf32, #tpu.memory_space<vmem_shared>> -> memref<32x128xf32, #tpu.memory_space<vmem_shared>>
        tpu.enqueue_dma source(%dma_start3A_47 : memref<32x128xf32, #tpu.memory_space<vmem_shared>>) target(%arg18 : memref<32x128xf32, #tpu.memory_space<vmem>>) target_semaphore(%run_scoped3A : memref<!tpu.dma_semaphore, #tpu.memory_space<semaphore_mem>>)
        %dma_wait3A = arith.constant 0 : i32
        %dma_wait3A_48 = tpu.memref_slice %arg19[%add3A_41, %dma_wait3A] : memref<2048x128xf32, #tpu.memory_space<vmem_shared>> -> memref<32x128xf32, #tpu.memory_space<vmem_shared>>
        %dma_wait3A_49 = arith.constant 0 : i32
        %dma_wait3A_50 = tpu.memref_slice %arg19[%add3A_41, %dma_wait3A_49] : memref<2048x128xf32, #tpu.memory_space<vmem_shared>> -> memref<32x128xf32, #tpu.memory_space<vmem_shared>>
        tpu.wait_dma2 semaphore(%run_scoped3A : memref<!tpu.dma_semaphore, #tpu.memory_space<semaphore_mem>>) src(%dma_wait3A_50 : memref<32x128xf32, #tpu.memory_space<vmem_shared>>) dst(%arg18 : memref<32x128xf32, #tpu.memory_space<vmem>>)
        tpu.yield
      }) : () -> ()
      "tpu.region"() ({
        %run_scoped3A = tpu.sem_alloc : memref<!tpu.dma_semaphore, #tpu.memory_space<semaphore_mem>>
        %dma_start3A_44 = arith.constant 0 : i32
        %dma_start3A_45 = tpu.memref_slice %arg7[%add3A_41, %dma_start3A_44] : memref<2048x128xf32, #tpu.memory_space<hbm>> -> memref<32x128xf32, #tpu.memory_space<hbm>>
        %dma_start3A_46 = arith.constant 0 : i32
        %dma_start3A_47 = tpu.memref_slice %arg7[%add3A_41, %dma_start3A_46] : memref<2048x128xf32, #tpu.memory_space<hbm>> -> memref<32x128xf32, #tpu.memory_space<hbm>>
        tpu.enqueue_dma source(%arg18 : memref<32x128xf32, #tpu.memory_space<vmem>>) target(%dma_start3A_47 : memref<32x128xf32, #tpu.memory_space<hbm>>) target_semaphore(%run_scoped3A : memref<!tpu.dma_semaphore, #tpu.memory_space<semaphore_mem>>)
        %dma_wait3A = arith.constant 0 : i32
        %dma_wait3A_48 = tpu.memref_slice %arg7[%add3A_41, %dma_wait3A] : memref<2048x128xf32, #tpu.memory_space<hbm>> -> memref<32x128xf32, #tpu.memory_space<hbm>>
        %dma_wait3A_49 = arith.constant 0 : i32
        %dma_wait3A_50 = tpu.memref_slice %arg7[%add3A_41, %dma_wait3A_49] : memref<2048x128xf32, #tpu.memory_space<hbm>> -> memref<32x128xf32, #tpu.memory_space<hbm>>
        tpu.wait_dma2 semaphore(%run_scoped3A : memref<!tpu.dma_semaphore, #tpu.memory_space<semaphore_mem>>) src(%arg18 : memref<32x128xf32, #tpu.memory_space<vmem>>) dst(%dma_wait3A_50 : memref<32x128xf32, #tpu.memory_space<hbm>>)
        tpu.yield
      }) : () -> ()
      "tpu.region"() ({
        %run_scoped3A = tpu.sem_alloc : memref<!tpu.dma_semaphore, #tpu.memory_space<semaphore_mem>>
        %dma_start3A_44 = arith.constant 0 : i32
        %dma_start3A_45 = tpu.memref_slice %arg20[%add3A_41, %dma_start3A_44] : memref<2048x128xf32, #tpu.memory_space<vmem_shared>> -> memref<32x128xf32, #tpu.memory_space<vmem_shared>>
        %dma_start3A_46 = arith.constant 0 : i32
        %dma_start3A_47 = tpu.memref_slice %arg20[%add3A_41, %dma_start3A_46] : memref<2048x128xf32, #tpu.memory_space<vmem_shared>> -> memref<32x128xf32, #tpu.memory_space<vmem_shared>>
        tpu.enqueue_dma source(%dma_start3A_47 : memref<32x128xf32, #tpu.memory_space<vmem_shared>>) target(%arg18 : memref<32x128xf32, #tpu.memory_space<vmem>>) target_semaphore(%run_scoped3A : memref<!tpu.dma_semaphore, #tpu.memory_space<semaphore_mem>>)
        %dma_wait3A = arith.constant 0 : i32
        %dma_wait3A_48 = tpu.memref_slice %arg20[%add3A_41, %dma_wait3A] : memref<2048x128xf32, #tpu.memory_space<vmem_shared>> -> memref<32x128xf32, #tpu.memory_space<vmem_shared>>
        %dma_wait3A_49 = arith.constant 0 : i32
        %dma_wait3A_50 = tpu.memref_slice %arg20[%add3A_41, %dma_wait3A_49] : memref<2048x128xf32, #tpu.memory_space<vmem_shared>> -> memref<32x128xf32, #tpu.memory_space<vmem_shared>>
        tpu.wait_dma2 semaphore(%run_scoped3A : memref<!tpu.dma_semaphore, #tpu.memory_space<semaphore_mem>>) src(%dma_wait3A_50 : memref<32x128xf32, #tpu.memory_space<vmem_shared>>) dst(%arg18 : memref<32x128xf32, #tpu.memory_space<vmem>>)
        tpu.yield
      }) : () -> ()
      "tpu.region"() ({
        %run_scoped3A = tpu.sem_alloc : memref<!tpu.dma_semaphore, #tpu.memory_space<semaphore_mem>>
        %dma_start3A_44 = arith.constant 0 : i32
        %dma_start3A_45 = tpu.memref_slice %arg9[%add3A_41, %dma_start3A_44] : memref<2048x128xf32, #tpu.memory_space<hbm>> -> memref<32x128xf32, #tpu.memory_space<hbm>>
        %dma_start3A_46 = arith.constant 0 : i32
        %dma_start3A_47 = tpu.memref_slice %arg9[%add3A_41, %dma_start3A_46] : memref<2048x128xf32, #tpu.memory_space<hbm>> -> memref<32x128xf32, #tpu.memory_space<hbm>>
        tpu.enqueue_dma source(%arg18 : memref<32x128xf32, #tpu.memory_space<vmem>>) target(%dma_start3A_47 : memref<32x128xf32, #tpu.memory_space<hbm>>) target_semaphore(%run_scoped3A : memref<!tpu.dma_semaphore, #tpu.memory_space<semaphore_mem>>)
        %dma_wait3A = arith.constant 0 : i32
        %dma_wait3A_48 = tpu.memref_slice %arg9[%add3A_41, %dma_wait3A] : memref<2048x128xf32, #tpu.memory_space<hbm>> -> memref<32x128xf32, #tpu.memory_space<hbm>>
        %dma_wait3A_49 = arith.constant 0 : i32
        %dma_wait3A_50 = tpu.memref_slice %arg9[%add3A_41, %dma_wait3A_49] : memref<2048x128xf32, #tpu.memory_space<hbm>> -> memref<32x128xf32, #tpu.memory_space<hbm>>
        tpu.wait_dma2 semaphore(%run_scoped3A : memref<!tpu.dma_semaphore, #tpu.memory_space<semaphore_mem>>) src(%arg18 : memref<32x128xf32, #tpu.memory_space<vmem>>) dst(%dma_wait3A_50 : memref<32x128xf32, #tpu.memory_space<hbm>>)
        tpu.yield
      }) : () -> ()
      %add3A_42 = arith.constant 96 : i32
      %add3A_43 = arith.addi %mul3A_2, %add3A_42 : i32
      "tpu.region"() ({
        %run_scoped3A = tpu.sem_alloc : memref<!tpu.dma_semaphore, #tpu.memory_space<semaphore_mem>>
        %dma_start3A_44 = arith.constant 0 : i32
        %dma_start3A_45 = tpu.memref_slice %arg19[%add3A_43, %dma_start3A_44] : memref<2048x128xf32, #tpu.memory_space<vmem_shared>> -> memref<32x128xf32, #tpu.memory_space<vmem_shared>>
        %dma_start3A_46 = arith.constant 0 : i32
        %dma_start3A_47 = tpu.memref_slice %arg19[%add3A_43, %dma_start3A_46] : memref<2048x128xf32, #tpu.memory_space<vmem_shared>> -> memref<32x128xf32, #tpu.memory_space<vmem_shared>>
        tpu.enqueue_dma source(%dma_start3A_47 : memref<32x128xf32, #tpu.memory_space<vmem_shared>>) target(%arg18 : memref<32x128xf32, #tpu.memory_space<vmem>>) target_semaphore(%run_scoped3A : memref<!tpu.dma_semaphore, #tpu.memory_space<semaphore_mem>>)
        %dma_wait3A = arith.constant 0 : i32
        %dma_wait3A_48 = tpu.memref_slice %arg19[%add3A_43, %dma_wait3A] : memref<2048x128xf32, #tpu.memory_space<vmem_shared>> -> memref<32x128xf32, #tpu.memory_space<vmem_shared>>
        %dma_wait3A_49 = arith.constant 0 : i32
        %dma_wait3A_50 = tpu.memref_slice %arg19[%add3A_43, %dma_wait3A_49] : memref<2048x128xf32, #tpu.memory_space<vmem_shared>> -> memref<32x128xf32, #tpu.memory_space<vmem_shared>>
        tpu.wait_dma2 semaphore(%run_scoped3A : memref<!tpu.dma_semaphore, #tpu.memory_space<semaphore_mem>>) src(%dma_wait3A_50 : memref<32x128xf32, #tpu.memory_space<vmem_shared>>) dst(%arg18 : memref<32x128xf32, #tpu.memory_space<vmem>>)
        tpu.yield
      }) : () -> ()
      "tpu.region"() ({
        %run_scoped3A = tpu.sem_alloc : memref<!tpu.dma_semaphore, #tpu.memory_space<semaphore_mem>>
        %dma_start3A_44 = arith.constant 0 : i32
        %dma_start3A_45 = tpu.memref_slice %arg7[%add3A_43, %dma_start3A_44] : memref<2048x128xf32, #tpu.memory_space<hbm>> -> memref<32x128xf32, #tpu.memory_space<hbm>>
        %dma_start3A_46 = arith.constant 0 : i32
        %dma_start3A_47 = tpu.memref_slice %arg7[%add3A_43, %dma_start3A_46] : memref<2048x128xf32, #tpu.memory_space<hbm>> -> memref<32x128xf32, #tpu.memory_space<hbm>>
        tpu.enqueue_dma source(%arg18 : memref<32x128xf32, #tpu.memory_space<vmem>>) target(%dma_start3A_47 : memref<32x128xf32, #tpu.memory_space<hbm>>) target_semaphore(%run_scoped3A : memref<!tpu.dma_semaphore, #tpu.memory_space<semaphore_mem>>)
        %dma_wait3A = arith.constant 0 : i32
        %dma_wait3A_48 = tpu.memref_slice %arg7[%add3A_43, %dma_wait3A] : memref<2048x128xf32, #tpu.memory_space<hbm>> -> memref<32x128xf32, #tpu.memory_space<hbm>>
        %dma_wait3A_49 = arith.constant 0 : i32
        %dma_wait3A_50 = tpu.memref_slice %arg7[%add3A_43, %dma_wait3A_49] : memref<2048x128xf32, #tpu.memory_space<hbm>> -> memref<32x128xf32, #tpu.memory_space<hbm>>
        tpu.wait_dma2 semaphore(%run_scoped3A : memref<!tpu.dma_semaphore, #tpu.memory_space<semaphore_mem>>) src(%arg18 : memref<32x128xf32, #tpu.memory_space<vmem>>) dst(%dma_wait3A_50 : memref<32x128xf32, #tpu.memory_space<hbm>>)
        tpu.yield
      }) : () -> ()
      "tpu.region"() ({
        %run_scoped3A = tpu.sem_alloc : memref<!tpu.dma_semaphore, #tpu.memory_space<semaphore_mem>>
        %dma_start3A_44 = arith.constant 0 : i32
        %dma_start3A_45 = tpu.memref_slice %arg20[%add3A_43, %dma_start3A_44] : memref<2048x128xf32, #tpu.memory_space<vmem_shared>> -> memref<32x128xf32, #tpu.memory_space<vmem_shared>>
        %dma_start3A_46 = arith.constant 0 : i32
        %dma_start3A_47 = tpu.memref_slice %arg20[%add3A_43, %dma_start3A_46] : memref<2048x128xf32, #tpu.memory_space<vmem_shared>> -> memref<32x128xf32, #tpu.memory_space<vmem_shared>>
        tpu.enqueue_dma source(%dma_start3A_47 : memref<32x128xf32, #tpu.memory_space<vmem_shared>>) target(%arg18 : memref<32x128xf32, #tpu.memory_space<vmem>>) target_semaphore(%run_scoped3A : memref<!tpu.dma_semaphore, #tpu.memory_space<semaphore_mem>>)
        %dma_wait3A = arith.constant 0 : i32
        %dma_wait3A_48 = tpu.memref_slice %arg20[%add3A_43, %dma_wait3A] : memref<2048x128xf32, #tpu.memory_space<vmem_shared>> -> memref<32x128xf32, #tpu.memory_space<vmem_shared>>
        %dma_wait3A_49 = arith.constant 0 : i32
        %dma_wait3A_50 = tpu.memref_slice %arg20[%add3A_43, %dma_wait3A_49] : memref<2048x128xf32, #tpu.memory_space<vmem_shared>> -> memref<32x128xf32, #tpu.memory_space<vmem_shared>>
        tpu.wait_dma2 semaphore(%run_scoped3A : memref<!tpu.dma_semaphore, #tpu.memory_space<semaphore_mem>>) src(%dma_wait3A_50 : memref<32x128xf32, #tpu.memory_space<vmem_shared>>) dst(%arg18 : memref<32x128xf32, #tpu.memory_space<vmem>>)
        tpu.yield
      }) : () -> ()
      "tpu.region"() ({
        %run_scoped3A = tpu.sem_alloc : memref<!tpu.dma_semaphore, #tpu.memory_space<semaphore_mem>>
        %dma_start3A_44 = arith.constant 0 : i32
        %dma_start3A_45 = tpu.memref_slice %arg9[%add3A_43, %dma_start3A_44] : memref<2048x128xf32, #tpu.memory_space<hbm>> -> memref<32x128xf32, #tpu.memory_space<hbm>>
        %dma_start3A_46 = arith.constant 0 : i32
        %dma_start3A_47 = tpu.memref_slice %arg9[%add3A_43, %dma_start3A_46] : memref<2048x128xf32, #tpu.memory_space<hbm>> -> memref<32x128xf32, #tpu.memory_space<hbm>>
        tpu.enqueue_dma source(%arg18 : memref<32x128xf32, #tpu.memory_space<vmem>>) target(%dma_start3A_47 : memref<32x128xf32, #tpu.memory_space<hbm>>) target_semaphore(%run_scoped3A : memref<!tpu.dma_semaphore, #tpu.memory_space<semaphore_mem>>)
        %dma_wait3A = arith.constant 0 : i32
        %dma_wait3A_48 = tpu.memref_slice %arg9[%add3A_43, %dma_wait3A] : memref<2048x128xf32, #tpu.memory_space<hbm>> -> memref<32x128xf32, #tpu.memory_space<hbm>>
        %dma_wait3A_49 = arith.constant 0 : i32
        %dma_wait3A_50 = tpu.memref_slice %arg9[%add3A_43, %dma_wait3A_49] : memref<2048x128xf32, #tpu.memory_space<hbm>> -> memref<32x128xf32, #tpu.memory_space<hbm>>
        tpu.wait_dma2 semaphore(%run_scoped3A : memref<!tpu.dma_semaphore, #tpu.memory_space<semaphore_mem>>) src(%arg18 : memref<32x128xf32, #tpu.memory_space<vmem>>) dst(%dma_wait3A_50 : memref<32x128xf32, #tpu.memory_space<hbm>>)
        tpu.yield
      }) : () -> ()
    } else {
    }
    %eq3A_31 = arith.constant 1 : i32
    %eq3A_32 = arith.cmpi eq, %arg0, %eq3A_31 : i32
    %convert_element_type3A_33 = arith.extui %eq3A_32 : i1 to i32
    %cond3A_34 = arith.constant 0 : i32
    %cond3A_35 = arith.cmpi ne, %convert_element_type3A_33, %cond3A_34 : i32
    scf.if %cond3A_35 {
      %add3A_36 = arith.constant 0 : i32
      %add3A_37 = arith.addi %mul3A_2, %add3A_36 : i32
      "tpu.region"() ({
        %run_scoped3A = tpu.sem_alloc : memref<!tpu.dma_semaphore, #tpu.memory_space<semaphore_mem>>
        %dma_start3A_44 = arith.constant 0 : i32
        %dma_start3A_45 = tpu.memref_slice %arg19[%add3A_37, %dma_start3A_44] : memref<2048x128xf32, #tpu.memory_space<vmem_shared>> -> memref<32x128xf32, #tpu.memory_space<vmem_shared>>
        %dma_start3A_46 = arith.constant 0 : i32
        %dma_start3A_47 = tpu.memref_slice %arg19[%add3A_37, %dma_start3A_46] : memref<2048x128xf32, #tpu.memory_space<vmem_shared>> -> memref<32x128xf32, #tpu.memory_space<vmem_shared>>
        tpu.enqueue_dma source(%dma_start3A_47 : memref<32x128xf32, #tpu.memory_space<vmem_shared>>) target(%arg18 : memref<32x128xf32, #tpu.memory_space<vmem>>) target_semaphore(%run_scoped3A : memref<!tpu.dma_semaphore, #tpu.memory_space<semaphore_mem>>)
        %dma_wait3A = arith.constant 0 : i32
        %dma_wait3A_48 = tpu.memref_slice %arg19[%add3A_37, %dma_wait3A] : memref<2048x128xf32, #tpu.memory_space<vmem_shared>> -> memref<32x128xf32, #tpu.memory_space<vmem_shared>>
        %dma_wait3A_49 = arith.constant 0 : i32
        %dma_wait3A_50 = tpu.memref_slice %arg19[%add3A_37, %dma_wait3A_49] : memref<2048x128xf32, #tpu.memory_space<vmem_shared>> -> memref<32x128xf32, #tpu.memory_space<vmem_shared>>
        tpu.wait_dma2 semaphore(%run_scoped3A : memref<!tpu.dma_semaphore, #tpu.memory_space<semaphore_mem>>) src(%dma_wait3A_50 : memref<32x128xf32, #tpu.memory_space<vmem_shared>>) dst(%arg18 : memref<32x128xf32, #tpu.memory_space<vmem>>)
        tpu.yield
      }) : () -> ()
      "tpu.region"() ({
        %run_scoped3A = tpu.sem_alloc : memref<!tpu.dma_semaphore, #tpu.memory_space<semaphore_mem>>
        %dma_start3A_44 = arith.constant 0 : i32
        %dma_start3A_45 = tpu.memref_slice %arg8[%add3A_37, %dma_start3A_44] : memref<2048x128xf32, #tpu.memory_space<hbm>> -> memref<32x128xf32, #tpu.memory_space<hbm>>
        %dma_start3A_46 = arith.constant 0 : i32
        %dma_start3A_47 = tpu.memref_slice %arg8[%add3A_37, %dma_start3A_46] : memref<2048x128xf32, #tpu.memory_space<hbm>> -> memref<32x128xf32, #tpu.memory_space<hbm>>
        tpu.enqueue_dma source(%arg18 : memref<32x128xf32, #tpu.memory_space<vmem>>) target(%dma_start3A_47 : memref<32x128xf32, #tpu.memory_space<hbm>>) target_semaphore(%run_scoped3A : memref<!tpu.dma_semaphore, #tpu.memory_space<semaphore_mem>>)
        %dma_wait3A = arith.constant 0 : i32
        %dma_wait3A_48 = tpu.memref_slice %arg8[%add3A_37, %dma_wait3A] : memref<2048x128xf32, #tpu.memory_space<hbm>> -> memref<32x128xf32, #tpu.memory_space<hbm>>
        %dma_wait3A_49 = arith.constant 0 : i32
        %dma_wait3A_50 = tpu.memref_slice %arg8[%add3A_37, %dma_wait3A_49] : memref<2048x128xf32, #tpu.memory_space<hbm>> -> memref<32x128xf32, #tpu.memory_space<hbm>>
        tpu.wait_dma2 semaphore(%run_scoped3A : memref<!tpu.dma_semaphore, #tpu.memory_space<semaphore_mem>>) src(%arg18 : memref<32x128xf32, #tpu.memory_space<vmem>>) dst(%dma_wait3A_50 : memref<32x128xf32, #tpu.memory_space<hbm>>)
        tpu.yield
      }) : () -> ()
      "tpu.region"() ({
        %run_scoped3A = tpu.sem_alloc : memref<!tpu.dma_semaphore, #tpu.memory_space<semaphore_mem>>
        %dma_start3A_44 = arith.constant 0 : i32
        %dma_start3A_45 = tpu.memref_slice %arg20[%add3A_37, %dma_start3A_44] : memref<2048x128xf32, #tpu.memory_space<vmem_shared>> -> memref<32x128xf32, #tpu.memory_space<vmem_shared>>
        %dma_start3A_46 = arith.constant 0 : i32
        %dma_start3A_47 = tpu.memref_slice %arg20[%add3A_37, %dma_start3A_46] : memref<2048x128xf32, #tpu.memory_space<vmem_shared>> -> memref<32x128xf32, #tpu.memory_space<vmem_shared>>
        tpu.enqueue_dma source(%dma_start3A_47 : memref<32x128xf32, #tpu.memory_space<vmem_shared>>) target(%arg18 : memref<32x128xf32, #tpu.memory_space<vmem>>) target_semaphore(%run_scoped3A : memref<!tpu.dma_semaphore, #tpu.memory_space<semaphore_mem>>)
        %dma_wait3A = arith.constant 0 : i32
        %dma_wait3A_48 = tpu.memref_slice %arg20[%add3A_37, %dma_wait3A] : memref<2048x128xf32, #tpu.memory_space<vmem_shared>> -> memref<32x128xf32, #tpu.memory_space<vmem_shared>>
        %dma_wait3A_49 = arith.constant 0 : i32
        %dma_wait3A_50 = tpu.memref_slice %arg20[%add3A_37, %dma_wait3A_49] : memref<2048x128xf32, #tpu.memory_space<vmem_shared>> -> memref<32x128xf32, #tpu.memory_space<vmem_shared>>
        tpu.wait_dma2 semaphore(%run_scoped3A : memref<!tpu.dma_semaphore, #tpu.memory_space<semaphore_mem>>) src(%dma_wait3A_50 : memref<32x128xf32, #tpu.memory_space<vmem_shared>>) dst(%arg18 : memref<32x128xf32, #tpu.memory_space<vmem>>)
        tpu.yield
      }) : () -> ()
      "tpu.region"() ({
        %run_scoped3A = tpu.sem_alloc : memref<!tpu.dma_semaphore, #tpu.memory_space<semaphore_mem>>
        %dma_start3A_44 = arith.constant 0 : i32
        %dma_start3A_45 = tpu.memref_slice %arg10[%add3A_37, %dma_start3A_44] : memref<2048x128xf32, #tpu.memory_space<hbm>> -> memref<32x128xf32, #tpu.memory_space<hbm>>
        %dma_start3A_46 = arith.constant 0 : i32
        %dma_start3A_47 = tpu.memref_slice %arg10[%add3A_37, %dma_start3A_46] : memref<2048x128xf32, #tpu.memory_space<hbm>> -> memref<32x128xf32, #tpu.memory_space<hbm>>
        tpu.enqueue_dma source(%arg18 : memref<32x128xf32, #tpu.memory_space<vmem>>) target(%dma_start3A_47 : memref<32x128xf32, #tpu.memory_space<hbm>>) target_semaphore(%run_scoped3A : memref<!tpu.dma_semaphore, #tpu.memory_space<semaphore_mem>>)
        %dma_wait3A = arith.constant 0 : i32
        %dma_wait3A_48 = tpu.memref_slice %arg10[%add3A_37, %dma_wait3A] : memref<2048x128xf32, #tpu.memory_space<hbm>> -> memref<32x128xf32, #tpu.memory_space<hbm>>
        %dma_wait3A_49 = arith.constant 0 : i32
        %dma_wait3A_50 = tpu.memref_slice %arg10[%add3A_37, %dma_wait3A_49] : memref<2048x128xf32, #tpu.memory_space<hbm>> -> memref<32x128xf32, #tpu.memory_space<hbm>>
        tpu.wait_dma2 semaphore(%run_scoped3A : memref<!tpu.dma_semaphore, #tpu.memory_space<semaphore_mem>>) src(%arg18 : memref<32x128xf32, #tpu.memory_space<vmem>>) dst(%dma_wait3A_50 : memref<32x128xf32, #tpu.memory_space<hbm>>)
        tpu.yield
      }) : () -> ()
      %add3A_38 = arith.constant 32 : i32
      %add3A_39 = arith.addi %mul3A_2, %add3A_38 : i32
      "tpu.region"() ({
        %run_scoped3A = tpu.sem_alloc : memref<!tpu.dma_semaphore, #tpu.memory_space<semaphore_mem>>
        %dma_start3A_44 = arith.constant 0 : i32
        %dma_start3A_45 = tpu.memref_slice %arg19[%add3A_39, %dma_start3A_44] : memref<2048x128xf32, #tpu.memory_space<vmem_shared>> -> memref<32x128xf32, #tpu.memory_space<vmem_shared>>
        %dma_start3A_46 = arith.constant 0 : i32
        %dma_start3A_47 = tpu.memref_slice %arg19[%add3A_39, %dma_start3A_46] : memref<2048x128xf32, #tpu.memory_space<vmem_shared>> -> memref<32x128xf32, #tpu.memory_space<vmem_shared>>
        tpu.enqueue_dma source(%dma_start3A_47 : memref<32x128xf32, #tpu.memory_space<vmem_shared>>) target(%arg18 : memref<32x128xf32, #tpu.memory_space<vmem>>) target_semaphore(%run_scoped3A : memref<!tpu.dma_semaphore, #tpu.memory_space<semaphore_mem>>)
        %dma_wait3A = arith.constant 0 : i32
        %dma_wait3A_48 = tpu.memref_slice %arg19[%add3A_39, %dma_wait3A] : memref<2048x128xf32, #tpu.memory_space<vmem_shared>> -> memref<32x128xf32, #tpu.memory_space<vmem_shared>>
        %dma_wait3A_49 = arith.constant 0 : i32
        %dma_wait3A_50 = tpu.memref_slice %arg19[%add3A_39, %dma_wait3A_49] : memref<2048x128xf32, #tpu.memory_space<vmem_shared>> -> memref<32x128xf32, #tpu.memory_space<vmem_shared>>
        tpu.wait_dma2 semaphore(%run_scoped3A : memref<!tpu.dma_semaphore, #tpu.memory_space<semaphore_mem>>) src(%dma_wait3A_50 : memref<32x128xf32, #tpu.memory_space<vmem_shared>>) dst(%arg18 : memref<32x128xf32, #tpu.memory_space<vmem>>)
        tpu.yield
      }) : () -> ()
      "tpu.region"() ({
        %run_scoped3A = tpu.sem_alloc : memref<!tpu.dma_semaphore, #tpu.memory_space<semaphore_mem>>
        %dma_start3A_44 = arith.constant 0 : i32
        %dma_start3A_45 = tpu.memref_slice %arg8[%add3A_39, %dma_start3A_44] : memref<2048x128xf32, #tpu.memory_space<hbm>> -> memref<32x128xf32, #tpu.memory_space<hbm>>
        %dma_start3A_46 = arith.constant 0 : i32
        %dma_start3A_47 = tpu.memref_slice %arg8[%add3A_39, %dma_start3A_46] : memref<2048x128xf32, #tpu.memory_space<hbm>> -> memref<32x128xf32, #tpu.memory_space<hbm>>
        tpu.enqueue_dma source(%arg18 : memref<32x128xf32, #tpu.memory_space<vmem>>) target(%dma_start3A_47 : memref<32x128xf32, #tpu.memory_space<hbm>>) target_semaphore(%run_scoped3A : memref<!tpu.dma_semaphore, #tpu.memory_space<semaphore_mem>>)
        %dma_wait3A = arith.constant 0 : i32
        %dma_wait3A_48 = tpu.memref_slice %arg8[%add3A_39, %dma_wait3A] : memref<2048x128xf32, #tpu.memory_space<hbm>> -> memref<32x128xf32, #tpu.memory_space<hbm>>
        %dma_wait3A_49 = arith.constant 0 : i32
        %dma_wait3A_50 = tpu.memref_slice %arg8[%add3A_39, %dma_wait3A_49] : memref<2048x128xf32, #tpu.memory_space<hbm>> -> memref<32x128xf32, #tpu.memory_space<hbm>>
        tpu.wait_dma2 semaphore(%run_scoped3A : memref<!tpu.dma_semaphore, #tpu.memory_space<semaphore_mem>>) src(%arg18 : memref<32x128xf32, #tpu.memory_space<vmem>>) dst(%dma_wait3A_50 : memref<32x128xf32, #tpu.memory_space<hbm>>)
        tpu.yield
      }) : () -> ()
      "tpu.region"() ({
        %run_scoped3A = tpu.sem_alloc : memref<!tpu.dma_semaphore, #tpu.memory_space<semaphore_mem>>
        %dma_start3A_44 = arith.constant 0 : i32
        %dma_start3A_45 = tpu.memref_slice %arg20[%add3A_39, %dma_start3A_44] : memref<2048x128xf32, #tpu.memory_space<vmem_shared>> -> memref<32x128xf32, #tpu.memory_space<vmem_shared>>
        %dma_start3A_46 = arith.constant 0 : i32
        %dma_start3A_47 = tpu.memref_slice %arg20[%add3A_39, %dma_start3A_46] : memref<2048x128xf32, #tpu.memory_space<vmem_shared>> -> memref<32x128xf32, #tpu.memory_space<vmem_shared>>
        tpu.enqueue_dma source(%dma_start3A_47 : memref<32x128xf32, #tpu.memory_space<vmem_shared>>) target(%arg18 : memref<32x128xf32, #tpu.memory_space<vmem>>) target_semaphore(%run_scoped3A : memref<!tpu.dma_semaphore, #tpu.memory_space<semaphore_mem>>)
        %dma_wait3A = arith.constant 0 : i32
        %dma_wait3A_48 = tpu.memref_slice %arg20[%add3A_39, %dma_wait3A] : memref<2048x128xf32, #tpu.memory_space<vmem_shared>> -> memref<32x128xf32, #tpu.memory_space<vmem_shared>>
        %dma_wait3A_49 = arith.constant 0 : i32
        %dma_wait3A_50 = tpu.memref_slice %arg20[%add3A_39, %dma_wait3A_49] : memref<2048x128xf32, #tpu.memory_space<vmem_shared>> -> memref<32x128xf32, #tpu.memory_space<vmem_shared>>
        tpu.wait_dma2 semaphore(%run_scoped3A : memref<!tpu.dma_semaphore, #tpu.memory_space<semaphore_mem>>) src(%dma_wait3A_50 : memref<32x128xf32, #tpu.memory_space<vmem_shared>>) dst(%arg18 : memref<32x128xf32, #tpu.memory_space<vmem>>)
        tpu.yield
      }) : () -> ()
      "tpu.region"() ({
        %run_scoped3A = tpu.sem_alloc : memref<!tpu.dma_semaphore, #tpu.memory_space<semaphore_mem>>
        %dma_start3A_44 = arith.constant 0 : i32
        %dma_start3A_45 = tpu.memref_slice %arg10[%add3A_39, %dma_start3A_44] : memref<2048x128xf32, #tpu.memory_space<hbm>> -> memref<32x128xf32, #tpu.memory_space<hbm>>
        %dma_start3A_46 = arith.constant 0 : i32
        %dma_start3A_47 = tpu.memref_slice %arg10[%add3A_39, %dma_start3A_46] : memref<2048x128xf32, #tpu.memory_space<hbm>> -> memref<32x128xf32, #tpu.memory_space<hbm>>
        tpu.enqueue_dma source(%arg18 : memref<32x128xf32, #tpu.memory_space<vmem>>) target(%dma_start3A_47 : memref<32x128xf32, #tpu.memory_space<hbm>>) target_semaphore(%run_scoped3A : memref<!tpu.dma_semaphore, #tpu.memory_space<semaphore_mem>>)
        %dma_wait3A = arith.constant 0 : i32
        %dma_wait3A_48 = tpu.memref_slice %arg10[%add3A_39, %dma_wait3A] : memref<2048x128xf32, #tpu.memory_space<hbm>> -> memref<32x128xf32, #tpu.memory_space<hbm>>
        %dma_wait3A_49 = arith.constant 0 : i32
        %dma_wait3A_50 = tpu.memref_slice %arg10[%add3A_39, %dma_wait3A_49] : memref<2048x128xf32, #tpu.memory_space<hbm>> -> memref<32x128xf32, #tpu.memory_space<hbm>>
        tpu.wait_dma2 semaphore(%run_scoped3A : memref<!tpu.dma_semaphore, #tpu.memory_space<semaphore_mem>>) src(%arg18 : memref<32x128xf32, #tpu.memory_space<vmem>>) dst(%dma_wait3A_50 : memref<32x128xf32, #tpu.memory_space<hbm>>)
        tpu.yield
      }) : () -> ()
      %add3A_40 = arith.constant 64 : i32
      %add3A_41 = arith.addi %mul3A_2, %add3A_40 : i32
      "tpu.region"() ({
        %run_scoped3A = tpu.sem_alloc : memref<!tpu.dma_semaphore, #tpu.memory_space<semaphore_mem>>
        %dma_start3A_44 = arith.constant 0 : i32
        %dma_start3A_45 = tpu.memref_slice %arg19[%add3A_41, %dma_start3A_44] : memref<2048x128xf32, #tpu.memory_space<vmem_shared>> -> memref<32x128xf32, #tpu.memory_space<vmem_shared>>
        %dma_start3A_46 = arith.constant 0 : i32
        %dma_start3A_47 = tpu.memref_slice %arg19[%add3A_41, %dma_start3A_46] : memref<2048x128xf32, #tpu.memory_space<vmem_shared>> -> memref<32x128xf32, #tpu.memory_space<vmem_shared>>
        tpu.enqueue_dma source(%dma_start3A_47 : memref<32x128xf32, #tpu.memory_space<vmem_shared>>) target(%arg18 : memref<32x128xf32, #tpu.memory_space<vmem>>) target_semaphore(%run_scoped3A : memref<!tpu.dma_semaphore, #tpu.memory_space<semaphore_mem>>)
        %dma_wait3A = arith.constant 0 : i32
        %dma_wait3A_48 = tpu.memref_slice %arg19[%add3A_41, %dma_wait3A] : memref<2048x128xf32, #tpu.memory_space<vmem_shared>> -> memref<32x128xf32, #tpu.memory_space<vmem_shared>>
        %dma_wait3A_49 = arith.constant 0 : i32
        %dma_wait3A_50 = tpu.memref_slice %arg19[%add3A_41, %dma_wait3A_49] : memref<2048x128xf32, #tpu.memory_space<vmem_shared>> -> memref<32x128xf32, #tpu.memory_space<vmem_shared>>
        tpu.wait_dma2 semaphore(%run_scoped3A : memref<!tpu.dma_semaphore, #tpu.memory_space<semaphore_mem>>) src(%dma_wait3A_50 : memref<32x128xf32, #tpu.memory_space<vmem_shared>>) dst(%arg18 : memref<32x128xf32, #tpu.memory_space<vmem>>)
        tpu.yield
      }) : () -> ()
      "tpu.region"() ({
        %run_scoped3A = tpu.sem_alloc : memref<!tpu.dma_semaphore, #tpu.memory_space<semaphore_mem>>
        %dma_start3A_44 = arith.constant 0 : i32
        %dma_start3A_45 = tpu.memref_slice %arg8[%add3A_41, %dma_start3A_44] : memref<2048x128xf32, #tpu.memory_space<hbm>> -> memref<32x128xf32, #tpu.memory_space<hbm>>
        %dma_start3A_46 = arith.constant 0 : i32
        %dma_start3A_47 = tpu.memref_slice %arg8[%add3A_41, %dma_start3A_46] : memref<2048x128xf32, #tpu.memory_space<hbm>> -> memref<32x128xf32, #tpu.memory_space<hbm>>
        tpu.enqueue_dma source(%arg18 : memref<32x128xf32, #tpu.memory_space<vmem>>) target(%dma_start3A_47 : memref<32x128xf32, #tpu.memory_space<hbm>>) target_semaphore(%run_scoped3A : memref<!tpu.dma_semaphore, #tpu.memory_space<semaphore_mem>>)
        %dma_wait3A = arith.constant 0 : i32
        %dma_wait3A_48 = tpu.memref_slice %arg8[%add3A_41, %dma_wait3A] : memref<2048x128xf32, #tpu.memory_space<hbm>> -> memref<32x128xf32, #tpu.memory_space<hbm>>
        %dma_wait3A_49 = arith.constant 0 : i32
        %dma_wait3A_50 = tpu.memref_slice %arg8[%add3A_41, %dma_wait3A_49] : memref<2048x128xf32, #tpu.memory_space<hbm>> -> memref<32x128xf32, #tpu.memory_space<hbm>>
        tpu.wait_dma2 semaphore(%run_scoped3A : memref<!tpu.dma_semaphore, #tpu.memory_space<semaphore_mem>>) src(%arg18 : memref<32x128xf32, #tpu.memory_space<vmem>>) dst(%dma_wait3A_50 : memref<32x128xf32, #tpu.memory_space<hbm>>)
        tpu.yield
      }) : () -> ()
      "tpu.region"() ({
        %run_scoped3A = tpu.sem_alloc : memref<!tpu.dma_semaphore, #tpu.memory_space<semaphore_mem>>
        %dma_start3A_44 = arith.constant 0 : i32
        %dma_start3A_45 = tpu.memref_slice %arg20[%add3A_41, %dma_start3A_44] : memref<2048x128xf32, #tpu.memory_space<vmem_shared>> -> memref<32x128xf32, #tpu.memory_space<vmem_shared>>
        %dma_start3A_46 = arith.constant 0 : i32
        %dma_start3A_47 = tpu.memref_slice %arg20[%add3A_41, %dma_start3A_46] : memref<2048x128xf32, #tpu.memory_space<vmem_shared>> -> memref<32x128xf32, #tpu.memory_space<vmem_shared>>
        tpu.enqueue_dma source(%dma_start3A_47 : memref<32x128xf32, #tpu.memory_space<vmem_shared>>) target(%arg18 : memref<32x128xf32, #tpu.memory_space<vmem>>) target_semaphore(%run_scoped3A : memref<!tpu.dma_semaphore, #tpu.memory_space<semaphore_mem>>)
        %dma_wait3A = arith.constant 0 : i32
        %dma_wait3A_48 = tpu.memref_slice %arg20[%add3A_41, %dma_wait3A] : memref<2048x128xf32, #tpu.memory_space<vmem_shared>> -> memref<32x128xf32, #tpu.memory_space<vmem_shared>>
        %dma_wait3A_49 = arith.constant 0 : i32
        %dma_wait3A_50 = tpu.memref_slice %arg20[%add3A_41, %dma_wait3A_49] : memref<2048x128xf32, #tpu.memory_space<vmem_shared>> -> memref<32x128xf32, #tpu.memory_space<vmem_shared>>
        tpu.wait_dma2 semaphore(%run_scoped3A : memref<!tpu.dma_semaphore, #tpu.memory_space<semaphore_mem>>) src(%dma_wait3A_50 : memref<32x128xf32, #tpu.memory_space<vmem_shared>>) dst(%arg18 : memref<32x128xf32, #tpu.memory_space<vmem>>)
        tpu.yield
      }) : () -> ()
      "tpu.region"() ({
        %run_scoped3A = tpu.sem_alloc : memref<!tpu.dma_semaphore, #tpu.memory_space<semaphore_mem>>
        %dma_start3A_44 = arith.constant 0 : i32
        %dma_start3A_45 = tpu.memref_slice %arg10[%add3A_41, %dma_start3A_44] : memref<2048x128xf32, #tpu.memory_space<hbm>> -> memref<32x128xf32, #tpu.memory_space<hbm>>
        %dma_start3A_46 = arith.constant 0 : i32
        %dma_start3A_47 = tpu.memref_slice %arg10[%add3A_41, %dma_start3A_46] : memref<2048x128xf32, #tpu.memory_space<hbm>> -> memref<32x128xf32, #tpu.memory_space<hbm>>
        tpu.enqueue_dma source(%arg18 : memref<32x128xf32, #tpu.memory_space<vmem>>) target(%dma_start3A_47 : memref<32x128xf32, #tpu.memory_space<hbm>>) target_semaphore(%run_scoped3A : memref<!tpu.dma_semaphore, #tpu.memory_space<semaphore_mem>>)
        %dma_wait3A = arith.constant 0 : i32
        %dma_wait3A_48 = tpu.memref_slice %arg10[%add3A_41, %dma_wait3A] : memref<2048x128xf32, #tpu.memory_space<hbm>> -> memref<32x128xf32, #tpu.memory_space<hbm>>
        %dma_wait3A_49 = arith.constant 0 : i32
        %dma_wait3A_50 = tpu.memref_slice %arg10[%add3A_41, %dma_wait3A_49] : memref<2048x128xf32, #tpu.memory_space<hbm>> -> memref<32x128xf32, #tpu.memory_space<hbm>>
        tpu.wait_dma2 semaphore(%run_scoped3A : memref<!tpu.dma_semaphore, #tpu.memory_space<semaphore_mem>>) src(%arg18 : memref<32x128xf32, #tpu.memory_space<vmem>>) dst(%dma_wait3A_50 : memref<32x128xf32, #tpu.memory_space<hbm>>)
        tpu.yield
      }) : () -> ()
      %add3A_42 = arith.constant 96 : i32
      %add3A_43 = arith.addi %mul3A_2, %add3A_42 : i32
      "tpu.region"() ({
        %run_scoped3A = tpu.sem_alloc : memref<!tpu.dma_semaphore, #tpu.memory_space<semaphore_mem>>
        %dma_start3A_44 = arith.constant 0 : i32
        %dma_start3A_45 = tpu.memref_slice %arg19[%add3A_43, %dma_start3A_44] : memref<2048x128xf32, #tpu.memory_space<vmem_shared>> -> memref<32x128xf32, #tpu.memory_space<vmem_shared>>
        %dma_start3A_46 = arith.constant 0 : i32
        %dma_start3A_47 = tpu.memref_slice %arg19[%add3A_43, %dma_start3A_46] : memref<2048x128xf32, #tpu.memory_space<vmem_shared>> -> memref<32x128xf32, #tpu.memory_space<vmem_shared>>
        tpu.enqueue_dma source(%dma_start3A_47 : memref<32x128xf32, #tpu.memory_space<vmem_shared>>) target(%arg18 : memref<32x128xf32, #tpu.memory_space<vmem>>) target_semaphore(%run_scoped3A : memref<!tpu.dma_semaphore, #tpu.memory_space<semaphore_mem>>)
        %dma_wait3A = arith.constant 0 : i32
        %dma_wait3A_48 = tpu.memref_slice %arg19[%add3A_43, %dma_wait3A] : memref<2048x128xf32, #tpu.memory_space<vmem_shared>> -> memref<32x128xf32, #tpu.memory_space<vmem_shared>>
        %dma_wait3A_49 = arith.constant 0 : i32
        %dma_wait3A_50 = tpu.memref_slice %arg19[%add3A_43, %dma_wait3A_49] : memref<2048x128xf32, #tpu.memory_space<vmem_shared>> -> memref<32x128xf32, #tpu.memory_space<vmem_shared>>
        tpu.wait_dma2 semaphore(%run_scoped3A : memref<!tpu.dma_semaphore, #tpu.memory_space<semaphore_mem>>) src(%dma_wait3A_50 : memref<32x128xf32, #tpu.memory_space<vmem_shared>>) dst(%arg18 : memref<32x128xf32, #tpu.memory_space<vmem>>)
        tpu.yield
      }) : () -> ()
      "tpu.region"() ({
        %run_scoped3A = tpu.sem_alloc : memref<!tpu.dma_semaphore, #tpu.memory_space<semaphore_mem>>
        %dma_start3A_44 = arith.constant 0 : i32
        %dma_start3A_45 = tpu.memref_slice %arg8[%add3A_43, %dma_start3A_44] : memref<2048x128xf32, #tpu.memory_space<hbm>> -> memref<32x128xf32, #tpu.memory_space<hbm>>
        %dma_start3A_46 = arith.constant 0 : i32
        %dma_start3A_47 = tpu.memref_slice %arg8[%add3A_43, %dma_start3A_46] : memref<2048x128xf32, #tpu.memory_space<hbm>> -> memref<32x128xf32, #tpu.memory_space<hbm>>
        tpu.enqueue_dma source(%arg18 : memref<32x128xf32, #tpu.memory_space<vmem>>) target(%dma_start3A_47 : memref<32x128xf32, #tpu.memory_space<hbm>>) target_semaphore(%run_scoped3A : memref<!tpu.dma_semaphore, #tpu.memory_space<semaphore_mem>>)
        %dma_wait3A = arith.constant 0 : i32
        %dma_wait3A_48 = tpu.memref_slice %arg8[%add3A_43, %dma_wait3A] : memref<2048x128xf32, #tpu.memory_space<hbm>> -> memref<32x128xf32, #tpu.memory_space<hbm>>
        %dma_wait3A_49 = arith.constant 0 : i32
        %dma_wait3A_50 = tpu.memref_slice %arg8[%add3A_43, %dma_wait3A_49] : memref<2048x128xf32, #tpu.memory_space<hbm>> -> memref<32x128xf32, #tpu.memory_space<hbm>>
        tpu.wait_dma2 semaphore(%run_scoped3A : memref<!tpu.dma_semaphore, #tpu.memory_space<semaphore_mem>>) src(%arg18 : memref<32x128xf32, #tpu.memory_space<vmem>>) dst(%dma_wait3A_50 : memref<32x128xf32, #tpu.memory_space<hbm>>)
        tpu.yield
      }) : () -> ()
      "tpu.region"() ({
        %run_scoped3A = tpu.sem_alloc : memref<!tpu.dma_semaphore, #tpu.memory_space<semaphore_mem>>
        %dma_start3A_44 = arith.constant 0 : i32
        %dma_start3A_45 = tpu.memref_slice %arg20[%add3A_43, %dma_start3A_44] : memref<2048x128xf32, #tpu.memory_space<vmem_shared>> -> memref<32x128xf32, #tpu.memory_space<vmem_shared>>
        %dma_start3A_46 = arith.constant 0 : i32
        %dma_start3A_47 = tpu.memref_slice %arg20[%add3A_43, %dma_start3A_46] : memref<2048x128xf32, #tpu.memory_space<vmem_shared>> -> memref<32x128xf32, #tpu.memory_space<vmem_shared>>
        tpu.enqueue_dma source(%dma_start3A_47 : memref<32x128xf32, #tpu.memory_space<vmem_shared>>) target(%arg18 : memref<32x128xf32, #tpu.memory_space<vmem>>) target_semaphore(%run_scoped3A : memref<!tpu.dma_semaphore, #tpu.memory_space<semaphore_mem>>)
        %dma_wait3A = arith.constant 0 : i32
        %dma_wait3A_48 = tpu.memref_slice %arg20[%add3A_43, %dma_wait3A] : memref<2048x128xf32, #tpu.memory_space<vmem_shared>> -> memref<32x128xf32, #tpu.memory_space<vmem_shared>>
        %dma_wait3A_49 = arith.constant 0 : i32
        %dma_wait3A_50 = tpu.memref_slice %arg20[%add3A_43, %dma_wait3A_49] : memref<2048x128xf32, #tpu.memory_space<vmem_shared>> -> memref<32x128xf32, #tpu.memory_space<vmem_shared>>
        tpu.wait_dma2 semaphore(%run_scoped3A : memref<!tpu.dma_semaphore, #tpu.memory_space<semaphore_mem>>) src(%dma_wait3A_50 : memref<32x128xf32, #tpu.memory_space<vmem_shared>>) dst(%arg18 : memref<32x128xf32, #tpu.memory_space<vmem>>)
        tpu.yield
      }) : () -> ()
      "tpu.region"() ({
        %run_scoped3A = tpu.sem_alloc : memref<!tpu.dma_semaphore, #tpu.memory_space<semaphore_mem>>
        %dma_start3A_44 = arith.constant 0 : i32
        %dma_start3A_45 = tpu.memref_slice %arg10[%add3A_43, %dma_start3A_44] : memref<2048x128xf32, #tpu.memory_space<hbm>> -> memref<32x128xf32, #tpu.memory_space<hbm>>
        %dma_start3A_46 = arith.constant 0 : i32
        %dma_start3A_47 = tpu.memref_slice %arg10[%add3A_43, %dma_start3A_46] : memref<2048x128xf32, #tpu.memory_space<hbm>> -> memref<32x128xf32, #tpu.memory_space<hbm>>
        tpu.enqueue_dma source(%arg18 : memref<32x128xf32, #tpu.memory_space<vmem>>) target(%dma_start3A_47 : memref<32x128xf32, #tpu.memory_space<hbm>>) target_semaphore(%run_scoped3A : memref<!tpu.dma_semaphore, #tpu.memory_space<semaphore_mem>>)
        %dma_wait3A = arith.constant 0 : i32
        %dma_wait3A_48 = tpu.memref_slice %arg10[%add3A_43, %dma_wait3A] : memref<2048x128xf32, #tpu.memory_space<hbm>> -> memref<32x128xf32, #tpu.memory_space<hbm>>
        %dma_wait3A_49 = arith.constant 0 : i32
        %dma_wait3A_50 = tpu.memref_slice %arg10[%add3A_43, %dma_wait3A_49] : memref<2048x128xf32, #tpu.memory_space<hbm>> -> memref<32x128xf32, #tpu.memory_space<hbm>>
        tpu.wait_dma2 semaphore(%run_scoped3A : memref<!tpu.dma_semaphore, #tpu.memory_space<semaphore_mem>>) src(%arg18 : memref<32x128xf32, #tpu.memory_space<vmem>>) dst(%dma_wait3A_50 : memref<32x128xf32, #tpu.memory_space<hbm>>)
        tpu.yield
      }) : () -> ()
    } else {
    }
    return
  }
}

module attributes {stable_mosaic.version = 14 : i64} {
  func.func @body(%arg0: i32, %arg1: memref<512x128xf32, #tpu.memory_space<vmem>>, %arg2: memref<512x1xf32, #tpu.memory_space<vmem>>, %arg3: memref<128x64xf32, #tpu.memory_space<vmem>>, %arg4: memref<1x64xf32, #tpu.memory_space<vmem>>, %arg5: memref<128x64xf32, #tpu.memory_space<vmem>>, %arg6: memref<1x64xf32, #tpu.memory_space<vmem>>, %arg7: memref<128x128xf32, #tpu.memory_space<vmem>>, %arg8: memref<64x128xf32, #tpu.memory_space<vmem>>, %arg9: memref<128x128xf32, #tpu.memory_space<vmem>>, %arg10: memref<64x128xf32, #tpu.memory_space<vmem>>, %arg11: memref<1x128xf32, #tpu.memory_space<vmem>>, %arg12: memref<512x128xf32, #tpu.memory_space<vmem>>, %arg13: memref<512x128xf32, #tpu.memory_space<vmem>>) attributes {dimension_semantics = [#tpu.dimension_semantics<arbitrary>], iteration_bounds = array<i64: 20>, scalar_prefetch = 0 : i64, scratch_operands = 0 : i64, tpu.core_type = #tpu.core_type<tc>, window_params = [{transform_indices = @transform_0, window_bounds = array<i64: 512, 128>}, {transform_indices = @transform_1, window_bounds = array<i64: 512, 1>}, {pipeline_mode = #tpu.pipeline_mode<synchronous>, transform_indices = @transform_2, window_bounds = array<i64: 128, 64>}, {pipeline_mode = #tpu.pipeline_mode<synchronous>, transform_indices = @transform_3, window_bounds = array<i64: 1, 64>}, {pipeline_mode = #tpu.pipeline_mode<synchronous>, transform_indices = @transform_4, window_bounds = array<i64: 128, 64>}, {pipeline_mode = #tpu.pipeline_mode<synchronous>, transform_indices = @transform_5, window_bounds = array<i64: 1, 64>}, {pipeline_mode = #tpu.pipeline_mode<synchronous>, transform_indices = @transform_6, window_bounds = array<i64: 128, 128>}, {pipeline_mode = #tpu.pipeline_mode<synchronous>, transform_indices = @transform_7, window_bounds = array<i64: 64, 128>}, {pipeline_mode = #tpu.pipeline_mode<synchronous>, transform_indices = @transform_8, window_bounds = array<i64: 128, 128>}, {pipeline_mode = #tpu.pipeline_mode<synchronous>, transform_indices = @transform_9, window_bounds = array<i64: 64, 128>}, {pipeline_mode = #tpu.pipeline_mode<synchronous>, transform_indices = @transform_10, window_bounds = array<i64: 1, 128>}, {transform_indices = @transform_11, window_bounds = array<i64: 512, 128>}, {transform_indices = @transform_12, window_bounds = array<i64: 512, 128>}]} {
    %get3A = arith.constant 0 : index
    %get3A_0 = arith.constant 0 : index
    %get3A_1 = vector.load %arg1[%get3A, %get3A_0] : memref<512x128xf32, #tpu.memory_space<vmem>>, vector<512x128xf32>
    %get3A_2 = arith.constant 0 : index
    %get3A_3 = arith.constant 0 : index
    %get3A_4 = vector.load %arg3[%get3A_2, %get3A_3] : memref<128x64xf32, #tpu.memory_space<vmem>>, vector<128x64xf32>
    %dot_general3A = arith.constant dense<0.000000e+00> : vector<512x64xf32>
    %dot_general3A_5 = tpu.matmul %get3A_1, %get3A_4, %dot_general3A {dimension_numbers = #tpu.dot_dimension_numbers<[1], [0], [0], [1], [0, 0, 1, 1], [], []>, transpose_lhs_hint = false} : vector<512x128xf32>, vector<128x64xf32>, vector<512x64xf32> -> vector<512x64xf32>
    %get3A_6 = arith.constant 0 : index
    %get3A_7 = arith.constant 0 : index
    %get3A_8 = vector.load %arg4[%get3A_6, %get3A_7] : memref<1x64xf32, #tpu.memory_space<vmem>>, vector<1x64xf32>
    %add3A = vector.broadcast %get3A_8 : vector<1x64xf32> to vector<512x64xf32>
    %add3A_9 = arith.addf %dot_general3A_5, %add3A : vector<512x64xf32>
    %max3A = arith.constant 0.000000e+00 : f32
    %max3A_10 = vector.broadcast %max3A : f32 to vector<512x64xf32>
    %max3A_11 = arith.maximumf %add3A_9, %max3A_10 : vector<512x64xf32>
    %get3A_12 = arith.constant 0 : index
    %get3A_13 = arith.constant 0 : index
    %get3A_14 = vector.load %arg5[%get3A_12, %get3A_13] : memref<128x64xf32, #tpu.memory_space<vmem>>, vector<128x64xf32>
    %dot_general3A_15 = arith.constant dense<0.000000e+00> : vector<512x64xf32>
    %dot_general3A_16 = tpu.matmul %get3A_1, %get3A_14, %dot_general3A_15 {dimension_numbers = #tpu.dot_dimension_numbers<[1], [0], [0], [1], [0, 0, 1, 1], [], []>, transpose_lhs_hint = false} : vector<512x128xf32>, vector<128x64xf32>, vector<512x64xf32> -> vector<512x64xf32>
    %get3A_17 = arith.constant 0 : index
    %get3A_18 = arith.constant 0 : index
    %get3A_19 = vector.load %arg6[%get3A_17, %get3A_18] : memref<1x64xf32, #tpu.memory_space<vmem>>, vector<1x64xf32>
    %add3A_20 = vector.broadcast %get3A_19 : vector<1x64xf32> to vector<512x64xf32>
    %add3A_21 = arith.addf %dot_general3A_16, %add3A_20 : vector<512x64xf32>
    %max3A_22 = arith.constant 0.000000e+00 : f32
    %max3A_23 = vector.broadcast %max3A_22 : f32 to vector<512x64xf32>
    %max3A_24 = arith.maximumf %add3A_21, %max3A_23 : vector<512x64xf32>
    %get3A_25 = arith.constant 0 : index
    %get3A_26 = arith.constant 0 : index
    %get3A_27 = vector.load %arg2[%get3A_25, %get3A_26] : memref<512x1xf32, #tpu.memory_space<vmem>>, vector<512x1xf32>
    %gt3A = arith.constant 0.000000e+00 : f32
    %gt3A_28 = vector.broadcast %gt3A : f32 to vector<512x1xf32>
    %gt3A_29 = arith.cmpf ogt, %get3A_27, %gt3A_28 : vector<512x1xf32>
    %broadcast_in_dim3A = vector.shape_cast %gt3A_29 : vector<512x1xi1> to vector<512x1xi1>
    %broadcast_in_dim3A_30 = vector.broadcast %broadcast_in_dim3A : vector<512x1xi1> to vector<512x64xi1>
    %select_n3A = arith.select %broadcast_in_dim3A_30, %max3A_11, %max3A_24 : vector<512x64xi1>, vector<512x64xf32>
    %get3A_31 = arith.constant 0 : index
    %get3A_32 = arith.constant 0 : index
    %get3A_33 = vector.load %arg7[%get3A_31, %get3A_32] : memref<128x128xf32, #tpu.memory_space<vmem>>, vector<128x128xf32>
    %dot_general3A_34 = arith.constant dense<0.000000e+00> : vector<512x128xf32>
    %dot_general3A_35 = tpu.matmul %get3A_1, %get3A_33, %dot_general3A_34 {dimension_numbers = #tpu.dot_dimension_numbers<[1], [0], [0], [1], [0, 0, 1, 1], [], []>, transpose_lhs_hint = false} : vector<512x128xf32>, vector<128x128xf32>, vector<512x128xf32> -> vector<512x128xf32>
    %get3A_36 = arith.constant 0 : index
    %get3A_37 = arith.constant 0 : index
    %get3A_38 = vector.load %arg8[%get3A_36, %get3A_37] : memref<64x128xf32, #tpu.memory_space<vmem>>, vector<64x128xf32>
    %dot_general3A_39 = arith.constant dense<0.000000e+00> : vector<512x128xf32>
    %dot_general3A_40 = tpu.matmul %select_n3A, %get3A_38, %dot_general3A_39 {dimension_numbers = #tpu.dot_dimension_numbers<[1], [0], [0], [1], [0, 0, 1, 1], [], []>, transpose_lhs_hint = false} : vector<512x64xf32>, vector<64x128xf32>, vector<512x128xf32> -> vector<512x128xf32>
    %add3A_41 = arith.addf %dot_general3A_35, %dot_general3A_40 : vector<512x128xf32>
    %swap3A = arith.constant 0 : index
    %swap3A_42 = arith.constant 0 : index
    %swap3A_43 = vector.load %arg12[%swap3A, %swap3A_42] : memref<512x128xf32, #tpu.memory_space<vmem>>, vector<512x128xf32>
    tpu.vector_store %arg12[%swap3A, %swap3A_42], %add3A_41 {strides = array<i32>} : memref<512x128xf32, #tpu.memory_space<vmem>>, vector<512x128xf32>,
    %get3A_44 = arith.constant 0 : index
    %get3A_45 = arith.constant 0 : index
    %get3A_46 = vector.load %arg9[%get3A_44, %get3A_45] : memref<128x128xf32, #tpu.memory_space<vmem>>, vector<128x128xf32>
    %dot_general3A_47 = arith.constant dense<0.000000e+00> : vector<512x128xf32>
    %dot_general3A_48 = tpu.matmul %get3A_1, %get3A_46, %dot_general3A_47 {dimension_numbers = #tpu.dot_dimension_numbers<[1], [0], [0], [1], [0, 0, 1, 1], [], []>, transpose_lhs_hint = false} : vector<512x128xf32>, vector<128x128xf32>, vector<512x128xf32> -> vector<512x128xf32>
    %get3A_49 = arith.constant 0 : index
    %get3A_50 = arith.constant 0 : index
    %get3A_51 = vector.load %arg10[%get3A_49, %get3A_50] : memref<64x128xf32, #tpu.memory_space<vmem>>, vector<64x128xf32>
    %dot_general3A_52 = arith.constant dense<0.000000e+00> : vector<512x128xf32>
    %dot_general3A_53 = tpu.matmul %select_n3A, %get3A_51, %dot_general3A_52 {dimension_numbers = #tpu.dot_dimension_numbers<[1], [0], [0], [1], [0, 0, 1, 1], [], []>, transpose_lhs_hint = false} : vector<512x64xf32>, vector<64x128xf32>, vector<512x128xf32> -> vector<512x128xf32>
    %add3A_54 = arith.addf %dot_general3A_48, %dot_general3A_53 : vector<512x128xf32>
    %get3A_55 = arith.constant 0 : index
    %get3A_56 = arith.constant 0 : index
    %get3A_57 = vector.load %arg11[%get3A_55, %get3A_56] : memref<1x128xf32, #tpu.memory_space<vmem>>, vector<1x128xf32>
    %add3A_58 = vector.broadcast %get3A_57 : vector<1x128xf32> to vector<512x128xf32>
    %add3A_59 = arith.addf %add3A_54, %add3A_58 : vector<512x128xf32>
    %swap3A_60 = arith.constant 0 : index
    %swap3A_61 = arith.constant 0 : index
    %swap3A_62 = vector.load %arg13[%swap3A_60, %swap3A_61] : memref<512x128xf32, #tpu.memory_space<vmem>>, vector<512x128xf32>
    tpu.vector_store %arg13[%swap3A_60, %swap3A_61], %add3A_59 {strides = array<i32>} : memref<512x128xf32, #tpu.memory_space<vmem>>, vector<512x128xf32>,
    return
  }
  func.func @transform_0(%arg0: i32) -> (i32, i32) {
    %c0_i32 = arith.constant 0 : i32
    %c0_i32_0 = arith.constant 0 : i32
    return %arg0, %c0_i32 : i32, i32
  }
  func.func @transform_1(%arg0: i32) -> (i32, i32) {
    %c0_i32 = arith.constant 0 : i32
    %c0_i32_0 = arith.constant 0 : i32
    return %arg0, %c0_i32 : i32, i32
  }
  func.func @transform_2(%arg0: i32) -> (i32, i32) {
    %c0_i32 = arith.constant 0 : i32
    %c0_i32_0 = arith.constant 0 : i32
    %c0_i32_1 = arith.constant 0 : i32
    return %c0_i32, %c0_i32_0 : i32, i32
  }
  func.func @transform_3(%arg0: i32) -> (i32, i32) {
    %c0_i32 = arith.constant 0 : i32
    %c0_i32_0 = arith.constant 0 : i32
    %c0_i32_1 = arith.constant 0 : i32
    return %c0_i32, %c0_i32_0 : i32, i32
  }
  func.func @transform_4(%arg0: i32) -> (i32, i32) {
    %c0_i32 = arith.constant 0 : i32
    %c0_i32_0 = arith.constant 0 : i32
    %c0_i32_1 = arith.constant 0 : i32
    return %c0_i32, %c0_i32_0 : i32, i32
  }
  func.func @transform_5(%arg0: i32) -> (i32, i32) {
    %c0_i32 = arith.constant 0 : i32
    %c0_i32_0 = arith.constant 0 : i32
    %c0_i32_1 = arith.constant 0 : i32
    return %c0_i32, %c0_i32_0 : i32, i32
  }
  func.func @transform_6(%arg0: i32) -> (i32, i32) {
    %c0_i32 = arith.constant 0 : i32
    %c0_i32_0 = arith.constant 0 : i32
    %c0_i32_1 = arith.constant 0 : i32
    return %c0_i32, %c0_i32_0 : i32, i32
  }
  func.func @transform_7(%arg0: i32) -> (i32, i32) {
    %c0_i32 = arith.constant 0 : i32
    %c0_i32_0 = arith.constant 0 : i32
    %c0_i32_1 = arith.constant 0 : i32
    return %c0_i32, %c0_i32_0 : i32, i32
  }
  func.func @transform_8(%arg0: i32) -> (i32, i32) {
    %c0_i32 = arith.constant 0 : i32
    %c0_i32_0 = arith.constant 0 : i32
    %c0_i32_1 = arith.constant 0 : i32
    return %c0_i32, %c0_i32_0 : i32, i32
  }
  func.func @transform_9(%arg0: i32) -> (i32, i32) {
    %c0_i32 = arith.constant 0 : i32
    %c0_i32_0 = arith.constant 0 : i32
    %c0_i32_1 = arith.constant 0 : i32
    return %c0_i32, %c0_i32_0 : i32, i32
  }
  func.func @transform_10(%arg0: i32) -> (i32, i32) {
    %c0_i32 = arith.constant 0 : i32
    %c0_i32_0 = arith.constant 0 : i32
    %c0_i32_1 = arith.constant 0 : i32
    return %c0_i32, %c0_i32_0 : i32, i32
  }
  func.func @transform_11(%arg0: i32) -> (i32, i32) {
    %c0_i32 = arith.constant 0 : i32
    %c0_i32_0 = arith.constant 0 : i32
    return %arg0, %c0_i32 : i32, i32
  }
  func.func @transform_12(%arg0: i32) -> (i32, i32) {
    %c0_i32 = arith.constant 0 : i32
    %c0_i32_0 = arith.constant 0 : i32
    return %arg0, %c0_i32 : i32, i32
  }
}

module attributes {stable_mosaic.version = 14 : i64} {
  func.func @body(%arg0: i32, %arg1: memref<512x128xf32, #tpu.memory_space<vmem>>, %arg2: memref<512x128xf32, #tpu.memory_space<vmem>>, %arg3: memref<512x128xf32, #tpu.memory_space<vmem>>, %arg4: memref<512x128xf32, #tpu.memory_space<vmem>>, %arg5: memref<512x128xf32, #tpu.memory_space<vmem>>, %arg6: memref<128x128xf32, #tpu.memory_space<vmem>>, %arg7: memref<128x128xf32, #tpu.memory_space<vmem>>, %arg8: memref<1x128xf32, #tpu.memory_space<vmem>>, %arg9: memref<512x128xf32, #tpu.memory_space<vmem>>, %arg10: memref<512x128xf32, #tpu.memory_space<vmem>>) attributes {dimension_semantics = [#tpu.dimension_semantics<arbitrary>], iteration_bounds = array<i64: 10>, scalar_prefetch = 0 : i64, scratch_operands = 0 : i64, tpu.core_type = #tpu.core_type<tc>, window_params = [{transform_indices = @transform_0, window_bounds = array<i64: 512, 128>}, {transform_indices = @transform_1, window_bounds = array<i64: 512, 128>}, {transform_indices = @transform_2, window_bounds = array<i64: 512, 128>}, {transform_indices = @transform_3, window_bounds = array<i64: 512, 128>}, {transform_indices = @transform_4, window_bounds = array<i64: 512, 128>}, {pipeline_mode = #tpu.pipeline_mode<synchronous>, transform_indices = @transform_5, window_bounds = array<i64: 128, 128>}, {pipeline_mode = #tpu.pipeline_mode<synchronous>, transform_indices = @transform_6, window_bounds = array<i64: 128, 128>}, {pipeline_mode = #tpu.pipeline_mode<synchronous>, transform_indices = @transform_7, window_bounds = array<i64: 1, 128>}, {transform_indices = @transform_8, window_bounds = array<i64: 512, 128>}, {transform_indices = @transform_9, window_bounds = array<i64: 512, 128>}]} {
    %get3A = arith.constant 0 : index
    %get3A_0 = arith.constant 0 : index
    %get3A_1 = vector.load %arg4[%get3A, %get3A_0] : memref<512x128xf32, #tpu.memory_space<vmem>>, vector<512x128xf32>
    %get3A_2 = arith.constant 0 : index
    %get3A_3 = arith.constant 0 : index
    %get3A_4 = vector.load %arg5[%get3A_2, %get3A_3] : memref<512x128xf32, #tpu.memory_space<vmem>>, vector<512x128xf32>
    %add3A = arith.addf %get3A_1, %get3A_4 : vector<512x128xf32>
    %slice3A = vector.extract_strided_slice %add3A {offsets = [0, 0], sizes = [512, 1], strides = [1, 1]} : vector<512x128xf32> to vector<512x1xf32>
    %get3A_5 = arith.constant 0 : index
    %get3A_6 = arith.constant 0 : index
    %get3A_7 = vector.load %arg2[%get3A_5, %get3A_6] : memref<512x128xf32, #tpu.memory_space<vmem>>, vector<512x128xf32>
    %get3A_8 = arith.constant 0 : index
    %get3A_9 = arith.constant 0 : index
    %get3A_10 = vector.load %arg3[%get3A_8, %get3A_9] : memref<512x128xf32, #tpu.memory_space<vmem>>, vector<512x128xf32>
    %add3A_11 = arith.addf %get3A_7, %get3A_10 : vector<512x128xf32>
    %max3A = arith.constant 1.000000e+00 : f32
    %max3A_12 = vector.broadcast %max3A : f32 to vector<512x1xf32>
    %max3A_13 = arith.maximumf %slice3A, %max3A_12 : vector<512x1xf32>
    %div3A = vector.broadcast %max3A_13 : vector<512x1xf32> to vector<512x128xf32>
    %div3A_14 = arith.divf %add3A_11, %div3A : vector<512x128xf32>
    %get3A_15 = arith.constant 0 : index
    %get3A_16 = arith.constant 0 : index
    %get3A_17 = vector.load %arg1[%get3A_15, %get3A_16] : memref<512x128xf32, #tpu.memory_space<vmem>>, vector<512x128xf32>
    %add3A_18 = arith.addf %get3A_17, %div3A_14 : vector<512x128xf32>
    %max3A_19 = arith.constant 0.000000e+00 : f32
    %max3A_20 = vector.broadcast %max3A_19 : f32 to vector<512x128xf32>
    %max3A_21 = arith.maximumf %add3A_18, %max3A_20 : vector<512x128xf32>
    %get3A_22 = arith.constant 0 : index
    %get3A_23 = arith.constant 0 : index
    %get3A_24 = vector.load %arg6[%get3A_22, %get3A_23] : memref<128x128xf32, #tpu.memory_space<vmem>>, vector<128x128xf32>
    %dot_general3A = arith.constant dense<0.000000e+00> : vector<512x128xf32>
    %dot_general3A_25 = tpu.matmul %max3A_21, %get3A_24, %dot_general3A {dimension_numbers = #tpu.dot_dimension_numbers<[1], [0], [0], [1], [0, 0, 1, 1], [], []>, transpose_lhs_hint = false} : vector<512x128xf32>, vector<128x128xf32>, vector<512x128xf32> -> vector<512x128xf32>
    %swap3A = arith.constant 0 : index
    %swap3A_26 = arith.constant 0 : index
    %swap3A_27 = vector.load %arg9[%swap3A, %swap3A_26] : memref<512x128xf32, #tpu.memory_space<vmem>>, vector<512x128xf32>
    tpu.vector_store %arg9[%swap3A, %swap3A_26], %dot_general3A_25 {strides = array<i32>} : memref<512x128xf32, #tpu.memory_space<vmem>>, vector<512x128xf32>,
    %get3A_28 = arith.constant 0 : index
    %get3A_29 = arith.constant 0 : index
    %get3A_30 = vector.load %arg7[%get3A_28, %get3A_29] : memref<128x128xf32, #tpu.memory_space<vmem>>, vector<128x128xf32>
    %dot_general3A_31 = arith.constant dense<0.000000e+00> : vector<512x128xf32>
    %dot_general3A_32 = tpu.matmul %max3A_21, %get3A_30, %dot_general3A_31 {dimension_numbers = #tpu.dot_dimension_numbers<[1], [0], [0], [1], [0, 0, 1, 1], [], []>, transpose_lhs_hint = false} : vector<512x128xf32>, vector<128x128xf32>, vector<512x128xf32> -> vector<512x128xf32>
    %get3A_33 = arith.constant 0 : index
    %get3A_34 = arith.constant 0 : index
    %get3A_35 = vector.load %arg8[%get3A_33, %get3A_34] : memref<1x128xf32, #tpu.memory_space<vmem>>, vector<1x128xf32>
    %add3A_36 = vector.broadcast %get3A_35 : vector<1x128xf32> to vector<512x128xf32>
    %add3A_37 = arith.addf %dot_general3A_32, %add3A_36 : vector<512x128xf32>
    %swap3A_38 = arith.constant 0 : index
    %swap3A_39 = arith.constant 0 : index
    %swap3A_40 = vector.load %arg10[%swap3A_38, %swap3A_39] : memref<512x128xf32, #tpu.memory_space<vmem>>, vector<512x128xf32>
    tpu.vector_store %arg10[%swap3A_38, %swap3A_39], %add3A_37 {strides = array<i32>} : memref<512x128xf32, #tpu.memory_space<vmem>>, vector<512x128xf32>,
    return
  }
  func.func @transform_0(%arg0: i32) -> (i32, i32) {
    %c0_i32 = arith.constant 0 : i32
    %c0_i32_0 = arith.constant 0 : i32
    return %arg0, %c0_i32 : i32, i32
  }
  func.func @transform_1(%arg0: i32) -> (i32, i32) {
    %c0_i32 = arith.constant 0 : i32
    %c0_i32_0 = arith.constant 0 : i32
    return %arg0, %c0_i32 : i32, i32
  }
  func.func @transform_2(%arg0: i32) -> (i32, i32) {
    %c0_i32 = arith.constant 0 : i32
    %c0_i32_0 = arith.constant 0 : i32
    return %arg0, %c0_i32 : i32, i32
  }
  func.func @transform_3(%arg0: i32) -> (i32, i32) {
    %c0_i32 = arith.constant 0 : i32
    %c0_i32_0 = arith.constant 0 : i32
    return %arg0, %c0_i32 : i32, i32
  }
  func.func @transform_4(%arg0: i32) -> (i32, i32) {
    %c0_i32 = arith.constant 0 : i32
    %c0_i32_0 = arith.constant 0 : i32
    return %arg0, %c0_i32 : i32, i32
  }
  func.func @transform_5(%arg0: i32) -> (i32, i32) {
    %c0_i32 = arith.constant 0 : i32
    %c0_i32_0 = arith.constant 0 : i32
    %c0_i32_1 = arith.constant 0 : i32
    return %c0_i32, %c0_i32_0 : i32, i32
  }
  func.func @transform_6(%arg0: i32) -> (i32, i32) {
    %c0_i32 = arith.constant 0 : i32
    %c0_i32_0 = arith.constant 0 : i32
    %c0_i32_1 = arith.constant 0 : i32
    return %c0_i32, %c0_i32_0 : i32, i32
  }
  func.func @transform_7(%arg0: i32) -> (i32, i32) {
    %c0_i32 = arith.constant 0 : i32
    %c0_i32_0 = arith.constant 0 : i32
    %c0_i32_1 = arith.constant 0 : i32
    return %c0_i32, %c0_i32_0 : i32, i32
  }
  func.func @transform_8(%arg0: i32) -> (i32, i32) {
    %c0_i32 = arith.constant 0 : i32
    %c0_i32_0 = arith.constant 0 : i32
    return %arg0, %c0_i32 : i32, i32
  }
  func.func @transform_9(%arg0: i32) -> (i32, i32) {
    %c0_i32 = arith.constant 0 : i32
    %c0_i32_0 = arith.constant 0 : i32
    return %arg0, %c0_i32 : i32, i32
  }
}

module attributes {stable_mosaic.version = 14 : i64} {
  func.func @body(%arg0: i32, %arg1: memref<256x128xf32, #tpu.memory_space<vmem>>, %arg2: memref<256x128xf32, #tpu.memory_space<vmem>>, %arg3: memref<256x128xf32, #tpu.memory_space<vmem>>, %arg4: memref<256x128xf32, #tpu.memory_space<vmem>>, %arg5: memref<256x128xf32, #tpu.memory_space<vmem>>, %arg6: memref<128x64xf32, #tpu.memory_space<vmem>>, %arg7: memref<1x64xf32, #tpu.memory_space<vmem>>, %arg8: memref<256x64xf32, #tpu.memory_space<vmem>>) attributes {dimension_semantics = [#tpu.dimension_semantics<arbitrary>], iteration_bounds = array<i64: 8>, scalar_prefetch = 0 : i64, scratch_operands = 0 : i64, tpu.core_type = #tpu.core_type<tc>, window_params = [{transform_indices = @transform_0, window_bounds = array<i64: 256, 128>}, {transform_indices = @transform_1, window_bounds = array<i64: 256, 128>}, {transform_indices = @transform_2, window_bounds = array<i64: 256, 128>}, {transform_indices = @transform_3, window_bounds = array<i64: 256, 128>}, {transform_indices = @transform_4, window_bounds = array<i64: 256, 128>}, {pipeline_mode = #tpu.pipeline_mode<synchronous>, transform_indices = @transform_5, window_bounds = array<i64: 128, 64>}, {pipeline_mode = #tpu.pipeline_mode<synchronous>, transform_indices = @transform_6, window_bounds = array<i64: 1, 64>}, {transform_indices = @transform_7, window_bounds = array<i64: 256, 64>}]} {
    %get3A = arith.constant 0 : index
    %get3A_0 = arith.constant 0 : index
    %get3A_1 = vector.load %arg4[%get3A, %get3A_0] : memref<256x128xf32, #tpu.memory_space<vmem>>, vector<256x128xf32>
    %get3A_2 = arith.constant 0 : index
    %get3A_3 = arith.constant 0 : index
    %get3A_4 = vector.load %arg5[%get3A_2, %get3A_3] : memref<256x128xf32, #tpu.memory_space<vmem>>, vector<256x128xf32>
    %add3A = arith.addf %get3A_1, %get3A_4 : vector<256x128xf32>
    %slice3A = vector.extract_strided_slice %add3A {offsets = [0, 0], sizes = [256, 1], strides = [1, 1]} : vector<256x128xf32> to vector<256x1xf32>
    %get3A_5 = arith.constant 0 : index
    %get3A_6 = arith.constant 0 : index
    %get3A_7 = vector.load %arg2[%get3A_5, %get3A_6] : memref<256x128xf32, #tpu.memory_space<vmem>>, vector<256x128xf32>
    %get3A_8 = arith.constant 0 : index
    %get3A_9 = arith.constant 0 : index
    %get3A_10 = vector.load %arg3[%get3A_8, %get3A_9] : memref<256x128xf32, #tpu.memory_space<vmem>>, vector<256x128xf32>
    %add3A_11 = arith.addf %get3A_7, %get3A_10 : vector<256x128xf32>
    %max3A = arith.constant 1.000000e+00 : f32
    %max3A_12 = vector.broadcast %max3A : f32 to vector<256x1xf32>
    %max3A_13 = arith.maximumf %slice3A, %max3A_12 : vector<256x1xf32>
    %div3A = vector.broadcast %max3A_13 : vector<256x1xf32> to vector<256x128xf32>
    %div3A_14 = arith.divf %add3A_11, %div3A : vector<256x128xf32>
    %get3A_15 = arith.constant 0 : index
    %get3A_16 = arith.constant 0 : index
    %get3A_17 = vector.load %arg1[%get3A_15, %get3A_16] : memref<256x128xf32, #tpu.memory_space<vmem>>, vector<256x128xf32>
    %add3A_18 = arith.addf %get3A_17, %div3A_14 : vector<256x128xf32>
    %get3A_19 = arith.constant 0 : index
    %get3A_20 = arith.constant 0 : index
    %get3A_21 = vector.load %arg6[%get3A_19, %get3A_20] : memref<128x64xf32, #tpu.memory_space<vmem>>, vector<128x64xf32>
    %dot_general3A = arith.constant dense<0.000000e+00> : vector<256x64xf32>
    %dot_general3A_22 = tpu.matmul %add3A_18, %get3A_21, %dot_general3A {dimension_numbers = #tpu.dot_dimension_numbers<[1], [0], [0], [1], [0, 0, 1, 1], [], []>, transpose_lhs_hint = false} : vector<256x128xf32>, vector<128x64xf32>, vector<256x64xf32> -> vector<256x64xf32>
    %get3A_23 = arith.constant 0 : index
    %get3A_24 = arith.constant 0 : index
    %get3A_25 = vector.load %arg7[%get3A_23, %get3A_24] : memref<1x64xf32, #tpu.memory_space<vmem>>, vector<1x64xf32>
    %add3A_26 = vector.broadcast %get3A_25 : vector<1x64xf32> to vector<256x64xf32>
    %add3A_27 = arith.addf %dot_general3A_22, %add3A_26 : vector<256x64xf32>
    %swap3A = arith.constant 0 : index
    %swap3A_28 = arith.constant 0 : index
    %swap3A_29 = vector.load %arg8[%swap3A, %swap3A_28] : memref<256x64xf32, #tpu.memory_space<vmem>>, vector<256x64xf32>
    tpu.vector_store %arg8[%swap3A, %swap3A_28], %add3A_27 {strides = array<i32>} : memref<256x64xf32, #tpu.memory_space<vmem>>, vector<256x64xf32>,
    return
  }
  func.func @transform_0(%arg0: i32) -> (i32, i32) {
    %c0_i32 = arith.constant 0 : i32
    %c0_i32_0 = arith.constant 0 : i32
    return %arg0, %c0_i32 : i32, i32
  }
  func.func @transform_1(%arg0: i32) -> (i32, i32) {
    %c0_i32 = arith.constant 0 : i32
    %c0_i32_0 = arith.constant 0 : i32
    return %arg0, %c0_i32 : i32, i32
  }
  func.func @transform_2(%arg0: i32) -> (i32, i32) {
    %c0_i32 = arith.constant 0 : i32
    %c0_i32_0 = arith.constant 0 : i32
    return %arg0, %c0_i32 : i32, i32
  }
  func.func @transform_3(%arg0: i32) -> (i32, i32) {
    %c0_i32 = arith.constant 0 : i32
    %c0_i32_0 = arith.constant 0 : i32
    return %arg0, %c0_i32 : i32, i32
  }
  func.func @transform_4(%arg0: i32) -> (i32, i32) {
    %c0_i32 = arith.constant 0 : i32
    %c0_i32_0 = arith.constant 0 : i32
    return %arg0, %c0_i32 : i32, i32
  }
  func.func @transform_5(%arg0: i32) -> (i32, i32) {
    %c0_i32 = arith.constant 0 : i32
    %c0_i32_0 = arith.constant 0 : i32
    %c0_i32_1 = arith.constant 0 : i32
    return %c0_i32, %c0_i32_0 : i32, i32
  }
  func.func @transform_6(%arg0: i32) -> (i32, i32) {
    %c0_i32 = arith.constant 0 : i32
    %c0_i32_0 = arith.constant 0 : i32
    %c0_i32_1 = arith.constant 0 : i32
    return %c0_i32, %c0_i32_0 : i32, i32
  }
  func.func @transform_7(%arg0: i32) -> (i32, i32) {
    %c0_i32 = arith.constant 0 : i32
    %c0_i32_0 = arith.constant 0 : i32
    return %arg0, %c0_i32 : i32, i32
  }
}

</mosaic_0001>

<sc_bundles>
// kernel: kernel.10.cloned.1.call-start
scs
__scs_entry_jumppad:
0x0: {  	(pc) =	sbr.rel $0x88, $3  }
0x1: {  	(tag) =	ssettag $0x0;
	lr =	simm.s32 $0x1  }
0x2: {  	[smem:$0x3F8F] =	sst lr;
	_ =	strace $0xD0000000  }
0x3: {  	_ = 	snop  }
0x4: {  	_ = 	snop  }
0x5: {  	_ = 	snop  }
0x6: {  	_ = 	snop  }
0x7: {  	_ = 	snop  }
__scs_overlays_trampoline_lowered:
0x8: {  	[smem:$0x3F9E] =	sst s0  }
0x9: {  	[smem:$0x3F9F] =	sst s1  }
0xa: {  	[smem:$0x3FA0] =	sst s2  }
0xb: {  	[smem:$0x3FA1] =	sst s3  }
0xc: {  	[smem:$0x3FA2] =	sst s4  }
0xd: {  	[smem:$0x3FA3] =	sst s5  }
0xe: {  	[smem:$0x3FA4] =	sst s6  }
0xf: {  	[smem:$0x3FA5] =	sst s7  }
0x10: {  	[smem:$0x3FA6] =	sst s8  }
0x11: {  	[smem:$0x3FA7] =	sst s9;
	s0 =	simm.s32 @!p0 $0x0  }
0x12: {  	s1 =	sld [smem:$0x3F8D];
	s0 =	simm.s32 @p0 $0x1  }
0x13: {  	[smem:$0x3FA8] =	sst s0;
	s0 =	simm.s32 @!p1 $0x0  }
0x14: {  	s2 =	sld [smem:$0x3F8C];
	s0 =	simm.s32 @p1 $0x1  }
0x15: {  	[smem:$0x3FA9] =	sst s0;
	s0 =	simm.s32 @!p2 $0x0  }
0x16: {  	s3 =	sld [smem:$0x3FDB];
	s0 =	simm.s32 @p2 $0x1  }
0x17: {  	s4 =	simm.s32 $0x1BF5;
	[smem:$0x3FAB] =	sst s0  }
0x18: {  	s0 =	sld [smem:$0x3F8E];
	_ =	swait.ge [sflag:s4], $0x0  }
0x19: {  	s7 =	sld [smem:$0x3F8F]  }
0x1a: {  	s8 =	sadd.s32 $0xFFFFE003, lr  }
0x1b: {  	s9 =	sadd.s32 $0xFFFFFEF7, lr;
	s5 =	simm.s32 $0xFFFFFFFF;
	p2 =	slt.u32 s8, $0xFFFFF086  }
0x1c: {  	p1 =	slt.u32 s9, $0xF7A;
	s5 =	simm.s32 @!p2 $0x0  }
0x1d: {  	s5 =	simm.s32 @p1 $0x1;
	p0 =	seq.s32 s7, s2  }
0x1e: {  	s7 =	smul.u32 @!p0 $0xF7A, s2;
	p2 =	seq.s32 @!p0 s5, $0x0  }
0x1f: {  	s9 =	smul.u32 $0xF7A, s1;
	s8 =	simm.s32 @!p0 $0x1BF5;
	p2 =	por !p2, p0  }
0x20: {  	[sflag:s8] =	ssyncset.s32 @!p0 $0xFFFFF086;
	s6 =	sadd.s32 @!p0 s3, s7;
	s7 =	simm.s32 @!p0 $0x108  }
0x21: {  	s3 =	sadd.s32 s3, s9;
	s6 =	sadd.s32 @!p0 $0x88, s6;
	s7 =	simm.s32 @p2 $0x1082  }
0x22: {  	[simem:s7], [sflag:s8] =	dma.local @!p0 [hbm:s6], $0xF7A  }
0x23: {  	s9 =	sor.u32 $0xD0000000, s2;
	s6 =	simm.s32 $0x108;
	_ =	swait.ge @!p0 [sflag:s8], $0x0  }
0x24: {  	s3 =	sadd.s32 $0x88, s3;
	s6 =	simm.s32 @!p1 $0x1082;
	[sflag:s4] =	ssyncset.s32 $0xFFFFF086  }
0x25: {  	[simem:s6], [sflag:s4] =	dma.local [hbm:s3], $0xF7A  }
0x26: {  	[smem:$0x3F8F] =	sst s1;
	(tag) =	ssettag s2;
	_ =	strace s9  }
0x27: {  	s1 =	sld [smem:$0x3F9F]  }
0x28: {  	s2 =	sld [smem:$0x3FA0]  }
0x29: {  	s4 =	sld [smem:$0x3FA2]  }
0x2a: {  	p0 =	seq.s32 s5, $0x0;
	s5 =	sld [smem:$0x3FA3]  }
0x2b: {  	s6 =	sld [smem:$0x3FA4]  }
0x2c: {  	s7 =	sld [smem:$0x3FA5]  }
0x2d: {  	s3 =	simm.s32 $0x108;
	s8 =	sld [smem:$0x3FA6]  }
0x2e: {  	s3 =	simm.s32 @!p0 $0x1082;
	s9 =	sld [smem:$0x3FA7]  }
0x2f: {  	lr =	sadd.s32 s0, s3;
	s0 =	sld [smem:$0x3F9E]  }
0x30: {  	s3 =	sld [smem:$0x3FA1]  }
0x31: {  	[smem:$0x3FAA] =	sst s10  }
0x32: {  	s10 =	sld [smem:$0x3FA8];
	_ =	sdelay $0x3  }
0x33: {  	p0 =	seq.s32 s10, $0x1;
	s10 =	sld [smem:$0x3FAA];
	_ =	sdelay $0x3  }
0x34: {  	[smem:$0x3FAA] =	sst s10  }
0x35: {  	s10 =	sld [smem:$0x3FA9];
	_ =	sdelay $0x3  }
0x36: {  	p1 =	seq.s32 s10, $0x1;
	s10 =	sld [smem:$0x3FAA];
	_ =	sdelay $0x3  }
0x37: {  	[smem:$0x3FAA] =	sst s10  }
0x38: {  	s10 =	sld [smem:$0x3FAB]  }
0x39: {  	_ = 	snop;
	(pc) =	sbr.ind lr, $3  }
0x3a: {  	_ = 	snop  }
0x3b: {  	_ = 	snop  }
0x3c: {  	p2 =	seq.s32 s10, $0x1;
	s10 =	sld [smem:$0x3FAA]  }
0x3d: {  	_ =	shalt  }
0x3e: {  	_ =	shalt  }
0x3f: {  	_ =	shalt  }
0x40: {  	_ =	shalt  }
0x41: {  	_ =	shalt  }
0x42: {  	_ =	shalt  }
0x43: {  	_ =	shalt  }
0x44: {  	_ =	shalt  }
0x45: {  	_ =	shalt  }
0x46: {  	_ =	shalt  }
0x47: {  	_ =	shalt  }
0x48: {  	_ =	shalt  }
0x49: {  	_ =	shalt  }
0x4a: {  	_ =	shalt  }
0x4b: {  	_ =	shalt  }
0x4c: {  	_ =	shalt  }
0x4d: {  	_ =	shalt  }
0x4e: {  	_ =	shalt  }
0x4f: {  	_ =	shalt  }
0x50: {  	_ =	shalt  }
0x51: {  	_ =	shalt  }
0x52: {  	_ =	shalt  }
0x53: {  	_ =	shalt  }
0x54: {  	_ =	shalt  }
0x55: {  	_ =	shalt  }
0x56: {  	_ =	shalt  }
0x57: {  	_ =	shalt  }
0x58: {  	_ =	shalt  }
0x59: {  	_ =	shalt  }
0x5a: {  	_ =	shalt  }
0x5b: {  	_ =	shalt  }
0x5c: {  	_ =	shalt  }
0x5d: {  	_ =	shalt  }
0x5e: {  	_ =	shalt  }
0x5f: {  	_ =	shalt  }
0x60: {  	_ =	shalt  }
0x61: {  	_ =	shalt  }
0x62: {  	_ =	shalt  }
0x63: {  	_ =	shalt  }
0x64: {  	_ =	shalt  }
0x65: {  	_ =	shalt  }
0x66: {  	_ =	shalt  }
0x67: {  	_ =	shalt  }
0x68: {  	_ =	shalt  }
0x69: {  	_ =	shalt  }
0x6a: {  	_ =	shalt  }
0x6b: {  	_ =	shalt  }
0x6c: {  	_ =	shalt  }
0x6d: {  	_ =	shalt  }
0x6e: {  	_ =	shalt  }
0x6f: {  	_ =	shalt  }
0x70: {  	_ =	shalt  }
0x71: {  	_ =	shalt  }
0x72: {  	_ =	shalt  }
0x73: {  	_ =	shalt  }
0x74: {  	_ =	shalt  }
0x75: {  	_ =	shalt  }
0x76: {  	_ =	shalt  }
0x77: {  	_ =	shalt  }
0x78: {  	_ =	shalt  }
0x79: {  	_ =	shalt  }
0x7a: {  	_ =	shalt  }
0x7b: {  	_ =	shalt  }
0x7c: {  	_ =	shalt  }
0x7d: {  	_ =	shalt  }
0x7e: {  	_ =	shalt  }
0x7f: {  	_ =	shalt  }
0x80: {  	_ =	shalt  }
0x81: {  	_ =	shalt  }
0x82: {  	_ =	shalt  }
0x83: {  	_ =	shalt  }
0x84: {  	_ =	shalt  }
0x85: {  	_ =	shalt  }
0x86: {  	_ =	shalt  }
0x87: {  	_ =	shalt  }
.Lfunc_end0:
.L_simem_size_0:
called_computation.1_lowered:
.L_overlay_start_0:
0x88: {  	s2 =	sld [smem:$0x3FD9]  }
0x89: {  	s3 =	sld [smem:$0x3FFE];
	_ =	sdelay $0x1  }
0x8a: {  	s1 =	srdreg.scid  }
0x8b: {  	s0 =	sand.u32 $0x1, s1  }
0x8c: {  	s17 =	sshll.u32 s0, $0xA;
	s2 =	sadd.s32 s3, s2  }
0x8d: {  	s2 =	sadd.s32 s2, s17  }
0x8e: {  	[smem:$0x3FB6] =	sst s2  }
0x8f: {  	_ = 	snop  }
0x90: {  	s2 =	sld [smem:$0x3FD0];
	(tm) =	ssettm $0x1  }
0x91: {  	s18 =	sld [smem:$0x3FFB];
	_ =	sdelay $0x3  }
0x92: {  	_ =	strace s18  }
0x93: {  	s3 =	sld [smem:$0x3FFC];
	_ =	sdelay $0x3  }
0x94: {  	_ =	strace s3  }
0x95: {  	s3 =	sld [smem:$0x3FFD];
	_ =	sdelay $0x3  }
0x96: {  	_ =	strace s3  }
0x97: {  	_ =	strace $0x8FFFFFFF  }
0x98: {  	s19 =	sld [smem:$0x3FDB];
	_ =	sdelay $0x1  }
0x99: {  	s4 =	simm.s32 $_scs_section_size  }
0x9a: {  	s5 =	simm.s32 $_size__tile_overlayer_lowered;
	s6 =	simm.s32 $_tile_overlayer_lowered  }
0x9b: {  	s22 =	simm.s32 $0x1BFF;
	s21 =	sshll.u32 s6, $0x1;
	s3 =	sadd.s32 s4, s19  }
0x9c: {  	s7 =	simm.s32 $0x0;
	s20 =	sshll.u32 s5, $0x1;
	s5 =	sadd.s32 s21, s3  }
0x9d: {  	[timem:s7], [sflag:s22] =	dma.local [hbm:s5], s20  }
0x9e: {  	_ =	swait.ge [sflag:s22], s20  }
0x9f: {  	s4 =	ssub.s32 $0x0, s20;
	[sflag:s22] =	ssyncset.done $0x0  }
0xa0: {  	[sflag:s22] =	ssyncadd.s32 s4;
	_ =	sdelay $0x1  }
0xa1: {  	s23 =	simm.s32 $0x1B8B  }
0xa2: {  	_ =	swait.ge [sflag:s23], $0x1  }
0xa3: {  	[sflag:s23] =	ssyncset.done $0x0  }
0xa4: {  	s25 =	simm.s32 $0x1B8E;
	s24 =	sld [smem:$0x3FFE];
	[sflag:s23] =	ssyncadd.s32 $0xFFFFFFFF  }
0xa5: {  	s26 =	simm.s32 $execute0_lowered;
	[smem:$0x3FD2] =	sst s25  }
0xa6: {  	s5 =	sshll.u32 s26, $0x1;
	_ =	strace $0x80000049;
	[dreg:$0x1] =	wrdreg $0xFFFFFFFF  }
0xa7: {  	s28 =	simm.s32 $_size_execute0_lowered;
	s3 =	sadd.s32 s3, s5;
	[dreg:$0x0] =	wrdreg $0x0  }
0xa8: {  	s5 =	sshll.u32 s28, $0x1;
	[dreg:$0x2] =	wrdreg s3  }
0xa9: {  	[dreg:$0x3] =	wrdreg s5  }
0xaa: {  	[dreg:$0x4] =	wrdreg $0xC0  }
0xab: {  	_ =	task [dreg:s7], $0x5FFFF  }
0xac: {  	[dreg:$0x1] =	wrdreg $0xFFFFFFFF  }
0xad: {  	[dreg:$0x0] =	wrdreg $0x60  }
0xae: {  	[dreg:$0x2] =	wrdreg s24  }
0xaf: {  	[dreg:$0x3] =	wrdreg s2  }
0xb0: {  	[dreg:$0x4] =	wrdreg $0xD2000  }
0xb1: {  	[dreg:$0x5] =	wrdreg $0x112000  }
0xb2: {  	[dreg:$0x6] =	wrdreg $0x9  }
0xb3: {  	_ =	task.clear_ibuf [dreg:s7], $0x7FFFF;
	_ =	strace $0x90000049  }
0xb4: {  	s29 =	simm.s32 $0x9;
	_ =	strace $0x8000004B  }
0xb5: {  	_ =	swait.ge [sflag:s29], $0x1  }
0xb6: {  	[sflag:s29] =	ssyncadd.s32 $0xFFFFFFFF  }
0xb7: {  	_ =	strace $0x9000004B  }
0xb8: {  	_ =	sfence  }
0xb9: {  	s30 =	sld [smem:$0x0];
	_ =	sdelay $0x2  }
0xba: {  	s31 =	sshll.u32 s1, $0xD;
	s1 =	sshrl.u32 s1, $0x2  }
0xbb: {  	s3 =	sand.u32 $0x4000, s31;
	s1 =	sadd.s32 s1, s30  }
0xbc: {  	s0 =	sor.u32 s3, s0;
	s1 =	sshll.u32 s1, $0x11  }
0xbd: {  	s0 =	sor.u32 s1, s0  }
0xbe: {  	s0 =	sadd.s32 $0x8F2B, s0  }
0xbf: {  	[sflag:s0] =	ssyncadd.remote.s32 $0x1  }
0xc0: {  	_ =	sfence.sel $0xFFFF  }
0xc1: {  	[dreg:$0x0] =	wrdreg $0xFFFFFFFF;
	(pc) =	sbr.abs _section_cstart, $3  }
0xc2: {  	[dreg:$0x1] =	wrdreg $0xFFFFFFFF  }
0xc3: {  	_ =	task.clear_ibuf [dreg:s7], $0x2FFFF;
	_ =	strace $0x9FFFFFFF  }
0xc4: {  	(tm) =	ssettm $0x7FFFFFFF  }
0xc5: {  	_ =	shalt  }
tec
execute0_lowered:
.L_overlay_start_1:
0x0: {  	(tag) =	ssettag $0x1  }
0x1: {  	s0 =	rddreg [dreg:$0x0]  }
0x2: {  	s5 =	rddreg [dreg:$0x1]  }
0x3: {  	s1 =	rddreg [dreg:$0x2]  }
0x4: {  	s2 =	rddreg [dreg:$0x3];
	s3 =	simm.s32 $0x0;
	s6 =	srdreg.scid  }
0x5: {  	s21 =	stileid.u32;
	[smem:$0x7FF] =	sst s3  }
0x6: {  	s4 =	sadd.s32 $0x4600, s0;
	s7 =	sadd.s32 $0x86C00, s0;
	s8 =	sadd.s32 $0x18E00, s0  }
0x7: {  	s6 =	sand.u32 $0x1, s6;
	s9 =	sadd.s32 $0x20E00, s0;
	s10 =	sadd.s32 $0x28E00, s0  }
0x8: {  	s12 =	sadd.s32 $0x36800, s0;
	s14 =	sshll.u32 s21, $0x7;
	s16 =	sshll.u32 s21, $0xB  }
0x9: {  	_ =	strace $0x8000004A;
	s11 =	ssub.s32 $0x2, s6;
	s15 =	sshll.u32 s6, $0xF  }
0xa: {  	s17 =	sor.u32 $0x40, s14;
	p0 =	seq.s32 s6, $0x1;
	s13 =	sshrl.u32 s11, $0x1  }
0xb: {  	s19 =	sshll.u32 s17, $0x4;
	s8 =	smov.u32 @p0 s9;
	s10 =	smov.u32 @p0 s12  }
0xc: {  	s11 =	ssub.s32 s11, s13;
	s13 =	sor.u32 s16, s15;
	s9 =	sadd.s32 s8, s16  }
0xd: {  	s15 =	sor.u32 $0x20, s14;
	s30 =	sadd.s32 s10, s16;
	[dreg:$0x7] =	wrdreg s9  }
0xe: {  	s14 =	sor.u32 $0x60, s14;
	s16 =	sadd.s32 s8, s19;
	[dreg:$0x8] =	wrdreg s30  }
0xf: {  	s23 =	sadd.s32 s10, s19;
	s18 =	sshrl.u32 s13, $0x3;
	[dreg:$0xb] =	wrdreg s16  }
0x10: {  	s26 =	sshll.u32 s15, $0x4;
	s20 =	sshll.u32 s14, $0x4;
	[dreg:$0xc] =	wrdreg s23  }
0x11: {  	s22 =	sadd.s32 s18, s5;
	s31 =	sadd.s32 s18, s7;
	s12 =	sadd.s32 s8, s26  }
0x12: {  	s18 =	sor.u32 $0xF0, s18;
	s6 =	sadd.s32 s10, s26;
	[dreg:$0x9] =	wrdreg s12  }
0x13: {  	s24 =	sadd.s32 s8, s20;
	s25 =	sadd.s32 s10, s20;
	[dreg:$0xa] =	wrdreg s6  }
0x14: {  	s26 =	sor.u32 $0x100, s13;
	s10 =	sadd.s32 $0x36600, s0;
	[dreg:$0xd] =	wrdreg s24  }
0x15: {  	s0 =	sadd.s32 $0x18600, s0;
	s13 =	sshll.u32 s21, $0xE;
	[dreg:$0xe] =	wrdreg s25  }
0x16: {  	s8 =	simm.s32 $0xC200;
	s30 =	sadd.s32 s5, s18;
	[dreg:$0x11] =	wrdreg s10  }
0x17: {  	s9 =	sadd.s32 s7, s18;
	s6 =	sshrl.u32 s26, $0x3;
	[dreg:$0x12] =	wrdreg s0  }
0x18: {  	s12 =	sshll.u32 s15, $0x7;
	s20 =	sadd.s32 s13, s1;
	s21 =	sadd.s32 s13, s2  }
0x19: {  	s25 =	sshll.u32 s17, $0x7;
	s26 =	sshll.u32 s14, $0x7;
	[dreg:$0x5] =	wrdreg s22  }
0x1a: {  	s0 =	sadd.s32 $0x10, s22;
	[dreg:$0x6] =	wrdreg s31;
	s10 =	simm.s32 $0x8200  }
0x1b: {  	s13 =	simm.s32 $0x4200;
	s14 =	simm.s32 $0x1;
	[dreg:$0xf] =	wrdreg s30  }
0x1c: {  	[dreg:$0x10] =	wrdreg s9;
	s18 =	sadd.s32 s6, s7;
	s19 =	sadd.s32 s6, s5  }
0x1d: {  	s15 =	sadd.s32 s12, s1;
	s16 =	sadd.s32 s12, s2;
	s28 =	sadd.s32 s25, s1  }
0x1e: {  	s29 =	sadd.s32 s25, s2;
	s23 =	sadd.s32 s26, s1;
	s24 =	sadd.s32 s26, s2  }
0x1f: {  	s30 =	smax.u32 s11, $0x1;
	s5 =	sadd.s32 $0x10, s31;
	s9 =	simm.s32 $0x3  }
0x20: {  	s11 =	simm.s32 $0x100;
	s6 =	simm.s32 $0x80;
	[dreg:$0x16] =	wrdreg s30  }
0x21: {  	s12 =	simm.s32 $0x200;
	s7 =	simm.s32 $0x180;
	[dreg:$0x13] =	wrdreg s23  }
0x22: {  	s22 =	smov.u32 s15;
	s31 =	smov.u32 s16;
	[dreg:$0x14] =	wrdreg s29  }
0x23: {  	s15 =	simm.s32 $0x2;
	s16 =	simm.s32 $0x0;
	[dreg:$0x15] =	wrdreg s24  }
.LBB2_1:
0x24: {  	s17 =	rddreg [dreg:$0x11]  }
0x25: {  	[tilespmem:s8], [sflag:$0x3] =	stream.linear.gather [hbm4b:s17+s3], $0x1000, $0x38;
	[tilespmem:$0x15200] =	vst v63  }
0x26: {  	_ =	swait.ge [sflag:s9], $0x1000  }
0x27: {  	[sflag:s9] =	ssyncset.done $0x0  }
0x28: {  	s26 =	rddreg [dreg:$0x12];
	[sflag:s9] =	ssyncadd.s32 $0xFFFFF000  }
0x29: {  	[tilespmem:s10], [sflag:$0x3] =	stream.linear.gather [hbm4b:s26+s3], $0x4000, $0x38;
	[tilespmem:$0x15200] =	vst v63  }
0x2a: {  	_ =	swait.ge [sflag:s9], $0x4000  }
0x2b: {  	[sflag:s9] =	ssyncset.done $0x0  }
0x2c: {  	[sflag:s9] =	ssyncadd.s32 $0xFFFFC000  }
0x2d: {  	[spmem:s20] =	stream.linear.scatter [tilespmem:s8], [sflag:$0x3], $0x1000, $0x38;
	[tilespmem:$0x15200] =	vst v63  }
0x2e: {  	_ =	swait.ge [sflag:s9], $0x1000  }
0x2f: {  	[sflag:s9] =	ssyncset.done $0x0  }
0x30: {  	[sflag:s9] =	ssyncadd.s32 $0xFFFFF000  }
0x31: {  	[spmem:s21] =	stream.linear.scatter [tilespmem:s8], [sflag:$0x3], $0x1000, $0x38;
	[tilespmem:$0x15200] =	vst v63  }
0x32: {  	_ =	swait.ge [sflag:s9], $0x1000  }
0x33: {  	[sflag:s9] =	ssyncset.done $0x0  }
0x34: {  	[sflag:s9] =	ssyncadd.s32 $0xFFFFF000  }
0x35: {  	[spmem:s22] =	stream.linear.scatter [tilespmem:s8], [sflag:$0x3], $0x1000, $0x38;
	[tilespmem:$0x15200] =	vst v63  }
0x36: {  	_ =	swait.ge [sflag:s9], $0x1000  }
0x37: {  	[sflag:s9] =	ssyncset.done $0x0  }
0x38: {  	[sflag:s9] =	ssyncadd.s32 $0xFFFFF000  }
0x39: {  	[spmem:s31] =	stream.linear.scatter [tilespmem:s8], [sflag:$0x3], $0x1000, $0x38;
	[tilespmem:$0x15200] =	vst v63  }
0x3a: {  	_ =	swait.ge [sflag:s9], $0x1000  }
0x3b: {  	[sflag:s9] =	ssyncset.done $0x0  }
0x3c: {  	[sflag:s9] =	ssyncadd.s32 $0xFFFFF000  }
0x3d: {  	[spmem:s28] =	stream.linear.scatter [tilespmem:s8], [sflag:$0x3], $0x1000, $0x38;
	[tilespmem:$0x15200] =	vst v63  }
0x3e: {  	_ =	swait.ge [sflag:s9], $0x1000  }
0x3f: {  	[sflag:s9] =	ssyncset.done $0x0  }
0x40: {  	[sflag:s9] =	ssyncadd.s32 $0xFFFFF000  }
0x41: {  	[spmem:s29] =	stream.linear.scatter [tilespmem:s8], [sflag:$0x3], $0x1000, $0x38;
	[tilespmem:$0x15200] =	vst v63  }
0x42: {  	_ =	swait.ge [sflag:s9], $0x1000  }
0x43: {  	[sflag:s9] =	ssyncset.done $0x0  }
0x44: {  	[sflag:s9] =	ssyncadd.s32 $0xFFFFF000  }
0x45: {  	[spmem:s23] =	stream.linear.scatter [tilespmem:s8], [sflag:$0x3], $0x1000, $0x38;
	[tilespmem:$0x15200] =	vst v63  }
0x46: {  	_ =	swait.ge [sflag:s9], $0x1000  }
0x47: {  	[sflag:s9] =	ssyncset.done $0x0  }
0x48: {  	s17 =	smov.u32 s24;
	[sflag:s9] =	ssyncadd.s32 $0xFFFFF000  }
0x49: {  	[spmem:s17] =	stream.linear.scatter [tilespmem:s8], [sflag:$0x3], $0x1000, $0x38;
	[tilespmem:$0x15200] =	vst v63  }
0x4a: {  	_ =	swait.ge [sflag:s9], $0x1000  }
0x4b: {  	[sflag:s9] =	ssyncset.done $0x0  }
0x4c: {  	[sflag:s9] =	ssyncadd.s32 $0xFFFFF000  }
0x4d: {  	[bflag:$0x0] =	sbarrier.arrive $0xFFFF  }
0x4e: {  	s30 =	smov.u32 s20;
	s20 =	rddreg [dreg:$0x5]  }
0x4f: {  	[tilespmem:s3], [sflag:$0x3] =	stream.linear.gather [hbm4b:s20+s3], $0x80, $0x38;
	[tilespmem:$0x15200] =	vst v63  }
0x50: {  	_ =	swait.ge [sflag:s9], $0x80  }
0x51: {  	[sflag:s9] =	ssyncset.done $0x0  }
0x52: {  	s24 =	smov.u32 s21;
	s21 =	rddreg [dreg:$0x6];
	[sflag:s9] =	ssyncadd.s32 $0xFFFFFF80  }
0x53: {  	[tilespmem:s11], [sflag:$0x3] =	stream.linear.gather [hbm4b:s21+s3], $0x80, $0x38;
	[tilespmem:$0x15200] =	vst v63  }
0x54: {  	_ =	swait.ge [sflag:s9], $0x80  }
0x55: {  	[sflag:s9] =	ssyncset.done $0x0  }
0x56: {  	[sflag:s9] =	ssyncadd.s32 $0xFFFFFF80  }
0x57: {  	[tilespmem:s12], [sflag:$0x1] =	stream.indirect.gather [hbm4b:s4+s6], $0x80, s3, s6, $0xb8;
	[tilespmem:$0x15200] =	vst v63  }
0x58: {  	s25 =	smov.u32 s22;
	s22 =	sadd.s32 $0x0, s0  }
0x59: {  	[tilespmem:s6], [sflag:$0x3] =	stream.linear.gather [hbm4b:s22+s3], $0x80, $0x38;
	[tilespmem:$0x15200] =	vst v63  }
0x5a: {  	_ =	swait.ge [sflag:s9], $0x80  }
0x5b: {  	[sflag:s9] =	ssyncset.done $0x0  }
0x5c: {  	s23 =	sadd.s32 $0x0, s5;
	[sflag:s9] =	ssyncadd.s32 $0xFFFFFF80  }
0x5d: {  	[tilespmem:s7], [sflag:$0x3] =	stream.linear.gather [hbm4b:s23+s3], $0x80, $0x38;
	[tilespmem:$0x15200] =	vst v63  }
0x5e: {  	_ =	swait.ge [sflag:s9], $0x80  }
0x5f: {  	[sflag:s9] =	ssyncset.done $0x0  }
0x60: {  	[sflag:s9] =	ssyncadd.s32 $0xFFFFFF80  }
0x61: {  	[tilespmem:s13], [sflag:$0x2] =	stream.indirect.gather [hbm4b:s4+s6], $0x80, s6, s6, $0xb8;
	[tilespmem:$0x15200] =	vst v63  }
0x62: {  	_ =	swait.ge [sflag:s14], $0x4000  }
0x63: {  	[sflag:s14] =	ssyncset.done $0x0  }
0x64: {  	[sflag:s14] =	ssyncadd.s32 $0xFFFFC000  }
0x65: {  	[spmem:s1] =	stream.indirect.scatter.add.f32 [tilespmem:s12], [sflag:$0x3], $0x80, s11, s6, $0xb8;
	[tilespmem:$0x15200] =	vst v63  }
0x66: {  	_ =	swait.ge [sflag:s9], $0x4000  }
0x67: {  	[sflag:s9] =	ssyncset.done $0x0  }
0x68: {  	[sflag:s9] =	ssyncadd.s32 $0xFFFFC000  }
0x69: {  	[spmem:s2] =	stream.indirect.scatter.add.f32 [tilespmem:s10], [sflag:$0x3], $0x80, s11, s6, $0xb8;
	[tilespmem:$0x15200] =	vst v63  }
0x6a: {  	_ =	swait.ge [sflag:s9], $0x4000  }
0x6b: {  	[sflag:s9] =	ssyncset.done $0x0  }
0x6c: {  	s29 =	sadd.s32 $0x0, s19;
	[sflag:s9] =	ssyncadd.s32 $0xFFFFC000  }
0x6d: {  	[tilespmem:s3], [sflag:$0x3] =	stream.linear.gather [hbm4b:s29+s3], $0x80, $0x38;
	[tilespmem:$0x15200] =	vst v63  }
0x6e: {  	_ =	swait.ge [sflag:s9], $0x80  }
0x6f: {  	[sflag:s9] =	ssyncset.done $0x0  }
0x70: {  	s26 =	smov.u32 s31;
	s31 =	sadd.s32 $0x0, s18;
	[sflag:s9] =	ssyncadd.s32 $0xFFFFFF80  }
0x71: {  	[tilespmem:s11], [sflag:$0x3] =	stream.linear.gather [hbm4b:s31+s3], $0x80, $0x38;
	[tilespmem:$0x15200] =	vst v63  }
0x72: {  	_ =	swait.ge [sflag:s9], $0x80  }
0x73: {  	[sflag:s9] =	ssyncset.done $0x0  }
0x74: {  	[sflag:s9] =	ssyncadd.s32 $0xFFFFFF80  }
0x75: {  	[tilespmem:s12], [sflag:$0x1] =	stream.indirect.gather [hbm4b:s4+s6], $0x80, s3, s6, $0xb8;
	[tilespmem:$0x15200] =	vst v63  }
0x76: {  	_ =	swait.ge [sflag:s15], $0x4000  }
0x77: {  	[sflag:s15] =	ssyncset.done $0x0  }
0x78: {  	[sflag:s15] =	ssyncadd.s32 $0xFFFFC000  }
0x79: {  	[spmem:s1] =	stream.indirect.scatter.add.f32 [tilespmem:s13], [sflag:$0x3], $0x80, s7, s6, $0xb8;
	[tilespmem:$0x15200] =	vst v63  }
0x7a: {  	_ =	swait.ge [sflag:s9], $0x4000  }
0x7b: {  	[sflag:s9] =	ssyncset.done $0x0  }
0x7c: {  	[sflag:s9] =	ssyncadd.s32 $0xFFFFC000  }
0x7d: {  	[spmem:s2] =	stream.indirect.scatter.add.f32 [tilespmem:s10], [sflag:$0x3], $0x80, s7, s6, $0xb8;
	[tilespmem:$0x15200] =	vst v63  }
0x7e: {  	_ =	swait.ge [sflag:s9], $0x4000  }
0x7f: {  	s17 =	simm.s32 $0x20;
	s20 =	simm.s32 $0x40;
	[sflag:s9] =	ssyncset.done $0x0  }
.LBB2_2:
0x80: {  	s31 =	sadd.s32 s17, s0  }
0x81: {  	[sflag:s9] =	ssyncadd.s32 $0xFFFFC000;
	s22 =	smov.u32 s20;
	s21 =	sadd.s32 $0x20, s20  }
0x82: {  	[tilespmem:s6], [sflag:$0x3] =	stream.linear.gather [hbm4b:s31+s3], $0x80, $0x38;
	[tilespmem:$0x15200] =	vst v63  }
0x83: {  	p0 =	sne.s32 s20, $0xC0;
	_ =	swait.ge [sflag:s9], $0x80  }
0x84: {  	[sflag:s9] =	ssyncset.done $0x0  }
0x85: {  	s20 =	sadd.s32 s17, s5;
	[sflag:s9] =	ssyncadd.s32 $0xFFFFFF80  }
0x86: {  	[tilespmem:s7], [sflag:$0x3] =	stream.linear.gather [hbm4b:s20+s3], $0x80, $0x38;
	[tilespmem:$0x15200] =	vst v63  }
0x87: {  	_ =	swait.ge [sflag:s9], $0x80  }
0x88: {  	[sflag:s9] =	ssyncset.done $0x0  }
0x89: {  	[sflag:s9] =	ssyncadd.s32 $0xFFFFFF80  }
0x8a: {  	[tilespmem:s13], [sflag:$0x2] =	stream.indirect.gather [hbm4b:s4+s6], $0x80, s6, s6, $0xb8;
	[tilespmem:$0x15200] =	vst v63  }
0x8b: {  	_ =	swait.ge [sflag:s14], $0x4000  }
0x8c: {  	[sflag:s14] =	ssyncset.done $0x0  }
0x8d: {  	[sflag:s14] =	ssyncadd.s32 $0xFFFFC000  }
0x8e: {  	[spmem:s1] =	stream.indirect.scatter.add.f32 [tilespmem:s12], [sflag:$0x3], $0x80, s11, s6, $0xb8;
	[tilespmem:$0x15200] =	vst v63  }
0x8f: {  	_ =	swait.ge [sflag:s9], $0x4000  }
0x90: {  	[sflag:s9] =	ssyncset.done $0x0  }
0x91: {  	[sflag:s9] =	ssyncadd.s32 $0xFFFFC000  }
0x92: {  	[spmem:s2] =	stream.indirect.scatter.add.f32 [tilespmem:s10], [sflag:$0x3], $0x80, s11, s6, $0xb8;
	[tilespmem:$0x15200] =	vst v63  }
0x93: {  	_ =	swait.ge [sflag:s9], $0x4000  }
0x94: {  	[sflag:s9] =	ssyncset.done $0x0  }
0x95: {  	s20 =	sadd.s32 s17, s19;
	[sflag:s9] =	ssyncadd.s32 $0xFFFFC000  }
0x96: {  	[tilespmem:s3], [sflag:$0x3] =	stream.linear.gather [hbm4b:s20+s3], $0x80, $0x38;
	[tilespmem:$0x15200] =	vst v63  }
0x97: {  	_ =	swait.ge [sflag:s9], $0x80  }
0x98: {  	[sflag:s9] =	ssyncset.done $0x0  }
0x99: {  	s20 =	sadd.s32 s17, s18;
	s17 =	smov.u32 s22;
	[sflag:s9] =	ssyncadd.s32 $0xFFFFFF80  }
0x9a: {  	[tilespmem:s11], [sflag:$0x3] =	stream.linear.gather [hbm4b:s20+s3], $0x80, $0x38;
	[tilespmem:$0x15200] =	vst v63  }
0x9b: {  	_ =	swait.ge [sflag:s9], $0x80  }
0x9c: {  	[sflag:s9] =	ssyncset.done $0x0  }
0x9d: {  	[sflag:s9] =	ssyncadd.s32 $0xFFFFFF80  }
0x9e: {  	[tilespmem:s12], [sflag:$0x1] =	stream.indirect.gather [hbm4b:s4+s6], $0x80, s3, s6, $0xb8;
	[tilespmem:$0x15200] =	vst v63  }
0x9f: {  	_ =	swait.ge [sflag:s15], $0x4000  }
0xa0: {  	[sflag:s15] =	ssyncset.done $0x0  }
0xa1: {  	[sflag:s15] =	ssyncadd.s32 $0xFFFFC000  }
0xa2: {  	[spmem:s1] =	stream.indirect.scatter.add.f32 [tilespmem:s13], [sflag:$0x3], $0x80, s7, s6, $0xb8;
	[tilespmem:$0x15200] =	vst v63  }
0xa3: {  	_ =	swait.ge [sflag:s9], $0x4000  }
.Ltmp0:
0xa4: {  	[sflag:s9] =	ssyncset.done $0x0;
	(pc) =	sbr.rel @p0 .LBB2_2-.Ltmp0, $4  }
0xa5: {  	[sflag:s9] =	ssyncadd.s32 $0xFFFFC000  }
0xa6: {  	[spmem:s2] =	stream.indirect.scatter.add.f32 [tilespmem:s10], [sflag:$0x3], $0x80, s7, s6, $0xb8;
	[tilespmem:$0x15200] =	vst v63  }
0xa7: {  	_ =	swait.ge [sflag:s9], $0x4000  }
0xa8: {  	s20 =	smov.u32 s21;
	[sflag:s9] =	ssyncset.done $0x0  }
0xa9: {  	s20 =	sadd.s32 s17, s0;
	[sflag:s9] =	ssyncadd.s32 $0xFFFFC000  }
0xaa: {  	[tilespmem:s6], [sflag:$0x3] =	stream.linear.gather [hbm4b:s20+s3], $0x80, $0x38;
	[tilespmem:$0x15200] =	vst v63  }
0xab: {  	_ =	swait.ge [sflag:s9], $0x80  }
0xac: {  	[sflag:s9] =	ssyncset.done $0x0  }
0xad: {  	s22 =	sadd.s32 s17, s5;
	[sflag:s9] =	ssyncadd.s32 $0xFFFFFF80  }
0xae: {  	[tilespmem:s7], [sflag:$0x3] =	stream.linear.gather [hbm4b:s22+s3], $0x80, $0x38;
	[tilespmem:$0x15200] =	vst v63  }
0xaf: {  	_ =	swait.ge [sflag:s9], $0x80  }
0xb0: {  	[sflag:s9] =	ssyncset.done $0x0  }
0xb1: {  	[sflag:s9] =	ssyncadd.s32 $0xFFFFFF80  }
0xb2: {  	[tilespmem:s13], [sflag:$0x2] =	stream.indirect.gather [hbm4b:s4+s6], $0x80, s6, s6, $0xb8;
	[tilespmem:$0x15200] =	vst v63  }
0xb3: {  	_ =	swait.ge [sflag:s14], $0x4000  }
0xb4: {  	[sflag:s14] =	ssyncset.done $0x0  }
0xb5: {  	[sflag:s14] =	ssyncadd.s32 $0xFFFFC000  }
0xb6: {  	[spmem:s1] =	stream.indirect.scatter.add.f32 [tilespmem:s12], [sflag:$0x3], $0x80, s11, s6, $0xb8;
	[tilespmem:$0x15200] =	vst v63  }
0xb7: {  	_ =	swait.ge [sflag:s9], $0x4000  }
0xb8: {  	[sflag:s9] =	ssyncset.done $0x0  }
0xb9: {  	[sflag:s9] =	ssyncadd.s32 $0xFFFFC000  }
0xba: {  	[spmem:s2] =	stream.indirect.scatter.add.f32 [tilespmem:s10], [sflag:$0x3], $0x80, s11, s6, $0xb8;
	[tilespmem:$0x15200] =	vst v63  }
0xbb: {  	_ =	swait.ge [sflag:s9], $0x4000  }
0xbc: {  	[sflag:s9] =	ssyncset.done $0x0  }
0xbd: {  	s23 =	sadd.s32 s17, s19;
	[sflag:s9] =	ssyncadd.s32 $0xFFFFC000  }
0xbe: {  	[tilespmem:s3], [sflag:$0x3] =	stream.linear.gather [hbm4b:s23+s3], $0x80, $0x38;
	[tilespmem:$0x15200] =	vst v63  }
0xbf: {  	_ =	swait.ge [sflag:s9], $0x80  }
0xc0: {  	[sflag:s9] =	ssyncset.done $0x0  }
0xc1: {  	s20 =	sadd.s32 s17, s18;
	[sflag:s9] =	ssyncadd.s32 $0xFFFFFF80  }
0xc2: {  	[tilespmem:s11], [sflag:$0x3] =	stream.linear.gather [hbm4b:s20+s3], $0x80, $0x38;
	[tilespmem:$0x15200] =	vst v63  }
0xc3: {  	_ =	swait.ge [sflag:s9], $0x80  }
0xc4: {  	[sflag:s9] =	ssyncset.done $0x0  }
0xc5: {  	[sflag:s9] =	ssyncadd.s32 $0xFFFFFF80  }
0xc6: {  	[tilespmem:s12], [sflag:$0x1] =	stream.indirect.gather [hbm4b:s4+s6], $0x80, s3, s6, $0xb8;
	[tilespmem:$0x15200] =	vst v63  }
0xc7: {  	_ =	swait.ge [sflag:s15], $0x4000  }
0xc8: {  	[sflag:s15] =	ssyncset.done $0x0  }
0xc9: {  	[sflag:s15] =	ssyncadd.s32 $0xFFFFC000  }
0xca: {  	[spmem:s1] =	stream.indirect.scatter.add.f32 [tilespmem:s13], [sflag:$0x3], $0x80, s7, s6, $0xb8;
	[tilespmem:$0x15200] =	vst v63  }
0xcb: {  	_ =	swait.ge [sflag:s9], $0x4000  }
0xcc: {  	[sflag:s9] =	ssyncset.done $0x0  }
0xcd: {  	[sflag:s9] =	ssyncadd.s32 $0xFFFFC000  }
0xce: {  	[spmem:s2] =	stream.indirect.scatter.add.f32 [tilespmem:s10], [sflag:$0x3], $0x80, s7, s6, $0xb8;
	[tilespmem:$0x15200] =	vst v63  }
0xcf: {  	_ =	swait.ge [sflag:s9], $0x4000  }
0xd0: {  	[sflag:s9] =	ssyncset.done $0x0  }
0xd1: {  	s21 =	rddreg [dreg:$0xf];
	[sflag:s9] =	ssyncadd.s32 $0xFFFFC000  }
0xd2: {  	[tilespmem:s6], [sflag:$0x3] =	stream.linear.gather [hbm4b:s21+s3], $0x80, $0x38;
	[tilespmem:$0x15200] =	vst v63  }
0xd3: {  	_ =	swait.ge [sflag:s9], $0x80  }
0xd4: {  	[sflag:s9] =	ssyncset.done $0x0  }
0xd5: {  	s22 =	rddreg [dreg:$0x10];
	[sflag:s9] =	ssyncadd.s32 $0xFFFFFF80  }
0xd6: {  	[tilespmem:s7], [sflag:$0x3] =	stream.linear.gather [hbm4b:s22+s3], $0x80, $0x38;
	[tilespmem:$0x15200] =	vst v63  }
0xd7: {  	_ =	swait.ge [sflag:s9], $0x80  }
0xd8: {  	[sflag:s9] =	ssyncset.done $0x0  }
0xd9: {  	[sflag:s9] =	ssyncadd.s32 $0xFFFFFF80  }
0xda: {  	[tilespmem:s13], [sflag:$0x2] =	stream.indirect.gather [hbm4b:s4+s6], $0x80, s6, s6, $0xb8;
	[tilespmem:$0x15200] =	vst v63  }
0xdb: {  	_ =	swait.ge [sflag:s14], $0x4000  }
0xdc: {  	[sflag:s14] =	ssyncset.done $0x0  }
0xdd: {  	[sflag:s14] =	ssyncadd.s32 $0xFFFFC000  }
0xde: {  	[spmem:s1] =	stream.indirect.scatter.add.f32 [tilespmem:s12], [sflag:$0x3], $0x80, s11, s6, $0xb8;
	[tilespmem:$0x15200] =	vst v63  }
0xdf: {  	_ =	swait.ge [sflag:s9], $0x4000  }
0xe0: {  	[sflag:s9] =	ssyncset.done $0x0  }
0xe1: {  	[sflag:s9] =	ssyncadd.s32 $0xFFFFC000  }
0xe2: {  	[spmem:s2] =	stream.indirect.scatter.add.f32 [tilespmem:s10], [sflag:$0x3], $0x80, s11, s6, $0xb8;
	[tilespmem:$0x15200] =	vst v63  }
0xe3: {  	_ =	swait.ge [sflag:s9], $0x4000  }
0xe4: {  	[sflag:s9] =	ssyncset.done $0x0  }
0xe5: {  	[sflag:s9] =	ssyncadd.s32 $0xFFFFC000  }
0xe6: {  	_ =	swait.ge [sflag:s15], $0x4000  }
0xe7: {  	[sflag:s15] =	ssyncset.done $0x0  }
0xe8: {  	[sflag:s15] =	ssyncadd.s32 $0xFFFFC000  }
0xe9: {  	[spmem:s1] =	stream.indirect.scatter.add.f32 [tilespmem:s13], [sflag:$0x3], $0x80, s7, s6, $0xb8;
	[tilespmem:$0x15200] =	vst v63  }
0xea: {  	_ =	swait.ge [sflag:s9], $0x4000  }
0xeb: {  	[sflag:s9] =	ssyncset.done $0x0  }
0xec: {  	[sflag:s9] =	ssyncadd.s32 $0xFFFFC000  }
0xed: {  	[spmem:s2] =	stream.indirect.scatter.add.f32 [tilespmem:s10], [sflag:$0x3], $0x80, s7, s6, $0xb8;
	[tilespmem:$0x15200] =	vst v63  }
0xee: {  	_ =	swait.ge [sflag:s9], $0x4000  }
0xef: {  	[sflag:s9] =	ssyncset.done $0x0  }
0xf0: {  	[sflag:s9] =	ssyncadd.s32 $0xFFFFC000  }
0xf1: {  	[bflag:$0x0] =	sbarrier.arrive $0xFFFF  }
0xf2: {  	[tilespmem:s8], [sflag:$0x3] =	stream.linear.gather [spmem:s30], $0x1000, $0x38;
	[tilespmem:$0x15200] =	vst v63  }
0xf3: {  	_ =	swait.ge [sflag:s9], $0x1000  }
0xf4: {  	[sflag:s9] =	ssyncset.done $0x0  }
0xf5: {  	s23 =	rddreg [dreg:$0x7];
	[sflag:s9] =	ssyncadd.s32 $0xFFFFF000  }
0xf6: {  	[hbm4b:s23+s3] =	stream.linear.scatter [tilespmem:s8], [sflag:$0x3], $0x1000, $0x38;
	[tilespmem:$0x15200] =	vst v63  }
0xf7: {  	_ =	swait.ge [sflag:s9], $0x1000  }
0xf8: {  	[sflag:s9] =	ssyncset.done $0x0  }
0xf9: {  	[sflag:s9] =	ssyncadd.s32 $0xFFFFF000  }
0xfa: {  	[tilespmem:s8], [sflag:$0x3] =	stream.linear.gather [spmem:s24], $0x1000, $0x38;
	[tilespmem:$0x15200] =	vst v63  }
0xfb: {  	_ =	swait.ge [sflag:s9], $0x1000  }
0xfc: {  	[sflag:s9] =	ssyncset.done $0x0  }
0xfd: {  	s21 =	smov.u32 s24;
	s24 =	rddreg [dreg:$0x8];
	[sflag:s9] =	ssyncadd.s32 $0xFFFFF000  }
0xfe: {  	[hbm4b:s24+s3] =	stream.linear.scatter [tilespmem:s8], [sflag:$0x3], $0x1000, $0x38;
	[tilespmem:$0x15200] =	vst v63  }
0xff: {  	_ =	swait.ge [sflag:s9], $0x1000  }
0x100: {  	[sflag:s9] =	ssyncset.done $0x0  }
0x101: {  	[sflag:s9] =	ssyncadd.s32 $0xFFFFF000  }
0x102: {  	[tilespmem:s8], [sflag:$0x3] =	stream.linear.gather [spmem:s25], $0x1000, $0x38;
	[tilespmem:$0x15200] =	vst v63  }
0x103: {  	_ =	swait.ge [sflag:s9], $0x1000  }
0x104: {  	[sflag:s9] =	ssyncset.done $0x0  }
0x105: {  	s22 =	smov.u32 s25;
	s25 =	rddreg [dreg:$0x9];
	[sflag:s9] =	ssyncadd.s32 $0xFFFFF000  }
0x106: {  	[hbm4b:s25+s3] =	stream.linear.scatter [tilespmem:s8], [sflag:$0x3], $0x1000, $0x38;
	[tilespmem:$0x15200] =	vst v63  }
0x107: {  	_ =	swait.ge [sflag:s9], $0x1000  }
0x108: {  	[sflag:s9] =	ssyncset.done $0x0  }
0x109: {  	[sflag:s9] =	ssyncadd.s32 $0xFFFFF000  }
0x10a: {  	[tilespmem:s8], [sflag:$0x3] =	stream.linear.gather [spmem:s26], $0x1000, $0x38;
	[tilespmem:$0x15200] =	vst v63  }
0x10b: {  	_ =	swait.ge [sflag:s9], $0x1000  }
0x10c: {  	[sflag:s9] =	ssyncset.done $0x0  }
0x10d: {  	s20 =	smov.u32 s30;
	s30 =	rddreg [dreg:$0xa];
	[sflag:s9] =	ssyncadd.s32 $0xFFFFF000  }
0x10e: {  	[hbm4b:s30+s3] =	stream.linear.scatter [tilespmem:s8], [sflag:$0x3], $0x1000, $0x38;
	[tilespmem:$0x15200] =	vst v63  }
0x10f: {  	_ =	swait.ge [sflag:s9], $0x1000  }
0x110: {  	[sflag:s9] =	ssyncset.done $0x0  }
0x111: {  	[sflag:s9] =	ssyncadd.s32 $0xFFFFF000  }
0x112: {  	[tilespmem:s8], [sflag:$0x3] =	stream.linear.gather [spmem:s28], $0x1000, $0x38;
	[tilespmem:$0x15200] =	vst v63  }
0x113: {  	_ =	swait.ge [sflag:s9], $0x1000  }
0x114: {  	[sflag:s9] =	ssyncset.done $0x0  }
0x115: {  	s23 =	rddreg [dreg:$0xb];
	[sflag:s9] =	ssyncadd.s32 $0xFFFFF000  }
0x116: {  	[hbm4b:s23+s3] =	stream.linear.scatter [tilespmem:s8], [sflag:$0x3], $0x1000, $0x38;
	[tilespmem:$0x15200] =	vst v63  }
0x117: {  	_ =	swait.ge [sflag:s9], $0x1000  }
0x118: {  	[sflag:s9] =	ssyncset.done $0x0  }
0x119: {  	s29 =	rddreg [dreg:$0x14];
	[sflag:s9] =	ssyncadd.s32 $0xFFFFF000  }
0x11a: {  	[tilespmem:s8], [sflag:$0x3] =	stream.linear.gather [spmem:s29], $0x1000, $0x38;
	[tilespmem:$0x15200] =	vst v63  }
0x11b: {  	_ =	swait.ge [sflag:s9], $0x1000  }
0x11c: {  	[sflag:s9] =	ssyncset.done $0x0  }
0x11d: {  	s24 =	rddreg [dreg:$0xc];
	[sflag:s9] =	ssyncadd.s32 $0xFFFFF000  }
0x11e: {  	[hbm4b:s24+s3] =	stream.linear.scatter [tilespmem:s8], [sflag:$0x3], $0x1000, $0x38;
	[tilespmem:$0x15200] =	vst v63  }
0x11f: {  	_ =	swait.ge [sflag:s9], $0x1000  }
0x120: {  	[sflag:s9] =	ssyncset.done $0x0  }
0x121: {  	s23 =	rddreg [dreg:$0x13];
	[sflag:s9] =	ssyncadd.s32 $0xFFFFF000  }
0x122: {  	[tilespmem:s8], [sflag:$0x3] =	stream.linear.gather [spmem:s23], $0x1000, $0x38;
	[tilespmem:$0x15200] =	vst v63  }
0x123: {  	_ =	swait.ge [sflag:s9], $0x1000  }
0x124: {  	[sflag:s9] =	ssyncset.done $0x0  }
0x125: {  	s25 =	rddreg [dreg:$0xd];
	[sflag:s9] =	ssyncadd.s32 $0xFFFFF000  }
0x126: {  	[hbm4b:s25+s3] =	stream.linear.scatter [tilespmem:s8], [sflag:$0x3], $0x1000, $0x38;
	[tilespmem:$0x15200] =	vst v63  }
0x127: {  	_ =	swait.ge [sflag:s9], $0x1000  }
0x128: {  	[sflag:s9] =	ssyncset.done $0x0  }
0x129: {  	s24 =	rddreg [dreg:$0x15];
	[sflag:s9] =	ssyncadd.s32 $0xFFFFF000  }
0x12a: {  	[tilespmem:s8], [sflag:$0x3] =	stream.linear.gather [spmem:s24], $0x1000, $0x38;
	[tilespmem:$0x15200] =	vst v63  }
0x12b: {  	_ =	swait.ge [sflag:s9], $0x1000  }
0x12c: {  	[sflag:s9] =	ssyncset.done $0x0  }
0x12d: {  	s31 =	smov.u32 s26;
	s26 =	rddreg [dreg:$0xe];
	[sflag:s9] =	ssyncadd.s32 $0xFFFFF000  }
0x12e: {  	[hbm4b:s26+s3] =	stream.linear.scatter [tilespmem:s8], [sflag:$0x3], $0x1000, $0x38;
	[tilespmem:$0x15200] =	vst v63  }
0x12f: {  	_ =	swait.ge [sflag:s9], $0x1000  }
0x130: {  	s16 =	sadd.s32 $0x1, s16;
	s30 =	rddreg [dreg:$0x16]  }
0x131: {  	p0 =	sne.s32 s16, s30  }
.Ltmp1:
0x132: {  	_ = 	snop;
	(pc) =	sbr.rel @p0 .LBB2_1-.Ltmp1, $3  }
0x133: {  	_ =	sdelay $0x1  }
0x134: {  	[sflag:s9] =	ssyncset.done $0x0  }
0x135: {  	[sflag:s9] =	ssyncadd.s32 $0xFFFFF000  }
0x136: {  	_ =	sfence.sel $0x180000  }
0x137: {  	[bflag:$0x0] =	sbarrier.arrive $0xFFFF  }
0x138: {  	_ =	strace $0x9000004A  }
0x139: {  	s0 =	stileid.u32;
	[bflag:$0x2] =	sbarrier.arrive $0xFFFF  }
0x13a: {  	p0 =	sne.s32 s0, $0x0;
	s0 =	rddreg [dreg:$0x4]  }
0x13b: {  	s0 =	sadd.s32 @!p0 $0x100000, s0  }
0x13c: {  	[sflag:s0] =	ssyncadd.tile.s32 @!p0 $0x1;
	_ =	shalt  }
.Lfunc_end2:
_tile_overlayer_lowered:
.L_overlay_start_2:
0x13d: {  	(tag) =	ssettag $0x2  }
0x13e: {  	s0 =	rddreg [dreg:$0x0];
	s2 =	stileid.u32  }
0x13f: {  	s1 =	rddreg [dreg:$0x1];
	p0 =	sne.s32 s2, $0x0  }
0x140: {  	s3 =	rddreg [dreg:$0x2];
	[bflag:$0x3] =	sbarrier.arrive $0xFFFF;
	s2 =	simm.s32 @!p0 $0x1C03  }
0x141: {  	[timem:s3], [sflag:s2] =	dma.local @!p0 [hbm:s0], s1  }
0x142: {  	s0 =	simm.s32 @!p0 $0x3  }
0x143: {  	_ =	swait.ge @!p0 [sflag:s0], s1  }
0x144: {  	s1 =	ssub.s32 @!p0 $0x0, s1;
	[sflag:s0] =	ssyncset.done @!p0 $0x0  }
0x145: {  	[sflag:s0] =	ssyncadd.s32 @!p0 s1  }
0x146: {  	[bflag:$0x3] =	sbarrier.arrive $0xFFFF  }
0x147: {  	_ =	shalt  }

// kernel: kernel.7.cloned.1.call-start
scs
__scs_entry_jumppad:
0x0: {  	(pc) =	sbr.rel $0x88, $3  }
0x1: {  	(tag) =	ssettag $0x0;
	lr =	simm.s32 $0x1  }
0x2: {  	[smem:$0x3F8F] =	sst lr;
	_ =	strace $0xD0000000  }
0x3: {  	_ = 	snop  }
0x4: {  	_ = 	snop  }
0x5: {  	_ = 	snop  }
0x6: {  	_ = 	snop  }
0x7: {  	_ = 	snop  }
__scs_overlays_trampoline_lowered:
0x8: {  	[smem:$0x3F9E] =	sst s0  }
0x9: {  	[smem:$0x3F9F] =	sst s1  }
0xa: {  	[smem:$0x3FA0] =	sst s2  }
0xb: {  	[smem:$0x3FA1] =	sst s3  }
0xc: {  	[smem:$0x3FA2] =	sst s4  }
0xd: {  	[smem:$0x3FA3] =	sst s5  }
0xe: {  	[smem:$0x3FA4] =	sst s6  }
0xf: {  	[smem:$0x3FA5] =	sst s7  }
0x10: {  	[smem:$0x3FA6] =	sst s8  }
0x11: {  	[smem:$0x3FA7] =	sst s9;
	s0 =	simm.s32 @!p0 $0x0  }
0x12: {  	s1 =	sld [smem:$0x3F8D];
	s0 =	simm.s32 @p0 $0x1  }
0x13: {  	[smem:$0x3FA8] =	sst s0;
	s0 =	simm.s32 @!p1 $0x0  }
0x14: {  	s2 =	sld [smem:$0x3F8C];
	s0 =	simm.s32 @p1 $0x1  }
0x15: {  	[smem:$0x3FA9] =	sst s0;
	s0 =	simm.s32 @!p2 $0x0  }
0x16: {  	s3 =	sld [smem:$0x3FDB];
	s0 =	simm.s32 @p2 $0x1  }
0x17: {  	s4 =	simm.s32 $0x1BF5;
	[smem:$0x3FAB] =	sst s0  }
0x18: {  	s0 =	sld [smem:$0x3F8E];
	_ =	swait.ge [sflag:s4], $0x0  }
0x19: {  	s7 =	sld [smem:$0x3F8F]  }
0x1a: {  	s8 =	sadd.s32 $0xFFFFE003, lr  }
0x1b: {  	s9 =	sadd.s32 $0xFFFFFEF7, lr;
	s5 =	simm.s32 $0xFFFFFFFF;
	p2 =	slt.u32 s8, $0xFFFFF086  }
0x1c: {  	p1 =	slt.u32 s9, $0xF7A;
	s5 =	simm.s32 @!p2 $0x0  }
0x1d: {  	s5 =	simm.s32 @p1 $0x1;
	p0 =	seq.s32 s7, s2  }
0x1e: {  	s7 =	smul.u32 @!p0 $0xF7A, s2;
	p2 =	seq.s32 @!p0 s5, $0x0  }
0x1f: {  	s9 =	smul.u32 $0xF7A, s1;
	s8 =	simm.s32 @!p0 $0x1BF5;
	p2 =	por !p2, p0  }
0x20: {  	[sflag:s8] =	ssyncset.s32 @!p0 $0xFFFFF086;
	s6 =	sadd.s32 @!p0 s3, s7;
	s7 =	simm.s32 @!p0 $0x108  }
0x21: {  	s3 =	sadd.s32 s3, s9;
	s6 =	sadd.s32 @!p0 $0x88, s6;
	s7 =	simm.s32 @p2 $0x1082  }
0x22: {  	[simem:s7], [sflag:s8] =	dma.local @!p0 [hbm:s6], $0xF7A  }
0x23: {  	s9 =	sor.u32 $0xD0000000, s2;
	s6 =	simm.s32 $0x108;
	_ =	swait.ge @!p0 [sflag:s8], $0x0  }
0x24: {  	s3 =	sadd.s32 $0x88, s3;
	s6 =	simm.s32 @!p1 $0x1082;
	[sflag:s4] =	ssyncset.s32 $0xFFFFF086  }
0x25: {  	[simem:s6], [sflag:s4] =	dma.local [hbm:s3], $0xF7A  }
0x26: {  	[smem:$0x3F8F] =	sst s1;
	(tag) =	ssettag s2;
	_ =	strace s9  }
0x27: {  	s1 =	sld [smem:$0x3F9F]  }
0x28: {  	s2 =	sld [smem:$0x3FA0]  }
0x29: {  	s4 =	sld [smem:$0x3FA2]  }
0x2a: {  	p0 =	seq.s32 s5, $0x0;
	s5 =	sld [smem:$0x3FA3]  }
0x2b: {  	s6 =	sld [smem:$0x3FA4]  }
0x2c: {  	s7 =	sld [smem:$0x3FA5]  }
0x2d: {  	s3 =	simm.s32 $0x108;
	s8 =	sld [smem:$0x3FA6]  }
0x2e: {  	s3 =	simm.s32 @!p0 $0x1082;
	s9 =	sld [smem:$0x3FA7]  }
0x2f: {  	lr =	sadd.s32 s0, s3;
	s0 =	sld [smem:$0x3F9E]  }
0x30: {  	s3 =	sld [smem:$0x3FA1]  }
0x31: {  	[smem:$0x3FAA] =	sst s10  }
0x32: {  	s10 =	sld [smem:$0x3FA8];
	_ =	sdelay $0x3  }
0x33: {  	p0 =	seq.s32 s10, $0x1;
	s10 =	sld [smem:$0x3FAA];
	_ =	sdelay $0x3  }
0x34: {  	[smem:$0x3FAA] =	sst s10  }
0x35: {  	s10 =	sld [smem:$0x3FA9];
	_ =	sdelay $0x3  }
0x36: {  	p1 =	seq.s32 s10, $0x1;
	s10 =	sld [smem:$0x3FAA];
	_ =	sdelay $0x3  }
0x37: {  	[smem:$0x3FAA] =	sst s10  }
0x38: {  	s10 =	sld [smem:$0x3FAB]  }
0x39: {  	_ = 	snop;
	(pc) =	sbr.ind lr, $3  }
0x3a: {  	_ = 	snop  }
0x3b: {  	_ = 	snop  }
0x3c: {  	p2 =	seq.s32 s10, $0x1;
	s10 =	sld [smem:$0x3FAA]  }
0x3d: {  	_ =	shalt  }
0x3e: {  	_ =	shalt  }
0x3f: {  	_ =	shalt  }
0x40: {  	_ =	shalt  }
0x41: {  	_ =	shalt  }
0x42: {  	_ =	shalt  }
0x43: {  	_ =	shalt  }
0x44: {  	_ =	shalt  }
0x45: {  	_ =	shalt  }
0x46: {  	_ =	shalt  }
0x47: {  	_ =	shalt  }
0x48: {  	_ =	shalt  }
0x49: {  	_ =	shalt  }
0x4a: {  	_ =	shalt  }
0x4b: {  	_ =	shalt  }
0x4c: {  	_ =	shalt  }
0x4d: {  	_ =	shalt  }
0x4e: {  	_ =	shalt  }
0x4f: {  	_ =	shalt  }
0x50: {  	_ =	shalt  }
0x51: {  	_ =	shalt  }
0x52: {  	_ =	shalt  }
0x53: {  	_ =	shalt  }
0x54: {  	_ =	shalt  }
0x55: {  	_ =	shalt  }
0x56: {  	_ =	shalt  }
0x57: {  	_ =	shalt  }
0x58: {  	_ =	shalt  }
0x59: {  	_ =	shalt  }
0x5a: {  	_ =	shalt  }
0x5b: {  	_ =	shalt  }
0x5c: {  	_ =	shalt  }
0x5d: {  	_ =	shalt  }
0x5e: {  	_ =	shalt  }
0x5f: {  	_ =	shalt  }
0x60: {  	_ =	shalt  }
0x61: {  	_ =	shalt  }
0x62: {  	_ =	shalt  }
0x63: {  	_ =	shalt  }
0x64: {  	_ =	shalt  }
0x65: {  	_ =	shalt  }
0x66: {  	_ =	shalt  }
0x67: {  	_ =	shalt  }
0x68: {  	_ =	shalt  }
0x69: {  	_ =	shalt  }
0x6a: {  	_ =	shalt  }
0x6b: {  	_ =	shalt  }
0x6c: {  	_ =	shalt  }
0x6d: {  	_ =	shalt  }
0x6e: {  	_ =	shalt  }
0x6f: {  	_ =	shalt  }
0x70: {  	_ =	shalt  }
0x71: {  	_ =	shalt  }
0x72: {  	_ =	shalt  }
0x73: {  	_ =	shalt  }
0x74: {  	_ =	shalt  }
0x75: {  	_ =	shalt  }
0x76: {  	_ =	shalt  }
0x77: {  	_ =	shalt  }
0x78: {  	_ =	shalt  }
0x79: {  	_ =	shalt  }
0x7a: {  	_ =	shalt  }
0x7b: {  	_ =	shalt  }
0x7c: {  	_ =	shalt  }
0x7d: {  	_ =	shalt  }
0x7e: {  	_ =	shalt  }
0x7f: {  	_ =	shalt  }
0x80: {  	_ =	shalt  }
0x81: {  	_ =	shalt  }
0x82: {  	_ =	shalt  }
0x83: {  	_ =	shalt  }
0x84: {  	_ =	shalt  }
0x85: {  	_ =	shalt  }
0x86: {  	_ =	shalt  }
0x87: {  	_ =	shalt  }
.Lfunc_end0:
.L_simem_size_0:
called_computation_lowered:
.L_overlay_start_0:
0x88: {  	s2 =	sld [smem:$0x3FD9]  }
0x89: {  	s3 =	sld [smem:$0x3FFE];
	_ =	sdelay $0x1  }
0x8a: {  	s1 =	srdreg.scid  }
0x8b: {  	s0 =	sand.u32 $0x1, s1  }
0x8c: {  	s16 =	sshll.u32 s0, $0xA;
	s2 =	sadd.s32 s3, s2  }
0x8d: {  	s2 =	sadd.s32 s2, s16  }
0x8e: {  	[smem:$0x3FB6] =	sst s2  }
0x8f: {  	_ = 	snop  }
0x90: {  	(tm) =	ssettm $0x1  }
0x91: {  	s17 =	sld [smem:$0x3FFB];
	_ =	sdelay $0x3  }
0x92: {  	_ =	strace s17  }
0x93: {  	s2 =	sld [smem:$0x3FFC];
	_ =	sdelay $0x3  }
0x94: {  	_ =	strace s2  }
0x95: {  	s2 =	sld [smem:$0x3FFD];
	_ =	sdelay $0x3  }
0x96: {  	_ =	strace s2  }
0x97: {  	_ =	strace $0x8FFFFFFF  }
0x98: {  	s18 =	sld [smem:$0x3FDB];
	_ =	sdelay $0x1  }
0x99: {  	s19 =	simm.s32 $_scs_section_size  }
0x9a: {  	s4 =	simm.s32 $_size__tile_overlayer_lowered;
	s5 =	simm.s32 $_tile_overlayer_lowered  }
0x9b: {  	s22 =	simm.s32 $0x1BFF;
	s21 =	sshll.u32 s5, $0x1;
	s2 =	sadd.s32 s19, s18  }
0x9c: {  	s6 =	simm.s32 $0x0;
	s20 =	sshll.u32 s4, $0x1;
	s4 =	sadd.s32 s21, s2  }
0x9d: {  	[timem:s6], [sflag:s22] =	dma.local [hbm:s4], s20  }
0x9e: {  	_ =	swait.ge [sflag:s22], s20  }
0x9f: {  	s3 =	ssub.s32 $0x0, s20;
	[sflag:s22] =	ssyncset.done $0x0  }
0xa0: {  	[sflag:s22] =	ssyncadd.s32 s3;
	_ =	sdelay $0x1  }
0xa1: {  	s23 =	simm.s32 $0x1B8B  }
0xa2: {  	_ =	swait.ge [sflag:s23], $0x1  }
0xa3: {  	[sflag:s23] =	ssyncset.done $0x0  }
0xa4: {  	s25 =	simm.s32 $0x1B8E;
	s24 =	sld [smem:$0x3FFE];
	[sflag:s23] =	ssyncadd.s32 $0xFFFFFFFF  }
0xa5: {  	s26 =	simm.s32 $execute0_lowered;
	[smem:$0x3FD2] =	sst s25  }
0xa6: {  	s4 =	sshll.u32 s26, $0x1;
	_ =	strace $0x80000046;
	[dreg:$0x1] =	wrdreg $0xFFFFFFFF  }
0xa7: {  	s28 =	simm.s32 $_size_execute0_lowered;
	s2 =	sadd.s32 s2, s4;
	[dreg:$0x0] =	wrdreg $0x0  }
0xa8: {  	s4 =	sshll.u32 s28, $0x1;
	[dreg:$0x2] =	wrdreg s2  }
0xa9: {  	[dreg:$0x3] =	wrdreg s4  }
0xaa: {  	[dreg:$0x4] =	wrdreg $0xC0  }
0xab: {  	_ =	task [dreg:s6], $0x5FFFF  }
0xac: {  	[dreg:$0x1] =	wrdreg $0xFFFFFFFF  }
0xad: {  	[dreg:$0x0] =	wrdreg $0x60  }
0xae: {  	[dreg:$0x2] =	wrdreg s24  }
0xaf: {  	[dreg:$0x3] =	wrdreg $0x72000  }
0xb0: {  	[dreg:$0x4] =	wrdreg $0x112000  }
0xb1: {  	[dreg:$0x5] =	wrdreg $0x9  }
0xb2: {  	_ =	task.clear_ibuf [dreg:s6], $0x6FFFF;
	_ =	strace $0x90000046  }
0xb3: {  	s29 =	simm.s32 $0x9;
	_ =	strace $0x80000048  }
0xb4: {  	_ =	swait.ge [sflag:s29], $0x1  }
0xb5: {  	[sflag:s29] =	ssyncadd.s32 $0xFFFFFFFF  }
0xb6: {  	_ =	strace $0x90000048  }
0xb7: {  	_ =	sfence  }
0xb8: {  	s30 =	sld [smem:$0x0];
	_ =	sdelay $0x2  }
0xb9: {  	s31 =	sshll.u32 s1, $0xD;
	s1 =	sshrl.u32 s1, $0x2  }
0xba: {  	s3 =	sand.u32 $0x4000, s31;
	s1 =	sadd.s32 s1, s30  }
0xbb: {  	s0 =	sor.u32 s3, s0;
	s1 =	sshll.u32 s1, $0x11  }
0xbc: {  	s0 =	sor.u32 s1, s0  }
0xbd: {  	s0 =	sadd.s32 $0x8F2B, s0  }
0xbe: {  	[sflag:s0] =	ssyncadd.remote.s32 $0x1  }
0xbf: {  	_ =	sfence.sel $0xFFFF  }
0xc0: {  	[dreg:$0x0] =	wrdreg $0xFFFFFFFF;
	(pc) =	sbr.abs _section_cstart, $3  }
0xc1: {  	[dreg:$0x1] =	wrdreg $0xFFFFFFFF  }
0xc2: {  	_ =	task.clear_ibuf [dreg:s6], $0x2FFFF;
	_ =	strace $0x9FFFFFFF  }
0xc3: {  	(tm) =	ssettm $0x7FFFFFFF  }
tec
execute0_lowered:
.L_overlay_start_1:
0x0: {  	(tag) =	ssettag $0x1  }
0x1: {  	s5 =	rddreg [dreg:$0x0];
	s2 =	srdreg.scid  }
0x2: {  	s21 =	stileid.u32;
	s28 =	rddreg [dreg:$0x1]  }
0x3: {  	s29 =	rddreg [dreg:$0x2];
	s0 =	sadd.s32 $0x36C00, s5;
	s1 =	sadd.s32 $0x4AC00, s5  }
0x4: {  	s13 =	sadd.s32 $0x5EC00, s5;
	s14 =	sand.u32 $0x1, s2;
	s15 =	smul.u32 $0x140, s21  }
0x5: {  	s16 =	sadd.s32 $0x72C00, s5;
	s2 =	ssub.s32 $0x2, s14;
	s3 =	sshll.u32 s14, $0x4  }
0x6: {  	p0 =	seq.s32 s14, $0x1;
	s4 =	sshrl.u32 s2, $0x1;
	s3 =	sor.u32 s21, s3  }
0x7: {  	s12 =	sor.u32 $0x20, s15;
	s11 =	sadd.s32 $0x40, s15;
	s10 =	sadd.s32 $0x60, s15  }
0x8: {  	s9 =	sadd.s32 $0x80, s15;
	s8 =	sadd.s32 $0xA0, s15;
	s7 =	sadd.s32 $0xC0, s15  }
0x9: {  	s6 =	sadd.s32 $0xE0, s15;
	s0 =	smov.u32 @p0 s1;
	s13 =	smov.u32 @p0 s16  }
0xa: {  	s2 =	ssub.s32 s2, s4;
	s17 =	smul.u32 $0x1400, s3;
	s25 =	sshll.u32 s12, $0x4  }
0xb: {  	s4 =	sadd.s32 $0x100, s15;
	s3 =	sadd.s32 $0x120, s15;
	s26 =	sadd.s32 s0, s25  }
0xc: {  	s18 =	sshll.u32 s11, $0x4;
	s15 =	sadd.s32 s13, s25;
	[dreg:$0x4] =	wrdreg s26  }
0xd: {  	s16 =	sadd.s32 s0, s18;
	[dreg:$0x5] =	wrdreg s15  }
0xe: {  	s19 =	sshll.u32 s10, $0x4;
	s22 =	sadd.s32 s13, s18;
	[dreg:$0x6] =	wrdreg s16  }
0xf: {  	s23 =	sadd.s32 s0, s19;
	[dreg:$0x7] =	wrdreg s22  }
0x10: {  	s20 =	sshll.u32 s9, $0x4;
	s24 =	sadd.s32 s13, s19;
	[dreg:$0x8] =	wrdreg s23  }
0x11: {  	s25 =	sadd.s32 s0, s20;
	[dreg:$0x9] =	wrdreg s24  }
0x12: {  	s1 =	sshll.u32 s8, $0x4;
	[dreg:$0xa] =	wrdreg s25;
	s26 =	sadd.s32 s13, s20  }
0x13: {  	s16 =	sadd.s32 s0, s1;
	[dreg:$0xb] =	wrdreg s26  }
0x14: {  	s18 =	sshll.u32 s7, $0x4;
	s1 =	sadd.s32 s13, s1;
	[dreg:$0xc] =	wrdreg s16  }
0x15: {  	s2 =	smax.u32 s2, $0x1;
	s19 =	sadd.s32 s0, s18;
	[dreg:$0xd] =	wrdreg s1  }
0x16: {  	s20 =	sshll.u32 s6, $0x4;
	[dreg:$0xe] =	wrdreg s19;
	s1 =	sadd.s32 s13, s18  }
0x17: {  	s22 =	sshll.u32 s4, $0x4;
	s23 =	sadd.s32 s0, s20;
	[dreg:$0xf] =	wrdreg s1  }
0x18: {  	s15 =	smul.u32 $0x1400, s21;
	s24 =	sadd.s32 s0, s22;
	[dreg:$0x10] =	wrdreg s23  }
0x19: {  	s25 =	sadd.s32 s13, s22;
	s26 =	smul.u32 $0x14000, s14;
	[dreg:$0x12] =	wrdreg s24  }
0x1a: {  	s18 =	sshll.u32 s3, $0x4;
	s1 =	sadd.s32 s13, s20;
	[dreg:$0x13] =	wrdreg s25  }
0x1b: {  	s3 =	sshll.u32 s3, $0x7;
	s19 =	sadd.s32 s0, s15;
	[dreg:$0x11] =	wrdreg s1  }
0x1c: {  	s0 =	sadd.s32 s0, s18;
	s20 =	sadd.s32 s13, s18;
	[dreg:$0x14] =	wrdreg s19  }
0x1d: {  	s22 =	sadd.s32 s13, s15;
	s24 =	sshrl.u32 s17, $0x3;
	[dreg:$0x15] =	wrdreg s0  }
0x1e: {  	s25 =	sadd.s32 $0x4600, s5;
	[dreg:$0x16] =	wrdreg s20;
	s20 =	simm.s32 $0x0  }
0x1f: {  	[dreg:$0x17] =	wrdreg s22;
	s23 =	sadd.s32 s15, s26;
	s26 =	sadd.s32 $0x9600, s5  }
0x20: {  	s16 =	sadd.s32 s25, s24;
	s1 =	sadd.s32 $0x278, s24;
	[smem:$0x7FF] =	sst s20  }
0x21: {  	s22 =	smul.u32 $0xA000, s21;
	[dreg:$0x18] =	wrdreg s16;
	s17 =	sadd.s32 s26, s24  }
0x22: {  	s18 =	sadd.s32 s25, s1;
	s1 =	sadd.s32 s26, s1;
	[dreg:$0x19] =	wrdreg s17  }
0x23: {  	s19 =	sor.u32 $0x80, s23;
	s0 =	sor.u32 $0x40, s23;
	[dreg:$0x1a] =	wrdreg s18  }
0x24: {  	s23 =	sadd.s32 $0x36600, s5;
	s16 =	sshll.u32 s9, $0x7;
	[dreg:$0x1b] =	wrdreg s1  }
0x25: {  	s24 =	sadd.s32 s22, s28;
	_ =	strace $0x80000047;
	[dreg:$0x1c] =	wrdreg s23  }
0x26: {  	s13 =	sshll.u32 s10, $0x7;
	s9 =	sadd.s32 s16, s28;
	[smem:$0x7EA] =	sst s24  }
0x27: {  	s1 =	sshrl.u32 s19, $0x3;
	s0 =	sshrl.u32 s0, $0x3;
	[smem:$0x7EC] =	sst s9  }
0x28: {  	s14 =	sadd.s32 s22, s29;
	s18 =	sadd.s32 s13, s28;
	[smem:$0x7F3] =	sst s2  }
0x29: {  	s22 =	sadd.s32 s16, s29;
	s17 =	sshll.u32 s8, $0x7;
	[dreg:$0x1f] =	wrdreg s18  }
0x2a: {  	s16 =	sadd.s32 s3, s28;
	s30 =	sadd.s32 s1, s26;
	[smem:$0x7F6] =	sst s22  }
0x2b: {  	s31 =	sadd.s32 s1, s25;
	s26 =	sadd.s32 s0, s26;
	[smem:$0x7F8] =	sst s14  }
0x2c: {  	s1 =	sadd.s32 $0xE600, s5;
	s5 =	sadd.s32 $0x36800, s5;
	[smem:$0x7FC] =	sst s16  }
0x2d: {  	s0 =	sadd.s32 s0, s25;
	s8 =	sadd.s32 s17, s28;
	[dreg:$0x1d] =	wrdreg s5  }
0x2e: {  	s23 =	sshll.u32 s7, $0x7;
	s5 =	sadd.s32 s13, s29;
	[smem:$0x7ED] =	sst s8  }
0x2f: {  	s25 =	sshll.u32 s12, $0x7;
	s7 =	sadd.s32 s23, s28;
	[smem:$0x7EB] =	sst s5  }
0x30: {  	s12 =	sshll.u32 s11, $0x7;
	s13 =	simm.s32 $0x0;
	[smem:$0x7EF] =	sst s7  }
0x31: {  	s4 =	sshll.u32 s4, $0x7;
	s24 =	sadd.s32 s12, s29;
	[smem:$0x7F4] =	sst s13  }
0x32: {  	s10 =	simm.s32 $0x1;
	s21 =	sadd.s32 s12, s28;
	[dreg:$0x1e] =	wrdreg s24  }
0x33: {  	s2 =	simm.s32 $0x6200;
	s19 =	sadd.s32 s25, s29;
	[smem:$0x7F5] =	sst s21  }
0x34: {  	s9 =	simm.s32 $0x2200;
	s15 =	sadd.s32 s25, s28;
	[smem:$0x7F7] =	sst s19  }
0x35: {  	s11 =	simm.s32 $0x2;
	s12 =	sadd.s32 s4, s28;
	[smem:$0x7F9] =	sst s15  }
0x36: {  	s25 =	sshll.u32 s6, $0x7;
	s5 =	sadd.s32 s17, s29;
	[smem:$0x7FA] =	sst s12  }
0x37: {  	s8 =	simm.s32 $0x180;
	s6 =	sadd.s32 s25, s28;
	[smem:$0x7EE] =	sst s5  }
0x38: {  	s17 =	sadd.s32 s3, s29;
	s3 =	simm.s32 $0x3;
	[smem:$0x7F1] =	sst s6  }
0x39: {  	s7 =	simm.s32 $0x80;
	s5 =	sadd.s32 s23, s29;
	[smem:$0x7FD] =	sst s17  }
0x3a: {  	s23 =	sadd.s32 s4, s29;
	s4 =	simm.s32 $0x100;
	[smem:$0x7F0] =	sst s5  }
0x3b: {  	s6 =	simm.s32 $0x200;
	s5 =	sadd.s32 s25, s29;
	[smem:$0x7FB] =	sst s23  }
0x3c: {  	s25 =	simm.s32 $0x4200;
	[smem:$0x7F2] =	sst s5;
	s5 =	simm.s32 $0x40  }
.LBB2_1:
0x3d: {  	s13 =	rddreg [dreg:$0x1c]  }
0x3e: {  	[tilespmem:s2], [sflag:$0x3] =	stream.linear.gather [hbm4b:s13+s20], $0x1000, $0x38;
	[tilespmem:$0x1B200] =	vst v63  }
0x3f: {  	_ =	swait.ge [sflag:s3], $0x1000  }
0x40: {  	[sflag:s3] =	ssyncset.done $0x0  }
0x41: {  	s13 =	rddreg [dreg:$0x1d];
	[sflag:s3] =	ssyncadd.s32 $0xFFFFF000  }
0x42: {  	[tilespmem:s25], [sflag:$0x3] =	stream.linear.gather [hbm4b:s13+s20], $0x2000, $0x38;
	[tilespmem:$0x1B200] =	vst v63  }
0x43: {  	s13 =	smov.u32 s21;
	s21 =	smov.u32 s19;
	_ =	swait.ge [sflag:s3], $0x2000  }
0x44: {  	s19 =	smov.u32 s15;
	s15 =	smov.u32 s14;
	s14 =	sld [smem:$0x7EA]  }
0x45: {  	[sflag:s3] =	ssyncset.done $0x0  }
0x46: {  	[sflag:s3] =	ssyncadd.s32 $0xFFFFE000  }
0x47: {  	[spmem:s14] =	stream.linear.scatter [tilespmem:s2], [sflag:$0x3], $0x1000, $0x38;
	[tilespmem:$0x1B200] =	vst v63  }
0x48: {  	_ =	swait.ge [sflag:s3], $0x1000  }
0x49: {  	[sflag:s3] =	ssyncset.done $0x0  }
0x4a: {  	[sflag:s3] =	ssyncadd.s32 $0xFFFFF000  }
0x4b: {  	[spmem:s15] =	stream.linear.scatter [tilespmem:s2], [sflag:$0x3], $0x1000, $0x38;
	[tilespmem:$0x1B200] =	vst v63  }
0x4c: {  	s14 =	sld [smem:$0x7EB];
	_ =	swait.ge [sflag:s3], $0x1000  }
0x4d: {  	[sflag:s3] =	ssyncset.done $0x0  }
0x4e: {  	[sflag:s3] =	ssyncadd.s32 $0xFFFFF000  }
0x4f: {  	[spmem:s19] =	stream.linear.scatter [tilespmem:s2], [sflag:$0x3], $0x1000, $0x38;
	[tilespmem:$0x1B200] =	vst v63  }
0x50: {  	s15 =	sld [smem:$0x7EC];
	_ =	swait.ge [sflag:s3], $0x1000  }
0x51: {  	[sflag:s3] =	ssyncset.done $0x0  }
0x52: {  	[sflag:s3] =	ssyncadd.s32 $0xFFFFF000  }
0x53: {  	[spmem:s21] =	stream.linear.scatter [tilespmem:s2], [sflag:$0x3], $0x1000, $0x38;
	[tilespmem:$0x1B200] =	vst v63  }
0x54: {  	_ =	swait.ge [sflag:s3], $0x1000  }
0x55: {  	[sflag:s3] =	ssyncset.done $0x0  }
0x56: {  	[sflag:s3] =	ssyncadd.s32 $0xFFFFF000  }
0x57: {  	[spmem:s13] =	stream.linear.scatter [tilespmem:s2], [sflag:$0x3], $0x1000, $0x38;
	[tilespmem:$0x1B200] =	vst v63  }
0x58: {  	_ =	swait.ge [sflag:s3], $0x1000  }
0x59: {  	[sflag:s3] =	ssyncset.done $0x0  }
0x5a: {  	[sflag:s3] =	ssyncadd.s32 $0xFFFFF000  }
0x5b: {  	[spmem:s24] =	stream.linear.scatter [tilespmem:s2], [sflag:$0x3], $0x1000, $0x38;
	[tilespmem:$0x1B200] =	vst v63  }
0x5c: {  	_ =	swait.ge [sflag:s3], $0x1000  }
0x5d: {  	[sflag:s3] =	ssyncset.done $0x0  }
0x5e: {  	[sflag:s3] =	ssyncadd.s32 $0xFFFFF000  }
0x5f: {  	[spmem:s18] =	stream.linear.scatter [tilespmem:s2], [sflag:$0x3], $0x1000, $0x38;
	[tilespmem:$0x1B200] =	vst v63  }
0x60: {  	_ =	swait.ge [sflag:s3], $0x1000  }
0x61: {  	[sflag:s3] =	ssyncset.done $0x0  }
0x62: {  	[sflag:s3] =	ssyncadd.s32 $0xFFFFF000  }
0x63: {  	[spmem:s14] =	stream.linear.scatter [tilespmem:s2], [sflag:$0x3], $0x1000, $0x38;
	[tilespmem:$0x1B200] =	vst v63  }
0x64: {  	_ =	swait.ge [sflag:s3], $0x1000  }
0x65: {  	[sflag:s3] =	ssyncset.done $0x0  }
0x66: {  	[sflag:s3] =	ssyncadd.s32 $0xFFFFF000  }
0x67: {  	[spmem:s15] =	stream.linear.scatter [tilespmem:s2], [sflag:$0x3], $0x1000, $0x38;
	[tilespmem:$0x1B200] =	vst v63  }
0x68: {  	_ =	swait.ge [sflag:s3], $0x1000  }
0x69: {  	[sflag:s3] =	ssyncset.done $0x0  }
0x6a: {  	[sflag:s3] =	ssyncadd.s32 $0xFFFFF000  }
0x6b: {  	[spmem:s22] =	stream.linear.scatter [tilespmem:s2], [sflag:$0x3], $0x1000, $0x38;
	[tilespmem:$0x1B200] =	vst v63  }
0x6c: {  	_ =	swait.ge [sflag:s3], $0x1000  }
0x6d: {  	s19 =	sld [smem:$0x7ED]  }
0x6e: {  	[sflag:s3] =	ssyncset.done $0x0  }
0x6f: {  	[sflag:s3] =	ssyncadd.s32 $0xFFFFF000  }
0x70: {  	[spmem:s19] =	stream.linear.scatter [tilespmem:s2], [sflag:$0x3], $0x1000, $0x38;
	[tilespmem:$0x1B200] =	vst v63  }
0x71: {  	_ =	swait.ge [sflag:s3], $0x1000  }
0x72: {  	s21 =	sld [smem:$0x7EE]  }
0x73: {  	[sflag:s3] =	ssyncset.done $0x0  }
0x74: {  	[sflag:s3] =	ssyncadd.s32 $0xFFFFF000  }
0x75: {  	[spmem:s21] =	stream.linear.scatter [tilespmem:s2], [sflag:$0x3], $0x1000, $0x38;
	[tilespmem:$0x1B200] =	vst v63  }
0x76: {  	_ =	swait.ge [sflag:s3], $0x1000  }
0x77: {  	s22 =	sld [smem:$0x7EF]  }
0x78: {  	[sflag:s3] =	ssyncset.done $0x0  }
0x79: {  	[sflag:s3] =	ssyncadd.s32 $0xFFFFF000  }
0x7a: {  	[spmem:s22] =	stream.linear.scatter [tilespmem:s2], [sflag:$0x3], $0x1000, $0x38;
	[tilespmem:$0x1B200] =	vst v63  }
0x7b: {  	_ =	swait.ge [sflag:s3], $0x1000  }
0x7c: {  	s24 =	sld [smem:$0x7F0]  }
0x7d: {  	[sflag:s3] =	ssyncset.done $0x0  }
0x7e: {  	[sflag:s3] =	ssyncadd.s32 $0xFFFFF000  }
0x7f: {  	[spmem:s24] =	stream.linear.scatter [tilespmem:s2], [sflag:$0x3], $0x1000, $0x38;
	[tilespmem:$0x1B200] =	vst v63  }
0x80: {  	_ =	swait.ge [sflag:s3], $0x1000  }
0x81: {  	s14 =	sld [smem:$0x7F1]  }
0x82: {  	[sflag:s3] =	ssyncset.done $0x0  }
0x83: {  	[sflag:s3] =	ssyncadd.s32 $0xFFFFF000  }
0x84: {  	[spmem:s14] =	stream.linear.scatter [tilespmem:s2], [sflag:$0x3], $0x1000, $0x38;
	[tilespmem:$0x1B200] =	vst v63  }
0x85: {  	_ =	swait.ge [sflag:s3], $0x1000  }
0x86: {  	s15 =	sld [smem:$0x7F2]  }
0x87: {  	[sflag:s3] =	ssyncset.done $0x0  }
0x88: {  	[sflag:s3] =	ssyncadd.s32 $0xFFFFF000  }
0x89: {  	[spmem:s15] =	stream.linear.scatter [tilespmem:s2], [sflag:$0x3], $0x1000, $0x38;
	[tilespmem:$0x1B200] =	vst v63  }
0x8a: {  	_ =	swait.ge [sflag:s3], $0x1000  }
0x8b: {  	[sflag:s3] =	ssyncset.done $0x0  }
0x8c: {  	[sflag:s3] =	ssyncadd.s32 $0xFFFFF000  }
0x8d: {  	[spmem:s12] =	stream.linear.scatter [tilespmem:s2], [sflag:$0x3], $0x1000, $0x38;
	[tilespmem:$0x1B200] =	vst v63  }
0x8e: {  	_ =	swait.ge [sflag:s3], $0x1000  }
0x8f: {  	[sflag:s3] =	ssyncset.done $0x0  }
0x90: {  	[sflag:s3] =	ssyncadd.s32 $0xFFFFF000  }
0x91: {  	[spmem:s23] =	stream.linear.scatter [tilespmem:s2], [sflag:$0x3], $0x1000, $0x38;
	[tilespmem:$0x1B200] =	vst v63  }
0x92: {  	_ =	swait.ge [sflag:s3], $0x1000  }
0x93: {  	[sflag:s3] =	ssyncset.done $0x0  }
0x94: {  	[sflag:s3] =	ssyncadd.s32 $0xFFFFF000  }
0x95: {  	[spmem:s16] =	stream.linear.scatter [tilespmem:s2], [sflag:$0x3], $0x1000, $0x38;
	[tilespmem:$0x1B200] =	vst v63  }
0x96: {  	_ =	swait.ge [sflag:s3], $0x1000  }
0x97: {  	[sflag:s3] =	ssyncset.done $0x0  }
0x98: {  	[sflag:s3] =	ssyncadd.s32 $0xFFFFF000  }
0x99: {  	[spmem:s17] =	stream.linear.scatter [tilespmem:s2], [sflag:$0x3], $0x1000, $0x38;
	[tilespmem:$0x1B200] =	vst v63  }
0x9a: {  	_ =	swait.ge [sflag:s3], $0x1000  }
0x9b: {  	[sflag:s3] =	ssyncset.done $0x0  }
0x9c: {  	[sflag:s3] =	ssyncadd.s32 $0xFFFFF000  }
0x9d: {  	[bflag:$0x0] =	sbarrier.arrive $0xFFFF  }
0x9e: {  	s18 =	rddreg [dreg:$0x18]  }
0x9f: {  	[tilespmem:s20], [sflag:$0x3] =	stream.linear.gather [hbm4b:s18+s20], $0x40, $0x38;
	[tilespmem:$0x1B200] =	vst v63  }
0xa0: {  	_ =	swait.ge [sflag:s3], $0x40  }
0xa1: {  	[sflag:s3] =	ssyncset.done $0x0  }
0xa2: {  	s19 =	rddreg [dreg:$0x19];
	[sflag:s3] =	ssyncadd.s32 $0xFFFFFFC0  }
0xa3: {  	[tilespmem:s4], [sflag:$0x3] =	stream.linear.gather [hbm4b:s19+s20], $0x40, $0x38;
	[tilespmem:$0x1B200] =	vst v63  }
0xa4: {  	_ =	swait.ge [sflag:s3], $0x40  }
0xa5: {  	[sflag:s3] =	ssyncset.done $0x0  }
0xa6: {  	[sflag:s3] =	ssyncadd.s32 $0xFFFFFFC0  }
0xa7: {  	[tilespmem:s6], [sflag:$0x1] =	stream.indirect.gather [hbm4b:s1+s5], $0x80, s20, s5, $0xb8;
	[tilespmem:$0x1B200] =	vst v63  }
0xa8: {  	s21 =	sadd.s32 $0x0, s0  }
0xa9: {  	[tilespmem:s7], [sflag:$0x3] =	stream.linear.gather [hbm4b:s21+s20], $0x40, $0x38;
	[tilespmem:$0x1B200] =	vst v63  }
0xaa: {  	_ =	swait.ge [sflag:s3], $0x40  }
0xab: {  	[sflag:s3] =	ssyncset.done $0x0  }
0xac: {  	s22 =	sadd.s32 $0x0, s26;
	[sflag:s3] =	ssyncadd.s32 $0xFFFFFFC0  }
0xad: {  	[tilespmem:s8], [sflag:$0x3] =	stream.linear.gather [hbm4b:s22+s20], $0x40, $0x38;
	[tilespmem:$0x1B200] =	vst v63  }
0xae: {  	_ =	swait.ge [sflag:s3], $0x40  }
0xaf: {  	[sflag:s3] =	ssyncset.done $0x0  }
0xb0: {  	[sflag:s3] =	ssyncadd.s32 $0xFFFFFFC0  }
0xb1: {  	[tilespmem:s9], [sflag:$0x2] =	stream.indirect.gather [hbm4b:s1+s5], $0x80, s7, s5, $0xb8;
	[tilespmem:$0x1B200] =	vst v63  }
0xb2: {  	_ =	swait.ge [sflag:s10], $0x2000  }
0xb3: {  	[sflag:s10] =	ssyncset.done $0x0  }
0xb4: {  	[sflag:s10] =	ssyncadd.s32 $0xFFFFE000  }
0xb5: {  	[spmem:s28] =	stream.indirect.scatter.add.f32 [tilespmem:s6], [sflag:$0x3], $0x80, s4, s5, $0xb8;
	[tilespmem:$0x1B200] =	vst v63  }
0xb6: {  	_ =	swait.ge [sflag:s3], $0x2000  }
0xb7: {  	[sflag:s3] =	ssyncset.done $0x0  }
0xb8: {  	[sflag:s3] =	ssyncadd.s32 $0xFFFFE000  }
0xb9: {  	[spmem:s29] =	stream.indirect.scatter.add.f32 [tilespmem:s25], [sflag:$0x3], $0x80, s4, s5, $0xb8;
	[tilespmem:$0x1B200] =	vst v63  }
0xba: {  	_ =	swait.ge [sflag:s3], $0x2000  }
0xbb: {  	[sflag:s3] =	ssyncset.done $0x0  }
0xbc: {  	s23 =	sadd.s32 $0x0, s31;
	[sflag:s3] =	ssyncadd.s32 $0xFFFFE000  }
0xbd: {  	[tilespmem:s20], [sflag:$0x3] =	stream.linear.gather [hbm4b:s23+s20], $0x40, $0x38;
	[tilespmem:$0x1B200] =	vst v63  }
0xbe: {  	_ =	swait.ge [sflag:s3], $0x40  }
0xbf: {  	[sflag:s3] =	ssyncset.done $0x0  }
0xc0: {  	s24 =	sadd.s32 $0x0, s30;
	[sflag:s3] =	ssyncadd.s32 $0xFFFFFFC0  }
0xc1: {  	[tilespmem:s4], [sflag:$0x3] =	stream.linear.gather [hbm4b:s24+s20], $0x40, $0x38;
	[tilespmem:$0x1B200] =	vst v63  }
0xc2: {  	_ =	swait.ge [sflag:s3], $0x40  }
0xc3: {  	[sflag:s3] =	ssyncset.done $0x0  }
0xc4: {  	[sflag:s3] =	ssyncadd.s32 $0xFFFFFFC0  }
0xc5: {  	[tilespmem:s6], [sflag:$0x1] =	stream.indirect.gather [hbm4b:s1+s5], $0x80, s20, s5, $0xb8;
	[tilespmem:$0x1B200] =	vst v63  }
0xc6: {  	_ =	swait.ge [sflag:s11], $0x2000  }
0xc7: {  	[sflag:s11] =	ssyncset.done $0x0  }
0xc8: {  	[sflag:s11] =	ssyncadd.s32 $0xFFFFE000  }
0xc9: {  	[spmem:s28] =	stream.indirect.scatter.add.f32 [tilespmem:s9], [sflag:$0x3], $0x80, s8, s5, $0xb8;
	[tilespmem:$0x1B200] =	vst v63  }
0xca: {  	_ =	swait.ge [sflag:s3], $0x2000  }
0xcb: {  	[sflag:s3] =	ssyncset.done $0x0  }
0xcc: {  	[sflag:s3] =	ssyncadd.s32 $0xFFFFE000  }
0xcd: {  	[spmem:s29] =	stream.indirect.scatter.add.f32 [tilespmem:s25], [sflag:$0x3], $0x80, s8, s5, $0xb8;
	[tilespmem:$0x1B200] =	vst v63  }
0xce: {  	_ =	swait.ge [sflag:s3], $0x2000  }
0xcf: {  	s13 =	simm.s32 $0x10;
	s14 =	simm.s32 $0x20;
	[sflag:s3] =	ssyncset.done $0x0  }
.LBB2_2:
0xd0: {  	s16 =	sadd.s32 s13, s0  }
0xd1: {  	[sflag:s3] =	ssyncadd.s32 $0xFFFFE000;
	s17 =	smov.u32 s14;
	s15 =	sadd.s32 $0x10, s14  }
0xd2: {  	[tilespmem:s7], [sflag:$0x3] =	stream.linear.gather [hbm4b:s16+s20], $0x40, $0x38;
	[tilespmem:$0x1B200] =	vst v63  }
0xd3: {  	p0 =	sne.s32 s14, $0x260;
	_ =	swait.ge [sflag:s3], $0x40  }
0xd4: {  	[sflag:s3] =	ssyncset.done $0x0  }
0xd5: {  	s14 =	sadd.s32 s13, s26;
	[sflag:s3] =	ssyncadd.s32 $0xFFFFFFC0  }
0xd6: {  	[tilespmem:s8], [sflag:$0x3] =	stream.linear.gather [hbm4b:s14+s20], $0x40, $0x38;
	[tilespmem:$0x1B200] =	vst v63  }
0xd7: {  	_ =	swait.ge [sflag:s3], $0x40  }
0xd8: {  	[sflag:s3] =	ssyncset.done $0x0  }
0xd9: {  	[sflag:s3] =	ssyncadd.s32 $0xFFFFFFC0  }
0xda: {  	[tilespmem:s9], [sflag:$0x2] =	stream.indirect.gather [hbm4b:s1+s5], $0x80, s7, s5, $0xb8;
	[tilespmem:$0x1B200] =	vst v63  }
0xdb: {  	_ =	swait.ge [sflag:s10], $0x2000  }
0xdc: {  	[sflag:s10] =	ssyncset.done $0x0  }
0xdd: {  	[sflag:s10] =	ssyncadd.s32 $0xFFFFE000  }
0xde: {  	[spmem:s28] =	stream.indirect.scatter.add.f32 [tilespmem:s6], [sflag:$0x3], $0x80, s4, s5, $0xb8;
	[tilespmem:$0x1B200] =	vst v63  }
0xdf: {  	_ =	swait.ge [sflag:s3], $0x2000  }
0xe0: {  	[sflag:s3] =	ssyncset.done $0x0  }
0xe1: {  	[sflag:s3] =	ssyncadd.s32 $0xFFFFE000  }
0xe2: {  	[spmem:s29] =	stream.indirect.scatter.add.f32 [tilespmem:s25], [sflag:$0x3], $0x80, s4, s5, $0xb8;
	[tilespmem:$0x1B200] =	vst v63  }
0xe3: {  	_ =	swait.ge [sflag:s3], $0x2000  }
0xe4: {  	[sflag:s3] =	ssyncset.done $0x0  }
0xe5: {  	s14 =	sadd.s32 s13, s31;
	[sflag:s3] =	ssyncadd.s32 $0xFFFFE000  }
0xe6: {  	[tilespmem:s20], [sflag:$0x3] =	stream.linear.gather [hbm4b:s14+s20], $0x40, $0x38;
	[tilespmem:$0x1B200] =	vst v63  }
0xe7: {  	_ =	swait.ge [sflag:s3], $0x40  }
0xe8: {  	[sflag:s3] =	ssyncset.done $0x0  }
0xe9: {  	s14 =	sadd.s32 s13, s30;
	s13 =	smov.u32 s17;
	[sflag:s3] =	ssyncadd.s32 $0xFFFFFFC0  }
0xea: {  	[tilespmem:s4], [sflag:$0x3] =	stream.linear.gather [hbm4b:s14+s20], $0x40, $0x38;
	[tilespmem:$0x1B200] =	vst v63  }
0xeb: {  	_ =	swait.ge [sflag:s3], $0x40  }
0xec: {  	[sflag:s3] =	ssyncset.done $0x0  }
0xed: {  	[sflag:s3] =	ssyncadd.s32 $0xFFFFFFC0  }
0xee: {  	[tilespmem:s6], [sflag:$0x1] =	stream.indirect.gather [hbm4b:s1+s5], $0x80, s20, s5, $0xb8;
	[tilespmem:$0x1B200] =	vst v63  }
0xef: {  	_ =	swait.ge [sflag:s11], $0x2000  }
0xf0: {  	[sflag:s11] =	ssyncset.done $0x0  }
0xf1: {  	[sflag:s11] =	ssyncadd.s32 $0xFFFFE000  }
0xf2: {  	[spmem:s28] =	stream.indirect.scatter.add.f32 [tilespmem:s9], [sflag:$0x3], $0x80, s8, s5, $0xb8;
	[tilespmem:$0x1B200] =	vst v63  }
0xf3: {  	_ =	swait.ge [sflag:s3], $0x2000  }
.Ltmp0:
0xf4: {  	[sflag:s3] =	ssyncset.done $0x0;
	(pc) =	sbr.rel @p0 .LBB2_2-.Ltmp0, $4  }
0xf5: {  	[sflag:s3] =	ssyncadd.s32 $0xFFFFE000  }
0xf6: {  	[spmem:s29] =	stream.indirect.scatter.add.f32 [tilespmem:s25], [sflag:$0x3], $0x80, s8, s5, $0xb8;
	[tilespmem:$0x1B200] =	vst v63  }
0xf7: {  	_ =	swait.ge [sflag:s3], $0x2000  }
0xf8: {  	s14 =	smov.u32 s15;
	[sflag:s3] =	ssyncset.done $0x0  }
0xf9: {  	s14 =	sadd.s32 s13, s0;
	[sflag:s3] =	ssyncadd.s32 $0xFFFFE000  }
0xfa: {  	[tilespmem:s7], [sflag:$0x3] =	stream.linear.gather [hbm4b:s14+s20], $0x40, $0x38;
	[tilespmem:$0x1B200] =	vst v63  }
0xfb: {  	_ =	swait.ge [sflag:s3], $0x40  }
0xfc: {  	[sflag:s3] =	ssyncset.done $0x0  }
0xfd: {  	s24 =	sadd.s32 s13, s26;
	[sflag:s3] =	ssyncadd.s32 $0xFFFFFFC0  }
0xfe: {  	[tilespmem:s8], [sflag:$0x3] =	stream.linear.gather [hbm4b:s24+s20], $0x40, $0x38;
	[tilespmem:$0x1B200] =	vst v63  }
0xff: {  	_ =	swait.ge [sflag:s3], $0x40  }
0x100: {  	[sflag:s3] =	ssyncset.done $0x0  }
0x101: {  	[sflag:s3] =	ssyncadd.s32 $0xFFFFFFC0  }
0x102: {  	[tilespmem:s9], [sflag:$0x2] =	stream.indirect.gather [hbm4b:s1+s5], $0x80, s7, s5, $0xb8;
	[tilespmem:$0x1B200] =	vst v63  }
0x103: {  	_ =	swait.ge [sflag:s10], $0x2000  }
0x104: {  	[sflag:s10] =	ssyncset.done $0x0  }
0x105: {  	[sflag:s10] =	ssyncadd.s32 $0xFFFFE000  }
0x106: {  	[spmem:s28] =	stream.indirect.scatter.add.f32 [tilespmem:s6], [sflag:$0x3], $0x80, s4, s5, $0xb8;
	[tilespmem:$0x1B200] =	vst v63  }
0x107: {  	_ =	swait.ge [sflag:s3], $0x2000  }
0x108: {  	[sflag:s3] =	ssyncset.done $0x0  }
0x109: {  	[sflag:s3] =	ssyncadd.s32 $0xFFFFE000  }
0x10a: {  	[spmem:s29] =	stream.indirect.scatter.add.f32 [tilespmem:s25], [sflag:$0x3], $0x80, s4, s5, $0xb8;
	[tilespmem:$0x1B200] =	vst v63  }
0x10b: {  	_ =	swait.ge [sflag:s3], $0x2000  }
0x10c: {  	[sflag:s3] =	ssyncset.done $0x0  }
0x10d: {  	s12 =	sadd.s32 s13, s31;
	[sflag:s3] =	ssyncadd.s32 $0xFFFFE000  }
0x10e: {  	[tilespmem:s20], [sflag:$0x3] =	stream.linear.gather [hbm4b:s12+s20], $0x40, $0x38;
	[tilespmem:$0x1B200] =	vst v63  }
0x10f: {  	_ =	swait.ge [sflag:s3], $0x40  }
0x110: {  	[sflag:s3] =	ssyncset.done $0x0  }
0x111: {  	s14 =	sadd.s32 s13, s30;
	[sflag:s3] =	ssyncadd.s32 $0xFFFFFFC0  }
0x112: {  	[tilespmem:s4], [sflag:$0x3] =	stream.linear.gather [hbm4b:s14+s20], $0x40, $0x38;
	[tilespmem:$0x1B200] =	vst v63  }
0x113: {  	_ =	swait.ge [sflag:s3], $0x40  }
0x114: {  	[sflag:s3] =	ssyncset.done $0x0  }
0x115: {  	[sflag:s3] =	ssyncadd.s32 $0xFFFFFFC0  }
0x116: {  	[tilespmem:s6], [sflag:$0x1] =	stream.indirect.gather [hbm4b:s1+s5], $0x80, s20, s5, $0xb8;
	[tilespmem:$0x1B200] =	vst v63  }
0x117: {  	_ =	swait.ge [sflag:s11], $0x2000  }
0x118: {  	[sflag:s11] =	ssyncset.done $0x0  }
0x119: {  	[sflag:s11] =	ssyncadd.s32 $0xFFFFE000  }
0x11a: {  	[spmem:s28] =	stream.indirect.scatter.add.f32 [tilespmem:s9], [sflag:$0x3], $0x80, s8, s5, $0xb8;
	[tilespmem:$0x1B200] =	vst v63  }
0x11b: {  	_ =	swait.ge [sflag:s3], $0x2000  }
0x11c: {  	[sflag:s3] =	ssyncset.done $0x0  }
0x11d: {  	[sflag:s3] =	ssyncadd.s32 $0xFFFFE000  }
0x11e: {  	[spmem:s29] =	stream.indirect.scatter.add.f32 [tilespmem:s25], [sflag:$0x3], $0x80, s8, s5, $0xb8;
	[tilespmem:$0x1B200] =	vst v63  }
0x11f: {  	_ =	swait.ge [sflag:s3], $0x2000  }
0x120: {  	[sflag:s3] =	ssyncset.done $0x0  }
0x121: {  	s15 =	rddreg [dreg:$0x1a];
	[sflag:s3] =	ssyncadd.s32 $0xFFFFE000  }
0x122: {  	[tilespmem:s7], [sflag:$0x3] =	stream.linear.gather [hbm4b:s15+s20], $0x40, $0x38;
	[tilespmem:$0x1B200] =	vst v63  }
0x123: {  	_ =	swait.ge [sflag:s3], $0x40  }
0x124: {  	[sflag:s3] =	ssyncset.done $0x0  }
0x125: {  	s16 =	rddreg [dreg:$0x1b];
	[sflag:s3] =	ssyncadd.s32 $0xFFFFFFC0  }
0x126: {  	[tilespmem:s8], [sflag:$0x3] =	stream.linear.gather [hbm4b:s16+s20], $0x40, $0x38;
	[tilespmem:$0x1B200] =	vst v63  }
0x127: {  	_ =	swait.ge [sflag:s3], $0x40  }
0x128: {  	[sflag:s3] =	ssyncset.done $0x0  }
0x129: {  	[sflag:s3] =	ssyncadd.s32 $0xFFFFFFC0  }
0x12a: {  	[tilespmem:s9], [sflag:$0x2] =	stream.indirect.gather [hbm4b:s1+s5], $0x80, s7, s5, $0xb8;
	[tilespmem:$0x1B200] =	vst v63  }
0x12b: {  	_ =	swait.ge [sflag:s10], $0x2000  }
0x12c: {  	[sflag:s10] =	ssyncset.done $0x0  }
0x12d: {  	[sflag:s10] =	ssyncadd.s32 $0xFFFFE000  }
0x12e: {  	[spmem:s28] =	stream.indirect.scatter.add.f32 [tilespmem:s6], [sflag:$0x3], $0x80, s4, s5, $0xb8;
	[tilespmem:$0x1B200] =	vst v63  }
0x12f: {  	_ =	swait.ge [sflag:s3], $0x2000  }
0x130: {  	[sflag:s3] =	ssyncset.done $0x0  }
0x131: {  	[sflag:s3] =	ssyncadd.s32 $0xFFFFE000  }
0x132: {  	[spmem:s29] =	stream.indirect.scatter.add.f32 [tilespmem:s25], [sflag:$0x3], $0x80, s4, s5, $0xb8;
	[tilespmem:$0x1B200] =	vst v63  }
0x133: {  	_ =	swait.ge [sflag:s3], $0x2000  }
0x134: {  	[sflag:s3] =	ssyncset.done $0x0  }
0x135: {  	[sflag:s3] =	ssyncadd.s32 $0xFFFFE000  }
0x136: {  	_ =	swait.ge [sflag:s11], $0x2000  }
0x137: {  	[sflag:s11] =	ssyncset.done $0x0  }
0x138: {  	[sflag:s11] =	ssyncadd.s32 $0xFFFFE000  }
0x139: {  	[spmem:s28] =	stream.indirect.scatter.add.f32 [tilespmem:s9], [sflag:$0x3], $0x80, s8, s5, $0xb8;
	[tilespmem:$0x1B200] =	vst v63  }
0x13a: {  	_ =	swait.ge [sflag:s3], $0x2000  }
0x13b: {  	[sflag:s3] =	ssyncset.done $0x0  }
0x13c: {  	[sflag:s3] =	ssyncadd.s32 $0xFFFFE000  }
0x13d: {  	[spmem:s29] =	stream.indirect.scatter.add.f32 [tilespmem:s25], [sflag:$0x3], $0x80, s8, s5, $0xb8;
	[tilespmem:$0x1B200] =	vst v63  }
0x13e: {  	_ =	swait.ge [sflag:s3], $0x2000  }
0x13f: {  	[sflag:s3] =	ssyncset.done $0x0  }
0x140: {  	[sflag:s3] =	ssyncadd.s32 $0xFFFFE000  }
0x141: {  	[bflag:$0x0] =	sbarrier.arrive $0xFFFF  }
0x142: {  	s12 =	sld [smem:$0x7EA];
	_ =	sdelay $0x2  }
0x143: {  	[tilespmem:s2], [sflag:$0x3] =	stream.linear.gather [spmem:s12], $0x1000, $0x38;
	[tilespmem:$0x1B200] =	vst v63  }
0x144: {  	_ =	swait.ge [sflag:s3], $0x1000  }
0x145: {  	[sflag:s3] =	ssyncset.done $0x0  }
0x146: {  	s17 =	rddreg [dreg:$0x14];
	[sflag:s3] =	ssyncadd.s32 $0xFFFFF000  }
0x147: {  	[hbm4b:s17+s20] =	stream.linear.scatter [tilespmem:s2], [sflag:$0x3], $0x1000, $0x38;
	[tilespmem:$0x1B200] =	vst v63  }
0x148: {  	_ =	swait.ge [sflag:s3], $0x1000  }
0x149: {  	s14 =	sld [smem:$0x7F8]  }
0x14a: {  	[sflag:s3] =	ssyncset.done $0x0  }
0x14b: {  	[sflag:s3] =	ssyncadd.s32 $0xFFFFF000  }
0x14c: {  	[tilespmem:s2], [sflag:$0x3] =	stream.linear.gather [spmem:s14], $0x1000, $0x38;
	[tilespmem:$0x1B200] =	vst v63  }
0x14d: {  	_ =	swait.ge [sflag:s3], $0x1000  }
0x14e: {  	[sflag:s3] =	ssyncset.done $0x0  }
0x14f: {  	s18 =	rddreg [dreg:$0x17];
	[sflag:s3] =	ssyncadd.s32 $0xFFFFF000  }
0x150: {  	[hbm4b:s18+s20] =	stream.linear.scatter [tilespmem:s2], [sflag:$0x3], $0x1000, $0x38;
	[tilespmem:$0x1B200] =	vst v63  }
0x151: {  	_ =	swait.ge [sflag:s3], $0x1000  }
0x152: {  	s15 =	sld [smem:$0x7F9]  }
0x153: {  	[sflag:s3] =	ssyncset.done $0x0  }
0x154: {  	[sflag:s3] =	ssyncadd.s32 $0xFFFFF000  }
0x155: {  	[tilespmem:s2], [sflag:$0x3] =	stream.linear.gather [spmem:s15], $0x1000, $0x38;
	[tilespmem:$0x1B200] =	vst v63  }
0x156: {  	_ =	swait.ge [sflag:s3], $0x1000  }
0x157: {  	[sflag:s3] =	ssyncset.done $0x0  }
0x158: {  	s19 =	rddreg [dreg:$0x4];
	[sflag:s3] =	ssyncadd.s32 $0xFFFFF000  }
0x159: {  	[hbm4b:s19+s20] =	stream.linear.scatter [tilespmem:s2], [sflag:$0x3], $0x1000, $0x38;
	[tilespmem:$0x1B200] =	vst v63  }
0x15a: {  	_ =	swait.ge [sflag:s3], $0x1000  }
0x15b: {  	s19 =	sld [smem:$0x7F7]  }
0x15c: {  	[sflag:s3] =	ssyncset.done $0x0  }
0x15d: {  	[sflag:s3] =	ssyncadd.s32 $0xFFFFF000  }
0x15e: {  	[tilespmem:s2], [sflag:$0x3] =	stream.linear.gather [spmem:s19], $0x1000, $0x38;
	[tilespmem:$0x1B200] =	vst v63  }
0x15f: {  	_ =	swait.ge [sflag:s3], $0x1000  }
0x160: {  	[sflag:s3] =	ssyncset.done $0x0  }
0x161: {  	s21 =	rddreg [dreg:$0x5];
	[sflag:s3] =	ssyncadd.s32 $0xFFFFF000  }
0x162: {  	[hbm4b:s21+s20] =	stream.linear.scatter [tilespmem:s2], [sflag:$0x3], $0x1000, $0x38;
	[tilespmem:$0x1B200] =	vst v63  }
0x163: {  	_ =	swait.ge [sflag:s3], $0x1000  }
0x164: {  	s21 =	sld [smem:$0x7F5]  }
0x165: {  	[sflag:s3] =	ssyncset.done $0x0  }
0x166: {  	[sflag:s3] =	ssyncadd.s32 $0xFFFFF000  }
0x167: {  	[tilespmem:s2], [sflag:$0x3] =	stream.linear.gather [spmem:s21], $0x1000, $0x38;
	[tilespmem:$0x1B200] =	vst v63  }
0x168: {  	_ =	swait.ge [sflag:s3], $0x1000  }
0x169: {  	[sflag:s3] =	ssyncset.done $0x0  }
0x16a: {  	s22 =	rddreg [dreg:$0x6];
	[sflag:s3] =	ssyncadd.s32 $0xFFFFF000  }
0x16b: {  	[hbm4b:s22+s20] =	stream.linear.scatter [tilespmem:s2], [sflag:$0x3], $0x1000, $0x38;
	[tilespmem:$0x1B200] =	vst v63  }
0x16c: {  	_ =	swait.ge [sflag:s3], $0x1000  }
0x16d: {  	[sflag:s3] =	ssyncset.done $0x0  }
0x16e: {  	s23 =	rddreg [dreg:$0x1e];
	[sflag:s3] =	ssyncadd.s32 $0xFFFFF000  }
0x16f: {  	[tilespmem:s2], [sflag:$0x3] =	stream.linear.gather [spmem:s23], $0x1000, $0x38;
	[tilespmem:$0x1B200] =	vst v63  }
0x170: {  	_ =	swait.ge [sflag:s3], $0x1000  }
0x171: {  	[sflag:s3] =	ssyncset.done $0x0  }
0x172: {  	s24 =	rddreg [dreg:$0x7];
	[sflag:s3] =	ssyncadd.s32 $0xFFFFF000  }
0x173: {  	[hbm4b:s24+s20] =	stream.linear.scatter [tilespmem:s2], [sflag:$0x3], $0x1000, $0x38;
	[tilespmem:$0x1B200] =	vst v63  }
0x174: {  	_ =	swait.ge [sflag:s3], $0x1000  }
0x175: {  	[sflag:s3] =	ssyncset.done $0x0  }
0x176: {  	s18 =	rddreg [dreg:$0x1f];
	[sflag:s3] =	ssyncadd.s32 $0xFFFFF000  }
0x177: {  	[tilespmem:s2], [sflag:$0x3] =	stream.linear.gather [spmem:s18], $0x1000, $0x38;
	[tilespmem:$0x1B200] =	vst v63  }
0x178: {  	_ =	swait.ge [sflag:s3], $0x1000  }
0x179: {  	[sflag:s3] =	ssyncset.done $0x0  }
0x17a: {  	s12 =	rddreg [dreg:$0x8];
	[sflag:s3] =	ssyncadd.s32 $0xFFFFF000  }
0x17b: {  	[hbm4b:s12+s20] =	stream.linear.scatter [tilespmem:s2], [sflag:$0x3], $0x1000, $0x38;
	[tilespmem:$0x1B200] =	vst v63  }
0x17c: {  	_ =	swait.ge [sflag:s3], $0x1000  }
0x17d: {  	s13 =	sld [smem:$0x7EB]  }
0x17e: {  	[sflag:s3] =	ssyncset.done $0x0  }
0x17f: {  	[sflag:s3] =	ssyncadd.s32 $0xFFFFF000  }
0x180: {  	[tilespmem:s2], [sflag:$0x3] =	stream.linear.gather [spmem:s13], $0x1000, $0x38;
	[tilespmem:$0x1B200] =	vst v63  }
0x181: {  	_ =	swait.ge [sflag:s3], $0x1000  }
0x182: {  	[sflag:s3] =	ssyncset.done $0x0  }
0x183: {  	s16 =	rddreg [dreg:$0x9];
	[sflag:s3] =	ssyncadd.s32 $0xFFFFF000  }
0x184: {  	[hbm4b:s16+s20] =	stream.linear.scatter [tilespmem:s2], [sflag:$0x3], $0x1000, $0x38;
	[tilespmem:$0x1B200] =	vst v63  }
0x185: {  	_ =	swait.ge [sflag:s3], $0x1000  }
0x186: {  	s17 =	sld [smem:$0x7EC]  }
0x187: {  	[sflag:s3] =	ssyncset.done $0x0  }
0x188: {  	[sflag:s3] =	ssyncadd.s32 $0xFFFFF000  }
0x189: {  	[tilespmem:s2], [sflag:$0x3] =	stream.linear.gather [spmem:s17], $0x1000, $0x38;
	[tilespmem:$0x1B200] =	vst v63  }
0x18a: {  	_ =	swait.ge [sflag:s3], $0x1000  }
0x18b: {  	[sflag:s3] =	ssyncset.done $0x0  }
0x18c: {  	s22 =	rddreg [dreg:$0xa];
	[sflag:s3] =	ssyncadd.s32 $0xFFFFF000  }
0x18d: {  	[hbm4b:s22+s20] =	stream.linear.scatter [tilespmem:s2], [sflag:$0x3], $0x1000, $0x38;
	[tilespmem:$0x1B200] =	vst v63  }
0x18e: {  	_ =	swait.ge [sflag:s3], $0x1000  }
0x18f: {  	s22 =	sld [smem:$0x7F6]  }
0x190: {  	[sflag:s3] =	ssyncset.done $0x0  }
0x191: {  	[sflag:s3] =	ssyncadd.s32 $0xFFFFF000  }
0x192: {  	[tilespmem:s2], [sflag:$0x3] =	stream.linear.gather [spmem:s22], $0x1000, $0x38;
	[tilespmem:$0x1B200] =	vst v63  }
0x193: {  	_ =	swait.ge [sflag:s3], $0x1000  }
0x194: {  	[sflag:s3] =	ssyncset.done $0x0  }
0x195: {  	s23 =	rddreg [dreg:$0xb];
	[sflag:s3] =	ssyncadd.s32 $0xFFFFF000  }
0x196: {  	[hbm4b:s23+s20] =	stream.linear.scatter [tilespmem:s2], [sflag:$0x3], $0x1000, $0x38;
	[tilespmem:$0x1B200] =	vst v63  }
0x197: {  	_ =	swait.ge [sflag:s3], $0x1000  }
0x198: {  	s24 =	sld [smem:$0x7ED]  }
0x199: {  	[sflag:s3] =	ssyncset.done $0x0  }
0x19a: {  	[sflag:s3] =	ssyncadd.s32 $0xFFFFF000  }
0x19b: {  	[tilespmem:s2], [sflag:$0x3] =	stream.linear.gather [spmem:s24], $0x1000, $0x38;
	[tilespmem:$0x1B200] =	vst v63  }
0x19c: {  	_ =	swait.ge [sflag:s3], $0x1000  }
0x19d: {  	[sflag:s3] =	ssyncset.done $0x0  }
0x19e: {  	s12 =	rddreg [dreg:$0xc];
	[sflag:s3] =	ssyncadd.s32 $0xFFFFF000  }
0x19f: {  	[hbm4b:s12+s20] =	stream.linear.scatter [tilespmem:s2], [sflag:$0x3], $0x1000, $0x38;
	[tilespmem:$0x1B200] =	vst v63  }
0x1a0: {  	_ =	swait.ge [sflag:s3], $0x1000  }
0x1a1: {  	s13 =	sld [smem:$0x7EE]  }
0x1a2: {  	[sflag:s3] =	ssyncset.done $0x0  }
0x1a3: {  	[sflag:s3] =	ssyncadd.s32 $0xFFFFF000  }
0x1a4: {  	[tilespmem:s2], [sflag:$0x3] =	stream.linear.gather [spmem:s13], $0x1000, $0x38;
	[tilespmem:$0x1B200] =	vst v63  }
0x1a5: {  	_ =	swait.ge [sflag:s3], $0x1000  }
0x1a6: {  	[sflag:s3] =	ssyncset.done $0x0  }
0x1a7: {  	s16 =	rddreg [dreg:$0xd];
	[sflag:s3] =	ssyncadd.s32 $0xFFFFF000  }
0x1a8: {  	[hbm4b:s16+s20] =	stream.linear.scatter [tilespmem:s2], [sflag:$0x3], $0x1000, $0x38;
	[tilespmem:$0x1B200] =	vst v63  }
0x1a9: {  	_ =	swait.ge [sflag:s3], $0x1000  }
0x1aa: {  	s17 =	sld [smem:$0x7EF]  }
0x1ab: {  	[sflag:s3] =	ssyncset.done $0x0  }
0x1ac: {  	[sflag:s3] =	ssyncadd.s32 $0xFFFFF000  }
0x1ad: {  	[tilespmem:s2], [sflag:$0x3] =	stream.linear.gather [spmem:s17], $0x1000, $0x38;
	[tilespmem:$0x1B200] =	vst v63  }
0x1ae: {  	_ =	swait.ge [sflag:s3], $0x1000  }
0x1af: {  	[sflag:s3] =	ssyncset.done $0x0  }
0x1b0: {  	s23 =	rddreg [dreg:$0xe];
	[sflag:s3] =	ssyncadd.s32 $0xFFFFF000  }
0x1b1: {  	[hbm4b:s23+s20] =	stream.linear.scatter [tilespmem:s2], [sflag:$0x3], $0x1000, $0x38;
	[tilespmem:$0x1B200] =	vst v63  }
0x1b2: {  	_ =	swait.ge [sflag:s3], $0x1000  }
0x1b3: {  	s24 =	sld [smem:$0x7F0]  }
0x1b4: {  	[sflag:s3] =	ssyncset.done $0x0  }
0x1b5: {  	[sflag:s3] =	ssyncadd.s32 $0xFFFFF000  }
0x1b6: {  	[tilespmem:s2], [sflag:$0x3] =	stream.linear.gather [spmem:s24], $0x1000, $0x38;
	[tilespmem:$0x1B200] =	vst v63  }
0x1b7: {  	_ =	swait.ge [sflag:s3], $0x1000  }
0x1b8: {  	[sflag:s3] =	ssyncset.done $0x0  }
0x1b9: {  	s12 =	rddreg [dreg:$0xf];
	[sflag:s3] =	ssyncadd.s32 $0xFFFFF000  }
0x1ba: {  	[hbm4b:s12+s20] =	stream.linear.scatter [tilespmem:s2], [sflag:$0x3], $0x1000, $0x38;
	[tilespmem:$0x1B200] =	vst v63  }
0x1bb: {  	_ =	swait.ge [sflag:s3], $0x1000  }
0x1bc: {  	s13 =	sld [smem:$0x7F1]  }
0x1bd: {  	[sflag:s3] =	ssyncset.done $0x0  }
0x1be: {  	[sflag:s3] =	ssyncadd.s32 $0xFFFFF000  }
0x1bf: {  	[tilespmem:s2], [sflag:$0x3] =	stream.linear.gather [spmem:s13], $0x1000, $0x38;
	[tilespmem:$0x1B200] =	vst v63  }
0x1c0: {  	_ =	swait.ge [sflag:s3], $0x1000  }
0x1c1: {  	[sflag:s3] =	ssyncset.done $0x0  }
0x1c2: {  	s16 =	rddreg [dreg:$0x10];
	[sflag:s3] =	ssyncadd.s32 $0xFFFFF000  }
0x1c3: {  	[hbm4b:s16+s20] =	stream.linear.scatter [tilespmem:s2], [sflag:$0x3], $0x1000, $0x38;
	[tilespmem:$0x1B200] =	vst v63  }
0x1c4: {  	_ =	swait.ge [sflag:s3], $0x1000  }
0x1c5: {  	s17 =	sld [smem:$0x7F2]  }
0x1c6: {  	[sflag:s3] =	ssyncset.done $0x0  }
0x1c7: {  	[sflag:s3] =	ssyncadd.s32 $0xFFFFF000  }
0x1c8: {  	[tilespmem:s2], [sflag:$0x3] =	stream.linear.gather [spmem:s17], $0x1000, $0x38;
	[tilespmem:$0x1B200] =	vst v63  }
0x1c9: {  	_ =	swait.ge [sflag:s3], $0x1000  }
0x1ca: {  	[sflag:s3] =	ssyncset.done $0x0  }
0x1cb: {  	s23 =	rddreg [dreg:$0x11];
	[sflag:s3] =	ssyncadd.s32 $0xFFFFF000  }
0x1cc: {  	[hbm4b:s23+s20] =	stream.linear.scatter [tilespmem:s2], [sflag:$0x3], $0x1000, $0x38;
	[tilespmem:$0x1B200] =	vst v63  }
0x1cd: {  	_ =	swait.ge [sflag:s3], $0x1000  }
0x1ce: {  	s12 =	sld [smem:$0x7FA]  }
0x1cf: {  	[sflag:s3] =	ssyncset.done $0x0  }
0x1d0: {  	[sflag:s3] =	ssyncadd.s32 $0xFFFFF000  }
0x1d1: {  	[tilespmem:s2], [sflag:$0x3] =	stream.linear.gather [spmem:s12], $0x1000, $0x38;
	[tilespmem:$0x1B200] =	vst v63  }
0x1d2: {  	_ =	swait.ge [sflag:s3], $0x1000  }
0x1d3: {  	[sflag:s3] =	ssyncset.done $0x0  }
0x1d4: {  	s24 =	rddreg [dreg:$0x12];
	[sflag:s3] =	ssyncadd.s32 $0xFFFFF000  }
0x1d5: {  	[hbm4b:s24+s20] =	stream.linear.scatter [tilespmem:s2], [sflag:$0x3], $0x1000, $0x38;
	[tilespmem:$0x1B200] =	vst v63  }
0x1d6: {  	_ =	swait.ge [sflag:s3], $0x1000  }
0x1d7: {  	s23 =	sld [smem:$0x7FB]  }
0x1d8: {  	[sflag:s3] =	ssyncset.done $0x0  }
0x1d9: {  	[sflag:s3] =	ssyncadd.s32 $0xFFFFF000  }
0x1da: {  	[tilespmem:s2], [sflag:$0x3] =	stream.linear.gather [spmem:s23], $0x1000, $0x38;
	[tilespmem:$0x1B200] =	vst v63  }
0x1db: {  	_ =	swait.ge [sflag:s3], $0x1000  }
0x1dc: {  	[sflag:s3] =	ssyncset.done $0x0  }
0x1dd: {  	s16 =	rddreg [dreg:$0x13];
	[sflag:s3] =	ssyncadd.s32 $0xFFFFF000  }
0x1de: {  	[hbm4b:s16+s20] =	stream.linear.scatter [tilespmem:s2], [sflag:$0x3], $0x1000, $0x38;
	[tilespmem:$0x1B200] =	vst v63  }
0x1df: {  	_ =	swait.ge [sflag:s3], $0x1000  }
0x1e0: {  	s16 =	sld [smem:$0x7FC]  }
0x1e1: {  	[sflag:s3] =	ssyncset.done $0x0  }
0x1e2: {  	[sflag:s3] =	ssyncadd.s32 $0xFFFFF000  }
0x1e3: {  	[tilespmem:s2], [sflag:$0x3] =	stream.linear.gather [spmem:s16], $0x1000, $0x38;
	[tilespmem:$0x1B200] =	vst v63  }
0x1e4: {  	_ =	swait.ge [sflag:s3], $0x1000  }
0x1e5: {  	[sflag:s3] =	ssyncset.done $0x0  }
0x1e6: {  	s17 =	rddreg [dreg:$0x15];
	[sflag:s3] =	ssyncadd.s32 $0xFFFFF000  }
0x1e7: {  	[hbm4b:s17+s20] =	stream.linear.scatter [tilespmem:s2], [sflag:$0x3], $0x1000, $0x38;
	[tilespmem:$0x1B200] =	vst v63  }
0x1e8: {  	_ =	swait.ge [sflag:s3], $0x1000  }
0x1e9: {  	s17 =	sld [smem:$0x7FD]  }
0x1ea: {  	[sflag:s3] =	ssyncset.done $0x0  }
0x1eb: {  	[sflag:s3] =	ssyncadd.s32 $0xFFFFF000  }
0x1ec: {  	[tilespmem:s2], [sflag:$0x3] =	stream.linear.gather [spmem:s17], $0x1000, $0x38;
	[tilespmem:$0x1B200] =	vst v63  }
0x1ed: {  	_ =	swait.ge [sflag:s3], $0x1000  }
0x1ee: {  	[sflag:s3] =	ssyncset.done $0x0  }
0x1ef: {  	s24 =	rddreg [dreg:$0x16];
	[sflag:s3] =	ssyncadd.s32 $0xFFFFF000  }
0x1f0: {  	[hbm4b:s24+s20] =	stream.linear.scatter [tilespmem:s2], [sflag:$0x3], $0x1000, $0x38;
	[tilespmem:$0x1B200] =	vst v63  }
0x1f1: {  	_ =	swait.ge [sflag:s3], $0x1000  }
0x1f2: {  	s24 =	sld [smem:$0x7F4]  }
0x1f3: {  	s13 =	sld [smem:$0x7F3];
	_ =	sdelay $0x1  }
0x1f4: {  	s24 =	sadd.s32 $0x1, s24  }
0x1f5: {  	p0 =	sne.s32 s24, s13  }
.Ltmp1:
0x1f6: {  	_ = 	snop;
	(pc) =	sbr.rel @p0 .LBB2_1-.Ltmp1, $3  }
0x1f7: {  	_ =	sdelay $0x1  }
0x1f8: {  	[sflag:s3] =	ssyncset.done $0x0;
	[smem:$0x7F4] =	sst s24  }
0x1f9: {  	[sflag:s3] =	ssyncadd.s32 $0xFFFFF000;
	s24 =	rddreg [dreg:$0x1e]  }
0x1fa: {  	_ =	sfence.sel $0x180000  }
0x1fb: {  	[bflag:$0x0] =	sbarrier.arrive $0xFFFF  }
0x1fc: {  	_ =	strace $0x90000047  }
0x1fd: {  	s0 =	stileid.u32;
	[bflag:$0x2] =	sbarrier.arrive $0xFFFF  }
0x1fe: {  	p0 =	sne.s32 s0, $0x0;
	s0 =	rddreg [dreg:$0x3]  }
0x1ff: {  	s0 =	sadd.s32 @!p0 $0x100000, s0  }
0x200: {  	[sflag:s0] =	ssyncadd.tile.s32 @!p0 $0x1;
	_ =	shalt  }
.Lfunc_end2:
_tile_overlayer_lowered:
.L_overlay_start_2:
0x201: {  	(tag) =	ssettag $0x2  }
0x202: {  	s0 =	rddreg [dreg:$0x0];
	s2 =	stileid.u32  }
0x203: {  	s1 =	rddreg [dreg:$0x1];
	p0 =	sne.s32 s2, $0x0  }
0x204: {  	s3 =	rddreg [dreg:$0x2];
	[bflag:$0x3] =	sbarrier.arrive $0xFFFF;
	s2 =	simm.s32 @!p0 $0x1C03  }
0x205: {  	[timem:s3], [sflag:s2] =	dma.local @!p0 [hbm:s0], s1  }
0x206: {  	s0 =	simm.s32 @!p0 $0x3  }
0x207: {  	_ =	swait.ge @!p0 [sflag:s0], s1  }
0x208: {  	s1 =	ssub.s32 @!p0 $0x0, s1;
	[sflag:s0] =	ssyncset.done @!p0 $0x0  }
0x209: {  	[sflag:s0] =	ssyncadd.s32 @!p0 s1  }
0x20a: {  	[bflag:$0x3] =	sbarrier.arrive $0xFFFF  }
0x20b: {  	_ =	shalt  }

</sc_bundles>
